<compile_context>
chip_gen: v7x
topology: tpu7x:2x2x1
jax: 0.10.2.dev20260603
libtpu: 0.0.44.dev20260713+nightly
codegen_flags: <defaults>
</compile_context>

<pallas_src>
import functools

import jax
import jax.numpy as jnp
from jax import lax
from jax.experimental import pallas as pl
from jax.experimental.pallas import tpu as pltpu
from jax.experimental.pallas import tpu_sc as plsc

NC = 2
NS = 16
L = 16
CH = 16
RW = 16


def _cos_poly(q):
    c3 = -1.0 / 720.0
    c2 = 1.0 / 24.0
    c1 = -0.5
    return (((q * c3 + c2) * q + c1) * q) + 1.0


def _sin_poly(r, q):
    s3 = -1.0 / 5040.0
    s2 = 1.0 / 120.0
    s1 = -1.0 / 6.0
    return r * (((s3 * q + s2) * q + s1) * q + 1.0)


def _sigmoid_neg_sqrt(s):
    s = jnp.maximum(s, 1e-12)
    i = lax.bitcast_convert_type(s, jnp.int32)
    i = 0x5F3759DF - lax.shift_right_logical(i, 1)
    y = lax.bitcast_convert_type(i, jnp.float32)
    for _ in range(3):
        y = y * (1.5 - 0.5 * s * y * y)
    rt = s * y
    e = jnp.exp(-rt)
    return e / (1.0 + e)


def _perm(v, idx):
    return v.at[idx].get(mode="promise_in_bounds")


def kernel(data, ent_table, rel_table):
    B = data.shape[0]
    D = rel_table.shape[1]
    D2 = 2 * D
    NW = NC * NS
    RPW = B // NW
    NCHUNK = RPW // CH
    NV = D2 // L
    NR = D // L

    mesh = plsc.VectorSubcoreMesh(
        core_axis_name="c", subcore_axis_name="s",
        num_cores=NC, num_subcores=NS)

    @functools.partial(
        pl.kernel,
        out_type=[jax.ShapeDtypeStruct((2 * B,), jnp.float32)] * 2,
        mesh=mesh,
        scratch_types=[
            [pltpu.VMEM((RPW,), jnp.int32)] * 5,
            pltpu.VMEM((2 * 4 * CH, D2), jnp.float32),
            pltpu.VMEM((2 * CH * RW, D), jnp.float32),
            pltpu.VMEM((2 * RPW,), jnp.float32),
            pltpu.VMEM((2 * RPW,), jnp.float32),
            pltpu.SemaphoreType.DMA,
            pltpu.SemaphoreType.DMA,
            pltpu.SemaphoreType.DMA,
            pltpu.SemaphoreType.DMA,
        ],
    )
    def rotate_sc(d0_hbm, d1_hbm, d2_hbm, d3_hbm, d4_hbm,
                  ent_hbm, rel_hbm, ps_hbm, ns_hbm,
                  idx_v, ebuf, rbuf, o_ps, o_ns, sem0, sem1, semr0, semr1):
        wid = lax.axis_index("s") * NC + lax.axis_index("c")
        base = wid * RPW
        for src, dst in zip((d0_hbm, d1_hbm, d2_hbm, d3_hbm, d4_hbm), idx_v):
            pltpu.sync_copy(src.at[pl.ds(base, RPW)], dst)

        iota = lax.iota(jnp.int32, L)
        SWAP = iota ^ 1
        DUP_LO = lax.shift_right_logical(iota, 1)
        DUP_HI = DUP_LO + 8
        SIGNV = jnp.where((iota & 1) == 0, -1.0, 1.0).astype(jnp.float32)
        LANE0 = iota & 0
        LANE1 = LANE0 + 1
        FOLDS = (iota ^ 2, iota ^ 4, iota ^ 8)

        def fold_even_odd(acc):
            a = acc + _perm(acc, FOLDS[0])
            a = a + _perm(a, FOLDS[1])
            a = a + _perm(a, FOLDS[2])
            return _perm(a, LANE0), _perm(a, LANE1)

        sems = (sem0, sem1)
        semrs = (semr0, semr1)

        def issue(c, b):
            sem = sems[b]
            eb = 4 * CH * b
            sl = pl.ds(c * CH, CH)
            pltpu.async_copy(ent_hbm.at[idx_v[0].at[sl]],
                             ebuf.at[pl.ds(eb, CH)], sem)
            pltpu.async_copy(ent_hbm.at[idx_v[1].at[sl]],
                             ebuf.at[pl.ds(eb + CH, CH)], sem)
            pltpu.async_copy(ent_hbm.at[idx_v[3].at[sl]],
                             ebuf.at[pl.ds(eb + 2 * CH, CH)], sem)
            pltpu.async_copy(ent_hbm.at[idx_v[4].at[sl]],
                             ebuf.at[pl.ds(eb + 3 * CH, CH)], sem)
            semr = semrs[b]
            for g in range(CH // L):
                rv = idx_v[2][pl.ds(c * CH + g * L, L)]
                for j in range(L):
                    r = rv[j]
                    tb = pl.multiple_of(r & -8, 8)
                    off = (b * CH + g * L + j) * RW + 7 - (r & 7)
                    pltpu.async_copy(rel_hbm.at[pl.ds(tb, 8)],
                                     rbuf.at[pl.ds(off, 8)],
                                     semr)

        def drain(b):
            pltpu.make_async_copy(ent_hbm.at[pl.ds(0, 4 * CH)],
                                  ebuf.at[pl.ds(4 * CH * b, 4 * CH)],
                                  sems[b]).wait()
            for j in range(CH):
                pltpu.make_async_copy(rel_hbm.at[pl.ds(0, 8)],
                                      rbuf.at[pl.ds((b * CH + j) * RW, 8)],
                                      semrs[b]).wait()

        def compute_chunk(c, b):
            eb = 4 * CH * b

            def subgroup(sg, _):
                def row_body(j, carry):
                    pav, pbv, nav, nbv = carry
                    row = sg * L + j
                    hrow = eb + row
                    Cd = []
                    Sd = []
                    rrow = (b * CH + row) * RW + 7
                    for m in range(NR):
                        r = rbuf[rrow, pl.ds(m * L, L)]
                        q = r * r
                        cv = _cos_poly(q)
                        sv = _sin_poly(r, q)
                        Cd.append(_perm(cv, DUP_LO))
                        Cd.append(_perm(cv, DUP_HI))
                        Sd.append(_perm(sv, DUP_LO) * SIGNV)
                        Sd.append(_perm(sv, DUP_HI) * SIGNV)
                    acc_p = jnp.zeros((L,), jnp.float32)
                    acc_n = jnp.zeros((L,), jnp.float32)
                    for m in range(NV):
                        cs = pl.ds(m * L, L)
                        h = ebuf[hrow, cs]
                        t = ebuf[hrow + CH, cs]
                        d = h * Cd[m] + _perm(h, SWAP) * Sd[m] - t
                        acc_p = acc_p + d * d
                        g = ebuf[hrow + 2 * CH, cs]
                        u = ebuf[hrow + 3 * CH, cs]
                        dn = g * Cd[m] + _perm(g, SWAP) * Sd[m] - u
                        acc_n = acc_n + dn * dn
                    ev_p, od_p = fold_even_odd(acc_p)
                    ev_n, od_n = fold_even_odd(acc_n)
                    here = iota == j
                    pav = jnp.where(here, ev_p, pav)
                    pbv = jnp.where(here, od_p, pbv)
                    nav = jnp.where(here, ev_n, nav)
                    nbv = jnp.where(here, od_n, nbv)
                    return (pav, pbv, nav, nbv)

                z = jnp.zeros((L,), jnp.float32)
                pav, pbv, nav, nbv = lax.fori_loop(
                    0, L, row_body, (z, z, z, z))
                off = c * CH + sg * L
                o_ps[pl.ds(off, L)] = _sigmoid_neg_sqrt(pav)
                o_ps[pl.ds(RPW + off, L)] = _sigmoid_neg_sqrt(pbv)
                o_ns[pl.ds(off, L)] = _sigmoid_neg_sqrt(nav)
                o_ns[pl.ds(RPW + off, L)] = _sigmoid_neg_sqrt(nbv)
                return 0

            lax.fori_loop(0, CH // L, subgroup, 0)

        issue(0, 0)

        def pair(i, _):
            issue(2 * i + 1, 1)
            drain(0)
            compute_chunk(2 * i, 0)

            @pl.when(i < NCHUNK // 2 - 1)
            def _():
                issue(2 * i + 2, 0)

            drain(1)
            compute_chunk(2 * i + 1, 1)
            return 0

        lax.fori_loop(0, NCHUNK // 2, pair, 0)

        pltpu.sync_copy(o_ps.at[pl.ds(0, RPW)], ps_hbm.at[pl.ds(base, RPW)])
        pltpu.sync_copy(o_ps.at[pl.ds(RPW, RPW)],
                        ps_hbm.at[pl.ds(B + base, RPW)])
        pltpu.sync_copy(o_ns.at[pl.ds(0, RPW)], ns_hbm.at[pl.ds(base, RPW)])
        pltpu.sync_copy(o_ns.at[pl.ds(RPW, RPW)],
                        ns_hbm.at[pl.ds(B + base, RPW)])

    cols = [data[:, c] for c in range(5)]
    ps_flat, ns_flat = rotate_sc(*cols, ent_table, rel_table)
    ps = ps_flat.reshape(2, B).T
    ns = ns_flat.reshape(2, B).T
    t = jnp.full((B, 1), -1.0, dtype=jnp.float32)
    return (ps, ns, t)

# --- scband reference (transcript-rebuilt; emitter-appended) ---
"""Pipeline reference for scband-rotate-14190571946317 (READ-ONLY COPY).

The authoritative reference and input builder live on the scoring server;
editing this copy changes nothing except your own understanding.
"""

import jax, jax.numpy as jnp
import numpy as np

N_ENT = 1000000
N_REL = 100000
DIMS = 64
BATCH = 16384
IDX_MAX = 100000  # min(N_ENT, N_REL) so all 5 columns are in-range for both tables


def setup_inputs(seed: int = 0) -> dict:
    key = jax.random.key(seed)
    k1, k2, k3 = jax.random.split(key, 3)
    data = jax.random.randint(k1, (BATCH, 5), 0, IDX_MAX, dtype=jnp.int32)
    a_e = 6.0 / np.sqrt(DIMS * 2)
    ent_table = jax.random.uniform(k2, (N_ENT, DIMS * 2), dtype=jnp.float32, minval=-a_e, maxval=a_e)
    a_r = 6.0 / np.sqrt(DIMS)
    rel_table = jax.random.uniform(k3, (N_REL, DIMS), dtype=jnp.float32, minval=-a_r, maxval=a_r)
    return {"data": data, "ent_table": ent_table, "rel_table": rel_table}


def reference(data, ent_table, rel_table):
    B = data.shape[0]
    dims = rel_table.shape[1]

    head = jnp.take(ent_table, data[:, 0], axis=0)
    tail = jnp.take(ent_table, data[:, 1], axis=0)
    pred = jnp.take(rel_table, data[:, 2], axis=0)
    c_head = jnp.take(ent_table, data[:, 3], axis=0)
    c_tail = jnp.take(ent_table, data[:, 4], axis=0)

    def distance(h, r, t):
        th = h.reshape(B, dims, 2)
        tt = t.reshape(B, dims, 2)
        tr = jnp.stack((jnp.cos(r), jnp.sin(r)), axis=-1)
        x = th[:, :, 0]
        y = th[:, :, 1]
        u = tr[:, :, 0]
        v = tr[:, :, 1]
        a = x * u - y * v
        b = x * v + y * u
        prod = jnp.stack((a, b), axis=-1)
        diff = prod - tt
        return -jnp.sqrt(jnp.sum(diff * diff, axis=1))

    ps = jax.nn.sigmoid(distance(head, pred, tail))
    ns = jax.nn.sigmoid(distance(c_head, pred, c_tail))
    t = -jnp.ones((B, 1), dtype=jnp.float32)
    return (ps, ns, t)

if __name__ == "__main__":
    import jax
    _d = setup_inputs()
    print(jax.jit(kernel)(*tuple(_d.values())))

</pallas_src>

<mosaic_0001>
#map = affine_map<(d0, d1) -> (0)>
#map1 = affine_map<(d0, d1) -> (0, 0)>
module attributes {stable_mosaic.version = 14 : i64} {
  func.func @rotate_sc(%arg0: i32, %arg1: i32, %arg2: memref<16384xi32, #tpu.memory_space<hbm>>, %arg3: memref<16384xi32, #tpu.memory_space<hbm>>, %arg4: memref<16384xi32, #tpu.memory_space<hbm>>, %arg5: memref<16384xi32, #tpu.memory_space<hbm>>, %arg6: memref<16384xi32, #tpu.memory_space<hbm>>, %arg7: memref<1000000x128xf32, #tpu.memory_space<hbm>>, %arg8: memref<100000x64xf32, #tpu.memory_space<hbm>>, %arg9: memref<32768xf32, #tpu.memory_space<hbm>>, %arg10: memref<32768xf32, #tpu.memory_space<hbm>>, %arg11: memref<512xi32, #tpu.memory_space<vmem>>, %arg12: memref<512xi32, #tpu.memory_space<vmem>>, %arg13: memref<512xi32, #tpu.memory_space<vmem>>, %arg14: memref<512xi32, #tpu.memory_space<vmem>>, %arg15: memref<512xi32, #tpu.memory_space<vmem>>, %arg16: memref<128x128xf32, #tpu.memory_space<vmem>>, %arg17: memref<512x64xf32, #tpu.memory_space<vmem>>, %arg18: memref<1024xf32, #tpu.memory_space<vmem>>, %arg19: memref<1024xf32, #tpu.memory_space<vmem>>, %arg20: memref<!tpu.dma_semaphore, #tpu.memory_space<semaphore_mem>>, %arg21: memref<!tpu.dma_semaphore, #tpu.memory_space<semaphore_mem>>, %arg22: memref<!tpu.dma_semaphore, #tpu.memory_space<semaphore_mem>>, %arg23: memref<!tpu.dma_semaphore, #tpu.memory_space<semaphore_mem>>) attributes {dimension_semantics = [#tpu.dimension_semantics<core_parallel>, #tpu.dimension_semantics<subcore_parallel>], iteration_bounds = array<i64: 2, 16>, scalar_prefetch = 0 : i64, scratch_operands = 13 : i64, tpu.core_type = #tpu.core_type<sc_vector_subcore>, window_params = [{transform_indices = #map}, {transform_indices = #map}, {transform_indices = #map}, {transform_indices = #map}, {transform_indices = #map}, {transform_indices = #map1}, {transform_indices = #map1}, {transform_indices = #map}, {transform_indices = #map}]} {
    %mul3A = arith.constant 2 : i32
    %mul3A_0 = arith.muli %arg1, %mul3A : i32
    %add3A = arith.addi %mul3A_0, %arg0 : i32
    %mul3A_1 = arith.constant 512 : i32
    %mul3A_2 = arith.muli %add3A, %mul3A_1 : i32
    "tpu.region"() ({
      %run_scoped3A = tpu.sem_alloc : memref<!tpu.dma_semaphore, #tpu.memory_space<semaphore_mem>>
      %dma_start3A_342 = tpu.memref_slice %arg2[%mul3A_2] : memref<16384xi32, #tpu.memory_space<hbm>> -> memref<512xi32, #tpu.memory_space<hbm>>
      %dma_start3A_343 = tpu.memref_slice %arg2[%mul3A_2] : memref<16384xi32, #tpu.memory_space<hbm>> -> memref<512xi32, #tpu.memory_space<hbm>>
      tpu.enqueue_dma source(%dma_start3A_343 : memref<512xi32, #tpu.memory_space<hbm>>) target(%arg11 : memref<512xi32, #tpu.memory_space<vmem>>) target_semaphore(%run_scoped3A : memref<!tpu.dma_semaphore, #tpu.memory_space<semaphore_mem>>)
      %dma_wait3A = tpu.memref_slice %arg2[%mul3A_2] : memref<16384xi32, #tpu.memory_space<hbm>> -> memref<512xi32, #tpu.memory_space<hbm>>
      %dma_wait3A_344 = tpu.memref_slice %arg2[%mul3A_2] : memref<16384xi32, #tpu.memory_space<hbm>> -> memref<512xi32, #tpu.memory_space<hbm>>
      tpu.wait_dma2 semaphore(%run_scoped3A : memref<!tpu.dma_semaphore, #tpu.memory_space<semaphore_mem>>) src(%dma_wait3A_344 : memref<512xi32, #tpu.memory_space<hbm>>) dst(%arg11 : memref<512xi32, #tpu.memory_space<vmem>>)
      tpu.yield
    }) : () -> ()
    "tpu.region"() ({
      %run_scoped3A = tpu.sem_alloc : memref<!tpu.dma_semaphore, #tpu.memory_space<semaphore_mem>>
      %dma_start3A_342 = tpu.memref_slice %arg3[%mul3A_2] : memref<16384xi32, #tpu.memory_space<hbm>> -> memref<512xi32, #tpu.memory_space<hbm>>
      %dma_start3A_343 = tpu.memref_slice %arg3[%mul3A_2] : memref<16384xi32, #tpu.memory_space<hbm>> -> memref<512xi32, #tpu.memory_space<hbm>>
      tpu.enqueue_dma source(%dma_start3A_343 : memref<512xi32, #tpu.memory_space<hbm>>) target(%arg12 : memref<512xi32, #tpu.memory_space<vmem>>) target_semaphore(%run_scoped3A : memref<!tpu.dma_semaphore, #tpu.memory_space<semaphore_mem>>)
      %dma_wait3A = tpu.memref_slice %arg3[%mul3A_2] : memref<16384xi32, #tpu.memory_space<hbm>> -> memref<512xi32, #tpu.memory_space<hbm>>
      %dma_wait3A_344 = tpu.memref_slice %arg3[%mul3A_2] : memref<16384xi32, #tpu.memory_space<hbm>> -> memref<512xi32, #tpu.memory_space<hbm>>
      tpu.wait_dma2 semaphore(%run_scoped3A : memref<!tpu.dma_semaphore, #tpu.memory_space<semaphore_mem>>) src(%dma_wait3A_344 : memref<512xi32, #tpu.memory_space<hbm>>) dst(%arg12 : memref<512xi32, #tpu.memory_space<vmem>>)
      tpu.yield
    }) : () -> ()
    "tpu.region"() ({
      %run_scoped3A = tpu.sem_alloc : memref<!tpu.dma_semaphore, #tpu.memory_space<semaphore_mem>>
      %dma_start3A_342 = tpu.memref_slice %arg4[%mul3A_2] : memref<16384xi32, #tpu.memory_space<hbm>> -> memref<512xi32, #tpu.memory_space<hbm>>
      %dma_start3A_343 = tpu.memref_slice %arg4[%mul3A_2] : memref<16384xi32, #tpu.memory_space<hbm>> -> memref<512xi32, #tpu.memory_space<hbm>>
      tpu.enqueue_dma source(%dma_start3A_343 : memref<512xi32, #tpu.memory_space<hbm>>) target(%arg13 : memref<512xi32, #tpu.memory_space<vmem>>) target_semaphore(%run_scoped3A : memref<!tpu.dma_semaphore, #tpu.memory_space<semaphore_mem>>)
      %dma_wait3A = tpu.memref_slice %arg4[%mul3A_2] : memref<16384xi32, #tpu.memory_space<hbm>> -> memref<512xi32, #tpu.memory_space<hbm>>
      %dma_wait3A_344 = tpu.memref_slice %arg4[%mul3A_2] : memref<16384xi32, #tpu.memory_space<hbm>> -> memref<512xi32, #tpu.memory_space<hbm>>
      tpu.wait_dma2 semaphore(%run_scoped3A : memref<!tpu.dma_semaphore, #tpu.memory_space<semaphore_mem>>) src(%dma_wait3A_344 : memref<512xi32, #tpu.memory_space<hbm>>) dst(%arg13 : memref<512xi32, #tpu.memory_space<vmem>>)
      tpu.yield
    }) : () -> ()
    "tpu.region"() ({
      %run_scoped3A = tpu.sem_alloc : memref<!tpu.dma_semaphore, #tpu.memory_space<semaphore_mem>>
      %dma_start3A_342 = tpu.memref_slice %arg5[%mul3A_2] : memref<16384xi32, #tpu.memory_space<hbm>> -> memref<512xi32, #tpu.memory_space<hbm>>
      %dma_start3A_343 = tpu.memref_slice %arg5[%mul3A_2] : memref<16384xi32, #tpu.memory_space<hbm>> -> memref<512xi32, #tpu.memory_space<hbm>>
      tpu.enqueue_dma source(%dma_start3A_343 : memref<512xi32, #tpu.memory_space<hbm>>) target(%arg14 : memref<512xi32, #tpu.memory_space<vmem>>) target_semaphore(%run_scoped3A : memref<!tpu.dma_semaphore, #tpu.memory_space<semaphore_mem>>)
      %dma_wait3A = tpu.memref_slice %arg5[%mul3A_2] : memref<16384xi32, #tpu.memory_space<hbm>> -> memref<512xi32, #tpu.memory_space<hbm>>
      %dma_wait3A_344 = tpu.memref_slice %arg5[%mul3A_2] : memref<16384xi32, #tpu.memory_space<hbm>> -> memref<512xi32, #tpu.memory_space<hbm>>
      tpu.wait_dma2 semaphore(%run_scoped3A : memref<!tpu.dma_semaphore, #tpu.memory_space<semaphore_mem>>) src(%dma_wait3A_344 : memref<512xi32, #tpu.memory_space<hbm>>) dst(%arg14 : memref<512xi32, #tpu.memory_space<vmem>>)
      tpu.yield
    }) : () -> ()
    "tpu.region"() ({
      %run_scoped3A = tpu.sem_alloc : memref<!tpu.dma_semaphore, #tpu.memory_space<semaphore_mem>>
      %dma_start3A_342 = tpu.memref_slice %arg6[%mul3A_2] : memref<16384xi32, #tpu.memory_space<hbm>> -> memref<512xi32, #tpu.memory_space<hbm>>
      %dma_start3A_343 = tpu.memref_slice %arg6[%mul3A_2] : memref<16384xi32, #tpu.memory_space<hbm>> -> memref<512xi32, #tpu.memory_space<hbm>>
      tpu.enqueue_dma source(%dma_start3A_343 : memref<512xi32, #tpu.memory_space<hbm>>) target(%arg15 : memref<512xi32, #tpu.memory_space<vmem>>) target_semaphore(%run_scoped3A : memref<!tpu.dma_semaphore, #tpu.memory_space<semaphore_mem>>)
      %dma_wait3A = tpu.memref_slice %arg6[%mul3A_2] : memref<16384xi32, #tpu.memory_space<hbm>> -> memref<512xi32, #tpu.memory_space<hbm>>
      %dma_wait3A_344 = tpu.memref_slice %arg6[%mul3A_2] : memref<16384xi32, #tpu.memory_space<hbm>> -> memref<512xi32, #tpu.memory_space<hbm>>
      tpu.wait_dma2 semaphore(%run_scoped3A : memref<!tpu.dma_semaphore, #tpu.memory_space<semaphore_mem>>) src(%dma_wait3A_344 : memref<512xi32, #tpu.memory_space<hbm>>) dst(%arg15 : memref<512xi32, #tpu.memory_space<vmem>>)
      tpu.yield
    }) : () -> ()
    %iota3A = tpu.iota {dimensions = array<i32: 0>} : vector<16xi32>
    %xor3A = arith.constant 1 : i32
    %xor3A_3 = vector.broadcast %xor3A : i32 to vector<16xi32>
    %xor3A_4 = arith.xori %iota3A, %xor3A_3 : vector<16xi32>
    %shift_right_logical3A = arith.constant 1 : i32
    %shift_right_logical3A_5 = vector.broadcast %shift_right_logical3A : i32 to vector<16xi32>
    %shift_right_logical3A_6 = arith.shrui %iota3A, %shift_right_logical3A_5 : vector<16xi32>
    %add3A_7 = arith.constant 8 : i32
    %add3A_8 = vector.broadcast %add3A_7 : i32 to vector<16xi32>
    %add3A_9 = arith.addi %shift_right_logical3A_6, %add3A_8 : vector<16xi32>
    %and3A = arith.constant 1 : i32
    %and3A_10 = vector.broadcast %and3A : i32 to vector<16xi32>
    %and3A_11 = arith.andi %iota3A, %and3A_10 : vector<16xi32>
    %eq3A = arith.constant 0 : i32
    %eq3A_12 = vector.broadcast %eq3A : i32 to vector<16xi32>
    %eq3A_13 = arith.cmpi eq, %and3A_11, %eq3A_12 : vector<16xi32>
    %jit3A = arith.constant -1.000000e+00 : f32
    %jit3A_14 = arith.constant 1.000000e+00 : f32
    %broadcast_in_dim3A = vector.broadcast %jit3A : f32 to vector<16xf32>
    %broadcast_in_dim3A_15 = vector.broadcast %jit3A_14 : f32 to vector<16xf32>
    %select_n3A = arith.select %eq3A_13, %broadcast_in_dim3A, %broadcast_in_dim3A_15 : vector<16xi1>, vector<16xf32>
    %and3A_16 = arith.constant 0 : i32
    %and3A_17 = vector.broadcast %and3A_16 : i32 to vector<16xi32>
    %and3A_18 = arith.andi %iota3A, %and3A_17 : vector<16xi32>
    %add3A_19 = arith.constant 1 : i32
    %add3A_20 = vector.broadcast %add3A_19 : i32 to vector<16xi32>
    %add3A_21 = arith.addi %and3A_18, %add3A_20 : vector<16xi32>
    %xor3A_22 = arith.constant 2 : i32
    %xor3A_23 = vector.broadcast %xor3A_22 : i32 to vector<16xi32>
    %xor3A_24 = arith.xori %iota3A, %xor3A_23 : vector<16xi32>
    %xor3A_25 = arith.constant 4 : i32
    %xor3A_26 = vector.broadcast %xor3A_25 : i32 to vector<16xi32>
    %xor3A_27 = arith.xori %iota3A, %xor3A_26 : vector<16xi32>
    %xor3A_28 = arith.constant 8 : i32
    %xor3A_29 = vector.broadcast %xor3A_28 : i32 to vector<16xi32>
    %xor3A_30 = arith.xori %iota3A, %xor3A_29 : vector<16xi32>
    %dma_start3A = arith.constant 0 : i32
    %dma_start3A_31 = arith.constant 0 : i32
    %dma_start3A_32 = tpu.memref_slice %arg16[%dma_start3A, %dma_start3A_31] : memref<128x128xf32, #tpu.memory_space<vmem>> -> memref<16x128xf32, #tpu.memory_space<vmem>>
    %dma_start3A_33 = arith.constant 0 : i32
    %dma_start3A_34 = tpu.memref_slice %arg11[%dma_start3A_33] : memref<512xi32, #tpu.memory_space<vmem>> -> memref<16xi32, #tpu.memory_space<vmem>>
    %dma_start3A_35 = arith.constant 0 : i32
    %dma_start3A_36 = arith.constant 0 : i32
    %dma_start3A_37 = tpu.memref_slice %arg7[%dma_start3A_35, %dma_start3A_36] : memref<1000000x128xf32, #tpu.memory_space<hbm>> -> memref<1000000x128xf32, #tpu.memory_space<hbm>>
    tpu.enqueue_indirect_dma source(%dma_start3A_37 : memref<1000000x128xf32, #tpu.memory_space<hbm>>) target(%dma_start3A_32 : memref<16x128xf32, #tpu.memory_space<vmem>>) offsets(%dma_start3A_34 : memref<16xi32, #tpu.memory_space<vmem>>) semaphore(%arg20 : memref<!tpu.dma_semaphore, #tpu.memory_space<semaphore_mem>>)
    %dma_start3A_38 = arith.constant 16 : i32
    %dma_start3A_39 = arith.constant 0 : i32
    %dma_start3A_40 = tpu.memref_slice %arg16[%dma_start3A_38, %dma_start3A_39] : memref<128x128xf32, #tpu.memory_space<vmem>> -> memref<16x128xf32, #tpu.memory_space<vmem>>
    %dma_start3A_41 = arith.constant 0 : i32
    %dma_start3A_42 = tpu.memref_slice %arg12[%dma_start3A_41] : memref<512xi32, #tpu.memory_space<vmem>> -> memref<16xi32, #tpu.memory_space<vmem>>
    %dma_start3A_43 = arith.constant 0 : i32
    %dma_start3A_44 = arith.constant 0 : i32
    %dma_start3A_45 = tpu.memref_slice %arg7[%dma_start3A_43, %dma_start3A_44] : memref<1000000x128xf32, #tpu.memory_space<hbm>> -> memref<1000000x128xf32, #tpu.memory_space<hbm>>
    tpu.enqueue_indirect_dma source(%dma_start3A_45 : memref<1000000x128xf32, #tpu.memory_space<hbm>>) target(%dma_start3A_40 : memref<16x128xf32, #tpu.memory_space<vmem>>) offsets(%dma_start3A_42 : memref<16xi32, #tpu.memory_space<vmem>>) semaphore(%arg20 : memref<!tpu.dma_semaphore, #tpu.memory_space<semaphore_mem>>)
    %dma_start3A_46 = arith.constant 32 : i32
    %dma_start3A_47 = arith.constant 0 : i32
    %dma_start3A_48 = tpu.memref_slice %arg16[%dma_start3A_46, %dma_start3A_47] : memref<128x128xf32, #tpu.memory_space<vmem>> -> memref<16x128xf32, #tpu.memory_space<vmem>>
    %dma_start3A_49 = arith.constant 0 : i32
    %dma_start3A_50 = tpu.memref_slice %arg14[%dma_start3A_49] : memref<512xi32, #tpu.memory_space<vmem>> -> memref<16xi32, #tpu.memory_space<vmem>>
    %dma_start3A_51 = arith.constant 0 : i32
    %dma_start3A_52 = arith.constant 0 : i32
    %dma_start3A_53 = tpu.memref_slice %arg7[%dma_start3A_51, %dma_start3A_52] : memref<1000000x128xf32, #tpu.memory_space<hbm>> -> memref<1000000x128xf32, #tpu.memory_space<hbm>>
    tpu.enqueue_indirect_dma source(%dma_start3A_53 : memref<1000000x128xf32, #tpu.memory_space<hbm>>) target(%dma_start3A_48 : memref<16x128xf32, #tpu.memory_space<vmem>>) offsets(%dma_start3A_50 : memref<16xi32, #tpu.memory_space<vmem>>) semaphore(%arg20 : memref<!tpu.dma_semaphore, #tpu.memory_space<semaphore_mem>>)
    %dma_start3A_54 = arith.constant 48 : i32
    %dma_start3A_55 = arith.constant 0 : i32
    %dma_start3A_56 = tpu.memref_slice %arg16[%dma_start3A_54, %dma_start3A_55] : memref<128x128xf32, #tpu.memory_space<vmem>> -> memref<16x128xf32, #tpu.memory_space<vmem>>
    %dma_start3A_57 = arith.constant 0 : i32
    %dma_start3A_58 = tpu.memref_slice %arg15[%dma_start3A_57] : memref<512xi32, #tpu.memory_space<vmem>> -> memref<16xi32, #tpu.memory_space<vmem>>
    %dma_start3A_59 = arith.constant 0 : i32
    %dma_start3A_60 = arith.constant 0 : i32
    %dma_start3A_61 = tpu.memref_slice %arg7[%dma_start3A_59, %dma_start3A_60] : memref<1000000x128xf32, #tpu.memory_space<hbm>> -> memref<1000000x128xf32, #tpu.memory_space<hbm>>
    tpu.enqueue_indirect_dma source(%dma_start3A_61 : memref<1000000x128xf32, #tpu.memory_space<hbm>>) target(%dma_start3A_56 : memref<16x128xf32, #tpu.memory_space<vmem>>) offsets(%dma_start3A_58 : memref<16xi32, #tpu.memory_space<vmem>>) semaphore(%arg20 : memref<!tpu.dma_semaphore, #tpu.memory_space<semaphore_mem>>)
    %get3A = arith.constant 0 : index
    %get3A_62 = tpu.vector_load %arg13[%get3A] {strides = array<i32>} : memref<512xi32, #tpu.memory_space<vmem>>, vector<16xi32>,
    %get3A_63 = vector.shape_cast %get3A_62 : vector<16xi32> to vector<16xi32>
    %slice3A = vector.extract_strided_slice %get3A_63 {offsets = [0], sizes = [1], strides = [1]} : vector<16xi32> to vector<1xi32>
    %squeeze3A = vector.extract %slice3A[0] : i32 from vector<1xi32>
    %and3A_64 = arith.constant -8 : i32
    %and3A_65 = arith.andi %squeeze3A, %and3A_64 : i32
    %multiple_of3A = tpu.assume_multiple %and3A_65, 8 : i32
    %and3A_66 = arith.constant 7 : i32
    %and3A_67 = arith.andi %squeeze3A, %and3A_66 : i32
    %sub3A = arith.constant 7 : i32
    %sub3A_68 = arith.subi %sub3A, %and3A_67 : i32
    %dma_start3A_69 = arith.constant 0 : i32
    %dma_start3A_70 = tpu.memref_slice %arg17[%sub3A_68, %dma_start3A_69] : memref<512x64xf32, #tpu.memory_space<vmem>> -> memref<8x64xf32, #tpu.memory_space<vmem>>
    %dma_start3A_71 = arith.constant 0 : i32
    %dma_start3A_72 = tpu.memref_slice %arg8[%multiple_of3A, %dma_start3A_71] : memref<100000x64xf32, #tpu.memory_space<hbm>> -> memref<8x64xf32, #tpu.memory_space<hbm>>
    %dma_start3A_73 = arith.constant 0 : i32
    %dma_start3A_74 = tpu.memref_slice %arg17[%sub3A_68, %dma_start3A_73] : memref<512x64xf32, #tpu.memory_space<vmem>> -> memref<8x64xf32, #tpu.memory_space<vmem>>
    %dma_start3A_75 = arith.constant 0 : i32
    %dma_start3A_76 = tpu.memref_slice %arg8[%multiple_of3A, %dma_start3A_75] : memref<100000x64xf32, #tpu.memory_space<hbm>> -> memref<8x64xf32, #tpu.memory_space<hbm>>
    tpu.enqueue_dma source(%dma_start3A_76 : memref<8x64xf32, #tpu.memory_space<hbm>>) target(%dma_start3A_74 : memref<8x64xf32, #tpu.memory_space<vmem>>) target_semaphore(%arg22 : memref<!tpu.dma_semaphore, #tpu.memory_space<semaphore_mem>>)
    %slice3A_77 = vector.extract_strided_slice %get3A_63 {offsets = [1], sizes = [1], strides = [1]} : vector<16xi32> to vector<1xi32>
    %squeeze3A_78 = vector.extract %slice3A_77[0] : i32 from vector<1xi32>
    %and3A_79 = arith.constant -8 : i32
    %and3A_80 = arith.andi %squeeze3A_78, %and3A_79 : i32
    %multiple_of3A_81 = tpu.assume_multiple %and3A_80, 8 : i32
    %and3A_82 = arith.constant 7 : i32
    %and3A_83 = arith.andi %squeeze3A_78, %and3A_82 : i32
    %sub3A_84 = arith.constant 23 : i32
    %sub3A_85 = arith.subi %sub3A_84, %and3A_83 : i32
    %dma_start3A_86 = arith.constant 0 : i32
    %dma_start3A_87 = tpu.memref_slice %arg17[%sub3A_85, %dma_start3A_86] : memref<512x64xf32, #tpu.memory_space<vmem>> -> memref<8x64xf32, #tpu.memory_space<vmem>>
    %dma_start3A_88 = arith.constant 0 : i32
    %dma_start3A_89 = tpu.memref_slice %arg8[%multiple_of3A_81, %dma_start3A_88] : memref<100000x64xf32, #tpu.memory_space<hbm>> -> memref<8x64xf32, #tpu.memory_space<hbm>>
    %dma_start3A_90 = arith.constant 0 : i32
    %dma_start3A_91 = tpu.memref_slice %arg17[%sub3A_85, %dma_start3A_90] : memref<512x64xf32, #tpu.memory_space<vmem>> -> memref<8x64xf32, #tpu.memory_space<vmem>>
    %dma_start3A_92 = arith.constant 0 : i32
    %dma_start3A_93 = tpu.memref_slice %arg8[%multiple_of3A_81, %dma_start3A_92] : memref<100000x64xf32, #tpu.memory_space<hbm>> -> memref<8x64xf32, #tpu.memory_space<hbm>>
    tpu.enqueue_dma source(%dma_start3A_93 : memref<8x64xf32, #tpu.memory_space<hbm>>) target(%dma_start3A_91 : memref<8x64xf32, #tpu.memory_space<vmem>>) target_semaphore(%arg22 : memref<!tpu.dma_semaphore, #tpu.memory_space<semaphore_mem>>)
    %slice3A_94 = vector.extract_strided_slice %get3A_63 {offsets = [2], sizes = [1], strides = [1]} : vector<16xi32> to vector<1xi32>
    %squeeze3A_95 = vector.extract %slice3A_94[0] : i32 from vector<1xi32>
    %and3A_96 = arith.constant -8 : i32
    %and3A_97 = arith.andi %squeeze3A_95, %and3A_96 : i32
    %multiple_of3A_98 = tpu.assume_multiple %and3A_97, 8 : i32
    %and3A_99 = arith.constant 7 : i32
    %and3A_100 = arith.andi %squeeze3A_95, %and3A_99 : i32
    %sub3A_101 = arith.constant 39 : i32
    %sub3A_102 = arith.subi %sub3A_101, %and3A_100 : i32
    %dma_start3A_103 = arith.constant 0 : i32
    %dma_start3A_104 = tpu.memref_slice %arg17[%sub3A_102, %dma_start3A_103] : memref<512x64xf32, #tpu.memory_space<vmem>> -> memref<8x64xf32, #tpu.memory_space<vmem>>
    %dma_start3A_105 = arith.constant 0 : i32
    %dma_start3A_106 = tpu.memref_slice %arg8[%multiple_of3A_98, %dma_start3A_105] : memref<100000x64xf32, #tpu.memory_space<hbm>> -> memref<8x64xf32, #tpu.memory_space<hbm>>
    %dma_start3A_107 = arith.constant 0 : i32
    %dma_start3A_108 = tpu.memref_slice %arg17[%sub3A_102, %dma_start3A_107] : memref<512x64xf32, #tpu.memory_space<vmem>> -> memref<8x64xf32, #tpu.memory_space<vmem>>
    %dma_start3A_109 = arith.constant 0 : i32
    %dma_start3A_110 = tpu.memref_slice %arg8[%multiple_of3A_98, %dma_start3A_109] : memref<100000x64xf32, #tpu.memory_space<hbm>> -> memref<8x64xf32, #tpu.memory_space<hbm>>
    tpu.enqueue_dma source(%dma_start3A_110 : memref<8x64xf32, #tpu.memory_space<hbm>>) target(%dma_start3A_108 : memref<8x64xf32, #tpu.memory_space<vmem>>) target_semaphore(%arg22 : memref<!tpu.dma_semaphore, #tpu.memory_space<semaphore_mem>>)
    %slice3A_111 = vector.extract_strided_slice %get3A_63 {offsets = [3], sizes = [1], strides = [1]} : vector<16xi32> to vector<1xi32>
    %squeeze3A_112 = vector.extract %slice3A_111[0] : i32 from vector<1xi32>
    %and3A_113 = arith.constant -8 : i32
    %and3A_114 = arith.andi %squeeze3A_112, %and3A_113 : i32
    %multiple_of3A_115 = tpu.assume_multiple %and3A_114, 8 : i32
    %and3A_116 = arith.constant 7 : i32
    %and3A_117 = arith.andi %squeeze3A_112, %and3A_116 : i32
    %sub3A_118 = arith.constant 55 : i32
    %sub3A_119 = arith.subi %sub3A_118, %and3A_117 : i32
    %dma_start3A_120 = arith.constant 0 : i32
    %dma_start3A_121 = tpu.memref_slice %arg17[%sub3A_119, %dma_start3A_120] : memref<512x64xf32, #tpu.memory_space<vmem>> -> memref<8x64xf32, #tpu.memory_space<vmem>>
    %dma_start3A_122 = arith.constant 0 : i32
    %dma_start3A_123 = tpu.memref_slice %arg8[%multiple_of3A_115, %dma_start3A_122] : memref<100000x64xf32, #tpu.memory_space<hbm>> -> memref<8x64xf32, #tpu.memory_space<hbm>>
    %dma_start3A_124 = arith.constant 0 : i32
    %dma_start3A_125 = tpu.memref_slice %arg17[%sub3A_119, %dma_start3A_124] : memref<512x64xf32, #tpu.memory_space<vmem>> -> memref<8x64xf32, #tpu.memory_space<vmem>>
    %dma_start3A_126 = arith.constant 0 : i32
    %dma_start3A_127 = tpu.memref_slice %arg8[%multiple_of3A_115, %dma_start3A_126] : memref<100000x64xf32, #tpu.memory_space<hbm>> -> memref<8x64xf32, #tpu.memory_space<hbm>>
    tpu.enqueue_dma source(%dma_start3A_127 : memref<8x64xf32, #tpu.memory_space<hbm>>) target(%dma_start3A_125 : memref<8x64xf32, #tpu.memory_space<vmem>>) target_semaphore(%arg22 : memref<!tpu.dma_semaphore, #tpu.memory_space<semaphore_mem>>)
    %slice3A_128 = vector.extract_strided_slice %get3A_63 {offsets = [4], sizes = [1], strides = [1]} : vector<16xi32> to vector<1xi32>
    %squeeze3A_129 = vector.extract %slice3A_128[0] : i32 from vector<1xi32>
    %and3A_130 = arith.constant -8 : i32
    %and3A_131 = arith.andi %squeeze3A_129, %and3A_130 : i32
    %multiple_of3A_132 = tpu.assume_multiple %and3A_131, 8 : i32
    %and3A_133 = arith.constant 7 : i32
    %and3A_134 = arith.andi %squeeze3A_129, %and3A_133 : i32
    %sub3A_135 = arith.constant 71 : i32
    %sub3A_136 = arith.subi %sub3A_135, %and3A_134 : i32
    %dma_start3A_137 = arith.constant 0 : i32
    %dma_start3A_138 = tpu.memref_slice %arg17[%sub3A_136, %dma_start3A_137] : memref<512x64xf32, #tpu.memory_space<vmem>> -> memref<8x64xf32, #tpu.memory_space<vmem>>
    %dma_start3A_139 = arith.constant 0 : i32
    %dma_start3A_140 = tpu.memref_slice %arg8[%multiple_of3A_132, %dma_start3A_139] : memref<100000x64xf32, #tpu.memory_space<hbm>> -> memref<8x64xf32, #tpu.memory_space<hbm>>
    %dma_start3A_141 = arith.constant 0 : i32
    %dma_start3A_142 = tpu.memref_slice %arg17[%sub3A_136, %dma_start3A_141] : memref<512x64xf32, #tpu.memory_space<vmem>> -> memref<8x64xf32, #tpu.memory_space<vmem>>
    %dma_start3A_143 = arith.constant 0 : i32
    %dma_start3A_144 = tpu.memref_slice %arg8[%multiple_of3A_132, %dma_start3A_143] : memref<100000x64xf32, #tpu.memory_space<hbm>> -> memref<8x64xf32, #tpu.memory_space<hbm>>
    tpu.enqueue_dma source(%dma_start3A_144 : memref<8x64xf32, #tpu.memory_space<hbm>>) target(%dma_start3A_142 : memref<8x64xf32, #tpu.memory_space<vmem>>) target_semaphore(%arg22 : memref<!tpu.dma_semaphore, #tpu.memory_space<semaphore_mem>>)
    %slice3A_145 = vector.extract_strided_slice %get3A_63 {offsets = [5], sizes = [1], strides = [1]} : vector<16xi32> to vector<1xi32>
    %squeeze3A_146 = vector.extract %slice3A_145[0] : i32 from vector<1xi32>
    %and3A_147 = arith.constant -8 : i32
    %and3A_148 = arith.andi %squeeze3A_146, %and3A_147 : i32
    %multiple_of3A_149 = tpu.assume_multiple %and3A_148, 8 : i32
    %and3A_150 = arith.constant 7 : i32
    %and3A_151 = arith.andi %squeeze3A_146, %and3A_150 : i32
    %sub3A_152 = arith.constant 87 : i32
    %sub3A_153 = arith.subi %sub3A_152, %and3A_151 : i32
    %dma_start3A_154 = arith.constant 0 : i32
    %dma_start3A_155 = tpu.memref_slice %arg17[%sub3A_153, %dma_start3A_154] : memref<512x64xf32, #tpu.memory_space<vmem>> -> memref<8x64xf32, #tpu.memory_space<vmem>>
    %dma_start3A_156 = arith.constant 0 : i32
    %dma_start3A_157 = tpu.memref_slice %arg8[%multiple_of3A_149, %dma_start3A_156] : memref<100000x64xf32, #tpu.memory_space<hbm>> -> memref<8x64xf32, #tpu.memory_space<hbm>>
    %dma_start3A_158 = arith.constant 0 : i32
    %dma_start3A_159 = tpu.memref_slice %arg17[%sub3A_153, %dma_start3A_158] : memref<512x64xf32, #tpu.memory_space<vmem>> -> memref<8x64xf32, #tpu.memory_space<vmem>>
    %dma_start3A_160 = arith.constant 0 : i32
    %dma_start3A_161 = tpu.memref_slice %arg8[%multiple_of3A_149, %dma_start3A_160] : memref<100000x64xf32, #tpu.memory_space<hbm>> -> memref<8x64xf32, #tpu.memory_space<hbm>>
    tpu.enqueue_dma source(%dma_start3A_161 : memref<8x64xf32, #tpu.memory_space<hbm>>) target(%dma_start3A_159 : memref<8x64xf32, #tpu.memory_space<vmem>>) target_semaphore(%arg22 : memref<!tpu.dma_semaphore, #tpu.memory_space<semaphore_mem>>)
    %slice3A_162 = vector.extract_strided_slice %get3A_63 {offsets = [6], sizes = [1], strides = [1]} : vector<16xi32> to vector<1xi32>
    %squeeze3A_163 = vector.extract %slice3A_162[0] : i32 from vector<1xi32>
    %and3A_164 = arith.constant -8 : i32
    %and3A_165 = arith.andi %squeeze3A_163, %and3A_164 : i32
    %multiple_of3A_166 = tpu.assume_multiple %and3A_165, 8 : i32
    %and3A_167 = arith.constant 7 : i32
    %and3A_168 = arith.andi %squeeze3A_163, %and3A_167 : i32
    %sub3A_169 = arith.constant 103 : i32
    %sub3A_170 = arith.subi %sub3A_169, %and3A_168 : i32
    %dma_start3A_171 = arith.constant 0 : i32
    %dma_start3A_172 = tpu.memref_slice %arg17[%sub3A_170, %dma_start3A_171] : memref<512x64xf32, #tpu.memory_space<vmem>> -> memref<8x64xf32, #tpu.memory_space<vmem>>
    %dma_start3A_173 = arith.constant 0 : i32
    %dma_start3A_174 = tpu.memref_slice %arg8[%multiple_of3A_166, %dma_start3A_173] : memref<100000x64xf32, #tpu.memory_space<hbm>> -> memref<8x64xf32, #tpu.memory_space<hbm>>
    %dma_start3A_175 = arith.constant 0 : i32
    %dma_start3A_176 = tpu.memref_slice %arg17[%sub3A_170, %dma_start3A_175] : memref<512x64xf32, #tpu.memory_space<vmem>> -> memref<8x64xf32, #tpu.memory_space<vmem>>
    %dma_start3A_177 = arith.constant 0 : i32
    %dma_start3A_178 = tpu.memref_slice %arg8[%multiple_of3A_166, %dma_start3A_177] : memref<100000x64xf32, #tpu.memory_space<hbm>> -> memref<8x64xf32, #tpu.memory_space<hbm>>
    tpu.enqueue_dma source(%dma_start3A_178 : memref<8x64xf32, #tpu.memory_space<hbm>>) target(%dma_start3A_176 : memref<8x64xf32, #tpu.memory_space<vmem>>) target_semaphore(%arg22 : memref<!tpu.dma_semaphore, #tpu.memory_space<semaphore_mem>>)
    %slice3A_179 = vector.extract_strided_slice %get3A_63 {offsets = [7], sizes = [1], strides = [1]} : vector<16xi32> to vector<1xi32>
    %squeeze3A_180 = vector.extract %slice3A_179[0] : i32 from vector<1xi32>
    %and3A_181 = arith.constant -8 : i32
    %and3A_182 = arith.andi %squeeze3A_180, %and3A_181 : i32
    %multiple_of3A_183 = tpu.assume_multiple %and3A_182, 8 : i32
    %and3A_184 = arith.constant 7 : i32
    %and3A_185 = arith.andi %squeeze3A_180, %and3A_184 : i32
    %sub3A_186 = arith.constant 119 : i32
    %sub3A_187 = arith.subi %sub3A_186, %and3A_185 : i32
    %dma_start3A_188 = arith.constant 0 : i32
    %dma_start3A_189 = tpu.memref_slice %arg17[%sub3A_187, %dma_start3A_188] : memref<512x64xf32, #tpu.memory_space<vmem>> -> memref<8x64xf32, #tpu.memory_space<vmem>>
    %dma_start3A_190 = arith.constant 0 : i32
    %dma_start3A_191 = tpu.memref_slice %arg8[%multiple_of3A_183, %dma_start3A_190] : memref<100000x64xf32, #tpu.memory_space<hbm>> -> memref<8x64xf32, #tpu.memory_space<hbm>>
    %dma_start3A_192 = arith.constant 0 : i32
    %dma_start3A_193 = tpu.memref_slice %arg17[%sub3A_187, %dma_start3A_192] : memref<512x64xf32, #tpu.memory_space<vmem>> -> memref<8x64xf32, #tpu.memory_space<vmem>>
    %dma_start3A_194 = arith.constant 0 : i32
    %dma_start3A_195 = tpu.memref_slice %arg8[%multiple_of3A_183, %dma_start3A_194] : memref<100000x64xf32, #tpu.memory_space<hbm>> -> memref<8x64xf32, #tpu.memory_space<hbm>>
    tpu.enqueue_dma source(%dma_start3A_195 : memref<8x64xf32, #tpu.memory_space<hbm>>) target(%dma_start3A_193 : memref<8x64xf32, #tpu.memory_space<vmem>>) target_semaphore(%arg22 : memref<!tpu.dma_semaphore, #tpu.memory_space<semaphore_mem>>)
    %slice3A_196 = vector.extract_strided_slice %get3A_63 {offsets = [8], sizes = [1], strides = [1]} : vector<16xi32> to vector<1xi32>
    %squeeze3A_197 = vector.extract %slice3A_196[0] : i32 from vector<1xi32>
    %and3A_198 = arith.constant -8 : i32
    %and3A_199 = arith.andi %squeeze3A_197, %and3A_198 : i32
    %multiple_of3A_200 = tpu.assume_multiple %and3A_199, 8 : i32
    %and3A_201 = arith.constant 7 : i32
    %and3A_202 = arith.andi %squeeze3A_197, %and3A_201 : i32
    %sub3A_203 = arith.constant 135 : i32
    %sub3A_204 = arith.subi %sub3A_203, %and3A_202 : i32
    %dma_start3A_205 = arith.constant 0 : i32
    %dma_start3A_206 = tpu.memref_slice %arg17[%sub3A_204, %dma_start3A_205] : memref<512x64xf32, #tpu.memory_space<vmem>> -> memref<8x64xf32, #tpu.memory_space<vmem>>
    %dma_start3A_207 = arith.constant 0 : i32
    %dma_start3A_208 = tpu.memref_slice %arg8[%multiple_of3A_200, %dma_start3A_207] : memref<100000x64xf32, #tpu.memory_space<hbm>> -> memref<8x64xf32, #tpu.memory_space<hbm>>
    %dma_start3A_209 = arith.constant 0 : i32
    %dma_start3A_210 = tpu.memref_slice %arg17[%sub3A_204, %dma_start3A_209] : memref<512x64xf32, #tpu.memory_space<vmem>> -> memref<8x64xf32, #tpu.memory_space<vmem>>
    %dma_start3A_211 = arith.constant 0 : i32
    %dma_start3A_212 = tpu.memref_slice %arg8[%multiple_of3A_200, %dma_start3A_211] : memref<100000x64xf32, #tpu.memory_space<hbm>> -> memref<8x64xf32, #tpu.memory_space<hbm>>
    tpu.enqueue_dma source(%dma_start3A_212 : memref<8x64xf32, #tpu.memory_space<hbm>>) target(%dma_start3A_210 : memref<8x64xf32, #tpu.memory_space<vmem>>) target_semaphore(%arg22 : memref<!tpu.dma_semaphore, #tpu.memory_space<semaphore_mem>>)
    %slice3A_213 = vector.extract_strided_slice %get3A_63 {offsets = [9], sizes = [1], strides = [1]} : vector<16xi32> to vector<1xi32>
    %squeeze3A_214 = vector.extract %slice3A_213[0] : i32 from vector<1xi32>
    %and3A_215 = arith.constant -8 : i32
    %and3A_216 = arith.andi %squeeze3A_214, %and3A_215 : i32
    %multiple_of3A_217 = tpu.assume_multiple %and3A_216, 8 : i32
    %and3A_218 = arith.constant 7 : i32
    %and3A_219 = arith.andi %squeeze3A_214, %and3A_218 : i32
    %sub3A_220 = arith.constant 151 : i32
    %sub3A_221 = arith.subi %sub3A_220, %and3A_219 : i32
    %dma_start3A_222 = arith.constant 0 : i32
    %dma_start3A_223 = tpu.memref_slice %arg17[%sub3A_221, %dma_start3A_222] : memref<512x64xf32, #tpu.memory_space<vmem>> -> memref<8x64xf32, #tpu.memory_space<vmem>>
    %dma_start3A_224 = arith.constant 0 : i32
    %dma_start3A_225 = tpu.memref_slice %arg8[%multiple_of3A_217, %dma_start3A_224] : memref<100000x64xf32, #tpu.memory_space<hbm>> -> memref<8x64xf32, #tpu.memory_space<hbm>>
    %dma_start3A_226 = arith.constant 0 : i32
    %dma_start3A_227 = tpu.memref_slice %arg17[%sub3A_221, %dma_start3A_226] : memref<512x64xf32, #tpu.memory_space<vmem>> -> memref<8x64xf32, #tpu.memory_space<vmem>>
    %dma_start3A_228 = arith.constant 0 : i32
    %dma_start3A_229 = tpu.memref_slice %arg8[%multiple_of3A_217, %dma_start3A_228] : memref<100000x64xf32, #tpu.memory_space<hbm>> -> memref<8x64xf32, #tpu.memory_space<hbm>>
    tpu.enqueue_dma source(%dma_start3A_229 : memref<8x64xf32, #tpu.memory_space<hbm>>) target(%dma_start3A_227 : memref<8x64xf32, #tpu.memory_space<vmem>>) target_semaphore(%arg22 : memref<!tpu.dma_semaphore, #tpu.memory_space<semaphore_mem>>)
    %slice3A_230 = vector.extract_strided_slice %get3A_63 {offsets = [10], sizes = [1], strides = [1]} : vector<16xi32> to vector<1xi32>
    %squeeze3A_231 = vector.extract %slice3A_230[0] : i32 from vector<1xi32>
    %and3A_232 = arith.constant -8 : i32
    %and3A_233 = arith.andi %squeeze3A_231, %and3A_232 : i32
    %multiple_of3A_234 = tpu.assume_multiple %and3A_233, 8 : i32
    %and3A_235 = arith.constant 7 : i32
    %and3A_236 = arith.andi %squeeze3A_231, %and3A_235 : i32
    %sub3A_237 = arith.constant 167 : i32
    %sub3A_238 = arith.subi %sub3A_237, %and3A_236 : i32
    %dma_start3A_239 = arith.constant 0 : i32
    %dma_start3A_240 = tpu.memref_slice %arg17[%sub3A_238, %dma_start3A_239] : memref<512x64xf32, #tpu.memory_space<vmem>> -> memref<8x64xf32, #tpu.memory_space<vmem>>
    %dma_start3A_241 = arith.constant 0 : i32
    %dma_start3A_242 = tpu.memref_slice %arg8[%multiple_of3A_234, %dma_start3A_241] : memref<100000x64xf32, #tpu.memory_space<hbm>> -> memref<8x64xf32, #tpu.memory_space<hbm>>
    %dma_start3A_243 = arith.constant 0 : i32
    %dma_start3A_244 = tpu.memref_slice %arg17[%sub3A_238, %dma_start3A_243] : memref<512x64xf32, #tpu.memory_space<vmem>> -> memref<8x64xf32, #tpu.memory_space<vmem>>
    %dma_start3A_245 = arith.constant 0 : i32
    %dma_start3A_246 = tpu.memref_slice %arg8[%multiple_of3A_234, %dma_start3A_245] : memref<100000x64xf32, #tpu.memory_space<hbm>> -> memref<8x64xf32, #tpu.memory_space<hbm>>
    tpu.enqueue_dma source(%dma_start3A_246 : memref<8x64xf32, #tpu.memory_space<hbm>>) target(%dma_start3A_244 : memref<8x64xf32, #tpu.memory_space<vmem>>) target_semaphore(%arg22 : memref<!tpu.dma_semaphore, #tpu.memory_space<semaphore_mem>>)
    %slice3A_247 = vector.extract_strided_slice %get3A_63 {offsets = [11], sizes = [1], strides = [1]} : vector<16xi32> to vector<1xi32>
    %squeeze3A_248 = vector.extract %slice3A_247[0] : i32 from vector<1xi32>
    %and3A_249 = arith.constant -8 : i32
    %and3A_250 = arith.andi %squeeze3A_248, %and3A_249 : i32
    %multiple_of3A_251 = tpu.assume_multiple %and3A_250, 8 : i32
    %and3A_252 = arith.constant 7 : i32
    %and3A_253 = arith.andi %squeeze3A_248, %and3A_252 : i32
    %sub3A_254 = arith.constant 183 : i32
    %sub3A_255 = arith.subi %sub3A_254, %and3A_253 : i32
    %dma_start3A_256 = arith.constant 0 : i32
    %dma_start3A_257 = tpu.memref_slice %arg17[%sub3A_255, %dma_start3A_256] : memref<512x64xf32, #tpu.memory_space<vmem>> -> memref<8x64xf32, #tpu.memory_space<vmem>>
    %dma_start3A_258 = arith.constant 0 : i32
    %dma_start3A_259 = tpu.memref_slice %arg8[%multiple_of3A_251, %dma_start3A_258] : memref<100000x64xf32, #tpu.memory_space<hbm>> -> memref<8x64xf32, #tpu.memory_space<hbm>>
    %dma_start3A_260 = arith.constant 0 : i32
    %dma_start3A_261 = tpu.memref_slice %arg17[%sub3A_255, %dma_start3A_260] : memref<512x64xf32, #tpu.memory_space<vmem>> -> memref<8x64xf32, #tpu.memory_space<vmem>>
    %dma_start3A_262 = arith.constant 0 : i32
    %dma_start3A_263 = tpu.memref_slice %arg8[%multiple_of3A_251, %dma_start3A_262] : memref<100000x64xf32, #tpu.memory_space<hbm>> -> memref<8x64xf32, #tpu.memory_space<hbm>>
    tpu.enqueue_dma source(%dma_start3A_263 : memref<8x64xf32, #tpu.memory_space<hbm>>) target(%dma_start3A_261 : memref<8x64xf32, #tpu.memory_space<vmem>>) target_semaphore(%arg22 : memref<!tpu.dma_semaphore, #tpu.memory_space<semaphore_mem>>)
    %slice3A_264 = vector.extract_strided_slice %get3A_63 {offsets = [12], sizes = [1], strides = [1]} : vector<16xi32> to vector<1xi32>
    %squeeze3A_265 = vector.extract %slice3A_264[0] : i32 from vector<1xi32>
    %and3A_266 = arith.constant -8 : i32
    %and3A_267 = arith.andi %squeeze3A_265, %and3A_266 : i32
    %multiple_of3A_268 = tpu.assume_multiple %and3A_267, 8 : i32
    %and3A_269 = arith.constant 7 : i32
    %and3A_270 = arith.andi %squeeze3A_265, %and3A_269 : i32
    %sub3A_271 = arith.constant 199 : i32
    %sub3A_272 = arith.subi %sub3A_271, %and3A_270 : i32
    %dma_start3A_273 = arith.constant 0 : i32
    %dma_start3A_274 = tpu.memref_slice %arg17[%sub3A_272, %dma_start3A_273] : memref<512x64xf32, #tpu.memory_space<vmem>> -> memref<8x64xf32, #tpu.memory_space<vmem>>
    %dma_start3A_275 = arith.constant 0 : i32
    %dma_start3A_276 = tpu.memref_slice %arg8[%multiple_of3A_268, %dma_start3A_275] : memref<100000x64xf32, #tpu.memory_space<hbm>> -> memref<8x64xf32, #tpu.memory_space<hbm>>
    %dma_start3A_277 = arith.constant 0 : i32
    %dma_start3A_278 = tpu.memref_slice %arg17[%sub3A_272, %dma_start3A_277] : memref<512x64xf32, #tpu.memory_space<vmem>> -> memref<8x64xf32, #tpu.memory_space<vmem>>
    %dma_start3A_279 = arith.constant 0 : i32
    %dma_start3A_280 = tpu.memref_slice %arg8[%multiple_of3A_268, %dma_start3A_279] : memref<100000x64xf32, #tpu.memory_space<hbm>> -> memref<8x64xf32, #tpu.memory_space<hbm>>
    tpu.enqueue_dma source(%dma_start3A_280 : memref<8x64xf32, #tpu.memory_space<hbm>>) target(%dma_start3A_278 : memref<8x64xf32, #tpu.memory_space<vmem>>) target_semaphore(%arg22 : memref<!tpu.dma_semaphore, #tpu.memory_space<semaphore_mem>>)
    %slice3A_281 = vector.extract_strided_slice %get3A_63 {offsets = [13], sizes = [1], strides = [1]} : vector<16xi32> to vector<1xi32>
    %squeeze3A_282 = vector.extract %slice3A_281[0] : i32 from vector<1xi32>
    %and3A_283 = arith.constant -8 : i32
    %and3A_284 = arith.andi %squeeze3A_282, %and3A_283 : i32
    %multiple_of3A_285 = tpu.assume_multiple %and3A_284, 8 : i32
    %and3A_286 = arith.constant 7 : i32
    %and3A_287 = arith.andi %squeeze3A_282, %and3A_286 : i32
    %sub3A_288 = arith.constant 215 : i32
    %sub3A_289 = arith.subi %sub3A_288, %and3A_287 : i32
    %dma_start3A_290 = arith.constant 0 : i32
    %dma_start3A_291 = tpu.memref_slice %arg17[%sub3A_289, %dma_start3A_290] : memref<512x64xf32, #tpu.memory_space<vmem>> -> memref<8x64xf32, #tpu.memory_space<vmem>>
    %dma_start3A_292 = arith.constant 0 : i32
    %dma_start3A_293 = tpu.memref_slice %arg8[%multiple_of3A_285, %dma_start3A_292] : memref<100000x64xf32, #tpu.memory_space<hbm>> -> memref<8x64xf32, #tpu.memory_space<hbm>>
    %dma_start3A_294 = arith.constant 0 : i32
    %dma_start3A_295 = tpu.memref_slice %arg17[%sub3A_289, %dma_start3A_294] : memref<512x64xf32, #tpu.memory_space<vmem>> -> memref<8x64xf32, #tpu.memory_space<vmem>>
    %dma_start3A_296 = arith.constant 0 : i32
    %dma_start3A_297 = tpu.memref_slice %arg8[%multiple_of3A_285, %dma_start3A_296] : memref<100000x64xf32, #tpu.memory_space<hbm>> -> memref<8x64xf32, #tpu.memory_space<hbm>>
    tpu.enqueue_dma source(%dma_start3A_297 : memref<8x64xf32, #tpu.memory_space<hbm>>) target(%dma_start3A_295 : memref<8x64xf32, #tpu.memory_space<vmem>>) target_semaphore(%arg22 : memref<!tpu.dma_semaphore, #tpu.memory_space<semaphore_mem>>)
    %slice3A_298 = vector.extract_strided_slice %get3A_63 {offsets = [14], sizes = [1], strides = [1]} : vector<16xi32> to vector<1xi32>
    %squeeze3A_299 = vector.extract %slice3A_298[0] : i32 from vector<1xi32>
    %and3A_300 = arith.constant -8 : i32
    %and3A_301 = arith.andi %squeeze3A_299, %and3A_300 : i32
    %multiple_of3A_302 = tpu.assume_multiple %and3A_301, 8 : i32
    %and3A_303 = arith.constant 7 : i32
    %and3A_304 = arith.andi %squeeze3A_299, %and3A_303 : i32
    %sub3A_305 = arith.constant 231 : i32
    %sub3A_306 = arith.subi %sub3A_305, %and3A_304 : i32
    %dma_start3A_307 = arith.constant 0 : i32
    %dma_start3A_308 = tpu.memref_slice %arg17[%sub3A_306, %dma_start3A_307] : memref<512x64xf32, #tpu.memory_space<vmem>> -> memref<8x64xf32, #tpu.memory_space<vmem>>
    %dma_start3A_309 = arith.constant 0 : i32
    %dma_start3A_310 = tpu.memref_slice %arg8[%multiple_of3A_302, %dma_start3A_309] : memref<100000x64xf32, #tpu.memory_space<hbm>> -> memref<8x64xf32, #tpu.memory_space<hbm>>
    %dma_start3A_311 = arith.constant 0 : i32
    %dma_start3A_312 = tpu.memref_slice %arg17[%sub3A_306, %dma_start3A_311] : memref<512x64xf32, #tpu.memory_space<vmem>> -> memref<8x64xf32, #tpu.memory_space<vmem>>
    %dma_start3A_313 = arith.constant 0 : i32
    %dma_start3A_314 = tpu.memref_slice %arg8[%multiple_of3A_302, %dma_start3A_313] : memref<100000x64xf32, #tpu.memory_space<hbm>> -> memref<8x64xf32, #tpu.memory_space<hbm>>
    tpu.enqueue_dma source(%dma_start3A_314 : memref<8x64xf32, #tpu.memory_space<hbm>>) target(%dma_start3A_312 : memref<8x64xf32, #tpu.memory_space<vmem>>) target_semaphore(%arg22 : memref<!tpu.dma_semaphore, #tpu.memory_space<semaphore_mem>>)
    %slice3A_315 = vector.extract_strided_slice %get3A_63 {offsets = [15], sizes = [1], strides = [1]} : vector<16xi32> to vector<1xi32>
    %squeeze3A_316 = vector.extract %slice3A_315[0] : i32 from vector<1xi32>
    %and3A_317 = arith.constant -8 : i32
    %and3A_318 = arith.andi %squeeze3A_316, %and3A_317 : i32
    %multiple_of3A_319 = tpu.assume_multiple %and3A_318, 8 : i32
    %and3A_320 = arith.constant 7 : i32
    %and3A_321 = arith.andi %squeeze3A_316, %and3A_320 : i32
    %sub3A_322 = arith.constant 247 : i32
    %sub3A_323 = arith.subi %sub3A_322, %and3A_321 : i32
    %dma_start3A_324 = arith.constant 0 : i32
    %dma_start3A_325 = tpu.memref_slice %arg17[%sub3A_323, %dma_start3A_324] : memref<512x64xf32, #tpu.memory_space<vmem>> -> memref<8x64xf32, #tpu.memory_space<vmem>>
    %dma_start3A_326 = arith.constant 0 : i32
    %dma_start3A_327 = tpu.memref_slice %arg8[%multiple_of3A_319, %dma_start3A_326] : memref<100000x64xf32, #tpu.memory_space<hbm>> -> memref<8x64xf32, #tpu.memory_space<hbm>>
    %dma_start3A_328 = arith.constant 0 : i32
    %dma_start3A_329 = tpu.memref_slice %arg17[%sub3A_323, %dma_start3A_328] : memref<512x64xf32, #tpu.memory_space<vmem>> -> memref<8x64xf32, #tpu.memory_space<vmem>>
    %dma_start3A_330 = arith.constant 0 : i32
    %dma_start3A_331 = tpu.memref_slice %arg8[%multiple_of3A_319, %dma_start3A_330] : memref<100000x64xf32, #tpu.memory_space<hbm>> -> memref<8x64xf32, #tpu.memory_space<hbm>>
    tpu.enqueue_dma source(%dma_start3A_331 : memref<8x64xf32, #tpu.memory_space<hbm>>) target(%dma_start3A_329 : memref<8x64xf32, #tpu.memory_space<vmem>>) target_semaphore(%arg22 : memref<!tpu.dma_semaphore, #tpu.memory_space<semaphore_mem>>)
    %scan3A = arith.constant 0 : i32
    %scan3A_332 = arith.constant 0 : i32
    %scan3A_333 = arith.constant 16 : i32
    %scan3A_334 = arith.addi %scan3A_332, %scan3A_333 : i32
    %scan3A_335 = arith.constant 1 : i32
    %scan3A_336 = scf.for %scan3A_342 = %scan3A_332 to %scan3A_334 step %scan3A_335 iter_args(%scan3A_343 = %scan3A) -> (i32)  : i32 {
      %mul3A_344 = arith.constant 2 : i32
      %mul3A_345 = arith.muli %mul3A_344, %scan3A_342 : i32
      %add3A_346 = arith.constant 1 : i32
      %add3A_347 = arith.addi %mul3A_345, %add3A_346 : i32
      %mul3A_348 = arith.constant 16 : i32
      %mul3A_349 = arith.muli %add3A_347, %mul3A_348 : i32
      %dma_start3A_350 = arith.constant 64 : i32
      %dma_start3A_351 = arith.constant 0 : i32
      %dma_start3A_352 = tpu.memref_slice %arg16[%dma_start3A_350, %dma_start3A_351] : memref<128x128xf32, #tpu.memory_space<vmem>> -> memref<16x128xf32, #tpu.memory_space<vmem>>
      %dma_start3A_353 = tpu.memref_slice %arg11[%mul3A_349] : memref<512xi32, #tpu.memory_space<vmem>> -> memref<16xi32, #tpu.memory_space<vmem>>
      %dma_start3A_354 = arith.constant 0 : i32
      %dma_start3A_355 = arith.constant 0 : i32
      %dma_start3A_356 = tpu.memref_slice %arg7[%dma_start3A_354, %dma_start3A_355] : memref<1000000x128xf32, #tpu.memory_space<hbm>> -> memref<1000000x128xf32, #tpu.memory_space<hbm>>
      tpu.enqueue_indirect_dma source(%dma_start3A_356 : memref<1000000x128xf32, #tpu.memory_space<hbm>>) target(%dma_start3A_352 : memref<16x128xf32, #tpu.memory_space<vmem>>) offsets(%dma_start3A_353 : memref<16xi32, #tpu.memory_space<vmem>>) semaphore(%arg21 : memref<!tpu.dma_semaphore, #tpu.memory_space<semaphore_mem>>)
      %dma_start3A_357 = arith.constant 80 : i32
      %dma_start3A_358 = arith.constant 0 : i32
      %dma_start3A_359 = tpu.memref_slice %arg16[%dma_start3A_357, %dma_start3A_358] : memref<128x128xf32, #tpu.memory_space<vmem>> -> memref<16x128xf32, #tpu.memory_space<vmem>>
      %dma_start3A_360 = tpu.memref_slice %arg12[%mul3A_349] : memref<512xi32, #tpu.memory_space<vmem>> -> memref<16xi32, #tpu.memory_space<vmem>>
      %dma_start3A_361 = arith.constant 0 : i32
      %dma_start3A_362 = arith.constant 0 : i32
      %dma_start3A_363 = tpu.memref_slice %arg7[%dma_start3A_361, %dma_start3A_362] : memref<1000000x128xf32, #tpu.memory_space<hbm>> -> memref<1000000x128xf32, #tpu.memory_space<hbm>>
      tpu.enqueue_indirect_dma source(%dma_start3A_363 : memref<1000000x128xf32, #tpu.memory_space<hbm>>) target(%dma_start3A_359 : memref<16x128xf32, #tpu.memory_space<vmem>>) offsets(%dma_start3A_360 : memref<16xi32, #tpu.memory_space<vmem>>) semaphore(%arg21 : memref<!tpu.dma_semaphore, #tpu.memory_space<semaphore_mem>>)
      %dma_start3A_364 = arith.constant 96 : i32
      %dma_start3A_365 = arith.constant 0 : i32
      %dma_start3A_366 = tpu.memref_slice %arg16[%dma_start3A_364, %dma_start3A_365] : memref<128x128xf32, #tpu.memory_space<vmem>> -> memref<16x128xf32, #tpu.memory_space<vmem>>
      %dma_start3A_367 = tpu.memref_slice %arg14[%mul3A_349] : memref<512xi32, #tpu.memory_space<vmem>> -> memref<16xi32, #tpu.memory_space<vmem>>
      %dma_start3A_368 = arith.constant 0 : i32
      %dma_start3A_369 = arith.constant 0 : i32
      %dma_start3A_370 = tpu.memref_slice %arg7[%dma_start3A_368, %dma_start3A_369] : memref<1000000x128xf32, #tpu.memory_space<hbm>> -> memref<1000000x128xf32, #tpu.memory_space<hbm>>
      tpu.enqueue_indirect_dma source(%dma_start3A_370 : memref<1000000x128xf32, #tpu.memory_space<hbm>>) target(%dma_start3A_366 : memref<16x128xf32, #tpu.memory_space<vmem>>) offsets(%dma_start3A_367 : memref<16xi32, #tpu.memory_space<vmem>>) semaphore(%arg21 : memref<!tpu.dma_semaphore, #tpu.memory_space<semaphore_mem>>)
      %dma_start3A_371 = arith.constant 112 : i32
      %dma_start3A_372 = arith.constant 0 : i32
      %dma_start3A_373 = tpu.memref_slice %arg16[%dma_start3A_371, %dma_start3A_372] : memref<128x128xf32, #tpu.memory_space<vmem>> -> memref<16x128xf32, #tpu.memory_space<vmem>>
      %dma_start3A_374 = tpu.memref_slice %arg15[%mul3A_349] : memref<512xi32, #tpu.memory_space<vmem>> -> memref<16xi32, #tpu.memory_space<vmem>>
      %dma_start3A_375 = arith.constant 0 : i32
      %dma_start3A_376 = arith.constant 0 : i32
      %dma_start3A_377 = tpu.memref_slice %arg7[%dma_start3A_375, %dma_start3A_376] : memref<1000000x128xf32, #tpu.memory_space<hbm>> -> memref<1000000x128xf32, #tpu.memory_space<hbm>>
      tpu.enqueue_indirect_dma source(%dma_start3A_377 : memref<1000000x128xf32, #tpu.memory_space<hbm>>) target(%dma_start3A_373 : memref<16x128xf32, #tpu.memory_space<vmem>>) offsets(%dma_start3A_374 : memref<16xi32, #tpu.memory_space<vmem>>) semaphore(%arg21 : memref<!tpu.dma_semaphore, #tpu.memory_space<semaphore_mem>>)
      %mul3A_378 = arith.constant 16 : i32
      %mul3A_379 = arith.muli %add3A_347, %mul3A_378 : i32
      %add3A_380 = arith.constant 0 : i32
      %add3A_381 = arith.addi %mul3A_379, %add3A_380 : i32
      %get3A_382 = arith.index_cast %add3A_381 : i32 to index
      %get3A_383 = tpu.vector_load %arg13[%get3A_382] {strides = array<i32>} : memref<512xi32, #tpu.memory_space<vmem>>, vector<16xi32>,
      %get3A_384 = vector.shape_cast %get3A_383 : vector<16xi32> to vector<16xi32>
      %slice3A_385 = vector.extract_strided_slice %get3A_384 {offsets = [0], sizes = [1], strides = [1]} : vector<16xi32> to vector<1xi32>
      %squeeze3A_386 = vector.extract %slice3A_385[0] : i32 from vector<1xi32>
      %and3A_387 = arith.constant -8 : i32
      %and3A_388 = arith.andi %squeeze3A_386, %and3A_387 : i32
      %multiple_of3A_389 = tpu.assume_multiple %and3A_388, 8 : i32
      %and3A_390 = arith.constant 7 : i32
      %and3A_391 = arith.andi %squeeze3A_386, %and3A_390 : i32
      %sub3A_392 = arith.constant 263 : i32
      %sub3A_393 = arith.subi %sub3A_392, %and3A_391 : i32
      %dma_start3A_394 = arith.constant 0 : i32
      %dma_start3A_395 = tpu.memref_slice %arg17[%sub3A_393, %dma_start3A_394] : memref<512x64xf32, #tpu.memory_space<vmem>> -> memref<8x64xf32, #tpu.memory_space<vmem>>
      %dma_start3A_396 = arith.constant 0 : i32
      %dma_start3A_397 = tpu.memref_slice %arg8[%multiple_of3A_389, %dma_start3A_396] : memref<100000x64xf32, #tpu.memory_space<hbm>> -> memref<8x64xf32, #tpu.memory_space<hbm>>
      %dma_start3A_398 = arith.constant 0 : i32
      %dma_start3A_399 = tpu.memref_slice %arg17[%sub3A_393, %dma_start3A_398] : memref<512x64xf32, #tpu.memory_space<vmem>> -> memref<8x64xf32, #tpu.memory_space<vmem>>
      %dma_start3A_400 = arith.constant 0 : i32
      %dma_start3A_401 = tpu.memref_slice %arg8[%multiple_of3A_389, %dma_start3A_400] : memref<100000x64xf32, #tpu.memory_space<hbm>> -> memref<8x64xf32, #tpu.memory_space<hbm>>
      tpu.enqueue_dma source(%dma_start3A_401 : memref<8x64xf32, #tpu.memory_space<hbm>>) target(%dma_start3A_399 : memref<8x64xf32, #tpu.memory_space<vmem>>) target_semaphore(%arg23 : memref<!tpu.dma_semaphore, #tpu.memory_space<semaphore_mem>>)
      %slice3A_402 = vector.extract_strided_slice %get3A_384 {offsets = [1], sizes = [1], strides = [1]} : vector<16xi32> to vector<1xi32>
      %squeeze3A_403 = vector.extract %slice3A_402[0] : i32 from vector<1xi32>
      %and3A_404 = arith.constant -8 : i32
      %and3A_405 = arith.andi %squeeze3A_403, %and3A_404 : i32
      %multiple_of3A_406 = tpu.assume_multiple %and3A_405, 8 : i32
      %and3A_407 = arith.constant 7 : i32
      %and3A_408 = arith.andi %squeeze3A_403, %and3A_407 : i32
      %sub3A_409 = arith.constant 279 : i32
      %sub3A_410 = arith.subi %sub3A_409, %and3A_408 : i32
      %dma_start3A_411 = arith.constant 0 : i32
      %dma_start3A_412 = tpu.memref_slice %arg17[%sub3A_410, %dma_start3A_411] : memref<512x64xf32, #tpu.memory_space<vmem>> -> memref<8x64xf32, #tpu.memory_space<vmem>>
      %dma_start3A_413 = arith.constant 0 : i32
      %dma_start3A_414 = tpu.memref_slice %arg8[%multiple_of3A_406, %dma_start3A_413] : memref<100000x64xf32, #tpu.memory_space<hbm>> -> memref<8x64xf32, #tpu.memory_space<hbm>>
      %dma_start3A_415 = arith.constant 0 : i32
      %dma_start3A_416 = tpu.memref_slice %arg17[%sub3A_410, %dma_start3A_415] : memref<512x64xf32, #tpu.memory_space<vmem>> -> memref<8x64xf32, #tpu.memory_space<vmem>>
      %dma_start3A_417 = arith.constant 0 : i32
      %dma_start3A_418 = tpu.memref_slice %arg8[%multiple_of3A_406, %dma_start3A_417] : memref<100000x64xf32, #tpu.memory_space<hbm>> -> memref<8x64xf32, #tpu.memory_space<hbm>>
      tpu.enqueue_dma source(%dma_start3A_418 : memref<8x64xf32, #tpu.memory_space<hbm>>) target(%dma_start3A_416 : memref<8x64xf32, #tpu.memory_space<vmem>>) target_semaphore(%arg23 : memref<!tpu.dma_semaphore, #tpu.memory_space<semaphore_mem>>)
      %slice3A_419 = vector.extract_strided_slice %get3A_384 {offsets = [2], sizes = [1], strides = [1]} : vector<16xi32> to vector<1xi32>
      %squeeze3A_420 = vector.extract %slice3A_419[0] : i32 from vector<1xi32>
      %and3A_421 = arith.constant -8 : i32
      %and3A_422 = arith.andi %squeeze3A_420, %and3A_421 : i32
      %multiple_of3A_423 = tpu.assume_multiple %and3A_422, 8 : i32
      %and3A_424 = arith.constant 7 : i32
      %and3A_425 = arith.andi %squeeze3A_420, %and3A_424 : i32
      %sub3A_426 = arith.constant 295 : i32
      %sub3A_427 = arith.subi %sub3A_426, %and3A_425 : i32
      %dma_start3A_428 = arith.constant 0 : i32
      %dma_start3A_429 = tpu.memref_slice %arg17[%sub3A_427, %dma_start3A_428] : memref<512x64xf32, #tpu.memory_space<vmem>> -> memref<8x64xf32, #tpu.memory_space<vmem>>
      %dma_start3A_430 = arith.constant 0 : i32
      %dma_start3A_431 = tpu.memref_slice %arg8[%multiple_of3A_423, %dma_start3A_430] : memref<100000x64xf32, #tpu.memory_space<hbm>> -> memref<8x64xf32, #tpu.memory_space<hbm>>
      %dma_start3A_432 = arith.constant 0 : i32
      %dma_start3A_433 = tpu.memref_slice %arg17[%sub3A_427, %dma_start3A_432] : memref<512x64xf32, #tpu.memory_space<vmem>> -> memref<8x64xf32, #tpu.memory_space<vmem>>
      %dma_start3A_434 = arith.constant 0 : i32
      %dma_start3A_435 = tpu.memref_slice %arg8[%multiple_of3A_423, %dma_start3A_434] : memref<100000x64xf32, #tpu.memory_space<hbm>> -> memref<8x64xf32, #tpu.memory_space<hbm>>
      tpu.enqueue_dma source(%dma_start3A_435 : memref<8x64xf32, #tpu.memory_space<hbm>>) target(%dma_start3A_433 : memref<8x64xf32, #tpu.memory_space<vmem>>) target_semaphore(%arg23 : memref<!tpu.dma_semaphore, #tpu.memory_space<semaphore_mem>>)
      %slice3A_436 = vector.extract_strided_slice %get3A_384 {offsets = [3], sizes = [1], strides = [1]} : vector<16xi32> to vector<1xi32>
      %squeeze3A_437 = vector.extract %slice3A_436[0] : i32 from vector<1xi32>
      %and3A_438 = arith.constant -8 : i32
      %and3A_439 = arith.andi %squeeze3A_437, %and3A_438 : i32
      %multiple_of3A_440 = tpu.assume_multiple %and3A_439, 8 : i32
      %and3A_441 = arith.constant 7 : i32
      %and3A_442 = arith.andi %squeeze3A_437, %and3A_441 : i32
      %sub3A_443 = arith.constant 311 : i32
      %sub3A_444 = arith.subi %sub3A_443, %and3A_442 : i32
      %dma_start3A_445 = arith.constant 0 : i32
      %dma_start3A_446 = tpu.memref_slice %arg17[%sub3A_444, %dma_start3A_445] : memref<512x64xf32, #tpu.memory_space<vmem>> -> memref<8x64xf32, #tpu.memory_space<vmem>>
      %dma_start3A_447 = arith.constant 0 : i32
      %dma_start3A_448 = tpu.memref_slice %arg8[%multiple_of3A_440, %dma_start3A_447] : memref<100000x64xf32, #tpu.memory_space<hbm>> -> memref<8x64xf32, #tpu.memory_space<hbm>>
      %dma_start3A_449 = arith.constant 0 : i32
      %dma_start3A_450 = tpu.memref_slice %arg17[%sub3A_444, %dma_start3A_449] : memref<512x64xf32, #tpu.memory_space<vmem>> -> memref<8x64xf32, #tpu.memory_space<vmem>>
      %dma_start3A_451 = arith.constant 0 : i32
      %dma_start3A_452 = tpu.memref_slice %arg8[%multiple_of3A_440, %dma_start3A_451] : memref<100000x64xf32, #tpu.memory_space<hbm>> -> memref<8x64xf32, #tpu.memory_space<hbm>>
      tpu.enqueue_dma source(%dma_start3A_452 : memref<8x64xf32, #tpu.memory_space<hbm>>) target(%dma_start3A_450 : memref<8x64xf32, #tpu.memory_space<vmem>>) target_semaphore(%arg23 : memref<!tpu.dma_semaphore, #tpu.memory_space<semaphore_mem>>)
      %slice3A_453 = vector.extract_strided_slice %get3A_384 {offsets = [4], sizes = [1], strides = [1]} : vector<16xi32> to vector<1xi32>
      %squeeze3A_454 = vector.extract %slice3A_453[0] : i32 from vector<1xi32>
      %and3A_455 = arith.constant -8 : i32
      %and3A_456 = arith.andi %squeeze3A_454, %and3A_455 : i32
      %multiple_of3A_457 = tpu.assume_multiple %and3A_456, 8 : i32
      %and3A_458 = arith.constant 7 : i32
      %and3A_459 = arith.andi %squeeze3A_454, %and3A_458 : i32
      %sub3A_460 = arith.constant 327 : i32
      %sub3A_461 = arith.subi %sub3A_460, %and3A_459 : i32
      %dma_start3A_462 = arith.constant 0 : i32
      %dma_start3A_463 = tpu.memref_slice %arg17[%sub3A_461, %dma_start3A_462] : memref<512x64xf32, #tpu.memory_space<vmem>> -> memref<8x64xf32, #tpu.memory_space<vmem>>
      %dma_start3A_464 = arith.constant 0 : i32
      %dma_start3A_465 = tpu.memref_slice %arg8[%multiple_of3A_457, %dma_start3A_464] : memref<100000x64xf32, #tpu.memory_space<hbm>> -> memref<8x64xf32, #tpu.memory_space<hbm>>
      %dma_start3A_466 = arith.constant 0 : i32
      %dma_start3A_467 = tpu.memref_slice %arg17[%sub3A_461, %dma_start3A_466] : memref<512x64xf32, #tpu.memory_space<vmem>> -> memref<8x64xf32, #tpu.memory_space<vmem>>
      %dma_start3A_468 = arith.constant 0 : i32
      %dma_start3A_469 = tpu.memref_slice %arg8[%multiple_of3A_457, %dma_start3A_468] : memref<100000x64xf32, #tpu.memory_space<hbm>> -> memref<8x64xf32, #tpu.memory_space<hbm>>
      tpu.enqueue_dma source(%dma_start3A_469 : memref<8x64xf32, #tpu.memory_space<hbm>>) target(%dma_start3A_467 : memref<8x64xf32, #tpu.memory_space<vmem>>) target_semaphore(%arg23 : memref<!tpu.dma_semaphore, #tpu.memory_space<semaphore_mem>>)
      %slice3A_470 = vector.extract_strided_slice %get3A_384 {offsets = [5], sizes = [1], strides = [1]} : vector<16xi32> to vector<1xi32>
      %squeeze3A_471 = vector.extract %slice3A_470[0] : i32 from vector<1xi32>
      %and3A_472 = arith.constant -8 : i32
      %and3A_473 = arith.andi %squeeze3A_471, %and3A_472 : i32
      %multiple_of3A_474 = tpu.assume_multiple %and3A_473, 8 : i32
      %and3A_475 = arith.constant 7 : i32
      %and3A_476 = arith.andi %squeeze3A_471, %and3A_475 : i32
      %sub3A_477 = arith.constant 343 : i32
      %sub3A_478 = arith.subi %sub3A_477, %and3A_476 : i32
      %dma_start3A_479 = arith.constant 0 : i32
      %dma_start3A_480 = tpu.memref_slice %arg17[%sub3A_478, %dma_start3A_479] : memref<512x64xf32, #tpu.memory_space<vmem>> -> memref<8x64xf32, #tpu.memory_space<vmem>>
      %dma_start3A_481 = arith.constant 0 : i32
      %dma_start3A_482 = tpu.memref_slice %arg8[%multiple_of3A_474, %dma_start3A_481] : memref<100000x64xf32, #tpu.memory_space<hbm>> -> memref<8x64xf32, #tpu.memory_space<hbm>>
      %dma_start3A_483 = arith.constant 0 : i32
      %dma_start3A_484 = tpu.memref_slice %arg17[%sub3A_478, %dma_start3A_483] : memref<512x64xf32, #tpu.memory_space<vmem>> -> memref<8x64xf32, #tpu.memory_space<vmem>>
      %dma_start3A_485 = arith.constant 0 : i32
      %dma_start3A_486 = tpu.memref_slice %arg8[%multiple_of3A_474, %dma_start3A_485] : memref<100000x64xf32, #tpu.memory_space<hbm>> -> memref<8x64xf32, #tpu.memory_space<hbm>>
      tpu.enqueue_dma source(%dma_start3A_486 : memref<8x64xf32, #tpu.memory_space<hbm>>) target(%dma_start3A_484 : memref<8x64xf32, #tpu.memory_space<vmem>>) target_semaphore(%arg23 : memref<!tpu.dma_semaphore, #tpu.memory_space<semaphore_mem>>)
      %slice3A_487 = vector.extract_strided_slice %get3A_384 {offsets = [6], sizes = [1], strides = [1]} : vector<16xi32> to vector<1xi32>
      %squeeze3A_488 = vector.extract %slice3A_487[0] : i32 from vector<1xi32>
      %and3A_489 = arith.constant -8 : i32
      %and3A_490 = arith.andi %squeeze3A_488, %and3A_489 : i32
      %multiple_of3A_491 = tpu.assume_multiple %and3A_490, 8 : i32
      %and3A_492 = arith.constant 7 : i32
      %and3A_493 = arith.andi %squeeze3A_488, %and3A_492 : i32
      %sub3A_494 = arith.constant 359 : i32
      %sub3A_495 = arith.subi %sub3A_494, %and3A_493 : i32
      %dma_start3A_496 = arith.constant 0 : i32
      %dma_start3A_497 = tpu.memref_slice %arg17[%sub3A_495, %dma_start3A_496] : memref<512x64xf32, #tpu.memory_space<vmem>> -> memref<8x64xf32, #tpu.memory_space<vmem>>
      %dma_start3A_498 = arith.constant 0 : i32
      %dma_start3A_499 = tpu.memref_slice %arg8[%multiple_of3A_491, %dma_start3A_498] : memref<100000x64xf32, #tpu.memory_space<hbm>> -> memref<8x64xf32, #tpu.memory_space<hbm>>
      %dma_start3A_500 = arith.constant 0 : i32
      %dma_start3A_501 = tpu.memref_slice %arg17[%sub3A_495, %dma_start3A_500] : memref<512x64xf32, #tpu.memory_space<vmem>> -> memref<8x64xf32, #tpu.memory_space<vmem>>
      %dma_start3A_502 = arith.constant 0 : i32
      %dma_start3A_503 = tpu.memref_slice %arg8[%multiple_of3A_491, %dma_start3A_502] : memref<100000x64xf32, #tpu.memory_space<hbm>> -> memref<8x64xf32, #tpu.memory_space<hbm>>
      tpu.enqueue_dma source(%dma_start3A_503 : memref<8x64xf32, #tpu.memory_space<hbm>>) target(%dma_start3A_501 : memref<8x64xf32, #tpu.memory_space<vmem>>) target_semaphore(%arg23 : memref<!tpu.dma_semaphore, #tpu.memory_space<semaphore_mem>>)
      %slice3A_504 = vector.extract_strided_slice %get3A_384 {offsets = [7], sizes = [1], strides = [1]} : vector<16xi32> to vector<1xi32>
      %squeeze3A_505 = vector.extract %slice3A_504[0] : i32 from vector<1xi32>
      %and3A_506 = arith.constant -8 : i32
      %and3A_507 = arith.andi %squeeze3A_505, %and3A_506 : i32
      %multiple_of3A_508 = tpu.assume_multiple %and3A_507, 8 : i32
      %and3A_509 = arith.constant 7 : i32
      %and3A_510 = arith.andi %squeeze3A_505, %and3A_509 : i32
      %sub3A_511 = arith.constant 375 : i32
      %sub3A_512 = arith.subi %sub3A_511, %and3A_510 : i32
      %dma_start3A_513 = arith.constant 0 : i32
      %dma_start3A_514 = tpu.memref_slice %arg17[%sub3A_512, %dma_start3A_513] : memref<512x64xf32, #tpu.memory_space<vmem>> -> memref<8x64xf32, #tpu.memory_space<vmem>>
      %dma_start3A_515 = arith.constant 0 : i32
      %dma_start3A_516 = tpu.memref_slice %arg8[%multiple_of3A_508, %dma_start3A_515] : memref<100000x64xf32, #tpu.memory_space<hbm>> -> memref<8x64xf32, #tpu.memory_space<hbm>>
      %dma_start3A_517 = arith.constant 0 : i32
      %dma_start3A_518 = tpu.memref_slice %arg17[%sub3A_512, %dma_start3A_517] : memref<512x64xf32, #tpu.memory_space<vmem>> -> memref<8x64xf32, #tpu.memory_space<vmem>>
      %dma_start3A_519 = arith.constant 0 : i32
      %dma_start3A_520 = tpu.memref_slice %arg8[%multiple_of3A_508, %dma_start3A_519] : memref<100000x64xf32, #tpu.memory_space<hbm>> -> memref<8x64xf32, #tpu.memory_space<hbm>>
      tpu.enqueue_dma source(%dma_start3A_520 : memref<8x64xf32, #tpu.memory_space<hbm>>) target(%dma_start3A_518 : memref<8x64xf32, #tpu.memory_space<vmem>>) target_semaphore(%arg23 : memref<!tpu.dma_semaphore, #tpu.memory_space<semaphore_mem>>)
      %slice3A_521 = vector.extract_strided_slice %get3A_384 {offsets = [8], sizes = [1], strides = [1]} : vector<16xi32> to vector<1xi32>
      %squeeze3A_522 = vector.extract %slice3A_521[0] : i32 from vector<1xi32>
      %and3A_523 = arith.constant -8 : i32
      %and3A_524 = arith.andi %squeeze3A_522, %and3A_523 : i32
      %multiple_of3A_525 = tpu.assume_multiple %and3A_524, 8 : i32
      %and3A_526 = arith.constant 7 : i32
      %and3A_527 = arith.andi %squeeze3A_522, %and3A_526 : i32
      %sub3A_528 = arith.constant 391 : i32
      %sub3A_529 = arith.subi %sub3A_528, %and3A_527 : i32
      %dma_start3A_530 = arith.constant 0 : i32
      %dma_start3A_531 = tpu.memref_slice %arg17[%sub3A_529, %dma_start3A_530] : memref<512x64xf32, #tpu.memory_space<vmem>> -> memref<8x64xf32, #tpu.memory_space<vmem>>
      %dma_start3A_532 = arith.constant 0 : i32
      %dma_start3A_533 = tpu.memref_slice %arg8[%multiple_of3A_525, %dma_start3A_532] : memref<100000x64xf32, #tpu.memory_space<hbm>> -> memref<8x64xf32, #tpu.memory_space<hbm>>
      %dma_start3A_534 = arith.constant 0 : i32
      %dma_start3A_535 = tpu.memref_slice %arg17[%sub3A_529, %dma_start3A_534] : memref<512x64xf32, #tpu.memory_space<vmem>> -> memref<8x64xf32, #tpu.memory_space<vmem>>
      %dma_start3A_536 = arith.constant 0 : i32
      %dma_start3A_537 = tpu.memref_slice %arg8[%multiple_of3A_525, %dma_start3A_536] : memref<100000x64xf32, #tpu.memory_space<hbm>> -> memref<8x64xf32, #tpu.memory_space<hbm>>
      tpu.enqueue_dma source(%dma_start3A_537 : memref<8x64xf32, #tpu.memory_space<hbm>>) target(%dma_start3A_535 : memref<8x64xf32, #tpu.memory_space<vmem>>) target_semaphore(%arg23 : memref<!tpu.dma_semaphore, #tpu.memory_space<semaphore_mem>>)
      %slice3A_538 = vector.extract_strided_slice %get3A_384 {offsets = [9], sizes = [1], strides = [1]} : vector<16xi32> to vector<1xi32>
      %squeeze3A_539 = vector.extract %slice3A_538[0] : i32 from vector<1xi32>
      %and3A_540 = arith.constant -8 : i32
      %and3A_541 = arith.andi %squeeze3A_539, %and3A_540 : i32
      %multiple_of3A_542 = tpu.assume_multiple %and3A_541, 8 : i32
      %and3A_543 = arith.constant 7 : i32
      %and3A_544 = arith.andi %squeeze3A_539, %and3A_543 : i32
      %sub3A_545 = arith.constant 407 : i32
      %sub3A_546 = arith.subi %sub3A_545, %and3A_544 : i32
      %dma_start3A_547 = arith.constant 0 : i32
      %dma_start3A_548 = tpu.memref_slice %arg17[%sub3A_546, %dma_start3A_547] : memref<512x64xf32, #tpu.memory_space<vmem>> -> memref<8x64xf32, #tpu.memory_space<vmem>>
      %dma_start3A_549 = arith.constant 0 : i32
      %dma_start3A_550 = tpu.memref_slice %arg8[%multiple_of3A_542, %dma_start3A_549] : memref<100000x64xf32, #tpu.memory_space<hbm>> -> memref<8x64xf32, #tpu.memory_space<hbm>>
      %dma_start3A_551 = arith.constant 0 : i32
      %dma_start3A_552 = tpu.memref_slice %arg17[%sub3A_546, %dma_start3A_551] : memref<512x64xf32, #tpu.memory_space<vmem>> -> memref<8x64xf32, #tpu.memory_space<vmem>>
      %dma_start3A_553 = arith.constant 0 : i32
      %dma_start3A_554 = tpu.memref_slice %arg8[%multiple_of3A_542, %dma_start3A_553] : memref<100000x64xf32, #tpu.memory_space<hbm>> -> memref<8x64xf32, #tpu.memory_space<hbm>>
      tpu.enqueue_dma source(%dma_start3A_554 : memref<8x64xf32, #tpu.memory_space<hbm>>) target(%dma_start3A_552 : memref<8x64xf32, #tpu.memory_space<vmem>>) target_semaphore(%arg23 : memref<!tpu.dma_semaphore, #tpu.memory_space<semaphore_mem>>)
      %slice3A_555 = vector.extract_strided_slice %get3A_384 {offsets = [10], sizes = [1], strides = [1]} : vector<16xi32> to vector<1xi32>
      %squeeze3A_556 = vector.extract %slice3A_555[0] : i32 from vector<1xi32>
      %and3A_557 = arith.constant -8 : i32
      %and3A_558 = arith.andi %squeeze3A_556, %and3A_557 : i32
      %multiple_of3A_559 = tpu.assume_multiple %and3A_558, 8 : i32
      %and3A_560 = arith.constant 7 : i32
      %and3A_561 = arith.andi %squeeze3A_556, %and3A_560 : i32
      %sub3A_562 = arith.constant 423 : i32
      %sub3A_563 = arith.subi %sub3A_562, %and3A_561 : i32
      %dma_start3A_564 = arith.constant 0 : i32
      %dma_start3A_565 = tpu.memref_slice %arg17[%sub3A_563, %dma_start3A_564] : memref<512x64xf32, #tpu.memory_space<vmem>> -> memref<8x64xf32, #tpu.memory_space<vmem>>
      %dma_start3A_566 = arith.constant 0 : i32
      %dma_start3A_567 = tpu.memref_slice %arg8[%multiple_of3A_559, %dma_start3A_566] : memref<100000x64xf32, #tpu.memory_space<hbm>> -> memref<8x64xf32, #tpu.memory_space<hbm>>
      %dma_start3A_568 = arith.constant 0 : i32
      %dma_start3A_569 = tpu.memref_slice %arg17[%sub3A_563, %dma_start3A_568] : memref<512x64xf32, #tpu.memory_space<vmem>> -> memref<8x64xf32, #tpu.memory_space<vmem>>
      %dma_start3A_570 = arith.constant 0 : i32
      %dma_start3A_571 = tpu.memref_slice %arg8[%multiple_of3A_559, %dma_start3A_570] : memref<100000x64xf32, #tpu.memory_space<hbm>> -> memref<8x64xf32, #tpu.memory_space<hbm>>
      tpu.enqueue_dma source(%dma_start3A_571 : memref<8x64xf32, #tpu.memory_space<hbm>>) target(%dma_start3A_569 : memref<8x64xf32, #tpu.memory_space<vmem>>) target_semaphore(%arg23 : memref<!tpu.dma_semaphore, #tpu.memory_space<semaphore_mem>>)
      %slice3A_572 = vector.extract_strided_slice %get3A_384 {offsets = [11], sizes = [1], strides = [1]} : vector<16xi32> to vector<1xi32>
      %squeeze3A_573 = vector.extract %slice3A_572[0] : i32 from vector<1xi32>
      %and3A_574 = arith.constant -8 : i32
      %and3A_575 = arith.andi %squeeze3A_573, %and3A_574 : i32
      %multiple_of3A_576 = tpu.assume_multiple %and3A_575, 8 : i32
      %and3A_577 = arith.constant 7 : i32
      %and3A_578 = arith.andi %squeeze3A_573, %and3A_577 : i32
      %sub3A_579 = arith.constant 439 : i32
      %sub3A_580 = arith.subi %sub3A_579, %and3A_578 : i32
      %dma_start3A_581 = arith.constant 0 : i32
      %dma_start3A_582 = tpu.memref_slice %arg17[%sub3A_580, %dma_start3A_581] : memref<512x64xf32, #tpu.memory_space<vmem>> -> memref<8x64xf32, #tpu.memory_space<vmem>>
      %dma_start3A_583 = arith.constant 0 : i32
      %dma_start3A_584 = tpu.memref_slice %arg8[%multiple_of3A_576, %dma_start3A_583] : memref<100000x64xf32, #tpu.memory_space<hbm>> -> memref<8x64xf32, #tpu.memory_space<hbm>>
      %dma_start3A_585 = arith.constant 0 : i32
      %dma_start3A_586 = tpu.memref_slice %arg17[%sub3A_580, %dma_start3A_585] : memref<512x64xf32, #tpu.memory_space<vmem>> -> memref<8x64xf32, #tpu.memory_space<vmem>>
      %dma_start3A_587 = arith.constant 0 : i32
      %dma_start3A_588 = tpu.memref_slice %arg8[%multiple_of3A_576, %dma_start3A_587] : memref<100000x64xf32, #tpu.memory_space<hbm>> -> memref<8x64xf32, #tpu.memory_space<hbm>>
      tpu.enqueue_dma source(%dma_start3A_588 : memref<8x64xf32, #tpu.memory_space<hbm>>) target(%dma_start3A_586 : memref<8x64xf32, #tpu.memory_space<vmem>>) target_semaphore(%arg23 : memref<!tpu.dma_semaphore, #tpu.memory_space<semaphore_mem>>)
      %slice3A_589 = vector.extract_strided_slice %get3A_384 {offsets = [12], sizes = [1], strides = [1]} : vector<16xi32> to vector<1xi32>
      %squeeze3A_590 = vector.extract %slice3A_589[0] : i32 from vector<1xi32>
      %and3A_591 = arith.constant -8 : i32
      %and3A_592 = arith.andi %squeeze3A_590, %and3A_591 : i32
      %multiple_of3A_593 = tpu.assume_multiple %and3A_592, 8 : i32
      %and3A_594 = arith.constant 7 : i32
      %and3A_595 = arith.andi %squeeze3A_590, %and3A_594 : i32
      %sub3A_596 = arith.constant 455 : i32
      %sub3A_597 = arith.subi %sub3A_596, %and3A_595 : i32
      %dma_start3A_598 = arith.constant 0 : i32
      %dma_start3A_599 = tpu.memref_slice %arg17[%sub3A_597, %dma_start3A_598] : memref<512x64xf32, #tpu.memory_space<vmem>> -> memref<8x64xf32, #tpu.memory_space<vmem>>
      %dma_start3A_600 = arith.constant 0 : i32
      %dma_start3A_601 = tpu.memref_slice %arg8[%multiple_of3A_593, %dma_start3A_600] : memref<100000x64xf32, #tpu.memory_space<hbm>> -> memref<8x64xf32, #tpu.memory_space<hbm>>
      %dma_start3A_602 = arith.constant 0 : i32
      %dma_start3A_603 = tpu.memref_slice %arg17[%sub3A_597, %dma_start3A_602] : memref<512x64xf32, #tpu.memory_space<vmem>> -> memref<8x64xf32, #tpu.memory_space<vmem>>
      %dma_start3A_604 = arith.constant 0 : i32
      %dma_start3A_605 = tpu.memref_slice %arg8[%multiple_of3A_593, %dma_start3A_604] : memref<100000x64xf32, #tpu.memory_space<hbm>> -> memref<8x64xf32, #tpu.memory_space<hbm>>
      tpu.enqueue_dma source(%dma_start3A_605 : memref<8x64xf32, #tpu.memory_space<hbm>>) target(%dma_start3A_603 : memref<8x64xf32, #tpu.memory_space<vmem>>) target_semaphore(%arg23 : memref<!tpu.dma_semaphore, #tpu.memory_space<semaphore_mem>>)
      %slice3A_606 = vector.extract_strided_slice %get3A_384 {offsets = [13], sizes = [1], strides = [1]} : vector<16xi32> to vector<1xi32>
      %squeeze3A_607 = vector.extract %slice3A_606[0] : i32 from vector<1xi32>
      %and3A_608 = arith.constant -8 : i32
      %and3A_609 = arith.andi %squeeze3A_607, %and3A_608 : i32
      %multiple_of3A_610 = tpu.assume_multiple %and3A_609, 8 : i32
      %and3A_611 = arith.constant 7 : i32
      %and3A_612 = arith.andi %squeeze3A_607, %and3A_611 : i32
      %sub3A_613 = arith.constant 471 : i32
      %sub3A_614 = arith.subi %sub3A_613, %and3A_612 : i32
      %dma_start3A_615 = arith.constant 0 : i32
      %dma_start3A_616 = tpu.memref_slice %arg17[%sub3A_614, %dma_start3A_615] : memref<512x64xf32, #tpu.memory_space<vmem>> -> memref<8x64xf32, #tpu.memory_space<vmem>>
      %dma_start3A_617 = arith.constant 0 : i32
      %dma_start3A_618 = tpu.memref_slice %arg8[%multiple_of3A_610, %dma_start3A_617] : memref<100000x64xf32, #tpu.memory_space<hbm>> -> memref<8x64xf32, #tpu.memory_space<hbm>>
      %dma_start3A_619 = arith.constant 0 : i32
      %dma_start3A_620 = tpu.memref_slice %arg17[%sub3A_614, %dma_start3A_619] : memref<512x64xf32, #tpu.memory_space<vmem>> -> memref<8x64xf32, #tpu.memory_space<vmem>>
      %dma_start3A_621 = arith.constant 0 : i32
      %dma_start3A_622 = tpu.memref_slice %arg8[%multiple_of3A_610, %dma_start3A_621] : memref<100000x64xf32, #tpu.memory_space<hbm>> -> memref<8x64xf32, #tpu.memory_space<hbm>>
      tpu.enqueue_dma source(%dma_start3A_622 : memref<8x64xf32, #tpu.memory_space<hbm>>) target(%dma_start3A_620 : memref<8x64xf32, #tpu.memory_space<vmem>>) target_semaphore(%arg23 : memref<!tpu.dma_semaphore, #tpu.memory_space<semaphore_mem>>)
      %slice3A_623 = vector.extract_strided_slice %get3A_384 {offsets = [14], sizes = [1], strides = [1]} : vector<16xi32> to vector<1xi32>
      %squeeze3A_624 = vector.extract %slice3A_623[0] : i32 from vector<1xi32>
      %and3A_625 = arith.constant -8 : i32
      %and3A_626 = arith.andi %squeeze3A_624, %and3A_625 : i32
      %multiple_of3A_627 = tpu.assume_multiple %and3A_626, 8 : i32
      %and3A_628 = arith.constant 7 : i32
      %and3A_629 = arith.andi %squeeze3A_624, %and3A_628 : i32
      %sub3A_630 = arith.constant 487 : i32
      %sub3A_631 = arith.subi %sub3A_630, %and3A_629 : i32
      %dma_start3A_632 = arith.constant 0 : i32
      %dma_start3A_633 = tpu.memref_slice %arg17[%sub3A_631, %dma_start3A_632] : memref<512x64xf32, #tpu.memory_space<vmem>> -> memref<8x64xf32, #tpu.memory_space<vmem>>
      %dma_start3A_634 = arith.constant 0 : i32
      %dma_start3A_635 = tpu.memref_slice %arg8[%multiple_of3A_627, %dma_start3A_634] : memref<100000x64xf32, #tpu.memory_space<hbm>> -> memref<8x64xf32, #tpu.memory_space<hbm>>
      %dma_start3A_636 = arith.constant 0 : i32
      %dma_start3A_637 = tpu.memref_slice %arg17[%sub3A_631, %dma_start3A_636] : memref<512x64xf32, #tpu.memory_space<vmem>> -> memref<8x64xf32, #tpu.memory_space<vmem>>
      %dma_start3A_638 = arith.constant 0 : i32
      %dma_start3A_639 = tpu.memref_slice %arg8[%multiple_of3A_627, %dma_start3A_638] : memref<100000x64xf32, #tpu.memory_space<hbm>> -> memref<8x64xf32, #tpu.memory_space<hbm>>
      tpu.enqueue_dma source(%dma_start3A_639 : memref<8x64xf32, #tpu.memory_space<hbm>>) target(%dma_start3A_637 : memref<8x64xf32, #tpu.memory_space<vmem>>) target_semaphore(%arg23 : memref<!tpu.dma_semaphore, #tpu.memory_space<semaphore_mem>>)
      %slice3A_640 = vector.extract_strided_slice %get3A_384 {offsets = [15], sizes = [1], strides = [1]} : vector<16xi32> to vector<1xi32>
      %squeeze3A_641 = vector.extract %slice3A_640[0] : i32 from vector<1xi32>
      %and3A_642 = arith.constant -8 : i32
      %and3A_643 = arith.andi %squeeze3A_641, %and3A_642 : i32
      %multiple_of3A_644 = tpu.assume_multiple %and3A_643, 8 : i32
      %and3A_645 = arith.constant 7 : i32
      %and3A_646 = arith.andi %squeeze3A_641, %and3A_645 : i32
      %sub3A_647 = arith.constant 503 : i32
      %sub3A_648 = arith.subi %sub3A_647, %and3A_646 : i32
      %dma_start3A_649 = arith.constant 0 : i32
      %dma_start3A_650 = tpu.memref_slice %arg17[%sub3A_648, %dma_start3A_649] : memref<512x64xf32, #tpu.memory_space<vmem>> -> memref<8x64xf32, #tpu.memory_space<vmem>>
      %dma_start3A_651 = arith.constant 0 : i32
      %dma_start3A_652 = tpu.memref_slice %arg8[%multiple_of3A_644, %dma_start3A_651] : memref<100000x64xf32, #tpu.memory_space<hbm>> -> memref<8x64xf32, #tpu.memory_space<hbm>>
      %dma_start3A_653 = arith.constant 0 : i32
      %dma_start3A_654 = tpu.memref_slice %arg17[%sub3A_648, %dma_start3A_653] : memref<512x64xf32, #tpu.memory_space<vmem>> -> memref<8x64xf32, #tpu.memory_space<vmem>>
      %dma_start3A_655 = arith.constant 0 : i32
      %dma_start3A_656 = tpu.memref_slice %arg8[%multiple_of3A_644, %dma_start3A_655] : memref<100000x64xf32, #tpu.memory_space<hbm>> -> memref<8x64xf32, #tpu.memory_space<hbm>>
      tpu.enqueue_dma source(%dma_start3A_656 : memref<8x64xf32, #tpu.memory_space<hbm>>) target(%dma_start3A_654 : memref<8x64xf32, #tpu.memory_space<vmem>>) target_semaphore(%arg23 : memref<!tpu.dma_semaphore, #tpu.memory_space<semaphore_mem>>)
      %dma_wait3A = arith.constant 0 : i32
      %dma_wait3A_657 = arith.constant 0 : i32
      %dma_wait3A_658 = tpu.memref_slice %arg16[%dma_wait3A, %dma_wait3A_657] : memref<128x128xf32, #tpu.memory_space<vmem>> -> memref<64x128xf32, #tpu.memory_space<vmem>>
      %dma_wait3A_659 = arith.constant 0 : i32
      %dma_wait3A_660 = arith.constant 0 : i32
      %dma_wait3A_661 = tpu.memref_slice %arg7[%dma_wait3A_659, %dma_wait3A_660] : memref<1000000x128xf32, #tpu.memory_space<hbm>> -> memref<64x128xf32, #tpu.memory_space<hbm>>
      %dma_wait3A_662 = arith.constant 0 : i32
      %dma_wait3A_663 = arith.constant 0 : i32
      %dma_wait3A_664 = tpu.memref_slice %arg16[%dma_wait3A_662, %dma_wait3A_663] : memref<128x128xf32, #tpu.memory_space<vmem>> -> memref<64x128xf32, #tpu.memory_space<vmem>>
      %dma_wait3A_665 = arith.constant 0 : i32
      %dma_wait3A_666 = arith.constant 0 : i32
      %dma_wait3A_667 = tpu.memref_slice %arg7[%dma_wait3A_665, %dma_wait3A_666] : memref<1000000x128xf32, #tpu.memory_space<hbm>> -> memref<64x128xf32, #tpu.memory_space<hbm>>
      tpu.wait_dma2 semaphore(%arg20 : memref<!tpu.dma_semaphore, #tpu.memory_space<semaphore_mem>>) src(%dma_wait3A_667 : memref<64x128xf32, #tpu.memory_space<hbm>>) dst(%dma_wait3A_664 : memref<64x128xf32, #tpu.memory_space<vmem>>)
      %dma_wait3A_668 = arith.constant 0 : i32
      %dma_wait3A_669 = arith.constant 0 : i32
      %dma_wait3A_670 = tpu.memref_slice %arg17[%dma_wait3A_668, %dma_wait3A_669] : memref<512x64xf32, #tpu.memory_space<vmem>> -> memref<8x64xf32, #tpu.memory_space<vmem>>
      %dma_wait3A_671 = arith.constant 0 : i32
      %dma_wait3A_672 = arith.constant 0 : i32
      %dma_wait3A_673 = tpu.memref_slice %arg8[%dma_wait3A_671, %dma_wait3A_672] : memref<100000x64xf32, #tpu.memory_space<hbm>> -> memref<8x64xf32, #tpu.memory_space<hbm>>
      %dma_wait3A_674 = arith.constant 0 : i32
      %dma_wait3A_675 = arith.constant 0 : i32
      %dma_wait3A_676 = tpu.memref_slice %arg17[%dma_wait3A_674, %dma_wait3A_675] : memref<512x64xf32, #tpu.memory_space<vmem>> -> memref<8x64xf32, #tpu.memory_space<vmem>>
      %dma_wait3A_677 = arith.constant 0 : i32
      %dma_wait3A_678 = arith.constant 0 : i32
      %dma_wait3A_679 = tpu.memref_slice %arg8[%dma_wait3A_677, %dma_wait3A_678] : memref<100000x64xf32, #tpu.memory_space<hbm>> -> memref<8x64xf32, #tpu.memory_space<hbm>>
      tpu.wait_dma2 semaphore(%arg22 : memref<!tpu.dma_semaphore, #tpu.memory_space<semaphore_mem>>) src(%dma_wait3A_679 : memref<8x64xf32, #tpu.memory_space<hbm>>) dst(%dma_wait3A_676 : memref<8x64xf32, #tpu.memory_space<vmem>>)
      %dma_wait3A_680 = arith.constant 16 : i32
      %dma_wait3A_681 = arith.constant 0 : i32
      %dma_wait3A_682 = tpu.memref_slice %arg17[%dma_wait3A_680, %dma_wait3A_681] : memref<512x64xf32, #tpu.memory_space<vmem>> -> memref<8x64xf32, #tpu.memory_space<vmem>>
      %dma_wait3A_683 = arith.constant 0 : i32
      %dma_wait3A_684 = arith.constant 0 : i32
      %dma_wait3A_685 = tpu.memref_slice %arg8[%dma_wait3A_683, %dma_wait3A_684] : memref<100000x64xf32, #tpu.memory_space<hbm>> -> memref<8x64xf32, #tpu.memory_space<hbm>>
      %dma_wait3A_686 = arith.constant 16 : i32
      %dma_wait3A_687 = arith.constant 0 : i32
      %dma_wait3A_688 = tpu.memref_slice %arg17[%dma_wait3A_686, %dma_wait3A_687] : memref<512x64xf32, #tpu.memory_space<vmem>> -> memref<8x64xf32, #tpu.memory_space<vmem>>
      %dma_wait3A_689 = arith.constant 0 : i32
      %dma_wait3A_690 = arith.constant 0 : i32
      %dma_wait3A_691 = tpu.memref_slice %arg8[%dma_wait3A_689, %dma_wait3A_690] : memref<100000x64xf32, #tpu.memory_space<hbm>> -> memref<8x64xf32, #tpu.memory_space<hbm>>
      tpu.wait_dma2 semaphore(%arg22 : memref<!tpu.dma_semaphore, #tpu.memory_space<semaphore_mem>>) src(%dma_wait3A_691 : memref<8x64xf32, #tpu.memory_space<hbm>>) dst(%dma_wait3A_688 : memref<8x64xf32, #tpu.memory_space<vmem>>)
      %dma_wait3A_692 = arith.constant 32 : i32
      %dma_wait3A_693 = arith.constant 0 : i32
      %dma_wait3A_694 = tpu.memref_slice %arg17[%dma_wait3A_692, %dma_wait3A_693] : memref<512x64xf32, #tpu.memory_space<vmem>> -> memref<8x64xf32, #tpu.memory_space<vmem>>
      %dma_wait3A_695 = arith.constant 0 : i32
      %dma_wait3A_696 = arith.constant 0 : i32
      %dma_wait3A_697 = tpu.memref_slice %arg8[%dma_wait3A_695, %dma_wait3A_696] : memref<100000x64xf32, #tpu.memory_space<hbm>> -> memref<8x64xf32, #tpu.memory_space<hbm>>
      %dma_wait3A_698 = arith.constant 32 : i32
      %dma_wait3A_699 = arith.constant 0 : i32
      %dma_wait3A_700 = tpu.memref_slice %arg17[%dma_wait3A_698, %dma_wait3A_699] : memref<512x64xf32, #tpu.memory_space<vmem>> -> memref<8x64xf32, #tpu.memory_space<vmem>>
      %dma_wait3A_701 = arith.constant 0 : i32
      %dma_wait3A_702 = arith.constant 0 : i32
      %dma_wait3A_703 = tpu.memref_slice %arg8[%dma_wait3A_701, %dma_wait3A_702] : memref<100000x64xf32, #tpu.memory_space<hbm>> -> memref<8x64xf32, #tpu.memory_space<hbm>>
      tpu.wait_dma2 semaphore(%arg22 : memref<!tpu.dma_semaphore, #tpu.memory_space<semaphore_mem>>) src(%dma_wait3A_703 : memref<8x64xf32, #tpu.memory_space<hbm>>) dst(%dma_wait3A_700 : memref<8x64xf32, #tpu.memory_space<vmem>>)
      %dma_wait3A_704 = arith.constant 48 : i32
      %dma_wait3A_705 = arith.constant 0 : i32
      %dma_wait3A_706 = tpu.memref_slice %arg17[%dma_wait3A_704, %dma_wait3A_705] : memref<512x64xf32, #tpu.memory_space<vmem>> -> memref<8x64xf32, #tpu.memory_space<vmem>>
      %dma_wait3A_707 = arith.constant 0 : i32
      %dma_wait3A_708 = arith.constant 0 : i32
      %dma_wait3A_709 = tpu.memref_slice %arg8[%dma_wait3A_707, %dma_wait3A_708] : memref<100000x64xf32, #tpu.memory_space<hbm>> -> memref<8x64xf32, #tpu.memory_space<hbm>>
      %dma_wait3A_710 = arith.constant 48 : i32
      %dma_wait3A_711 = arith.constant 0 : i32
      %dma_wait3A_712 = tpu.memref_slice %arg17[%dma_wait3A_710, %dma_wait3A_711] : memref<512x64xf32, #tpu.memory_space<vmem>> -> memref<8x64xf32, #tpu.memory_space<vmem>>
      %dma_wait3A_713 = arith.constant 0 : i32
      %dma_wait3A_714 = arith.constant 0 : i32
      %dma_wait3A_715 = tpu.memref_slice %arg8[%dma_wait3A_713, %dma_wait3A_714] : memref<100000x64xf32, #tpu.memory_space<hbm>> -> memref<8x64xf32, #tpu.memory_space<hbm>>
      tpu.wait_dma2 semaphore(%arg22 : memref<!tpu.dma_semaphore, #tpu.memory_space<semaphore_mem>>) src(%dma_wait3A_715 : memref<8x64xf32, #tpu.memory_space<hbm>>) dst(%dma_wait3A_712 : memref<8x64xf32, #tpu.memory_space<vmem>>)
      %dma_wait3A_716 = arith.constant 64 : i32
      %dma_wait3A_717 = arith.constant 0 : i32
      %dma_wait3A_718 = tpu.memref_slice %arg17[%dma_wait3A_716, %dma_wait3A_717] : memref<512x64xf32, #tpu.memory_space<vmem>> -> memref<8x64xf32, #tpu.memory_space<vmem>>
      %dma_wait3A_719 = arith.constant 0 : i32
      %dma_wait3A_720 = arith.constant 0 : i32
      %dma_wait3A_721 = tpu.memref_slice %arg8[%dma_wait3A_719, %dma_wait3A_720] : memref<100000x64xf32, #tpu.memory_space<hbm>> -> memref<8x64xf32, #tpu.memory_space<hbm>>
      %dma_wait3A_722 = arith.constant 64 : i32
      %dma_wait3A_723 = arith.constant 0 : i32
      %dma_wait3A_724 = tpu.memref_slice %arg17[%dma_wait3A_722, %dma_wait3A_723] : memref<512x64xf32, #tpu.memory_space<vmem>> -> memref<8x64xf32, #tpu.memory_space<vmem>>
      %dma_wait3A_725 = arith.constant 0 : i32
      %dma_wait3A_726 = arith.constant 0 : i32
      %dma_wait3A_727 = tpu.memref_slice %arg8[%dma_wait3A_725, %dma_wait3A_726] : memref<100000x64xf32, #tpu.memory_space<hbm>> -> memref<8x64xf32, #tpu.memory_space<hbm>>
      tpu.wait_dma2 semaphore(%arg22 : memref<!tpu.dma_semaphore, #tpu.memory_space<semaphore_mem>>) src(%dma_wait3A_727 : memref<8x64xf32, #tpu.memory_space<hbm>>) dst(%dma_wait3A_724 : memref<8x64xf32, #tpu.memory_space<vmem>>)
      %dma_wait3A_728 = arith.constant 80 : i32
      %dma_wait3A_729 = arith.constant 0 : i32
      %dma_wait3A_730 = tpu.memref_slice %arg17[%dma_wait3A_728, %dma_wait3A_729] : memref<512x64xf32, #tpu.memory_space<vmem>> -> memref<8x64xf32, #tpu.memory_space<vmem>>
      %dma_wait3A_731 = arith.constant 0 : i32
      %dma_wait3A_732 = arith.constant 0 : i32
      %dma_wait3A_733 = tpu.memref_slice %arg8[%dma_wait3A_731, %dma_wait3A_732] : memref<100000x64xf32, #tpu.memory_space<hbm>> -> memref<8x64xf32, #tpu.memory_space<hbm>>
      %dma_wait3A_734 = arith.constant 80 : i32
      %dma_wait3A_735 = arith.constant 0 : i32
      %dma_wait3A_736 = tpu.memref_slice %arg17[%dma_wait3A_734, %dma_wait3A_735] : memref<512x64xf32, #tpu.memory_space<vmem>> -> memref<8x64xf32, #tpu.memory_space<vmem>>
      %dma_wait3A_737 = arith.constant 0 : i32
      %dma_wait3A_738 = arith.constant 0 : i32
      %dma_wait3A_739 = tpu.memref_slice %arg8[%dma_wait3A_737, %dma_wait3A_738] : memref<100000x64xf32, #tpu.memory_space<hbm>> -> memref<8x64xf32, #tpu.memory_space<hbm>>
      tpu.wait_dma2 semaphore(%arg22 : memref<!tpu.dma_semaphore, #tpu.memory_space<semaphore_mem>>) src(%dma_wait3A_739 : memref<8x64xf32, #tpu.memory_space<hbm>>) dst(%dma_wait3A_736 : memref<8x64xf32, #tpu.memory_space<vmem>>)
      %dma_wait3A_740 = arith.constant 96 : i32
      %dma_wait3A_741 = arith.constant 0 : i32
      %dma_wait3A_742 = tpu.memref_slice %arg17[%dma_wait3A_740, %dma_wait3A_741] : memref<512x64xf32, #tpu.memory_space<vmem>> -> memref<8x64xf32, #tpu.memory_space<vmem>>
      %dma_wait3A_743 = arith.constant 0 : i32
      %dma_wait3A_744 = arith.constant 0 : i32
      %dma_wait3A_745 = tpu.memref_slice %arg8[%dma_wait3A_743, %dma_wait3A_744] : memref<100000x64xf32, #tpu.memory_space<hbm>> -> memref<8x64xf32, #tpu.memory_space<hbm>>
      %dma_wait3A_746 = arith.constant 96 : i32
      %dma_wait3A_747 = arith.constant 0 : i32
      %dma_wait3A_748 = tpu.memref_slice %arg17[%dma_wait3A_746, %dma_wait3A_747] : memref<512x64xf32, #tpu.memory_space<vmem>> -> memref<8x64xf32, #tpu.memory_space<vmem>>
      %dma_wait3A_749 = arith.constant 0 : i32
      %dma_wait3A_750 = arith.constant 0 : i32
      %dma_wait3A_751 = tpu.memref_slice %arg8[%dma_wait3A_749, %dma_wait3A_750] : memref<100000x64xf32, #tpu.memory_space<hbm>> -> memref<8x64xf32, #tpu.memory_space<hbm>>
      tpu.wait_dma2 semaphore(%arg22 : memref<!tpu.dma_semaphore, #tpu.memory_space<semaphore_mem>>) src(%dma_wait3A_751 : memref<8x64xf32, #tpu.memory_space<hbm>>) dst(%dma_wait3A_748 : memref<8x64xf32, #tpu.memory_space<vmem>>)
      %dma_wait3A_752 = arith.constant 112 : i32
      %dma_wait3A_753 = arith.constant 0 : i32
      %dma_wait3A_754 = tpu.memref_slice %arg17[%dma_wait3A_752, %dma_wait3A_753] : memref<512x64xf32, #tpu.memory_space<vmem>> -> memref<8x64xf32, #tpu.memory_space<vmem>>
      %dma_wait3A_755 = arith.constant 0 : i32
      %dma_wait3A_756 = arith.constant 0 : i32
      %dma_wait3A_757 = tpu.memref_slice %arg8[%dma_wait3A_755, %dma_wait3A_756] : memref<100000x64xf32, #tpu.memory_space<hbm>> -> memref<8x64xf32, #tpu.memory_space<hbm>>
      %dma_wait3A_758 = arith.constant 112 : i32
      %dma_wait3A_759 = arith.constant 0 : i32
      %dma_wait3A_760 = tpu.memref_slice %arg17[%dma_wait3A_758, %dma_wait3A_759] : memref<512x64xf32, #tpu.memory_space<vmem>> -> memref<8x64xf32, #tpu.memory_space<vmem>>
      %dma_wait3A_761 = arith.constant 0 : i32
      %dma_wait3A_762 = arith.constant 0 : i32
      %dma_wait3A_763 = tpu.memref_slice %arg8[%dma_wait3A_761, %dma_wait3A_762] : memref<100000x64xf32, #tpu.memory_space<hbm>> -> memref<8x64xf32, #tpu.memory_space<hbm>>
      tpu.wait_dma2 semaphore(%arg22 : memref<!tpu.dma_semaphore, #tpu.memory_space<semaphore_mem>>) src(%dma_wait3A_763 : memref<8x64xf32, #tpu.memory_space<hbm>>) dst(%dma_wait3A_760 : memref<8x64xf32, #tpu.memory_space<vmem>>)
      %dma_wait3A_764 = arith.constant 128 : i32
      %dma_wait3A_765 = arith.constant 0 : i32
      %dma_wait3A_766 = tpu.memref_slice %arg17[%dma_wait3A_764, %dma_wait3A_765] : memref<512x64xf32, #tpu.memory_space<vmem>> -> memref<8x64xf32, #tpu.memory_space<vmem>>
      %dma_wait3A_767 = arith.constant 0 : i32
      %dma_wait3A_768 = arith.constant 0 : i32
      %dma_wait3A_769 = tpu.memref_slice %arg8[%dma_wait3A_767, %dma_wait3A_768] : memref<100000x64xf32, #tpu.memory_space<hbm>> -> memref<8x64xf32, #tpu.memory_space<hbm>>
      %dma_wait3A_770 = arith.constant 128 : i32
      %dma_wait3A_771 = arith.constant 0 : i32
      %dma_wait3A_772 = tpu.memref_slice %arg17[%dma_wait3A_770, %dma_wait3A_771] : memref<512x64xf32, #tpu.memory_space<vmem>> -> memref<8x64xf32, #tpu.memory_space<vmem>>
      %dma_wait3A_773 = arith.constant 0 : i32
      %dma_wait3A_774 = arith.constant 0 : i32
      %dma_wait3A_775 = tpu.memref_slice %arg8[%dma_wait3A_773, %dma_wait3A_774] : memref<100000x64xf32, #tpu.memory_space<hbm>> -> memref<8x64xf32, #tpu.memory_space<hbm>>
      tpu.wait_dma2 semaphore(%arg22 : memref<!tpu.dma_semaphore, #tpu.memory_space<semaphore_mem>>) src(%dma_wait3A_775 : memref<8x64xf32, #tpu.memory_space<hbm>>) dst(%dma_wait3A_772 : memref<8x64xf32, #tpu.memory_space<vmem>>)
      %dma_wait3A_776 = arith.constant 144 : i32
      %dma_wait3A_777 = arith.constant 0 : i32
      %dma_wait3A_778 = tpu.memref_slice %arg17[%dma_wait3A_776, %dma_wait3A_777] : memref<512x64xf32, #tpu.memory_space<vmem>> -> memref<8x64xf32, #tpu.memory_space<vmem>>
      %dma_wait3A_779 = arith.constant 0 : i32
      %dma_wait3A_780 = arith.constant 0 : i32
      %dma_wait3A_781 = tpu.memref_slice %arg8[%dma_wait3A_779, %dma_wait3A_780] : memref<100000x64xf32, #tpu.memory_space<hbm>> -> memref<8x64xf32, #tpu.memory_space<hbm>>
      %dma_wait3A_782 = arith.constant 144 : i32
      %dma_wait3A_783 = arith.constant 0 : i32
      %dma_wait3A_784 = tpu.memref_slice %arg17[%dma_wait3A_782, %dma_wait3A_783] : memref<512x64xf32, #tpu.memory_space<vmem>> -> memref<8x64xf32, #tpu.memory_space<vmem>>
      %dma_wait3A_785 = arith.constant 0 : i32
      %dma_wait3A_786 = arith.constant 0 : i32
      %dma_wait3A_787 = tpu.memref_slice %arg8[%dma_wait3A_785, %dma_wait3A_786] : memref<100000x64xf32, #tpu.memory_space<hbm>> -> memref<8x64xf32, #tpu.memory_space<hbm>>
      tpu.wait_dma2 semaphore(%arg22 : memref<!tpu.dma_semaphore, #tpu.memory_space<semaphore_mem>>) src(%dma_wait3A_787 : memref<8x64xf32, #tpu.memory_space<hbm>>) dst(%dma_wait3A_784 : memref<8x64xf32, #tpu.memory_space<vmem>>)
      %dma_wait3A_788 = arith.constant 160 : i32
      %dma_wait3A_789 = arith.constant 0 : i32
      %dma_wait3A_790 = tpu.memref_slice %arg17[%dma_wait3A_788, %dma_wait3A_789] : memref<512x64xf32, #tpu.memory_space<vmem>> -> memref<8x64xf32, #tpu.memory_space<vmem>>
      %dma_wait3A_791 = arith.constant 0 : i32
      %dma_wait3A_792 = arith.constant 0 : i32
      %dma_wait3A_793 = tpu.memref_slice %arg8[%dma_wait3A_791, %dma_wait3A_792] : memref<100000x64xf32, #tpu.memory_space<hbm>> -> memref<8x64xf32, #tpu.memory_space<hbm>>
      %dma_wait3A_794 = arith.constant 160 : i32
      %dma_wait3A_795 = arith.constant 0 : i32
      %dma_wait3A_796 = tpu.memref_slice %arg17[%dma_wait3A_794, %dma_wait3A_795] : memref<512x64xf32, #tpu.memory_space<vmem>> -> memref<8x64xf32, #tpu.memory_space<vmem>>
      %dma_wait3A_797 = arith.constant 0 : i32
      %dma_wait3A_798 = arith.constant 0 : i32
      %dma_wait3A_799 = tpu.memref_slice %arg8[%dma_wait3A_797, %dma_wait3A_798] : memref<100000x64xf32, #tpu.memory_space<hbm>> -> memref<8x64xf32, #tpu.memory_space<hbm>>
      tpu.wait_dma2 semaphore(%arg22 : memref<!tpu.dma_semaphore, #tpu.memory_space<semaphore_mem>>) src(%dma_wait3A_799 : memref<8x64xf32, #tpu.memory_space<hbm>>) dst(%dma_wait3A_796 : memref<8x64xf32, #tpu.memory_space<vmem>>)
      %dma_wait3A_800 = arith.constant 176 : i32
      %dma_wait3A_801 = arith.constant 0 : i32
      %dma_wait3A_802 = tpu.memref_slice %arg17[%dma_wait3A_800, %dma_wait3A_801] : memref<512x64xf32, #tpu.memory_space<vmem>> -> memref<8x64xf32, #tpu.memory_space<vmem>>
      %dma_wait3A_803 = arith.constant 0 : i32
      %dma_wait3A_804 = arith.constant 0 : i32
      %dma_wait3A_805 = tpu.memref_slice %arg8[%dma_wait3A_803, %dma_wait3A_804] : memref<100000x64xf32, #tpu.memory_space<hbm>> -> memref<8x64xf32, #tpu.memory_space<hbm>>
      %dma_wait3A_806 = arith.constant 176 : i32
      %dma_wait3A_807 = arith.constant 0 : i32
      %dma_wait3A_808 = tpu.memref_slice %arg17[%dma_wait3A_806, %dma_wait3A_807] : memref<512x64xf32, #tpu.memory_space<vmem>> -> memref<8x64xf32, #tpu.memory_space<vmem>>
      %dma_wait3A_809 = arith.constant 0 : i32
      %dma_wait3A_810 = arith.constant 0 : i32
      %dma_wait3A_811 = tpu.memref_slice %arg8[%dma_wait3A_809, %dma_wait3A_810] : memref<100000x64xf32, #tpu.memory_space<hbm>> -> memref<8x64xf32, #tpu.memory_space<hbm>>
      tpu.wait_dma2 semaphore(%arg22 : memref<!tpu.dma_semaphore, #tpu.memory_space<semaphore_mem>>) src(%dma_wait3A_811 : memref<8x64xf32, #tpu.memory_space<hbm>>) dst(%dma_wait3A_808 : memref<8x64xf32, #tpu.memory_space<vmem>>)
      %dma_wait3A_812 = arith.constant 192 : i32
      %dma_wait3A_813 = arith.constant 0 : i32
      %dma_wait3A_814 = tpu.memref_slice %arg17[%dma_wait3A_812, %dma_wait3A_813] : memref<512x64xf32, #tpu.memory_space<vmem>> -> memref<8x64xf32, #tpu.memory_space<vmem>>
      %dma_wait3A_815 = arith.constant 0 : i32
      %dma_wait3A_816 = arith.constant 0 : i32
      %dma_wait3A_817 = tpu.memref_slice %arg8[%dma_wait3A_815, %dma_wait3A_816] : memref<100000x64xf32, #tpu.memory_space<hbm>> -> memref<8x64xf32, #tpu.memory_space<hbm>>
      %dma_wait3A_818 = arith.constant 192 : i32
      %dma_wait3A_819 = arith.constant 0 : i32
      %dma_wait3A_820 = tpu.memref_slice %arg17[%dma_wait3A_818, %dma_wait3A_819] : memref<512x64xf32, #tpu.memory_space<vmem>> -> memref<8x64xf32, #tpu.memory_space<vmem>>
      %dma_wait3A_821 = arith.constant 0 : i32
      %dma_wait3A_822 = arith.constant 0 : i32
      %dma_wait3A_823 = tpu.memref_slice %arg8[%dma_wait3A_821, %dma_wait3A_822] : memref<100000x64xf32, #tpu.memory_space<hbm>> -> memref<8x64xf32, #tpu.memory_space<hbm>>
      tpu.wait_dma2 semaphore(%arg22 : memref<!tpu.dma_semaphore, #tpu.memory_space<semaphore_mem>>) src(%dma_wait3A_823 : memref<8x64xf32, #tpu.memory_space<hbm>>) dst(%dma_wait3A_820 : memref<8x64xf32, #tpu.memory_space<vmem>>)
      %dma_wait3A_824 = arith.constant 208 : i32
      %dma_wait3A_825 = arith.constant 0 : i32
      %dma_wait3A_826 = tpu.memref_slice %arg17[%dma_wait3A_824, %dma_wait3A_825] : memref<512x64xf32, #tpu.memory_space<vmem>> -> memref<8x64xf32, #tpu.memory_space<vmem>>
      %dma_wait3A_827 = arith.constant 0 : i32
      %dma_wait3A_828 = arith.constant 0 : i32
      %dma_wait3A_829 = tpu.memref_slice %arg8[%dma_wait3A_827, %dma_wait3A_828] : memref<100000x64xf32, #tpu.memory_space<hbm>> -> memref<8x64xf32, #tpu.memory_space<hbm>>
      %dma_wait3A_830 = arith.constant 208 : i32
      %dma_wait3A_831 = arith.constant 0 : i32
      %dma_wait3A_832 = tpu.memref_slice %arg17[%dma_wait3A_830, %dma_wait3A_831] : memref<512x64xf32, #tpu.memory_space<vmem>> -> memref<8x64xf32, #tpu.memory_space<vmem>>
      %dma_wait3A_833 = arith.constant 0 : i32
      %dma_wait3A_834 = arith.constant 0 : i32
      %dma_wait3A_835 = tpu.memref_slice %arg8[%dma_wait3A_833, %dma_wait3A_834] : memref<100000x64xf32, #tpu.memory_space<hbm>> -> memref<8x64xf32, #tpu.memory_space<hbm>>
      tpu.wait_dma2 semaphore(%arg22 : memref<!tpu.dma_semaphore, #tpu.memory_space<semaphore_mem>>) src(%dma_wait3A_835 : memref<8x64xf32, #tpu.memory_space<hbm>>) dst(%dma_wait3A_832 : memref<8x64xf32, #tpu.memory_space<vmem>>)
      %dma_wait3A_836 = arith.constant 224 : i32
      %dma_wait3A_837 = arith.constant 0 : i32
      %dma_wait3A_838 = tpu.memref_slice %arg17[%dma_wait3A_836, %dma_wait3A_837] : memref<512x64xf32, #tpu.memory_space<vmem>> -> memref<8x64xf32, #tpu.memory_space<vmem>>
      %dma_wait3A_839 = arith.constant 0 : i32
      %dma_wait3A_840 = arith.constant 0 : i32
      %dma_wait3A_841 = tpu.memref_slice %arg8[%dma_wait3A_839, %dma_wait3A_840] : memref<100000x64xf32, #tpu.memory_space<hbm>> -> memref<8x64xf32, #tpu.memory_space<hbm>>
      %dma_wait3A_842 = arith.constant 224 : i32
      %dma_wait3A_843 = arith.constant 0 : i32
      %dma_wait3A_844 = tpu.memref_slice %arg17[%dma_wait3A_842, %dma_wait3A_843] : memref<512x64xf32, #tpu.memory_space<vmem>> -> memref<8x64xf32, #tpu.memory_space<vmem>>
      %dma_wait3A_845 = arith.constant 0 : i32
      %dma_wait3A_846 = arith.constant 0 : i32
      %dma_wait3A_847 = tpu.memref_slice %arg8[%dma_wait3A_845, %dma_wait3A_846] : memref<100000x64xf32, #tpu.memory_space<hbm>> -> memref<8x64xf32, #tpu.memory_space<hbm>>
      tpu.wait_dma2 semaphore(%arg22 : memref<!tpu.dma_semaphore, #tpu.memory_space<semaphore_mem>>) src(%dma_wait3A_847 : memref<8x64xf32, #tpu.memory_space<hbm>>) dst(%dma_wait3A_844 : memref<8x64xf32, #tpu.memory_space<vmem>>)
      %dma_wait3A_848 = arith.constant 240 : i32
      %dma_wait3A_849 = arith.constant 0 : i32
      %dma_wait3A_850 = tpu.memref_slice %arg17[%dma_wait3A_848, %dma_wait3A_849] : memref<512x64xf32, #tpu.memory_space<vmem>> -> memref<8x64xf32, #tpu.memory_space<vmem>>
      %dma_wait3A_851 = arith.constant 0 : i32
      %dma_wait3A_852 = arith.constant 0 : i32
      %dma_wait3A_853 = tpu.memref_slice %arg8[%dma_wait3A_851, %dma_wait3A_852] : memref<100000x64xf32, #tpu.memory_space<hbm>> -> memref<8x64xf32, #tpu.memory_space<hbm>>
      %dma_wait3A_854 = arith.constant 240 : i32
      %dma_wait3A_855 = arith.constant 0 : i32
      %dma_wait3A_856 = tpu.memref_slice %arg17[%dma_wait3A_854, %dma_wait3A_855] : memref<512x64xf32, #tpu.memory_space<vmem>> -> memref<8x64xf32, #tpu.memory_space<vmem>>
      %dma_wait3A_857 = arith.constant 0 : i32
      %dma_wait3A_858 = arith.constant 0 : i32
      %dma_wait3A_859 = tpu.memref_slice %arg8[%dma_wait3A_857, %dma_wait3A_858] : memref<100000x64xf32, #tpu.memory_space<hbm>> -> memref<8x64xf32, #tpu.memory_space<hbm>>
      tpu.wait_dma2 semaphore(%arg22 : memref<!tpu.dma_semaphore, #tpu.memory_space<semaphore_mem>>) src(%dma_wait3A_859 : memref<8x64xf32, #tpu.memory_space<hbm>>) dst(%dma_wait3A_856 : memref<8x64xf32, #tpu.memory_space<vmem>>)
      %mul3A_860 = arith.constant 2 : i32
      %mul3A_861 = arith.muli %mul3A_860, %scan3A_342 : i32
      %scan3A_862 = arith.constant 0 : i32
      %scan3A_863 = arith.constant 0 : i32
      %broadcast_in_dim3A_864 = arith.constant 0.000000e+00 : f32
      %broadcast_in_dim3A_865 = vector.broadcast %broadcast_in_dim3A_864 : f32 to vector<16xf32>
      %scan3A_866 = arith.constant 0 : i32
      %scan3A_867 = arith.constant 16 : i32
      %scan3A_868 = arith.addi %scan3A_866, %scan3A_867 : i32
      %scan3A_869 = arith.constant 1 : i32
      %scan3A_870:4 = scf.for %scan3A_1517 = %scan3A_866 to %scan3A_868 step %scan3A_869 iter_args(%scan3A_1518 = %broadcast_in_dim3A_865, %scan3A_1519 = %broadcast_in_dim3A_865, %scan3A_1520 = %broadcast_in_dim3A_865, %scan3A_1521 = %broadcast_in_dim3A_865) -> (vector<16xf32>, vector<16xf32>, vector<16xf32>, vector<16xf32>)  : i32 {
        %mul3A_1522 = arith.constant 16 : i32
        %mul3A_1523 = arith.muli %scan3A_863, %mul3A_1522 : i32
        %add3A_1524 = arith.addi %mul3A_1523, %scan3A_1517 : i32
        %add3A_1525 = arith.constant 0 : i32
        %add3A_1526 = arith.addi %add3A_1525, %add3A_1524 : i32
        %add3A_1527 = arith.constant 0 : i32
        %add3A_1528 = arith.addi %add3A_1527, %add3A_1524 : i32
        %mul3A_1529 = arith.constant 16 : i32
        %mul3A_1530 = arith.muli %add3A_1528, %mul3A_1529 : i32
        %add3A_1531 = arith.constant 7 : i32
        %add3A_1532 = arith.addi %mul3A_1530, %add3A_1531 : i32
        %get3A_1533 = arith.index_cast %add3A_1532 : i32 to index
        %get3A_1534 = arith.constant 0 : index
        %get3A_1535 = tpu.vector_load %arg17[%get3A_1533, %get3A_1534] {strides = array<i32>} : memref<512x64xf32, #tpu.memory_space<vmem>>, vector<1x16xf32>,
        %get3A_1536 = vector.shape_cast %get3A_1535 : vector<1x16xf32> to vector<16xf32>
        %mul3A_1537 = arith.mulf %get3A_1536, %get3A_1536 : vector<16xf32>
        %mul3A_1538 = arith.constant -0.00138888892 : f32
        %mul3A_1539 = vector.broadcast %mul3A_1538 : f32 to vector<16xf32>
        %mul3A_1540 = arith.mulf %mul3A_1537, %mul3A_1539 : vector<16xf32>
        %add3A_1541 = arith.constant 0.0416666679 : f32
        %add3A_1542 = vector.broadcast %add3A_1541 : f32 to vector<16xf32>
        %add3A_1543 = arith.addf %mul3A_1540, %add3A_1542 : vector<16xf32>
        %mul3A_1544 = arith.mulf %add3A_1543, %mul3A_1537 : vector<16xf32>
        %add3A_1545 = arith.constant -5.000000e-01 : f32
        %add3A_1546 = vector.broadcast %add3A_1545 : f32 to vector<16xf32>
        %add3A_1547 = arith.addf %mul3A_1544, %add3A_1546 : vector<16xf32>
        %mul3A_1548 = arith.mulf %add3A_1547, %mul3A_1537 : vector<16xf32>
        %add3A_1549 = arith.constant 1.000000e+00 : f32
        %add3A_1550 = vector.broadcast %add3A_1549 : f32 to vector<16xf32>
        %add3A_1551 = arith.addf %mul3A_1548, %add3A_1550 : vector<16xf32>
        %mul3A_1552 = arith.constant -1.98412701E-4 : f32
        %mul3A_1553 = vector.broadcast %mul3A_1552 : f32 to vector<16xf32>
        %mul3A_1554 = arith.mulf %mul3A_1553, %mul3A_1537 : vector<16xf32>
        %add3A_1555 = arith.constant 0.00833333377 : f32
        %add3A_1556 = vector.broadcast %add3A_1555 : f32 to vector<16xf32>
        %add3A_1557 = arith.addf %mul3A_1554, %add3A_1556 : vector<16xf32>
        %mul3A_1558 = arith.mulf %add3A_1557, %mul3A_1537 : vector<16xf32>
        %add3A_1559 = arith.constant -0.166666672 : f32
        %add3A_1560 = vector.broadcast %add3A_1559 : f32 to vector<16xf32>
        %add3A_1561 = arith.addf %mul3A_1558, %add3A_1560 : vector<16xf32>
        %mul3A_1562 = arith.mulf %add3A_1561, %mul3A_1537 : vector<16xf32>
        %add3A_1563 = arith.constant 1.000000e+00 : f32
        %add3A_1564 = vector.broadcast %add3A_1563 : f32 to vector<16xf32>
        %add3A_1565 = arith.addf %mul3A_1562, %add3A_1564 : vector<16xf32>
        %mul3A_1566 = arith.mulf %get3A_1536, %add3A_1565 : vector<16xf32>
        %lt3A_1567 = arith.constant 0 : i32
        %lt3A_1568 = vector.broadcast %lt3A_1567 : i32 to vector<16xi32>
        %lt3A_1569 = arith.cmpi slt, %shift_right_logical3A_6, %lt3A_1568 : vector<16xi32>
        %add3A_1570 = arith.constant 16 : i32
        %add3A_1571 = vector.broadcast %add3A_1570 : i32 to vector<16xi32>
        %add3A_1572 = arith.addi %shift_right_logical3A_6, %add3A_1571 : vector<16xi32>
        %select_n3A_1573 = arith.select %lt3A_1569, %add3A_1572, %shift_right_logical3A_6 : vector<16xi1>, vector<16xi32>
        %broadcast_in_dim3A_1574 = vector.shape_cast %select_n3A_1573 : vector<16xi32> to vector<16x1xi32>
        %gather3A = vector.shape_cast %broadcast_in_dim3A_1574 : vector<16x1xi32> to vector<16xi32>
        %gather3A_1575 = tpu.dynamic_gather %add3A_1551[%gather3A] in [0] : vector<16xf32>, vector<16xi32> -> vector<16xf32>
        %lt3A_1576 = arith.constant 0 : i32
        %lt3A_1577 = vector.broadcast %lt3A_1576 : i32 to vector<16xi32>
        %lt3A_1578 = arith.cmpi slt, %add3A_9, %lt3A_1577 : vector<16xi32>
        %add3A_1579 = arith.constant 16 : i32
        %add3A_1580 = vector.broadcast %add3A_1579 : i32 to vector<16xi32>
        %add3A_1581 = arith.addi %add3A_9, %add3A_1580 : vector<16xi32>
        %select_n3A_1582 = arith.select %lt3A_1578, %add3A_1581, %add3A_9 : vector<16xi1>, vector<16xi32>
        %broadcast_in_dim3A_1583 = vector.shape_cast %select_n3A_1582 : vector<16xi32> to vector<16x1xi32>
        %gather3A_1584 = vector.shape_cast %broadcast_in_dim3A_1583 : vector<16x1xi32> to vector<16xi32>
        %gather3A_1585 = tpu.dynamic_gather %add3A_1551[%gather3A_1584] in [0] : vector<16xf32>, vector<16xi32> -> vector<16xf32>
        %lt3A_1586 = arith.constant 0 : i32
        %lt3A_1587 = vector.broadcast %lt3A_1586 : i32 to vector<16xi32>
        %lt3A_1588 = arith.cmpi slt, %shift_right_logical3A_6, %lt3A_1587 : vector<16xi32>
        %add3A_1589 = arith.constant 16 : i32
        %add3A_1590 = vector.broadcast %add3A_1589 : i32 to vector<16xi32>
        %add3A_1591 = arith.addi %shift_right_logical3A_6, %add3A_1590 : vector<16xi32>
        %select_n3A_1592 = arith.select %lt3A_1588, %add3A_1591, %shift_right_logical3A_6 : vector<16xi1>, vector<16xi32>
        %broadcast_in_dim3A_1593 = vector.shape_cast %select_n3A_1592 : vector<16xi32> to vector<16x1xi32>
        %gather3A_1594 = vector.shape_cast %broadcast_in_dim3A_1593 : vector<16x1xi32> to vector<16xi32>
        %gather3A_1595 = tpu.dynamic_gather %mul3A_1566[%gather3A_1594] in [0] : vector<16xf32>, vector<16xi32> -> vector<16xf32>
        %mul3A_1596 = arith.mulf %gather3A_1595, %select_n3A : vector<16xf32>
        %lt3A_1597 = arith.constant 0 : i32
        %lt3A_1598 = vector.broadcast %lt3A_1597 : i32 to vector<16xi32>
        %lt3A_1599 = arith.cmpi slt, %add3A_9, %lt3A_1598 : vector<16xi32>
        %add3A_1600 = arith.constant 16 : i32
        %add3A_1601 = vector.broadcast %add3A_1600 : i32 to vector<16xi32>
        %add3A_1602 = arith.addi %add3A_9, %add3A_1601 : vector<16xi32>
        %select_n3A_1603 = arith.select %lt3A_1599, %add3A_1602, %add3A_9 : vector<16xi1>, vector<16xi32>
        %broadcast_in_dim3A_1604 = vector.shape_cast %select_n3A_1603 : vector<16xi32> to vector<16x1xi32>
        %gather3A_1605 = vector.shape_cast %broadcast_in_dim3A_1604 : vector<16x1xi32> to vector<16xi32>
        %gather3A_1606 = tpu.dynamic_gather %mul3A_1566[%gather3A_1605] in [0] : vector<16xf32>, vector<16xi32> -> vector<16xf32>
        %mul3A_1607 = arith.mulf %gather3A_1606, %select_n3A : vector<16xf32>
        %get3A_1608 = arith.index_cast %add3A_1532 : i32 to index
        %get3A_1609 = arith.constant 16 : index
        %get3A_1610 = tpu.vector_load %arg17[%get3A_1608, %get3A_1609] {strides = array<i32>} : memref<512x64xf32, #tpu.memory_space<vmem>>, vector<1x16xf32>,
        %get3A_1611 = vector.shape_cast %get3A_1610 : vector<1x16xf32> to vector<16xf32>
        %mul3A_1612 = arith.mulf %get3A_1611, %get3A_1611 : vector<16xf32>
        %mul3A_1613 = arith.constant -0.00138888892 : f32
        %mul3A_1614 = vector.broadcast %mul3A_1613 : f32 to vector<16xf32>
        %mul3A_1615 = arith.mulf %mul3A_1612, %mul3A_1614 : vector<16xf32>
        %add3A_1616 = arith.constant 0.0416666679 : f32
        %add3A_1617 = vector.broadcast %add3A_1616 : f32 to vector<16xf32>
        %add3A_1618 = arith.addf %mul3A_1615, %add3A_1617 : vector<16xf32>
        %mul3A_1619 = arith.mulf %add3A_1618, %mul3A_1612 : vector<16xf32>
        %add3A_1620 = arith.constant -5.000000e-01 : f32
        %add3A_1621 = vector.broadcast %add3A_1620 : f32 to vector<16xf32>
        %add3A_1622 = arith.addf %mul3A_1619, %add3A_1621 : vector<16xf32>
        %mul3A_1623 = arith.mulf %add3A_1622, %mul3A_1612 : vector<16xf32>
        %add3A_1624 = arith.constant 1.000000e+00 : f32
        %add3A_1625 = vector.broadcast %add3A_1624 : f32 to vector<16xf32>
        %add3A_1626 = arith.addf %mul3A_1623, %add3A_1625 : vector<16xf32>
        %mul3A_1627 = arith.constant -1.98412701E-4 : f32
        %mul3A_1628 = vector.broadcast %mul3A_1627 : f32 to vector<16xf32>
        %mul3A_1629 = arith.mulf %mul3A_1628, %mul3A_1612 : vector<16xf32>
        %add3A_1630 = arith.constant 0.00833333377 : f32
        %add3A_1631 = vector.broadcast %add3A_1630 : f32 to vector<16xf32>
        %add3A_1632 = arith.addf %mul3A_1629, %add3A_1631 : vector<16xf32>
        %mul3A_1633 = arith.mulf %add3A_1632, %mul3A_1612 : vector<16xf32>
        %add3A_1634 = arith.constant -0.166666672 : f32
        %add3A_1635 = vector.broadcast %add3A_1634 : f32 to vector<16xf32>
        %add3A_1636 = arith.addf %mul3A_1633, %add3A_1635 : vector<16xf32>
        %mul3A_1637 = arith.mulf %add3A_1636, %mul3A_1612 : vector<16xf32>
        %add3A_1638 = arith.constant 1.000000e+00 : f32
        %add3A_1639 = vector.broadcast %add3A_1638 : f32 to vector<16xf32>
        %add3A_1640 = arith.addf %mul3A_1637, %add3A_1639 : vector<16xf32>
        %mul3A_1641 = arith.mulf %get3A_1611, %add3A_1640 : vector<16xf32>
        %lt3A_1642 = arith.constant 0 : i32
        %lt3A_1643 = vector.broadcast %lt3A_1642 : i32 to vector<16xi32>
        %lt3A_1644 = arith.cmpi slt, %shift_right_logical3A_6, %lt3A_1643 : vector<16xi32>
        %add3A_1645 = arith.constant 16 : i32
        %add3A_1646 = vector.broadcast %add3A_1645 : i32 to vector<16xi32>
        %add3A_1647 = arith.addi %shift_right_logical3A_6, %add3A_1646 : vector<16xi32>
        %select_n3A_1648 = arith.select %lt3A_1644, %add3A_1647, %shift_right_logical3A_6 : vector<16xi1>, vector<16xi32>
        %broadcast_in_dim3A_1649 = vector.shape_cast %select_n3A_1648 : vector<16xi32> to vector<16x1xi32>
        %gather3A_1650 = vector.shape_cast %broadcast_in_dim3A_1649 : vector<16x1xi32> to vector<16xi32>
        %gather3A_1651 = tpu.dynamic_gather %add3A_1626[%gather3A_1650] in [0] : vector<16xf32>, vector<16xi32> -> vector<16xf32>
        %lt3A_1652 = arith.constant 0 : i32
        %lt3A_1653 = vector.broadcast %lt3A_1652 : i32 to vector<16xi32>
        %lt3A_1654 = arith.cmpi slt, %add3A_9, %lt3A_1653 : vector<16xi32>
        %add3A_1655 = arith.constant 16 : i32
        %add3A_1656 = vector.broadcast %add3A_1655 : i32 to vector<16xi32>
        %add3A_1657 = arith.addi %add3A_9, %add3A_1656 : vector<16xi32>
        %select_n3A_1658 = arith.select %lt3A_1654, %add3A_1657, %add3A_9 : vector<16xi1>, vector<16xi32>
        %broadcast_in_dim3A_1659 = vector.shape_cast %select_n3A_1658 : vector<16xi32> to vector<16x1xi32>
        %gather3A_1660 = vector.shape_cast %broadcast_in_dim3A_1659 : vector<16x1xi32> to vector<16xi32>
        %gather3A_1661 = tpu.dynamic_gather %add3A_1626[%gather3A_1660] in [0] : vector<16xf32>, vector<16xi32> -> vector<16xf32>
        %lt3A_1662 = arith.constant 0 : i32
        %lt3A_1663 = vector.broadcast %lt3A_1662 : i32 to vector<16xi32>
        %lt3A_1664 = arith.cmpi slt, %shift_right_logical3A_6, %lt3A_1663 : vector<16xi32>
        %add3A_1665 = arith.constant 16 : i32
        %add3A_1666 = vector.broadcast %add3A_1665 : i32 to vector<16xi32>
        %add3A_1667 = arith.addi %shift_right_logical3A_6, %add3A_1666 : vector<16xi32>
        %select_n3A_1668 = arith.select %lt3A_1664, %add3A_1667, %shift_right_logical3A_6 : vector<16xi1>, vector<16xi32>
        %broadcast_in_dim3A_1669 = vector.shape_cast %select_n3A_1668 : vector<16xi32> to vector<16x1xi32>
        %gather3A_1670 = vector.shape_cast %broadcast_in_dim3A_1669 : vector<16x1xi32> to vector<16xi32>
        %gather3A_1671 = tpu.dynamic_gather %mul3A_1641[%gather3A_1670] in [0] : vector<16xf32>, vector<16xi32> -> vector<16xf32>
        %mul3A_1672 = arith.mulf %gather3A_1671, %select_n3A : vector<16xf32>
        %lt3A_1673 = arith.constant 0 : i32
        %lt3A_1674 = vector.broadcast %lt3A_1673 : i32 to vector<16xi32>
        %lt3A_1675 = arith.cmpi slt, %add3A_9, %lt3A_1674 : vector<16xi32>
        %add3A_1676 = arith.constant 16 : i32
        %add3A_1677 = vector.broadcast %add3A_1676 : i32 to vector<16xi32>
        %add3A_1678 = arith.addi %add3A_9, %add3A_1677 : vector<16xi32>
        %select_n3A_1679 = arith.select %lt3A_1675, %add3A_1678, %add3A_9 : vector<16xi1>, vector<16xi32>
        %broadcast_in_dim3A_1680 = vector.shape_cast %select_n3A_1679 : vector<16xi32> to vector<16x1xi32>
        %gather3A_1681 = vector.shape_cast %broadcast_in_dim3A_1680 : vector<16x1xi32> to vector<16xi32>
        %gather3A_1682 = tpu.dynamic_gather %mul3A_1641[%gather3A_1681] in [0] : vector<16xf32>, vector<16xi32> -> vector<16xf32>
        %mul3A_1683 = arith.mulf %gather3A_1682, %select_n3A : vector<16xf32>
        %get3A_1684 = arith.index_cast %add3A_1532 : i32 to index
        %get3A_1685 = arith.constant 32 : index
        %get3A_1686 = tpu.vector_load %arg17[%get3A_1684, %get3A_1685] {strides = array<i32>} : memref<512x64xf32, #tpu.memory_space<vmem>>, vector<1x16xf32>,
        %get3A_1687 = vector.shape_cast %get3A_1686 : vector<1x16xf32> to vector<16xf32>
        %mul3A_1688 = arith.mulf %get3A_1687, %get3A_1687 : vector<16xf32>
        %mul3A_1689 = arith.constant -0.00138888892 : f32
        %mul3A_1690 = vector.broadcast %mul3A_1689 : f32 to vector<16xf32>
        %mul3A_1691 = arith.mulf %mul3A_1688, %mul3A_1690 : vector<16xf32>
        %add3A_1692 = arith.constant 0.0416666679 : f32
        %add3A_1693 = vector.broadcast %add3A_1692 : f32 to vector<16xf32>
        %add3A_1694 = arith.addf %mul3A_1691, %add3A_1693 : vector<16xf32>
        %mul3A_1695 = arith.mulf %add3A_1694, %mul3A_1688 : vector<16xf32>
        %add3A_1696 = arith.constant -5.000000e-01 : f32
        %add3A_1697 = vector.broadcast %add3A_1696 : f32 to vector<16xf32>
        %add3A_1698 = arith.addf %mul3A_1695, %add3A_1697 : vector<16xf32>
        %mul3A_1699 = arith.mulf %add3A_1698, %mul3A_1688 : vector<16xf32>
        %add3A_1700 = arith.constant 1.000000e+00 : f32
        %add3A_1701 = vector.broadcast %add3A_1700 : f32 to vector<16xf32>
        %add3A_1702 = arith.addf %mul3A_1699, %add3A_1701 : vector<16xf32>
        %mul3A_1703 = arith.constant -1.98412701E-4 : f32
        %mul3A_1704 = vector.broadcast %mul3A_1703 : f32 to vector<16xf32>
        %mul3A_1705 = arith.mulf %mul3A_1704, %mul3A_1688 : vector<16xf32>
        %add3A_1706 = arith.constant 0.00833333377 : f32
        %add3A_1707 = vector.broadcast %add3A_1706 : f32 to vector<16xf32>
        %add3A_1708 = arith.addf %mul3A_1705, %add3A_1707 : vector<16xf32>
        %mul3A_1709 = arith.mulf %add3A_1708, %mul3A_1688 : vector<16xf32>
        %add3A_1710 = arith.constant -0.166666672 : f32
        %add3A_1711 = vector.broadcast %add3A_1710 : f32 to vector<16xf32>
        %add3A_1712 = arith.addf %mul3A_1709, %add3A_1711 : vector<16xf32>
        %mul3A_1713 = arith.mulf %add3A_1712, %mul3A_1688 : vector<16xf32>
        %add3A_1714 = arith.constant 1.000000e+00 : f32
        %add3A_1715 = vector.broadcast %add3A_1714 : f32 to vector<16xf32>
        %add3A_1716 = arith.addf %mul3A_1713, %add3A_1715 : vector<16xf32>
        %mul3A_1717 = arith.mulf %get3A_1687, %add3A_1716 : vector<16xf32>
        %lt3A_1718 = arith.constant 0 : i32
        %lt3A_1719 = vector.broadcast %lt3A_1718 : i32 to vector<16xi32>
        %lt3A_1720 = arith.cmpi slt, %shift_right_logical3A_6, %lt3A_1719 : vector<16xi32>
        %add3A_1721 = arith.constant 16 : i32
        %add3A_1722 = vector.broadcast %add3A_1721 : i32 to vector<16xi32>
        %add3A_1723 = arith.addi %shift_right_logical3A_6, %add3A_1722 : vector<16xi32>
        %select_n3A_1724 = arith.select %lt3A_1720, %add3A_1723, %shift_right_logical3A_6 : vector<16xi1>, vector<16xi32>
        %broadcast_in_dim3A_1725 = vector.shape_cast %select_n3A_1724 : vector<16xi32> to vector<16x1xi32>
        %gather3A_1726 = vector.shape_cast %broadcast_in_dim3A_1725 : vector<16x1xi32> to vector<16xi32>
        %gather3A_1727 = tpu.dynamic_gather %add3A_1702[%gather3A_1726] in [0] : vector<16xf32>, vector<16xi32> -> vector<16xf32>
        %lt3A_1728 = arith.constant 0 : i32
        %lt3A_1729 = vector.broadcast %lt3A_1728 : i32 to vector<16xi32>
        %lt3A_1730 = arith.cmpi slt, %add3A_9, %lt3A_1729 : vector<16xi32>
        %add3A_1731 = arith.constant 16 : i32
        %add3A_1732 = vector.broadcast %add3A_1731 : i32 to vector<16xi32>
        %add3A_1733 = arith.addi %add3A_9, %add3A_1732 : vector<16xi32>
        %select_n3A_1734 = arith.select %lt3A_1730, %add3A_1733, %add3A_9 : vector<16xi1>, vector<16xi32>
        %broadcast_in_dim3A_1735 = vector.shape_cast %select_n3A_1734 : vector<16xi32> to vector<16x1xi32>
        %gather3A_1736 = vector.shape_cast %broadcast_in_dim3A_1735 : vector<16x1xi32> to vector<16xi32>
        %gather3A_1737 = tpu.dynamic_gather %add3A_1702[%gather3A_1736] in [0] : vector<16xf32>, vector<16xi32> -> vector<16xf32>
        %lt3A_1738 = arith.constant 0 : i32
        %lt3A_1739 = vector.broadcast %lt3A_1738 : i32 to vector<16xi32>
        %lt3A_1740 = arith.cmpi slt, %shift_right_logical3A_6, %lt3A_1739 : vector<16xi32>
        %add3A_1741 = arith.constant 16 : i32
        %add3A_1742 = vector.broadcast %add3A_1741 : i32 to vector<16xi32>
        %add3A_1743 = arith.addi %shift_right_logical3A_6, %add3A_1742 : vector<16xi32>
        %select_n3A_1744 = arith.select %lt3A_1740, %add3A_1743, %shift_right_logical3A_6 : vector<16xi1>, vector<16xi32>
        %broadcast_in_dim3A_1745 = vector.shape_cast %select_n3A_1744 : vector<16xi32> to vector<16x1xi32>
        %gather3A_1746 = vector.shape_cast %broadcast_in_dim3A_1745 : vector<16x1xi32> to vector<16xi32>
        %gather3A_1747 = tpu.dynamic_gather %mul3A_1717[%gather3A_1746] in [0] : vector<16xf32>, vector<16xi32> -> vector<16xf32>
        %mul3A_1748 = arith.mulf %gather3A_1747, %select_n3A : vector<16xf32>
        %lt3A_1749 = arith.constant 0 : i32
        %lt3A_1750 = vector.broadcast %lt3A_1749 : i32 to vector<16xi32>
        %lt3A_1751 = arith.cmpi slt, %add3A_9, %lt3A_1750 : vector<16xi32>
        %add3A_1752 = arith.constant 16 : i32
        %add3A_1753 = vector.broadcast %add3A_1752 : i32 to vector<16xi32>
        %add3A_1754 = arith.addi %add3A_9, %add3A_1753 : vector<16xi32>
        %select_n3A_1755 = arith.select %lt3A_1751, %add3A_1754, %add3A_9 : vector<16xi1>, vector<16xi32>
        %broadcast_in_dim3A_1756 = vector.shape_cast %select_n3A_1755 : vector<16xi32> to vector<16x1xi32>
        %gather3A_1757 = vector.shape_cast %broadcast_in_dim3A_1756 : vector<16x1xi32> to vector<16xi32>
        %gather3A_1758 = tpu.dynamic_gather %mul3A_1717[%gather3A_1757] in [0] : vector<16xf32>, vector<16xi32> -> vector<16xf32>
        %mul3A_1759 = arith.mulf %gather3A_1758, %select_n3A : vector<16xf32>
        %get3A_1760 = arith.index_cast %add3A_1532 : i32 to index
        %get3A_1761 = arith.constant 48 : index
        %get3A_1762 = tpu.vector_load %arg17[%get3A_1760, %get3A_1761] {strides = array<i32>} : memref<512x64xf32, #tpu.memory_space<vmem>>, vector<1x16xf32>,
        %get3A_1763 = vector.shape_cast %get3A_1762 : vector<1x16xf32> to vector<16xf32>
        %mul3A_1764 = arith.mulf %get3A_1763, %get3A_1763 : vector<16xf32>
        %mul3A_1765 = arith.constant -0.00138888892 : f32
        %mul3A_1766 = vector.broadcast %mul3A_1765 : f32 to vector<16xf32>
        %mul3A_1767 = arith.mulf %mul3A_1764, %mul3A_1766 : vector<16xf32>
        %add3A_1768 = arith.constant 0.0416666679 : f32
        %add3A_1769 = vector.broadcast %add3A_1768 : f32 to vector<16xf32>
        %add3A_1770 = arith.addf %mul3A_1767, %add3A_1769 : vector<16xf32>
        %mul3A_1771 = arith.mulf %add3A_1770, %mul3A_1764 : vector<16xf32>
        %add3A_1772 = arith.constant -5.000000e-01 : f32
        %add3A_1773 = vector.broadcast %add3A_1772 : f32 to vector<16xf32>
        %add3A_1774 = arith.addf %mul3A_1771, %add3A_1773 : vector<16xf32>
        %mul3A_1775 = arith.mulf %add3A_1774, %mul3A_1764 : vector<16xf32>
        %add3A_1776 = arith.constant 1.000000e+00 : f32
        %add3A_1777 = vector.broadcast %add3A_1776 : f32 to vector<16xf32>
        %add3A_1778 = arith.addf %mul3A_1775, %add3A_1777 : vector<16xf32>
        %mul3A_1779 = arith.constant -1.98412701E-4 : f32
        %mul3A_1780 = vector.broadcast %mul3A_1779 : f32 to vector<16xf32>
        %mul3A_1781 = arith.mulf %mul3A_1780, %mul3A_1764 : vector<16xf32>
        %add3A_1782 = arith.constant 0.00833333377 : f32
        %add3A_1783 = vector.broadcast %add3A_1782 : f32 to vector<16xf32>
        %add3A_1784 = arith.addf %mul3A_1781, %add3A_1783 : vector<16xf32>
        %mul3A_1785 = arith.mulf %add3A_1784, %mul3A_1764 : vector<16xf32>
        %add3A_1786 = arith.constant -0.166666672 : f32
        %add3A_1787 = vector.broadcast %add3A_1786 : f32 to vector<16xf32>
        %add3A_1788 = arith.addf %mul3A_1785, %add3A_1787 : vector<16xf32>
        %mul3A_1789 = arith.mulf %add3A_1788, %mul3A_1764 : vector<16xf32>
        %add3A_1790 = arith.constant 1.000000e+00 : f32
        %add3A_1791 = vector.broadcast %add3A_1790 : f32 to vector<16xf32>
        %add3A_1792 = arith.addf %mul3A_1789, %add3A_1791 : vector<16xf32>
        %mul3A_1793 = arith.mulf %get3A_1763, %add3A_1792 : vector<16xf32>
        %lt3A_1794 = arith.constant 0 : i32
        %lt3A_1795 = vector.broadcast %lt3A_1794 : i32 to vector<16xi32>
        %lt3A_1796 = arith.cmpi slt, %shift_right_logical3A_6, %lt3A_1795 : vector<16xi32>
        %add3A_1797 = arith.constant 16 : i32
        %add3A_1798 = vector.broadcast %add3A_1797 : i32 to vector<16xi32>
        %add3A_1799 = arith.addi %shift_right_logical3A_6, %add3A_1798 : vector<16xi32>
        %select_n3A_1800 = arith.select %lt3A_1796, %add3A_1799, %shift_right_logical3A_6 : vector<16xi1>, vector<16xi32>
        %broadcast_in_dim3A_1801 = vector.shape_cast %select_n3A_1800 : vector<16xi32> to vector<16x1xi32>
        %gather3A_1802 = vector.shape_cast %broadcast_in_dim3A_1801 : vector<16x1xi32> to vector<16xi32>
        %gather3A_1803 = tpu.dynamic_gather %add3A_1778[%gather3A_1802] in [0] : vector<16xf32>, vector<16xi32> -> vector<16xf32>
        %lt3A_1804 = arith.constant 0 : i32
        %lt3A_1805 = vector.broadcast %lt3A_1804 : i32 to vector<16xi32>
        %lt3A_1806 = arith.cmpi slt, %add3A_9, %lt3A_1805 : vector<16xi32>
        %add3A_1807 = arith.constant 16 : i32
        %add3A_1808 = vector.broadcast %add3A_1807 : i32 to vector<16xi32>
        %add3A_1809 = arith.addi %add3A_9, %add3A_1808 : vector<16xi32>
        %select_n3A_1810 = arith.select %lt3A_1806, %add3A_1809, %add3A_9 : vector<16xi1>, vector<16xi32>
        %broadcast_in_dim3A_1811 = vector.shape_cast %select_n3A_1810 : vector<16xi32> to vector<16x1xi32>
        %gather3A_1812 = vector.shape_cast %broadcast_in_dim3A_1811 : vector<16x1xi32> to vector<16xi32>
        %gather3A_1813 = tpu.dynamic_gather %add3A_1778[%gather3A_1812] in [0] : vector<16xf32>, vector<16xi32> -> vector<16xf32>
        %lt3A_1814 = arith.constant 0 : i32
        %lt3A_1815 = vector.broadcast %lt3A_1814 : i32 to vector<16xi32>
        %lt3A_1816 = arith.cmpi slt, %shift_right_logical3A_6, %lt3A_1815 : vector<16xi32>
        %add3A_1817 = arith.constant 16 : i32
        %add3A_1818 = vector.broadcast %add3A_1817 : i32 to vector<16xi32>
        %add3A_1819 = arith.addi %shift_right_logical3A_6, %add3A_1818 : vector<16xi32>
        %select_n3A_1820 = arith.select %lt3A_1816, %add3A_1819, %shift_right_logical3A_6 : vector<16xi1>, vector<16xi32>
        %broadcast_in_dim3A_1821 = vector.shape_cast %select_n3A_1820 : vector<16xi32> to vector<16x1xi32>
        %gather3A_1822 = vector.shape_cast %broadcast_in_dim3A_1821 : vector<16x1xi32> to vector<16xi32>
        %gather3A_1823 = tpu.dynamic_gather %mul3A_1793[%gather3A_1822] in [0] : vector<16xf32>, vector<16xi32> -> vector<16xf32>
        %mul3A_1824 = arith.mulf %gather3A_1823, %select_n3A : vector<16xf32>
        %lt3A_1825 = arith.constant 0 : i32
        %lt3A_1826 = vector.broadcast %lt3A_1825 : i32 to vector<16xi32>
        %lt3A_1827 = arith.cmpi slt, %add3A_9, %lt3A_1826 : vector<16xi32>
        %add3A_1828 = arith.constant 16 : i32
        %add3A_1829 = vector.broadcast %add3A_1828 : i32 to vector<16xi32>
        %add3A_1830 = arith.addi %add3A_9, %add3A_1829 : vector<16xi32>
        %select_n3A_1831 = arith.select %lt3A_1827, %add3A_1830, %add3A_9 : vector<16xi1>, vector<16xi32>
        %broadcast_in_dim3A_1832 = vector.shape_cast %select_n3A_1831 : vector<16xi32> to vector<16x1xi32>
        %gather3A_1833 = vector.shape_cast %broadcast_in_dim3A_1832 : vector<16x1xi32> to vector<16xi32>
        %gather3A_1834 = tpu.dynamic_gather %mul3A_1793[%gather3A_1833] in [0] : vector<16xf32>, vector<16xi32> -> vector<16xf32>
        %mul3A_1835 = arith.mulf %gather3A_1834, %select_n3A : vector<16xf32>
        %broadcast_in_dim3A_1836 = arith.constant 0.000000e+00 : f32
        %broadcast_in_dim3A_1837 = vector.broadcast %broadcast_in_dim3A_1836 : f32 to vector<16xf32>
        %broadcast_in_dim3A_1838 = arith.constant 0.000000e+00 : f32
        %broadcast_in_dim3A_1839 = vector.broadcast %broadcast_in_dim3A_1838 : f32 to vector<16xf32>
        %get3A_1840 = arith.index_cast %add3A_1526 : i32 to index
        %get3A_1841 = arith.constant 0 : index
        %get3A_1842 = tpu.vector_load %arg16[%get3A_1840, %get3A_1841] {strides = array<i32>} : memref<128x128xf32, #tpu.memory_space<vmem>>, vector<1x16xf32>,
        %get3A_1843 = vector.shape_cast %get3A_1842 : vector<1x16xf32> to vector<16xf32>
        %add3A_1844 = arith.constant 16 : i32
        %add3A_1845 = arith.addi %add3A_1526, %add3A_1844 : i32
        %get3A_1846 = arith.index_cast %add3A_1845 : i32 to index
        %get3A_1847 = arith.constant 0 : index
        %get3A_1848 = tpu.vector_load %arg16[%get3A_1846, %get3A_1847] {strides = array<i32>} : memref<128x128xf32, #tpu.memory_space<vmem>>, vector<1x16xf32>,
        %get3A_1849 = vector.shape_cast %get3A_1848 : vector<1x16xf32> to vector<16xf32>
        %mul3A_1850 = arith.mulf %get3A_1843, %gather3A_1575 : vector<16xf32>
        %lt3A_1851 = arith.constant 0 : i32
        %lt3A_1852 = vector.broadcast %lt3A_1851 : i32 to vector<16xi32>
        %lt3A_1853 = arith.cmpi slt, %xor3A_4, %lt3A_1852 : vector<16xi32>
        %add3A_1854 = arith.constant 16 : i32
        %add3A_1855 = vector.broadcast %add3A_1854 : i32 to vector<16xi32>
        %add3A_1856 = arith.addi %xor3A_4, %add3A_1855 : vector<16xi32>
        %select_n3A_1857 = arith.select %lt3A_1853, %add3A_1856, %xor3A_4 : vector<16xi1>, vector<16xi32>
        %broadcast_in_dim3A_1858 = vector.shape_cast %select_n3A_1857 : vector<16xi32> to vector<16x1xi32>
        %gather3A_1859 = vector.shape_cast %broadcast_in_dim3A_1858 : vector<16x1xi32> to vector<16xi32>
        %gather3A_1860 = tpu.dynamic_gather %get3A_1843[%gather3A_1859] in [0] : vector<16xf32>, vector<16xi32> -> vector<16xf32>
        %mul3A_1861 = arith.mulf %gather3A_1860, %mul3A_1596 : vector<16xf32>
        %add3A_1862 = arith.addf %mul3A_1850, %mul3A_1861 : vector<16xf32>
        %sub3A_1863 = arith.subf %add3A_1862, %get3A_1849 : vector<16xf32>
        %mul3A_1864 = arith.mulf %sub3A_1863, %sub3A_1863 : vector<16xf32>
        %add3A_1865 = arith.addf %broadcast_in_dim3A_1837, %mul3A_1864 : vector<16xf32>
        %add3A_1866 = arith.constant 32 : i32
        %add3A_1867 = arith.addi %add3A_1526, %add3A_1866 : i32
        %get3A_1868 = arith.index_cast %add3A_1867 : i32 to index
        %get3A_1869 = arith.constant 0 : index
        %get3A_1870 = tpu.vector_load %arg16[%get3A_1868, %get3A_1869] {strides = array<i32>} : memref<128x128xf32, #tpu.memory_space<vmem>>, vector<1x16xf32>,
        %get3A_1871 = vector.shape_cast %get3A_1870 : vector<1x16xf32> to vector<16xf32>
        %add3A_1872 = arith.constant 48 : i32
        %add3A_1873 = arith.addi %add3A_1526, %add3A_1872 : i32
        %get3A_1874 = arith.index_cast %add3A_1873 : i32 to index
        %get3A_1875 = arith.constant 0 : index
        %get3A_1876 = tpu.vector_load %arg16[%get3A_1874, %get3A_1875] {strides = array<i32>} : memref<128x128xf32, #tpu.memory_space<vmem>>, vector<1x16xf32>,
        %get3A_1877 = vector.shape_cast %get3A_1876 : vector<1x16xf32> to vector<16xf32>
        %mul3A_1878 = arith.mulf %get3A_1871, %gather3A_1575 : vector<16xf32>
        %lt3A_1879 = arith.constant 0 : i32
        %lt3A_1880 = vector.broadcast %lt3A_1879 : i32 to vector<16xi32>
        %lt3A_1881 = arith.cmpi slt, %xor3A_4, %lt3A_1880 : vector<16xi32>
        %add3A_1882 = arith.constant 16 : i32
        %add3A_1883 = vector.broadcast %add3A_1882 : i32 to vector<16xi32>
        %add3A_1884 = arith.addi %xor3A_4, %add3A_1883 : vector<16xi32>
        %select_n3A_1885 = arith.select %lt3A_1881, %add3A_1884, %xor3A_4 : vector<16xi1>, vector<16xi32>
        %broadcast_in_dim3A_1886 = vector.shape_cast %select_n3A_1885 : vector<16xi32> to vector<16x1xi32>
        %gather3A_1887 = vector.shape_cast %broadcast_in_dim3A_1886 : vector<16x1xi32> to vector<16xi32>
        %gather3A_1888 = tpu.dynamic_gather %get3A_1871[%gather3A_1887] in [0] : vector<16xf32>, vector<16xi32> -> vector<16xf32>
        %mul3A_1889 = arith.mulf %gather3A_1888, %mul3A_1596 : vector<16xf32>
        %add3A_1890 = arith.addf %mul3A_1878, %mul3A_1889 : vector<16xf32>
        %sub3A_1891 = arith.subf %add3A_1890, %get3A_1877 : vector<16xf32>
        %mul3A_1892 = arith.mulf %sub3A_1891, %sub3A_1891 : vector<16xf32>
        %add3A_1893 = arith.addf %broadcast_in_dim3A_1839, %mul3A_1892 : vector<16xf32>
        %get3A_1894 = arith.index_cast %add3A_1526 : i32 to index
        %get3A_1895 = arith.constant 16 : index
        %get3A_1896 = tpu.vector_load %arg16[%get3A_1894, %get3A_1895] {strides = array<i32>} : memref<128x128xf32, #tpu.memory_space<vmem>>, vector<1x16xf32>,
        %get3A_1897 = vector.shape_cast %get3A_1896 : vector<1x16xf32> to vector<16xf32>
        %add3A_1898 = arith.constant 16 : i32
        %add3A_1899 = arith.addi %add3A_1526, %add3A_1898 : i32
        %get3A_1900 = arith.index_cast %add3A_1899 : i32 to index
        %get3A_1901 = arith.constant 16 : index
        %get3A_1902 = tpu.vector_load %arg16[%get3A_1900, %get3A_1901] {strides = array<i32>} : memref<128x128xf32, #tpu.memory_space<vmem>>, vector<1x16xf32>,
        %get3A_1903 = vector.shape_cast %get3A_1902 : vector<1x16xf32> to vector<16xf32>
        %mul3A_1904 = arith.mulf %get3A_1897, %gather3A_1585 : vector<16xf32>
        %lt3A_1905 = arith.constant 0 : i32
        %lt3A_1906 = vector.broadcast %lt3A_1905 : i32 to vector<16xi32>
        %lt3A_1907 = arith.cmpi slt, %xor3A_4, %lt3A_1906 : vector<16xi32>
        %add3A_1908 = arith.constant 16 : i32
        %add3A_1909 = vector.broadcast %add3A_1908 : i32 to vector<16xi32>
        %add3A_1910 = arith.addi %xor3A_4, %add3A_1909 : vector<16xi32>
        %select_n3A_1911 = arith.select %lt3A_1907, %add3A_1910, %xor3A_4 : vector<16xi1>, vector<16xi32>
        %broadcast_in_dim3A_1912 = vector.shape_cast %select_n3A_1911 : vector<16xi32> to vector<16x1xi32>
        %gather3A_1913 = vector.shape_cast %broadcast_in_dim3A_1912 : vector<16x1xi32> to vector<16xi32>
        %gather3A_1914 = tpu.dynamic_gather %get3A_1897[%gather3A_1913] in [0] : vector<16xf32>, vector<16xi32> -> vector<16xf32>
        %mul3A_1915 = arith.mulf %gather3A_1914, %mul3A_1607 : vector<16xf32>
        %add3A_1916 = arith.addf %mul3A_1904, %mul3A_1915 : vector<16xf32>
        %sub3A_1917 = arith.subf %add3A_1916, %get3A_1903 : vector<16xf32>
        %mul3A_1918 = arith.mulf %sub3A_1917, %sub3A_1917 : vector<16xf32>
        %add3A_1919 = arith.addf %add3A_1865, %mul3A_1918 : vector<16xf32>
        %add3A_1920 = arith.constant 32 : i32
        %add3A_1921 = arith.addi %add3A_1526, %add3A_1920 : i32
        %get3A_1922 = arith.index_cast %add3A_1921 : i32 to index
        %get3A_1923 = arith.constant 16 : index
        %get3A_1924 = tpu.vector_load %arg16[%get3A_1922, %get3A_1923] {strides = array<i32>} : memref<128x128xf32, #tpu.memory_space<vmem>>, vector<1x16xf32>,
        %get3A_1925 = vector.shape_cast %get3A_1924 : vector<1x16xf32> to vector<16xf32>
        %add3A_1926 = arith.constant 48 : i32
        %add3A_1927 = arith.addi %add3A_1526, %add3A_1926 : i32
        %get3A_1928 = arith.index_cast %add3A_1927 : i32 to index
        %get3A_1929 = arith.constant 16 : index
        %get3A_1930 = tpu.vector_load %arg16[%get3A_1928, %get3A_1929] {strides = array<i32>} : memref<128x128xf32, #tpu.memory_space<vmem>>, vector<1x16xf32>,
        %get3A_1931 = vector.shape_cast %get3A_1930 : vector<1x16xf32> to vector<16xf32>
        %mul3A_1932 = arith.mulf %get3A_1925, %gather3A_1585 : vector<16xf32>
        %lt3A_1933 = arith.constant 0 : i32
        %lt3A_1934 = vector.broadcast %lt3A_1933 : i32 to vector<16xi32>
        %lt3A_1935 = arith.cmpi slt, %xor3A_4, %lt3A_1934 : vector<16xi32>
        %add3A_1936 = arith.constant 16 : i32
        %add3A_1937 = vector.broadcast %add3A_1936 : i32 to vector<16xi32>
        %add3A_1938 = arith.addi %xor3A_4, %add3A_1937 : vector<16xi32>
        %select_n3A_1939 = arith.select %lt3A_1935, %add3A_1938, %xor3A_4 : vector<16xi1>, vector<16xi32>
        %broadcast_in_dim3A_1940 = vector.shape_cast %select_n3A_1939 : vector<16xi32> to vector<16x1xi32>
        %gather3A_1941 = vector.shape_cast %broadcast_in_dim3A_1940 : vector<16x1xi32> to vector<16xi32>
        %gather3A_1942 = tpu.dynamic_gather %get3A_1925[%gather3A_1941] in [0] : vector<16xf32>, vector<16xi32> -> vector<16xf32>
        %mul3A_1943 = arith.mulf %gather3A_1942, %mul3A_1607 : vector<16xf32>
        %add3A_1944 = arith.addf %mul3A_1932, %mul3A_1943 : vector<16xf32>
        %sub3A_1945 = arith.subf %add3A_1944, %get3A_1931 : vector<16xf32>
        %mul3A_1946 = arith.mulf %sub3A_1945, %sub3A_1945 : vector<16xf32>
        %add3A_1947 = arith.addf %add3A_1893, %mul3A_1946 : vector<16xf32>
        %get3A_1948 = arith.index_cast %add3A_1526 : i32 to index
        %get3A_1949 = arith.constant 32 : index
        %get3A_1950 = tpu.vector_load %arg16[%get3A_1948, %get3A_1949] {strides = array<i32>} : memref<128x128xf32, #tpu.memory_space<vmem>>, vector<1x16xf32>,
        %get3A_1951 = vector.shape_cast %get3A_1950 : vector<1x16xf32> to vector<16xf32>
        %add3A_1952 = arith.constant 16 : i32
        %add3A_1953 = arith.addi %add3A_1526, %add3A_1952 : i32
        %get3A_1954 = arith.index_cast %add3A_1953 : i32 to index
        %get3A_1955 = arith.constant 32 : index
        %get3A_1956 = tpu.vector_load %arg16[%get3A_1954, %get3A_1955] {strides = array<i32>} : memref<128x128xf32, #tpu.memory_space<vmem>>, vector<1x16xf32>,
        %get3A_1957 = vector.shape_cast %get3A_1956 : vector<1x16xf32> to vector<16xf32>
        %mul3A_1958 = arith.mulf %get3A_1951, %gather3A_1651 : vector<16xf32>
        %lt3A_1959 = arith.constant 0 : i32
        %lt3A_1960 = vector.broadcast %lt3A_1959 : i32 to vector<16xi32>
        %lt3A_1961 = arith.cmpi slt, %xor3A_4, %lt3A_1960 : vector<16xi32>
        %add3A_1962 = arith.constant 16 : i32
        %add3A_1963 = vector.broadcast %add3A_1962 : i32 to vector<16xi32>
        %add3A_1964 = arith.addi %xor3A_4, %add3A_1963 : vector<16xi32>
        %select_n3A_1965 = arith.select %lt3A_1961, %add3A_1964, %xor3A_4 : vector<16xi1>, vector<16xi32>
        %broadcast_in_dim3A_1966 = vector.shape_cast %select_n3A_1965 : vector<16xi32> to vector<16x1xi32>
        %gather3A_1967 = vector.shape_cast %broadcast_in_dim3A_1966 : vector<16x1xi32> to vector<16xi32>
        %gather3A_1968 = tpu.dynamic_gather %get3A_1951[%gather3A_1967] in [0] : vector<16xf32>, vector<16xi32> -> vector<16xf32>
        %mul3A_1969 = arith.mulf %gather3A_1968, %mul3A_1672 : vector<16xf32>
        %add3A_1970 = arith.addf %mul3A_1958, %mul3A_1969 : vector<16xf32>
        %sub3A_1971 = arith.subf %add3A_1970, %get3A_1957 : vector<16xf32>
        %mul3A_1972 = arith.mulf %sub3A_1971, %sub3A_1971 : vector<16xf32>
        %add3A_1973 = arith.addf %add3A_1919, %mul3A_1972 : vector<16xf32>
        %add3A_1974 = arith.constant 32 : i32
        %add3A_1975 = arith.addi %add3A_1526, %add3A_1974 : i32
        %get3A_1976 = arith.index_cast %add3A_1975 : i32 to index
        %get3A_1977 = arith.constant 32 : index
        %get3A_1978 = tpu.vector_load %arg16[%get3A_1976, %get3A_1977] {strides = array<i32>} : memref<128x128xf32, #tpu.memory_space<vmem>>, vector<1x16xf32>,
        %get3A_1979 = vector.shape_cast %get3A_1978 : vector<1x16xf32> to vector<16xf32>
        %add3A_1980 = arith.constant 48 : i32
        %add3A_1981 = arith.addi %add3A_1526, %add3A_1980 : i32
        %get3A_1982 = arith.index_cast %add3A_1981 : i32 to index
        %get3A_1983 = arith.constant 32 : index
        %get3A_1984 = tpu.vector_load %arg16[%get3A_1982, %get3A_1983] {strides = array<i32>} : memref<128x128xf32, #tpu.memory_space<vmem>>, vector<1x16xf32>,
        %get3A_1985 = vector.shape_cast %get3A_1984 : vector<1x16xf32> to vector<16xf32>
        %mul3A_1986 = arith.mulf %get3A_1979, %gather3A_1651 : vector<16xf32>
        %lt3A_1987 = arith.constant 0 : i32
        %lt3A_1988 = vector.broadcast %lt3A_1987 : i32 to vector<16xi32>
        %lt3A_1989 = arith.cmpi slt, %xor3A_4, %lt3A_1988 : vector<16xi32>
        %add3A_1990 = arith.constant 16 : i32
        %add3A_1991 = vector.broadcast %add3A_1990 : i32 to vector<16xi32>
        %add3A_1992 = arith.addi %xor3A_4, %add3A_1991 : vector<16xi32>
        %select_n3A_1993 = arith.select %lt3A_1989, %add3A_1992, %xor3A_4 : vector<16xi1>, vector<16xi32>
        %broadcast_in_dim3A_1994 = vector.shape_cast %select_n3A_1993 : vector<16xi32> to vector<16x1xi32>
        %gather3A_1995 = vector.shape_cast %broadcast_in_dim3A_1994 : vector<16x1xi32> to vector<16xi32>
        %gather3A_1996 = tpu.dynamic_gather %get3A_1979[%gather3A_1995] in [0] : vector<16xf32>, vector<16xi32> -> vector<16xf32>
        %mul3A_1997 = arith.mulf %gather3A_1996, %mul3A_1672 : vector<16xf32>
        %add3A_1998 = arith.addf %mul3A_1986, %mul3A_1997 : vector<16xf32>
        %sub3A_1999 = arith.subf %add3A_1998, %get3A_1985 : vector<16xf32>
        %mul3A_2000 = arith.mulf %sub3A_1999, %sub3A_1999 : vector<16xf32>
        %add3A_2001 = arith.addf %add3A_1947, %mul3A_2000 : vector<16xf32>
        %get3A_2002 = arith.index_cast %add3A_1526 : i32 to index
        %get3A_2003 = arith.constant 48 : index
        %get3A_2004 = tpu.vector_load %arg16[%get3A_2002, %get3A_2003] {strides = array<i32>} : memref<128x128xf32, #tpu.memory_space<vmem>>, vector<1x16xf32>,
        %get3A_2005 = vector.shape_cast %get3A_2004 : vector<1x16xf32> to vector<16xf32>
        %add3A_2006 = arith.constant 16 : i32
        %add3A_2007 = arith.addi %add3A_1526, %add3A_2006 : i32
        %get3A_2008 = arith.index_cast %add3A_2007 : i32 to index
        %get3A_2009 = arith.constant 48 : index
        %get3A_2010 = tpu.vector_load %arg16[%get3A_2008, %get3A_2009] {strides = array<i32>} : memref<128x128xf32, #tpu.memory_space<vmem>>, vector<1x16xf32>,
        %get3A_2011 = vector.shape_cast %get3A_2010 : vector<1x16xf32> to vector<16xf32>
        %mul3A_2012 = arith.mulf %get3A_2005, %gather3A_1661 : vector<16xf32>
        %lt3A_2013 = arith.constant 0 : i32
        %lt3A_2014 = vector.broadcast %lt3A_2013 : i32 to vector<16xi32>
        %lt3A_2015 = arith.cmpi slt, %xor3A_4, %lt3A_2014 : vector<16xi32>
        %add3A_2016 = arith.constant 16 : i32
        %add3A_2017 = vector.broadcast %add3A_2016 : i32 to vector<16xi32>
        %add3A_2018 = arith.addi %xor3A_4, %add3A_2017 : vector<16xi32>
        %select_n3A_2019 = arith.select %lt3A_2015, %add3A_2018, %xor3A_4 : vector<16xi1>, vector<16xi32>
        %broadcast_in_dim3A_2020 = vector.shape_cast %select_n3A_2019 : vector<16xi32> to vector<16x1xi32>
        %gather3A_2021 = vector.shape_cast %broadcast_in_dim3A_2020 : vector<16x1xi32> to vector<16xi32>
        %gather3A_2022 = tpu.dynamic_gather %get3A_2005[%gather3A_2021] in [0] : vector<16xf32>, vector<16xi32> -> vector<16xf32>
        %mul3A_2023 = arith.mulf %gather3A_2022, %mul3A_1683 : vector<16xf32>
        %add3A_2024 = arith.addf %mul3A_2012, %mul3A_2023 : vector<16xf32>
        %sub3A_2025 = arith.subf %add3A_2024, %get3A_2011 : vector<16xf32>
        %mul3A_2026 = arith.mulf %sub3A_2025, %sub3A_2025 : vector<16xf32>
        %add3A_2027 = arith.addf %add3A_1973, %mul3A_2026 : vector<16xf32>
        %add3A_2028 = arith.constant 32 : i32
        %add3A_2029 = arith.addi %add3A_1526, %add3A_2028 : i32
        %get3A_2030 = arith.index_cast %add3A_2029 : i32 to index
        %get3A_2031 = arith.constant 48 : index
        %get3A_2032 = tpu.vector_load %arg16[%get3A_2030, %get3A_2031] {strides = array<i32>} : memref<128x128xf32, #tpu.memory_space<vmem>>, vector<1x16xf32>,
        %get3A_2033 = vector.shape_cast %get3A_2032 : vector<1x16xf32> to vector<16xf32>
        %add3A_2034 = arith.constant 48 : i32
        %add3A_2035 = arith.addi %add3A_1526, %add3A_2034 : i32
        %get3A_2036 = arith.index_cast %add3A_2035 : i32 to index
        %get3A_2037 = arith.constant 48 : index
        %get3A_2038 = tpu.vector_load %arg16[%get3A_2036, %get3A_2037] {strides = array<i32>} : memref<128x128xf32, #tpu.memory_space<vmem>>, vector<1x16xf32>,
        %get3A_2039 = vector.shape_cast %get3A_2038 : vector<1x16xf32> to vector<16xf32>
        %mul3A_2040 = arith.mulf %get3A_2033, %gather3A_1661 : vector<16xf32>
        %lt3A_2041 = arith.constant 0 : i32
        %lt3A_2042 = vector.broadcast %lt3A_2041 : i32 to vector<16xi32>
        %lt3A_2043 = arith.cmpi slt, %xor3A_4, %lt3A_2042 : vector<16xi32>
        %add3A_2044 = arith.constant 16 : i32
        %add3A_2045 = vector.broadcast %add3A_2044 : i32 to vector<16xi32>
        %add3A_2046 = arith.addi %xor3A_4, %add3A_2045 : vector<16xi32>
        %select_n3A_2047 = arith.select %lt3A_2043, %add3A_2046, %xor3A_4 : vector<16xi1>, vector<16xi32>
        %broadcast_in_dim3A_2048 = vector.shape_cast %select_n3A_2047 : vector<16xi32> to vector<16x1xi32>
        %gather3A_2049 = vector.shape_cast %broadcast_in_dim3A_2048 : vector<16x1xi32> to vector<16xi32>
        %gather3A_2050 = tpu.dynamic_gather %get3A_2033[%gather3A_2049] in [0] : vector<16xf32>, vector<16xi32> -> vector<16xf32>
        %mul3A_2051 = arith.mulf %gather3A_2050, %mul3A_1683 : vector<16xf32>
        %add3A_2052 = arith.addf %mul3A_2040, %mul3A_2051 : vector<16xf32>
        %sub3A_2053 = arith.subf %add3A_2052, %get3A_2039 : vector<16xf32>
        %mul3A_2054 = arith.mulf %sub3A_2053, %sub3A_2053 : vector<16xf32>
        %add3A_2055 = arith.addf %add3A_2001, %mul3A_2054 : vector<16xf32>
        %get3A_2056 = arith.index_cast %add3A_1526 : i32 to index
        %get3A_2057 = arith.constant 64 : index
        %get3A_2058 = tpu.vector_load %arg16[%get3A_2056, %get3A_2057] {strides = array<i32>} : memref<128x128xf32, #tpu.memory_space<vmem>>, vector<1x16xf32>,
        %get3A_2059 = vector.shape_cast %get3A_2058 : vector<1x16xf32> to vector<16xf32>
        %add3A_2060 = arith.constant 16 : i32
        %add3A_2061 = arith.addi %add3A_1526, %add3A_2060 : i32
        %get3A_2062 = arith.index_cast %add3A_2061 : i32 to index
        %get3A_2063 = arith.constant 64 : index
        %get3A_2064 = tpu.vector_load %arg16[%get3A_2062, %get3A_2063] {strides = array<i32>} : memref<128x128xf32, #tpu.memory_space<vmem>>, vector<1x16xf32>,
        %get3A_2065 = vector.shape_cast %get3A_2064 : vector<1x16xf32> to vector<16xf32>
        %mul3A_2066 = arith.mulf %get3A_2059, %gather3A_1727 : vector<16xf32>
        %lt3A_2067 = arith.constant 0 : i32
        %lt3A_2068 = vector.broadcast %lt3A_2067 : i32 to vector<16xi32>
        %lt3A_2069 = arith.cmpi slt, %xor3A_4, %lt3A_2068 : vector<16xi32>
        %add3A_2070 = arith.constant 16 : i32
        %add3A_2071 = vector.broadcast %add3A_2070 : i32 to vector<16xi32>
        %add3A_2072 = arith.addi %xor3A_4, %add3A_2071 : vector<16xi32>
        %select_n3A_2073 = arith.select %lt3A_2069, %add3A_2072, %xor3A_4 : vector<16xi1>, vector<16xi32>
        %broadcast_in_dim3A_2074 = vector.shape_cast %select_n3A_2073 : vector<16xi32> to vector<16x1xi32>
        %gather3A_2075 = vector.shape_cast %broadcast_in_dim3A_2074 : vector<16x1xi32> to vector<16xi32>
        %gather3A_2076 = tpu.dynamic_gather %get3A_2059[%gather3A_2075] in [0] : vector<16xf32>, vector<16xi32> -> vector<16xf32>
        %mul3A_2077 = arith.mulf %gather3A_2076, %mul3A_1748 : vector<16xf32>
        %add3A_2078 = arith.addf %mul3A_2066, %mul3A_2077 : vector<16xf32>
        %sub3A_2079 = arith.subf %add3A_2078, %get3A_2065 : vector<16xf32>
        %mul3A_2080 = arith.mulf %sub3A_2079, %sub3A_2079 : vector<16xf32>
        %add3A_2081 = arith.addf %add3A_2027, %mul3A_2080 : vector<16xf32>
        %add3A_2082 = arith.constant 32 : i32
        %add3A_2083 = arith.addi %add3A_1526, %add3A_2082 : i32
        %get3A_2084 = arith.index_cast %add3A_2083 : i32 to index
        %get3A_2085 = arith.constant 64 : index
        %get3A_2086 = tpu.vector_load %arg16[%get3A_2084, %get3A_2085] {strides = array<i32>} : memref<128x128xf32, #tpu.memory_space<vmem>>, vector<1x16xf32>,
        %get3A_2087 = vector.shape_cast %get3A_2086 : vector<1x16xf32> to vector<16xf32>
        %add3A_2088 = arith.constant 48 : i32
        %add3A_2089 = arith.addi %add3A_1526, %add3A_2088 : i32
        %get3A_2090 = arith.index_cast %add3A_2089 : i32 to index
        %get3A_2091 = arith.constant 64 : index
        %get3A_2092 = tpu.vector_load %arg16[%get3A_2090, %get3A_2091] {strides = array<i32>} : memref<128x128xf32, #tpu.memory_space<vmem>>, vector<1x16xf32>,
        %get3A_2093 = vector.shape_cast %get3A_2092 : vector<1x16xf32> to vector<16xf32>
        %mul3A_2094 = arith.mulf %get3A_2087, %gather3A_1727 : vector<16xf32>
        %lt3A_2095 = arith.constant 0 : i32
        %lt3A_2096 = vector.broadcast %lt3A_2095 : i32 to vector<16xi32>
        %lt3A_2097 = arith.cmpi slt, %xor3A_4, %lt3A_2096 : vector<16xi32>
        %add3A_2098 = arith.constant 16 : i32
        %add3A_2099 = vector.broadcast %add3A_2098 : i32 to vector<16xi32>
        %add3A_2100 = arith.addi %xor3A_4, %add3A_2099 : vector<16xi32>
        %select_n3A_2101 = arith.select %lt3A_2097, %add3A_2100, %xor3A_4 : vector<16xi1>, vector<16xi32>
        %broadcast_in_dim3A_2102 = vector.shape_cast %select_n3A_2101 : vector<16xi32> to vector<16x1xi32>
        %gather3A_2103 = vector.shape_cast %broadcast_in_dim3A_2102 : vector<16x1xi32> to vector<16xi32>
        %gather3A_2104 = tpu.dynamic_gather %get3A_2087[%gather3A_2103] in [0] : vector<16xf32>, vector<16xi32> -> vector<16xf32>
        %mul3A_2105 = arith.mulf %gather3A_2104, %mul3A_1748 : vector<16xf32>
        %add3A_2106 = arith.addf %mul3A_2094, %mul3A_2105 : vector<16xf32>
        %sub3A_2107 = arith.subf %add3A_2106, %get3A_2093 : vector<16xf32>
        %mul3A_2108 = arith.mulf %sub3A_2107, %sub3A_2107 : vector<16xf32>
        %add3A_2109 = arith.addf %add3A_2055, %mul3A_2108 : vector<16xf32>
        %get3A_2110 = arith.index_cast %add3A_1526 : i32 to index
        %get3A_2111 = arith.constant 80 : index
        %get3A_2112 = tpu.vector_load %arg16[%get3A_2110, %get3A_2111] {strides = array<i32>} : memref<128x128xf32, #tpu.memory_space<vmem>>, vector<1x16xf32>,
        %get3A_2113 = vector.shape_cast %get3A_2112 : vector<1x16xf32> to vector<16xf32>
        %add3A_2114 = arith.constant 16 : i32
        %add3A_2115 = arith.addi %add3A_1526, %add3A_2114 : i32
        %get3A_2116 = arith.index_cast %add3A_2115 : i32 to index
        %get3A_2117 = arith.constant 80 : index
        %get3A_2118 = tpu.vector_load %arg16[%get3A_2116, %get3A_2117] {strides = array<i32>} : memref<128x128xf32, #tpu.memory_space<vmem>>, vector<1x16xf32>,
        %get3A_2119 = vector.shape_cast %get3A_2118 : vector<1x16xf32> to vector<16xf32>
        %mul3A_2120 = arith.mulf %get3A_2113, %gather3A_1737 : vector<16xf32>
        %lt3A_2121 = arith.constant 0 : i32
        %lt3A_2122 = vector.broadcast %lt3A_2121 : i32 to vector<16xi32>
        %lt3A_2123 = arith.cmpi slt, %xor3A_4, %lt3A_2122 : vector<16xi32>
        %add3A_2124 = arith.constant 16 : i32
        %add3A_2125 = vector.broadcast %add3A_2124 : i32 to vector<16xi32>
        %add3A_2126 = arith.addi %xor3A_4, %add3A_2125 : vector<16xi32>
        %select_n3A_2127 = arith.select %lt3A_2123, %add3A_2126, %xor3A_4 : vector<16xi1>, vector<16xi32>
        %broadcast_in_dim3A_2128 = vector.shape_cast %select_n3A_2127 : vector<16xi32> to vector<16x1xi32>
        %gather3A_2129 = vector.shape_cast %broadcast_in_dim3A_2128 : vector<16x1xi32> to vector<16xi32>
        %gather3A_2130 = tpu.dynamic_gather %get3A_2113[%gather3A_2129] in [0] : vector<16xf32>, vector<16xi32> -> vector<16xf32>
        %mul3A_2131 = arith.mulf %gather3A_2130, %mul3A_1759 : vector<16xf32>
        %add3A_2132 = arith.addf %mul3A_2120, %mul3A_2131 : vector<16xf32>
        %sub3A_2133 = arith.subf %add3A_2132, %get3A_2119 : vector<16xf32>
        %mul3A_2134 = arith.mulf %sub3A_2133, %sub3A_2133 : vector<16xf32>
        %add3A_2135 = arith.addf %add3A_2081, %mul3A_2134 : vector<16xf32>
        %add3A_2136 = arith.constant 32 : i32
        %add3A_2137 = arith.addi %add3A_1526, %add3A_2136 : i32
        %get3A_2138 = arith.index_cast %add3A_2137 : i32 to index
        %get3A_2139 = arith.constant 80 : index
        %get3A_2140 = tpu.vector_load %arg16[%get3A_2138, %get3A_2139] {strides = array<i32>} : memref<128x128xf32, #tpu.memory_space<vmem>>, vector<1x16xf32>,
        %get3A_2141 = vector.shape_cast %get3A_2140 : vector<1x16xf32> to vector<16xf32>
        %add3A_2142 = arith.constant 48 : i32
        %add3A_2143 = arith.addi %add3A_1526, %add3A_2142 : i32
        %get3A_2144 = arith.index_cast %add3A_2143 : i32 to index
        %get3A_2145 = arith.constant 80 : index
        %get3A_2146 = tpu.vector_load %arg16[%get3A_2144, %get3A_2145] {strides = array<i32>} : memref<128x128xf32, #tpu.memory_space<vmem>>, vector<1x16xf32>,
        %get3A_2147 = vector.shape_cast %get3A_2146 : vector<1x16xf32> to vector<16xf32>
        %mul3A_2148 = arith.mulf %get3A_2141, %gather3A_1737 : vector<16xf32>
        %lt3A_2149 = arith.constant 0 : i32
        %lt3A_2150 = vector.broadcast %lt3A_2149 : i32 to vector<16xi32>
        %lt3A_2151 = arith.cmpi slt, %xor3A_4, %lt3A_2150 : vector<16xi32>
        %add3A_2152 = arith.constant 16 : i32
        %add3A_2153 = vector.broadcast %add3A_2152 : i32 to vector<16xi32>
        %add3A_2154 = arith.addi %xor3A_4, %add3A_2153 : vector<16xi32>
        %select_n3A_2155 = arith.select %lt3A_2151, %add3A_2154, %xor3A_4 : vector<16xi1>, vector<16xi32>
        %broadcast_in_dim3A_2156 = vector.shape_cast %select_n3A_2155 : vector<16xi32> to vector<16x1xi32>
        %gather3A_2157 = vector.shape_cast %broadcast_in_dim3A_2156 : vector<16x1xi32> to vector<16xi32>
        %gather3A_2158 = tpu.dynamic_gather %get3A_2141[%gather3A_2157] in [0] : vector<16xf32>, vector<16xi32> -> vector<16xf32>
        %mul3A_2159 = arith.mulf %gather3A_2158, %mul3A_1759 : vector<16xf32>
        %add3A_2160 = arith.addf %mul3A_2148, %mul3A_2159 : vector<16xf32>
        %sub3A_2161 = arith.subf %add3A_2160, %get3A_2147 : vector<16xf32>
        %mul3A_2162 = arith.mulf %sub3A_2161, %sub3A_2161 : vector<16xf32>
        %add3A_2163 = arith.addf %add3A_2109, %mul3A_2162 : vector<16xf32>
        %get3A_2164 = arith.index_cast %add3A_1526 : i32 to index
        %get3A_2165 = arith.constant 96 : index
        %get3A_2166 = tpu.vector_load %arg16[%get3A_2164, %get3A_2165] {strides = array<i32>} : memref<128x128xf32, #tpu.memory_space<vmem>>, vector<1x16xf32>,
        %get3A_2167 = vector.shape_cast %get3A_2166 : vector<1x16xf32> to vector<16xf32>
        %add3A_2168 = arith.constant 16 : i32
        %add3A_2169 = arith.addi %add3A_1526, %add3A_2168 : i32
        %get3A_2170 = arith.index_cast %add3A_2169 : i32 to index
        %get3A_2171 = arith.constant 96 : index
        %get3A_2172 = tpu.vector_load %arg16[%get3A_2170, %get3A_2171] {strides = array<i32>} : memref<128x128xf32, #tpu.memory_space<vmem>>, vector<1x16xf32>,
        %get3A_2173 = vector.shape_cast %get3A_2172 : vector<1x16xf32> to vector<16xf32>
        %mul3A_2174 = arith.mulf %get3A_2167, %gather3A_1803 : vector<16xf32>
        %lt3A_2175 = arith.constant 0 : i32
        %lt3A_2176 = vector.broadcast %lt3A_2175 : i32 to vector<16xi32>
        %lt3A_2177 = arith.cmpi slt, %xor3A_4, %lt3A_2176 : vector<16xi32>
        %add3A_2178 = arith.constant 16 : i32
        %add3A_2179 = vector.broadcast %add3A_2178 : i32 to vector<16xi32>
        %add3A_2180 = arith.addi %xor3A_4, %add3A_2179 : vector<16xi32>
        %select_n3A_2181 = arith.select %lt3A_2177, %add3A_2180, %xor3A_4 : vector<16xi1>, vector<16xi32>
        %broadcast_in_dim3A_2182 = vector.shape_cast %select_n3A_2181 : vector<16xi32> to vector<16x1xi32>
        %gather3A_2183 = vector.shape_cast %broadcast_in_dim3A_2182 : vector<16x1xi32> to vector<16xi32>
        %gather3A_2184 = tpu.dynamic_gather %get3A_2167[%gather3A_2183] in [0] : vector<16xf32>, vector<16xi32> -> vector<16xf32>
        %mul3A_2185 = arith.mulf %gather3A_2184, %mul3A_1824 : vector<16xf32>
        %add3A_2186 = arith.addf %mul3A_2174, %mul3A_2185 : vector<16xf32>
        %sub3A_2187 = arith.subf %add3A_2186, %get3A_2173 : vector<16xf32>
        %mul3A_2188 = arith.mulf %sub3A_2187, %sub3A_2187 : vector<16xf32>
        %add3A_2189 = arith.addf %add3A_2135, %mul3A_2188 : vector<16xf32>
        %add3A_2190 = arith.constant 32 : i32
        %add3A_2191 = arith.addi %add3A_1526, %add3A_2190 : i32
        %get3A_2192 = arith.index_cast %add3A_2191 : i32 to index
        %get3A_2193 = arith.constant 96 : index
        %get3A_2194 = tpu.vector_load %arg16[%get3A_2192, %get3A_2193] {strides = array<i32>} : memref<128x128xf32, #tpu.memory_space<vmem>>, vector<1x16xf32>,
        %get3A_2195 = vector.shape_cast %get3A_2194 : vector<1x16xf32> to vector<16xf32>
        %add3A_2196 = arith.constant 48 : i32
        %add3A_2197 = arith.addi %add3A_1526, %add3A_2196 : i32
        %get3A_2198 = arith.index_cast %add3A_2197 : i32 to index
        %get3A_2199 = arith.constant 96 : index
        %get3A_2200 = tpu.vector_load %arg16[%get3A_2198, %get3A_2199] {strides = array<i32>} : memref<128x128xf32, #tpu.memory_space<vmem>>, vector<1x16xf32>,
        %get3A_2201 = vector.shape_cast %get3A_2200 : vector<1x16xf32> to vector<16xf32>
        %mul3A_2202 = arith.mulf %get3A_2195, %gather3A_1803 : vector<16xf32>
        %lt3A_2203 = arith.constant 0 : i32
        %lt3A_2204 = vector.broadcast %lt3A_2203 : i32 to vector<16xi32>
        %lt3A_2205 = arith.cmpi slt, %xor3A_4, %lt3A_2204 : vector<16xi32>
        %add3A_2206 = arith.constant 16 : i32
        %add3A_2207 = vector.broadcast %add3A_2206 : i32 to vector<16xi32>
        %add3A_2208 = arith.addi %xor3A_4, %add3A_2207 : vector<16xi32>
        %select_n3A_2209 = arith.select %lt3A_2205, %add3A_2208, %xor3A_4 : vector<16xi1>, vector<16xi32>
        %broadcast_in_dim3A_2210 = vector.shape_cast %select_n3A_2209 : vector<16xi32> to vector<16x1xi32>
        %gather3A_2211 = vector.shape_cast %broadcast_in_dim3A_2210 : vector<16x1xi32> to vector<16xi32>
        %gather3A_2212 = tpu.dynamic_gather %get3A_2195[%gather3A_2211] in [0] : vector<16xf32>, vector<16xi32> -> vector<16xf32>
        %mul3A_2213 = arith.mulf %gather3A_2212, %mul3A_1824 : vector<16xf32>
        %add3A_2214 = arith.addf %mul3A_2202, %mul3A_2213 : vector<16xf32>
        %sub3A_2215 = arith.subf %add3A_2214, %get3A_2201 : vector<16xf32>
        %mul3A_2216 = arith.mulf %sub3A_2215, %sub3A_2215 : vector<16xf32>
        %add3A_2217 = arith.addf %add3A_2163, %mul3A_2216 : vector<16xf32>
        %get3A_2218 = arith.index_cast %add3A_1526 : i32 to index
        %get3A_2219 = arith.constant 112 : index
        %get3A_2220 = tpu.vector_load %arg16[%get3A_2218, %get3A_2219] {strides = array<i32>} : memref<128x128xf32, #tpu.memory_space<vmem>>, vector<1x16xf32>,
        %get3A_2221 = vector.shape_cast %get3A_2220 : vector<1x16xf32> to vector<16xf32>
        %add3A_2222 = arith.constant 16 : i32
        %add3A_2223 = arith.addi %add3A_1526, %add3A_2222 : i32
        %get3A_2224 = arith.index_cast %add3A_2223 : i32 to index
        %get3A_2225 = arith.constant 112 : index
        %get3A_2226 = tpu.vector_load %arg16[%get3A_2224, %get3A_2225] {strides = array<i32>} : memref<128x128xf32, #tpu.memory_space<vmem>>, vector<1x16xf32>,
        %get3A_2227 = vector.shape_cast %get3A_2226 : vector<1x16xf32> to vector<16xf32>
        %mul3A_2228 = arith.mulf %get3A_2221, %gather3A_1813 : vector<16xf32>
        %lt3A_2229 = arith.constant 0 : i32
        %lt3A_2230 = vector.broadcast %lt3A_2229 : i32 to vector<16xi32>
        %lt3A_2231 = arith.cmpi slt, %xor3A_4, %lt3A_2230 : vector<16xi32>
        %add3A_2232 = arith.constant 16 : i32
        %add3A_2233 = vector.broadcast %add3A_2232 : i32 to vector<16xi32>
        %add3A_2234 = arith.addi %xor3A_4, %add3A_2233 : vector<16xi32>
        %select_n3A_2235 = arith.select %lt3A_2231, %add3A_2234, %xor3A_4 : vector<16xi1>, vector<16xi32>
        %broadcast_in_dim3A_2236 = vector.shape_cast %select_n3A_2235 : vector<16xi32> to vector<16x1xi32>
        %gather3A_2237 = vector.shape_cast %broadcast_in_dim3A_2236 : vector<16x1xi32> to vector<16xi32>
        %gather3A_2238 = tpu.dynamic_gather %get3A_2221[%gather3A_2237] in [0] : vector<16xf32>, vector<16xi32> -> vector<16xf32>
        %mul3A_2239 = arith.mulf %gather3A_2238, %mul3A_1835 : vector<16xf32>
        %add3A_2240 = arith.addf %mul3A_2228, %mul3A_2239 : vector<16xf32>
        %sub3A_2241 = arith.subf %add3A_2240, %get3A_2227 : vector<16xf32>
        %mul3A_2242 = arith.mulf %sub3A_2241, %sub3A_2241 : vector<16xf32>
        %add3A_2243 = arith.addf %add3A_2189, %mul3A_2242 : vector<16xf32>
        %add3A_2244 = arith.constant 32 : i32
        %add3A_2245 = arith.addi %add3A_1526, %add3A_2244 : i32
        %get3A_2246 = arith.index_cast %add3A_2245 : i32 to index
        %get3A_2247 = arith.constant 112 : index
        %get3A_2248 = tpu.vector_load %arg16[%get3A_2246, %get3A_2247] {strides = array<i32>} : memref<128x128xf32, #tpu.memory_space<vmem>>, vector<1x16xf32>,
        %get3A_2249 = vector.shape_cast %get3A_2248 : vector<1x16xf32> to vector<16xf32>
        %add3A_2250 = arith.constant 48 : i32
        %add3A_2251 = arith.addi %add3A_1526, %add3A_2250 : i32
        %get3A_2252 = arith.index_cast %add3A_2251 : i32 to index
        %get3A_2253 = arith.constant 112 : index
        %get3A_2254 = tpu.vector_load %arg16[%get3A_2252, %get3A_2253] {strides = array<i32>} : memref<128x128xf32, #tpu.memory_space<vmem>>, vector<1x16xf32>,
        %get3A_2255 = vector.shape_cast %get3A_2254 : vector<1x16xf32> to vector<16xf32>
        %mul3A_2256 = arith.mulf %get3A_2249, %gather3A_1813 : vector<16xf32>
        %lt3A_2257 = arith.constant 0 : i32
        %lt3A_2258 = vector.broadcast %lt3A_2257 : i32 to vector<16xi32>
        %lt3A_2259 = arith.cmpi slt, %xor3A_4, %lt3A_2258 : vector<16xi32>
        %add3A_2260 = arith.constant 16 : i32
        %add3A_2261 = vector.broadcast %add3A_2260 : i32 to vector<16xi32>
        %add3A_2262 = arith.addi %xor3A_4, %add3A_2261 : vector<16xi32>
        %select_n3A_2263 = arith.select %lt3A_2259, %add3A_2262, %xor3A_4 : vector<16xi1>, vector<16xi32>
        %broadcast_in_dim3A_2264 = vector.shape_cast %select_n3A_2263 : vector<16xi32> to vector<16x1xi32>
        %gather3A_2265 = vector.shape_cast %broadcast_in_dim3A_2264 : vector<16x1xi32> to vector<16xi32>
        %gather3A_2266 = tpu.dynamic_gather %get3A_2249[%gather3A_2265] in [0] : vector<16xf32>, vector<16xi32> -> vector<16xf32>
        %mul3A_2267 = arith.mulf %gather3A_2266, %mul3A_1835 : vector<16xf32>
        %add3A_2268 = arith.addf %mul3A_2256, %mul3A_2267 : vector<16xf32>
        %sub3A_2269 = arith.subf %add3A_2268, %get3A_2255 : vector<16xf32>
        %mul3A_2270 = arith.mulf %sub3A_2269, %sub3A_2269 : vector<16xf32>
        %add3A_2271 = arith.addf %add3A_2217, %mul3A_2270 : vector<16xf32>
        %lt3A_2272 = arith.constant 0 : i32
        %lt3A_2273 = vector.broadcast %lt3A_2272 : i32 to vector<16xi32>
        %lt3A_2274 = arith.cmpi slt, %xor3A_24, %lt3A_2273 : vector<16xi32>
        %add3A_2275 = arith.constant 16 : i32
        %add3A_2276 = vector.broadcast %add3A_2275 : i32 to vector<16xi32>
        %add3A_2277 = arith.addi %xor3A_24, %add3A_2276 : vector<16xi32>
        %select_n3A_2278 = arith.select %lt3A_2274, %add3A_2277, %xor3A_24 : vector<16xi1>, vector<16xi32>
        %broadcast_in_dim3A_2279 = vector.shape_cast %select_n3A_2278 : vector<16xi32> to vector<16x1xi32>
        %gather3A_2280 = vector.shape_cast %broadcast_in_dim3A_2279 : vector<16x1xi32> to vector<16xi32>
        %gather3A_2281 = tpu.dynamic_gather %add3A_2243[%gather3A_2280] in [0] : vector<16xf32>, vector<16xi32> -> vector<16xf32>
        %add3A_2282 = arith.addf %add3A_2243, %gather3A_2281 : vector<16xf32>
        %lt3A_2283 = arith.constant 0 : i32
        %lt3A_2284 = vector.broadcast %lt3A_2283 : i32 to vector<16xi32>
        %lt3A_2285 = arith.cmpi slt, %xor3A_27, %lt3A_2284 : vector<16xi32>
        %add3A_2286 = arith.constant 16 : i32
        %add3A_2287 = vector.broadcast %add3A_2286 : i32 to vector<16xi32>
        %add3A_2288 = arith.addi %xor3A_27, %add3A_2287 : vector<16xi32>
        %select_n3A_2289 = arith.select %lt3A_2285, %add3A_2288, %xor3A_27 : vector<16xi1>, vector<16xi32>
        %broadcast_in_dim3A_2290 = vector.shape_cast %select_n3A_2289 : vector<16xi32> to vector<16x1xi32>
        %gather3A_2291 = vector.shape_cast %broadcast_in_dim3A_2290 : vector<16x1xi32> to vector<16xi32>
        %gather3A_2292 = tpu.dynamic_gather %add3A_2282[%gather3A_2291] in [0] : vector<16xf32>, vector<16xi32> -> vector<16xf32>
        %add3A_2293 = arith.addf %add3A_2282, %gather3A_2292 : vector<16xf32>
        %lt3A_2294 = arith.constant 0 : i32
        %lt3A_2295 = vector.broadcast %lt3A_2294 : i32 to vector<16xi32>
        %lt3A_2296 = arith.cmpi slt, %xor3A_30, %lt3A_2295 : vector<16xi32>
        %add3A_2297 = arith.constant 16 : i32
        %add3A_2298 = vector.broadcast %add3A_2297 : i32 to vector<16xi32>
        %add3A_2299 = arith.addi %xor3A_30, %add3A_2298 : vector<16xi32>
        %select_n3A_2300 = arith.select %lt3A_2296, %add3A_2299, %xor3A_30 : vector<16xi1>, vector<16xi32>
        %broadcast_in_dim3A_2301 = vector.shape_cast %select_n3A_2300 : vector<16xi32> to vector<16x1xi32>
        %gather3A_2302 = vector.shape_cast %broadcast_in_dim3A_2301 : vector<16x1xi32> to vector<16xi32>
        %gather3A_2303 = tpu.dynamic_gather %add3A_2293[%gather3A_2302] in [0] : vector<16xf32>, vector<16xi32> -> vector<16xf32>
        %add3A_2304 = arith.addf %add3A_2293, %gather3A_2303 : vector<16xf32>
        %lt3A_2305 = arith.constant 0 : i32
        %lt3A_2306 = vector.broadcast %lt3A_2305 : i32 to vector<16xi32>
        %lt3A_2307 = arith.cmpi slt, %and3A_18, %lt3A_2306 : vector<16xi32>
        %add3A_2308 = arith.constant 16 : i32
        %add3A_2309 = vector.broadcast %add3A_2308 : i32 to vector<16xi32>
        %add3A_2310 = arith.addi %and3A_18, %add3A_2309 : vector<16xi32>
        %select_n3A_2311 = arith.select %lt3A_2307, %add3A_2310, %and3A_18 : vector<16xi1>, vector<16xi32>
        %broadcast_in_dim3A_2312 = vector.shape_cast %select_n3A_2311 : vector<16xi32> to vector<16x1xi32>
        %gather3A_2313 = vector.shape_cast %broadcast_in_dim3A_2312 : vector<16x1xi32> to vector<16xi32>
        %gather3A_2314 = tpu.dynamic_gather %add3A_2304[%gather3A_2313] in [0] : vector<16xf32>, vector<16xi32> -> vector<16xf32>
        %lt3A_2315 = arith.constant 0 : i32
        %lt3A_2316 = vector.broadcast %lt3A_2315 : i32 to vector<16xi32>
        %lt3A_2317 = arith.cmpi slt, %add3A_21, %lt3A_2316 : vector<16xi32>
        %add3A_2318 = arith.constant 16 : i32
        %add3A_2319 = vector.broadcast %add3A_2318 : i32 to vector<16xi32>
        %add3A_2320 = arith.addi %add3A_21, %add3A_2319 : vector<16xi32>
        %select_n3A_2321 = arith.select %lt3A_2317, %add3A_2320, %add3A_21 : vector<16xi1>, vector<16xi32>
        %broadcast_in_dim3A_2322 = vector.shape_cast %select_n3A_2321 : vector<16xi32> to vector<16x1xi32>
        %gather3A_2323 = vector.shape_cast %broadcast_in_dim3A_2322 : vector<16x1xi32> to vector<16xi32>
        %gather3A_2324 = tpu.dynamic_gather %add3A_2304[%gather3A_2323] in [0] : vector<16xf32>, vector<16xi32> -> vector<16xf32>
        %lt3A_2325 = arith.constant 0 : i32
        %lt3A_2326 = vector.broadcast %lt3A_2325 : i32 to vector<16xi32>
        %lt3A_2327 = arith.cmpi slt, %xor3A_24, %lt3A_2326 : vector<16xi32>
        %add3A_2328 = arith.constant 16 : i32
        %add3A_2329 = vector.broadcast %add3A_2328 : i32 to vector<16xi32>
        %add3A_2330 = arith.addi %xor3A_24, %add3A_2329 : vector<16xi32>
        %select_n3A_2331 = arith.select %lt3A_2327, %add3A_2330, %xor3A_24 : vector<16xi1>, vector<16xi32>
        %broadcast_in_dim3A_2332 = vector.shape_cast %select_n3A_2331 : vector<16xi32> to vector<16x1xi32>
        %gather3A_2333 = vector.shape_cast %broadcast_in_dim3A_2332 : vector<16x1xi32> to vector<16xi32>
        %gather3A_2334 = tpu.dynamic_gather %add3A_2271[%gather3A_2333] in [0] : vector<16xf32>, vector<16xi32> -> vector<16xf32>
        %add3A_2335 = arith.addf %add3A_2271, %gather3A_2334 : vector<16xf32>
        %lt3A_2336 = arith.constant 0 : i32
        %lt3A_2337 = vector.broadcast %lt3A_2336 : i32 to vector<16xi32>
        %lt3A_2338 = arith.cmpi slt, %xor3A_27, %lt3A_2337 : vector<16xi32>
        %add3A_2339 = arith.constant 16 : i32
        %add3A_2340 = vector.broadcast %add3A_2339 : i32 to vector<16xi32>
        %add3A_2341 = arith.addi %xor3A_27, %add3A_2340 : vector<16xi32>
        %select_n3A_2342 = arith.select %lt3A_2338, %add3A_2341, %xor3A_27 : vector<16xi1>, vector<16xi32>
        %broadcast_in_dim3A_2343 = vector.shape_cast %select_n3A_2342 : vector<16xi32> to vector<16x1xi32>
        %gather3A_2344 = vector.shape_cast %broadcast_in_dim3A_2343 : vector<16x1xi32> to vector<16xi32>
        %gather3A_2345 = tpu.dynamic_gather %add3A_2335[%gather3A_2344] in [0] : vector<16xf32>, vector<16xi32> -> vector<16xf32>
        %add3A_2346 = arith.addf %add3A_2335, %gather3A_2345 : vector<16xf32>
        %lt3A_2347 = arith.constant 0 : i32
        %lt3A_2348 = vector.broadcast %lt3A_2347 : i32 to vector<16xi32>
        %lt3A_2349 = arith.cmpi slt, %xor3A_30, %lt3A_2348 : vector<16xi32>
        %add3A_2350 = arith.constant 16 : i32
        %add3A_2351 = vector.broadcast %add3A_2350 : i32 to vector<16xi32>
        %add3A_2352 = arith.addi %xor3A_30, %add3A_2351 : vector<16xi32>
        %select_n3A_2353 = arith.select %lt3A_2349, %add3A_2352, %xor3A_30 : vector<16xi1>, vector<16xi32>
        %broadcast_in_dim3A_2354 = vector.shape_cast %select_n3A_2353 : vector<16xi32> to vector<16x1xi32>
        %gather3A_2355 = vector.shape_cast %broadcast_in_dim3A_2354 : vector<16x1xi32> to vector<16xi32>
        %gather3A_2356 = tpu.dynamic_gather %add3A_2346[%gather3A_2355] in [0] : vector<16xf32>, vector<16xi32> -> vector<16xf32>
        %add3A_2357 = arith.addf %add3A_2346, %gather3A_2356 : vector<16xf32>
        %lt3A_2358 = arith.constant 0 : i32
        %lt3A_2359 = vector.broadcast %lt3A_2358 : i32 to vector<16xi32>
        %lt3A_2360 = arith.cmpi slt, %and3A_18, %lt3A_2359 : vector<16xi32>
        %add3A_2361 = arith.constant 16 : i32
        %add3A_2362 = vector.broadcast %add3A_2361 : i32 to vector<16xi32>
        %add3A_2363 = arith.addi %and3A_18, %add3A_2362 : vector<16xi32>
        %select_n3A_2364 = arith.select %lt3A_2360, %add3A_2363, %and3A_18 : vector<16xi1>, vector<16xi32>
        %broadcast_in_dim3A_2365 = vector.shape_cast %select_n3A_2364 : vector<16xi32> to vector<16x1xi32>
        %gather3A_2366 = vector.shape_cast %broadcast_in_dim3A_2365 : vector<16x1xi32> to vector<16xi32>
        %gather3A_2367 = tpu.dynamic_gather %add3A_2357[%gather3A_2366] in [0] : vector<16xf32>, vector<16xi32> -> vector<16xf32>
        %lt3A_2368 = arith.constant 0 : i32
        %lt3A_2369 = vector.broadcast %lt3A_2368 : i32 to vector<16xi32>
        %lt3A_2370 = arith.cmpi slt, %add3A_21, %lt3A_2369 : vector<16xi32>
        %add3A_2371 = arith.constant 16 : i32
        %add3A_2372 = vector.broadcast %add3A_2371 : i32 to vector<16xi32>
        %add3A_2373 = arith.addi %add3A_21, %add3A_2372 : vector<16xi32>
        %select_n3A_2374 = arith.select %lt3A_2370, %add3A_2373, %add3A_21 : vector<16xi1>, vector<16xi32>
        %broadcast_in_dim3A_2375 = vector.shape_cast %select_n3A_2374 : vector<16xi32> to vector<16x1xi32>
        %gather3A_2376 = vector.shape_cast %broadcast_in_dim3A_2375 : vector<16x1xi32> to vector<16xi32>
        %gather3A_2377 = tpu.dynamic_gather %add3A_2357[%gather3A_2376] in [0] : vector<16xf32>, vector<16xi32> -> vector<16xf32>
        %eq3A_2378 = vector.broadcast %scan3A_1517 : i32 to vector<16xi32>
        %eq3A_2379 = arith.cmpi eq, %iota3A, %eq3A_2378 : vector<16xi32>
        %select_n3A_2380 = arith.select %eq3A_2379, %gather3A_2314, %scan3A_1518 : vector<16xi1>, vector<16xf32>
        %select_n3A_2381 = arith.select %eq3A_2379, %gather3A_2324, %scan3A_1519 : vector<16xi1>, vector<16xf32>
        %select_n3A_2382 = arith.select %eq3A_2379, %gather3A_2367, %scan3A_1520 : vector<16xi1>, vector<16xf32>
        %select_n3A_2383 = arith.select %eq3A_2379, %gather3A_2377, %scan3A_1521 : vector<16xi1>, vector<16xf32>
        scf.yield %select_n3A_2380, %select_n3A_2381, %select_n3A_2382, %select_n3A_2383 : vector<16xf32>, vector<16xf32>, vector<16xf32>, vector<16xf32>
      }
      %scan3A_871 = arith.constant 16 : i32
      %mul3A_872 = arith.constant 16 : i32
      %mul3A_873 = arith.muli %mul3A_861, %mul3A_872 : i32
      %mul3A_874 = arith.constant 16 : i32
      %mul3A_875 = arith.muli %scan3A_863, %mul3A_874 : i32
      %add3A_876 = arith.addi %mul3A_873, %mul3A_875 : i32
      %max3A = arith.constant 9.99999996E-13 : f32
      %max3A_877 = vector.broadcast %max3A : f32 to vector<16xf32>
      %max3A_878 = arith.maximumf %scan3A_870#0, %max3A_877 : vector<16xf32>
      %bitcast_convert_type3A = tpu.bitcast %max3A_878 : vector<16xf32> -> vector<16xi32>
      %shift_right_logical3A_879 = arith.constant 1 : i32
      %shift_right_logical3A_880 = vector.broadcast %shift_right_logical3A_879 : i32 to vector<16xi32>
      %shift_right_logical3A_881 = arith.shrui %bitcast_convert_type3A, %shift_right_logical3A_880 : vector<16xi32>
      %sub3A_882 = arith.constant 1597463007 : i32
      %sub3A_883 = vector.broadcast %sub3A_882 : i32 to vector<16xi32>
      %sub3A_884 = arith.subi %sub3A_883, %shift_right_logical3A_881 : vector<16xi32>
      %bitcast_convert_type3A_885 = tpu.bitcast %sub3A_884 : vector<16xi32> -> vector<16xf32>
      %mul3A_886 = arith.constant 5.000000e-01 : f32
      %mul3A_887 = vector.broadcast %mul3A_886 : f32 to vector<16xf32>
      %mul3A_888 = arith.mulf %mul3A_887, %max3A_878 : vector<16xf32>
      %mul3A_889 = arith.mulf %mul3A_888, %bitcast_convert_type3A_885 : vector<16xf32>
      %mul3A_890 = arith.mulf %mul3A_889, %bitcast_convert_type3A_885 : vector<16xf32>
      %sub3A_891 = arith.constant 1.500000e+00 : f32
      %sub3A_892 = vector.broadcast %sub3A_891 : f32 to vector<16xf32>
      %sub3A_893 = arith.subf %sub3A_892, %mul3A_890 : vector<16xf32>
      %mul3A_894 = arith.mulf %bitcast_convert_type3A_885, %sub3A_893 : vector<16xf32>
      %mul3A_895 = arith.constant 5.000000e-01 : f32
      %mul3A_896 = vector.broadcast %mul3A_895 : f32 to vector<16xf32>
      %mul3A_897 = arith.mulf %mul3A_896, %max3A_878 : vector<16xf32>
      %mul3A_898 = arith.mulf %mul3A_897, %mul3A_894 : vector<16xf32>
      %mul3A_899 = arith.mulf %mul3A_898, %mul3A_894 : vector<16xf32>
      %sub3A_900 = arith.constant 1.500000e+00 : f32
      %sub3A_901 = vector.broadcast %sub3A_900 : f32 to vector<16xf32>
      %sub3A_902 = arith.subf %sub3A_901, %mul3A_899 : vector<16xf32>
      %mul3A_903 = arith.mulf %mul3A_894, %sub3A_902 : vector<16xf32>
      %mul3A_904 = arith.constant 5.000000e-01 : f32
      %mul3A_905 = vector.broadcast %mul3A_904 : f32 to vector<16xf32>
      %mul3A_906 = arith.mulf %mul3A_905, %max3A_878 : vector<16xf32>
      %mul3A_907 = arith.mulf %mul3A_906, %mul3A_903 : vector<16xf32>
      %mul3A_908 = arith.mulf %mul3A_907, %mul3A_903 : vector<16xf32>
      %sub3A_909 = arith.constant 1.500000e+00 : f32
      %sub3A_910 = vector.broadcast %sub3A_909 : f32 to vector<16xf32>
      %sub3A_911 = arith.subf %sub3A_910, %mul3A_908 : vector<16xf32>
      %mul3A_912 = arith.mulf %mul3A_903, %sub3A_911 : vector<16xf32>
      %mul3A_913 = arith.mulf %max3A_878, %mul3A_912 : vector<16xf32>
      %neg3A = arith.constant 0.000000e+00 : f32
      %neg3A_914 = vector.broadcast %neg3A : f32 to vector<16xf32>
      %neg3A_915 = arith.subf %neg3A_914, %mul3A_913 : vector<16xf32>
      %exp3A = math.exp %neg3A_915 : vector<16xf32>
      %add3A_916 = arith.constant 1.000000e+00 : f32
      %add3A_917 = vector.broadcast %add3A_916 : f32 to vector<16xf32>
      %add3A_918 = arith.addf %add3A_917, %exp3A : vector<16xf32>
      %div3A = arith.divf %exp3A, %add3A_918 : vector<16xf32>
      %swap3A = arith.index_cast %add3A_876 : i32 to index
      %swap3A_919 = tpu.vector_load %arg18[%swap3A] {strides = array<i32>} : memref<1024xf32, #tpu.memory_space<vmem>>, vector<16xf32>,
      %swap3A_920 = vector.shape_cast %swap3A_919 : vector<16xf32> to vector<16xf32>
      %swap3A_921 = vector.shape_cast %div3A : vector<16xf32> to vector<16xf32>
      tpu.vector_store %arg18[%swap3A], %swap3A_921 {strides = array<i32>} : memref<1024xf32, #tpu.memory_space<vmem>>, vector<16xf32>,
      %max3A_922 = arith.constant 9.99999996E-13 : f32
      %max3A_923 = vector.broadcast %max3A_922 : f32 to vector<16xf32>
      %max3A_924 = arith.maximumf %scan3A_870#1, %max3A_923 : vector<16xf32>
      %bitcast_convert_type3A_925 = tpu.bitcast %max3A_924 : vector<16xf32> -> vector<16xi32>
      %shift_right_logical3A_926 = arith.constant 1 : i32
      %shift_right_logical3A_927 = vector.broadcast %shift_right_logical3A_926 : i32 to vector<16xi32>
      %shift_right_logical3A_928 = arith.shrui %bitcast_convert_type3A_925, %shift_right_logical3A_927 : vector<16xi32>
      %sub3A_929 = arith.constant 1597463007 : i32
      %sub3A_930 = vector.broadcast %sub3A_929 : i32 to vector<16xi32>
      %sub3A_931 = arith.subi %sub3A_930, %shift_right_logical3A_928 : vector<16xi32>
      %bitcast_convert_type3A_932 = tpu.bitcast %sub3A_931 : vector<16xi32> -> vector<16xf32>
      %mul3A_933 = arith.constant 5.000000e-01 : f32
      %mul3A_934 = vector.broadcast %mul3A_933 : f32 to vector<16xf32>
      %mul3A_935 = arith.mulf %mul3A_934, %max3A_924 : vector<16xf32>
      %mul3A_936 = arith.mulf %mul3A_935, %bitcast_convert_type3A_932 : vector<16xf32>
      %mul3A_937 = arith.mulf %mul3A_936, %bitcast_convert_type3A_932 : vector<16xf32>
      %sub3A_938 = arith.constant 1.500000e+00 : f32
      %sub3A_939 = vector.broadcast %sub3A_938 : f32 to vector<16xf32>
      %sub3A_940 = arith.subf %sub3A_939, %mul3A_937 : vector<16xf32>
      %mul3A_941 = arith.mulf %bitcast_convert_type3A_932, %sub3A_940 : vector<16xf32>
      %mul3A_942 = arith.constant 5.000000e-01 : f32
      %mul3A_943 = vector.broadcast %mul3A_942 : f32 to vector<16xf32>
      %mul3A_944 = arith.mulf %mul3A_943, %max3A_924 : vector<16xf32>
      %mul3A_945 = arith.mulf %mul3A_944, %mul3A_941 : vector<16xf32>
      %mul3A_946 = arith.mulf %mul3A_945, %mul3A_941 : vector<16xf32>
      %sub3A_947 = arith.constant 1.500000e+00 : f32
      %sub3A_948 = vector.broadcast %sub3A_947 : f32 to vector<16xf32>
      %sub3A_949 = arith.subf %sub3A_948, %mul3A_946 : vector<16xf32>
      %mul3A_950 = arith.mulf %mul3A_941, %sub3A_949 : vector<16xf32>
      %mul3A_951 = arith.constant 5.000000e-01 : f32
      %mul3A_952 = vector.broadcast %mul3A_951 : f32 to vector<16xf32>
      %mul3A_953 = arith.mulf %mul3A_952, %max3A_924 : vector<16xf32>
      %mul3A_954 = arith.mulf %mul3A_953, %mul3A_950 : vector<16xf32>
      %mul3A_955 = arith.mulf %mul3A_954, %mul3A_950 : vector<16xf32>
      %sub3A_956 = arith.constant 1.500000e+00 : f32
      %sub3A_957 = vector.broadcast %sub3A_956 : f32 to vector<16xf32>
      %sub3A_958 = arith.subf %sub3A_957, %mul3A_955 : vector<16xf32>
      %mul3A_959 = arith.mulf %mul3A_950, %sub3A_958 : vector<16xf32>
      %mul3A_960 = arith.mulf %max3A_924, %mul3A_959 : vector<16xf32>
      %neg3A_961 = arith.constant 0.000000e+00 : f32
      %neg3A_962 = vector.broadcast %neg3A_961 : f32 to vector<16xf32>
      %neg3A_963 = arith.subf %neg3A_962, %mul3A_960 : vector<16xf32>
      %exp3A_964 = math.exp %neg3A_963 : vector<16xf32>
      %add3A_965 = arith.constant 1.000000e+00 : f32
      %add3A_966 = vector.broadcast %add3A_965 : f32 to vector<16xf32>
      %add3A_967 = arith.addf %add3A_966, %exp3A_964 : vector<16xf32>
      %div3A_968 = arith.divf %exp3A_964, %add3A_967 : vector<16xf32>
      %add3A_969 = arith.constant 512 : i32
      %add3A_970 = arith.addi %add3A_969, %add3A_876 : i32
      %swap3A_971 = arith.index_cast %add3A_970 : i32 to index
      %swap3A_972 = tpu.vector_load %arg18[%swap3A_971] {strides = array<i32>} : memref<1024xf32, #tpu.memory_space<vmem>>, vector<16xf32>,
      %swap3A_973 = vector.shape_cast %swap3A_972 : vector<16xf32> to vector<16xf32>
      %swap3A_974 = vector.shape_cast %div3A_968 : vector<16xf32> to vector<16xf32>
      tpu.vector_store %arg18[%swap3A_971], %swap3A_974 {strides = array<i32>} : memref<1024xf32, #tpu.memory_space<vmem>>, vector<16xf32>,
      %max3A_975 = arith.constant 9.99999996E-13 : f32
      %max3A_976 = vector.broadcast %max3A_975 : f32 to vector<16xf32>
      %max3A_977 = arith.maximumf %scan3A_870#2, %max3A_976 : vector<16xf32>
      %bitcast_convert_type3A_978 = tpu.bitcast %max3A_977 : vector<16xf32> -> vector<16xi32>
      %shift_right_logical3A_979 = arith.constant 1 : i32
      %shift_right_logical3A_980 = vector.broadcast %shift_right_logical3A_979 : i32 to vector<16xi32>
      %shift_right_logical3A_981 = arith.shrui %bitcast_convert_type3A_978, %shift_right_logical3A_980 : vector<16xi32>
      %sub3A_982 = arith.constant 1597463007 : i32
      %sub3A_983 = vector.broadcast %sub3A_982 : i32 to vector<16xi32>
      %sub3A_984 = arith.subi %sub3A_983, %shift_right_logical3A_981 : vector<16xi32>
      %bitcast_convert_type3A_985 = tpu.bitcast %sub3A_984 : vector<16xi32> -> vector<16xf32>
      %mul3A_986 = arith.constant 5.000000e-01 : f32
      %mul3A_987 = vector.broadcast %mul3A_986 : f32 to vector<16xf32>
      %mul3A_988 = arith.mulf %mul3A_987, %max3A_977 : vector<16xf32>
      %mul3A_989 = arith.mulf %mul3A_988, %bitcast_convert_type3A_985 : vector<16xf32>
      %mul3A_990 = arith.mulf %mul3A_989, %bitcast_convert_type3A_985 : vector<16xf32>
      %sub3A_991 = arith.constant 1.500000e+00 : f32
      %sub3A_992 = vector.broadcast %sub3A_991 : f32 to vector<16xf32>
      %sub3A_993 = arith.subf %sub3A_992, %mul3A_990 : vector<16xf32>
      %mul3A_994 = arith.mulf %bitcast_convert_type3A_985, %sub3A_993 : vector<16xf32>
      %mul3A_995 = arith.constant 5.000000e-01 : f32
      %mul3A_996 = vector.broadcast %mul3A_995 : f32 to vector<16xf32>
      %mul3A_997 = arith.mulf %mul3A_996, %max3A_977 : vector<16xf32>
      %mul3A_998 = arith.mulf %mul3A_997, %mul3A_994 : vector<16xf32>
      %mul3A_999 = arith.mulf %mul3A_998, %mul3A_994 : vector<16xf32>
      %sub3A_1000 = arith.constant 1.500000e+00 : f32
      %sub3A_1001 = vector.broadcast %sub3A_1000 : f32 to vector<16xf32>
      %sub3A_1002 = arith.subf %sub3A_1001, %mul3A_999 : vector<16xf32>
      %mul3A_1003 = arith.mulf %mul3A_994, %sub3A_1002 : vector<16xf32>
      %mul3A_1004 = arith.constant 5.000000e-01 : f32
      %mul3A_1005 = vector.broadcast %mul3A_1004 : f32 to vector<16xf32>
      %mul3A_1006 = arith.mulf %mul3A_1005, %max3A_977 : vector<16xf32>
      %mul3A_1007 = arith.mulf %mul3A_1006, %mul3A_1003 : vector<16xf32>
      %mul3A_1008 = arith.mulf %mul3A_1007, %mul3A_1003 : vector<16xf32>
      %sub3A_1009 = arith.constant 1.500000e+00 : f32
      %sub3A_1010 = vector.broadcast %sub3A_1009 : f32 to vector<16xf32>
      %sub3A_1011 = arith.subf %sub3A_1010, %mul3A_1008 : vector<16xf32>
      %mul3A_1012 = arith.mulf %mul3A_1003, %sub3A_1011 : vector<16xf32>
      %mul3A_1013 = arith.mulf %max3A_977, %mul3A_1012 : vector<16xf32>
      %neg3A_1014 = arith.constant 0.000000e+00 : f32
      %neg3A_1015 = vector.broadcast %neg3A_1014 : f32 to vector<16xf32>
      %neg3A_1016 = arith.subf %neg3A_1015, %mul3A_1013 : vector<16xf32>
      %exp3A_1017 = math.exp %neg3A_1016 : vector<16xf32>
      %add3A_1018 = arith.constant 1.000000e+00 : f32
      %add3A_1019 = vector.broadcast %add3A_1018 : f32 to vector<16xf32>
      %add3A_1020 = arith.addf %add3A_1019, %exp3A_1017 : vector<16xf32>
      %div3A_1021 = arith.divf %exp3A_1017, %add3A_1020 : vector<16xf32>
      %swap3A_1022 = arith.index_cast %add3A_876 : i32 to index
      %swap3A_1023 = tpu.vector_load %arg19[%swap3A_1022] {strides = array<i32>} : memref<1024xf32, #tpu.memory_space<vmem>>, vector<16xf32>,
      %swap3A_1024 = vector.shape_cast %swap3A_1023 : vector<16xf32> to vector<16xf32>
      %swap3A_1025 = vector.shape_cast %div3A_1021 : vector<16xf32> to vector<16xf32>
      tpu.vector_store %arg19[%swap3A_1022], %swap3A_1025 {strides = array<i32>} : memref<1024xf32, #tpu.memory_space<vmem>>, vector<16xf32>,
      %max3A_1026 = arith.constant 9.99999996E-13 : f32
      %max3A_1027 = vector.broadcast %max3A_1026 : f32 to vector<16xf32>
      %max3A_1028 = arith.maximumf %scan3A_870#3, %max3A_1027 : vector<16xf32>
      %bitcast_convert_type3A_1029 = tpu.bitcast %max3A_1028 : vector<16xf32> -> vector<16xi32>
      %shift_right_logical3A_1030 = arith.constant 1 : i32
      %shift_right_logical3A_1031 = vector.broadcast %shift_right_logical3A_1030 : i32 to vector<16xi32>
      %shift_right_logical3A_1032 = arith.shrui %bitcast_convert_type3A_1029, %shift_right_logical3A_1031 : vector<16xi32>
      %sub3A_1033 = arith.constant 1597463007 : i32
      %sub3A_1034 = vector.broadcast %sub3A_1033 : i32 to vector<16xi32>
      %sub3A_1035 = arith.subi %sub3A_1034, %shift_right_logical3A_1032 : vector<16xi32>
      %bitcast_convert_type3A_1036 = tpu.bitcast %sub3A_1035 : vector<16xi32> -> vector<16xf32>
      %mul3A_1037 = arith.constant 5.000000e-01 : f32
      %mul3A_1038 = vector.broadcast %mul3A_1037 : f32 to vector<16xf32>
      %mul3A_1039 = arith.mulf %mul3A_1038, %max3A_1028 : vector<16xf32>
      %mul3A_1040 = arith.mulf %mul3A_1039, %bitcast_convert_type3A_1036 : vector<16xf32>
      %mul3A_1041 = arith.mulf %mul3A_1040, %bitcast_convert_type3A_1036 : vector<16xf32>
      %sub3A_1042 = arith.constant 1.500000e+00 : f32
      %sub3A_1043 = vector.broadcast %sub3A_1042 : f32 to vector<16xf32>
      %sub3A_1044 = arith.subf %sub3A_1043, %mul3A_1041 : vector<16xf32>
      %mul3A_1045 = arith.mulf %bitcast_convert_type3A_1036, %sub3A_1044 : vector<16xf32>
      %mul3A_1046 = arith.constant 5.000000e-01 : f32
      %mul3A_1047 = vector.broadcast %mul3A_1046 : f32 to vector<16xf32>
      %mul3A_1048 = arith.mulf %mul3A_1047, %max3A_1028 : vector<16xf32>
      %mul3A_1049 = arith.mulf %mul3A_1048, %mul3A_1045 : vector<16xf32>
      %mul3A_1050 = arith.mulf %mul3A_1049, %mul3A_1045 : vector<16xf32>
      %sub3A_1051 = arith.constant 1.500000e+00 : f32
      %sub3A_1052 = vector.broadcast %sub3A_1051 : f32 to vector<16xf32>
      %sub3A_1053 = arith.subf %sub3A_1052, %mul3A_1050 : vector<16xf32>
      %mul3A_1054 = arith.mulf %mul3A_1045, %sub3A_1053 : vector<16xf32>
      %mul3A_1055 = arith.constant 5.000000e-01 : f32
      %mul3A_1056 = vector.broadcast %mul3A_1055 : f32 to vector<16xf32>
      %mul3A_1057 = arith.mulf %mul3A_1056, %max3A_1028 : vector<16xf32>
      %mul3A_1058 = arith.mulf %mul3A_1057, %mul3A_1054 : vector<16xf32>
      %mul3A_1059 = arith.mulf %mul3A_1058, %mul3A_1054 : vector<16xf32>
      %sub3A_1060 = arith.constant 1.500000e+00 : f32
      %sub3A_1061 = vector.broadcast %sub3A_1060 : f32 to vector<16xf32>
      %sub3A_1062 = arith.subf %sub3A_1061, %mul3A_1059 : vector<16xf32>
      %mul3A_1063 = arith.mulf %mul3A_1054, %sub3A_1062 : vector<16xf32>
      %mul3A_1064 = arith.mulf %max3A_1028, %mul3A_1063 : vector<16xf32>
      %neg3A_1065 = arith.constant 0.000000e+00 : f32
      %neg3A_1066 = vector.broadcast %neg3A_1065 : f32 to vector<16xf32>
      %neg3A_1067 = arith.subf %neg3A_1066, %mul3A_1064 : vector<16xf32>
      %exp3A_1068 = math.exp %neg3A_1067 : vector<16xf32>
      %add3A_1069 = arith.constant 1.000000e+00 : f32
      %add3A_1070 = vector.broadcast %add3A_1069 : f32 to vector<16xf32>
      %add3A_1071 = arith.addf %add3A_1070, %exp3A_1068 : vector<16xf32>
      %div3A_1072 = arith.divf %exp3A_1068, %add3A_1071 : vector<16xf32>
      %add3A_1073 = arith.constant 512 : i32
      %add3A_1074 = arith.addi %add3A_1073, %add3A_876 : i32
      %swap3A_1075 = arith.index_cast %add3A_1074 : i32 to index
      %swap3A_1076 = tpu.vector_load %arg19[%swap3A_1075] {strides = array<i32>} : memref<1024xf32, #tpu.memory_space<vmem>>, vector<16xf32>,
      %swap3A_1077 = vector.shape_cast %swap3A_1076 : vector<16xf32> to vector<16xf32>
      %swap3A_1078 = vector.shape_cast %div3A_1072 : vector<16xf32> to vector<16xf32>
      tpu.vector_store %arg19[%swap3A_1075], %swap3A_1078 {strides = array<i32>} : memref<1024xf32, #tpu.memory_space<vmem>>, vector<16xf32>,
      %scan3A_1079 = arith.constant 0 : i32
      %scan3A_1080 = arith.constant 1 : i32
      %lt3A = arith.constant 15 : i32
      %lt3A_1081 = arith.cmpi slt, %scan3A_342, %lt3A : i32
      %convert_element_type3A = arith.extui %lt3A_1081 : i1 to i32
      %cond3A = arith.constant 0 : i32
      %cond3A_1082 = arith.cmpi ne, %convert_element_type3A, %cond3A : i32
      scf.if %cond3A_1082 {
        %mul3A_1517 = arith.constant 2 : i32
        %mul3A_1518 = arith.muli %mul3A_1517, %scan3A_342 : i32
        %add3A_1519 = arith.constant 2 : i32
        %add3A_1520 = arith.addi %mul3A_1518, %add3A_1519 : i32
        %mul3A_1521 = arith.constant 16 : i32
        %mul3A_1522 = arith.muli %add3A_1520, %mul3A_1521 : i32
        %dma_start3A_1523 = arith.constant 0 : i32
        %dma_start3A_1524 = arith.constant 0 : i32
        %dma_start3A_1525 = tpu.memref_slice %arg16[%dma_start3A_1523, %dma_start3A_1524] : memref<128x128xf32, #tpu.memory_space<vmem>> -> memref<16x128xf32, #tpu.memory_space<vmem>>
        %dma_start3A_1526 = tpu.memref_slice %arg11[%mul3A_1522] : memref<512xi32, #tpu.memory_space<vmem>> -> memref<16xi32, #tpu.memory_space<vmem>>
        %dma_start3A_1527 = arith.constant 0 : i32
        %dma_start3A_1528 = arith.constant 0 : i32
        %dma_start3A_1529 = tpu.memref_slice %arg7[%dma_start3A_1527, %dma_start3A_1528] : memref<1000000x128xf32, #tpu.memory_space<hbm>> -> memref<1000000x128xf32, #tpu.memory_space<hbm>>
        tpu.enqueue_indirect_dma source(%dma_start3A_1529 : memref<1000000x128xf32, #tpu.memory_space<hbm>>) target(%dma_start3A_1525 : memref<16x128xf32, #tpu.memory_space<vmem>>) offsets(%dma_start3A_1526 : memref<16xi32, #tpu.memory_space<vmem>>) semaphore(%arg20 : memref<!tpu.dma_semaphore, #tpu.memory_space<semaphore_mem>>)
        %dma_start3A_1530 = arith.constant 16 : i32
        %dma_start3A_1531 = arith.constant 0 : i32
        %dma_start3A_1532 = tpu.memref_slice %arg16[%dma_start3A_1530, %dma_start3A_1531] : memref<128x128xf32, #tpu.memory_space<vmem>> -> memref<16x128xf32, #tpu.memory_space<vmem>>
        %dma_start3A_1533 = tpu.memref_slice %arg12[%mul3A_1522] : memref<512xi32, #tpu.memory_space<vmem>> -> memref<16xi32, #tpu.memory_space<vmem>>
        %dma_start3A_1534 = arith.constant 0 : i32
        %dma_start3A_1535 = arith.constant 0 : i32
        %dma_start3A_1536 = tpu.memref_slice %arg7[%dma_start3A_1534, %dma_start3A_1535] : memref<1000000x128xf32, #tpu.memory_space<hbm>> -> memref<1000000x128xf32, #tpu.memory_space<hbm>>
        tpu.enqueue_indirect_dma source(%dma_start3A_1536 : memref<1000000x128xf32, #tpu.memory_space<hbm>>) target(%dma_start3A_1532 : memref<16x128xf32, #tpu.memory_space<vmem>>) offsets(%dma_start3A_1533 : memref<16xi32, #tpu.memory_space<vmem>>) semaphore(%arg20 : memref<!tpu.dma_semaphore, #tpu.memory_space<semaphore_mem>>)
        %dma_start3A_1537 = arith.constant 32 : i32
        %dma_start3A_1538 = arith.constant 0 : i32
        %dma_start3A_1539 = tpu.memref_slice %arg16[%dma_start3A_1537, %dma_start3A_1538] : memref<128x128xf32, #tpu.memory_space<vmem>> -> memref<16x128xf32, #tpu.memory_space<vmem>>
        %dma_start3A_1540 = tpu.memref_slice %arg14[%mul3A_1522] : memref<512xi32, #tpu.memory_space<vmem>> -> memref<16xi32, #tpu.memory_space<vmem>>
        %dma_start3A_1541 = arith.constant 0 : i32
        %dma_start3A_1542 = arith.constant 0 : i32
        %dma_start3A_1543 = tpu.memref_slice %arg7[%dma_start3A_1541, %dma_start3A_1542] : memref<1000000x128xf32, #tpu.memory_space<hbm>> -> memref<1000000x128xf32, #tpu.memory_space<hbm>>
        tpu.enqueue_indirect_dma source(%dma_start3A_1543 : memref<1000000x128xf32, #tpu.memory_space<hbm>>) target(%dma_start3A_1539 : memref<16x128xf32, #tpu.memory_space<vmem>>) offsets(%dma_start3A_1540 : memref<16xi32, #tpu.memory_space<vmem>>) semaphore(%arg20 : memref<!tpu.dma_semaphore, #tpu.memory_space<semaphore_mem>>)
        %dma_start3A_1544 = arith.constant 48 : i32
        %dma_start3A_1545 = arith.constant 0 : i32
        %dma_start3A_1546 = tpu.memref_slice %arg16[%dma_start3A_1544, %dma_start3A_1545] : memref<128x128xf32, #tpu.memory_space<vmem>> -> memref<16x128xf32, #tpu.memory_space<vmem>>
        %dma_start3A_1547 = tpu.memref_slice %arg15[%mul3A_1522] : memref<512xi32, #tpu.memory_space<vmem>> -> memref<16xi32, #tpu.memory_space<vmem>>
        %dma_start3A_1548 = arith.constant 0 : i32
        %dma_start3A_1549 = arith.constant 0 : i32
        %dma_start3A_1550 = tpu.memref_slice %arg7[%dma_start3A_1548, %dma_start3A_1549] : memref<1000000x128xf32, #tpu.memory_space<hbm>> -> memref<1000000x128xf32, #tpu.memory_space<hbm>>
        tpu.enqueue_indirect_dma source(%dma_start3A_1550 : memref<1000000x128xf32, #tpu.memory_space<hbm>>) target(%dma_start3A_1546 : memref<16x128xf32, #tpu.memory_space<vmem>>) offsets(%dma_start3A_1547 : memref<16xi32, #tpu.memory_space<vmem>>) semaphore(%arg20 : memref<!tpu.dma_semaphore, #tpu.memory_space<semaphore_mem>>)
        %mul3A_1551 = arith.constant 16 : i32
        %mul3A_1552 = arith.muli %add3A_1520, %mul3A_1551 : i32
        %add3A_1553 = arith.constant 0 : i32
        %add3A_1554 = arith.addi %mul3A_1552, %add3A_1553 : i32
        %get3A_1555 = arith.index_cast %add3A_1554 : i32 to index
        %get3A_1556 = tpu.vector_load %arg13[%get3A_1555] {strides = array<i32>} : memref<512xi32, #tpu.memory_space<vmem>>, vector<16xi32>,
        %get3A_1557 = vector.shape_cast %get3A_1556 : vector<16xi32> to vector<16xi32>
        %slice3A_1558 = vector.extract_strided_slice %get3A_1557 {offsets = [0], sizes = [1], strides = [1]} : vector<16xi32> to vector<1xi32>
        %squeeze3A_1559 = vector.extract %slice3A_1558[0] : i32 from vector<1xi32>
        %and3A_1560 = arith.constant -8 : i32
        %and3A_1561 = arith.andi %squeeze3A_1559, %and3A_1560 : i32
        %multiple_of3A_1562 = tpu.assume_multiple %and3A_1561, 8 : i32
        %and3A_1563 = arith.constant 7 : i32
        %and3A_1564 = arith.andi %squeeze3A_1559, %and3A_1563 : i32
        %sub3A_1565 = arith.constant 7 : i32
        %sub3A_1566 = arith.subi %sub3A_1565, %and3A_1564 : i32
        %dma_start3A_1567 = arith.constant 0 : i32
        %dma_start3A_1568 = tpu.memref_slice %arg17[%sub3A_1566, %dma_start3A_1567] : memref<512x64xf32, #tpu.memory_space<vmem>> -> memref<8x64xf32, #tpu.memory_space<vmem>>
        %dma_start3A_1569 = arith.constant 0 : i32
        %dma_start3A_1570 = tpu.memref_slice %arg8[%multiple_of3A_1562, %dma_start3A_1569] : memref<100000x64xf32, #tpu.memory_space<hbm>> -> memref<8x64xf32, #tpu.memory_space<hbm>>
        %dma_start3A_1571 = arith.constant 0 : i32
        %dma_start3A_1572 = tpu.memref_slice %arg17[%sub3A_1566, %dma_start3A_1571] : memref<512x64xf32, #tpu.memory_space<vmem>> -> memref<8x64xf32, #tpu.memory_space<vmem>>
        %dma_start3A_1573 = arith.constant 0 : i32
        %dma_start3A_1574 = tpu.memref_slice %arg8[%multiple_of3A_1562, %dma_start3A_1573] : memref<100000x64xf32, #tpu.memory_space<hbm>> -> memref<8x64xf32, #tpu.memory_space<hbm>>
        tpu.enqueue_dma source(%dma_start3A_1574 : memref<8x64xf32, #tpu.memory_space<hbm>>) target(%dma_start3A_1572 : memref<8x64xf32, #tpu.memory_space<vmem>>) target_semaphore(%arg22 : memref<!tpu.dma_semaphore, #tpu.memory_space<semaphore_mem>>)
        %slice3A_1575 = vector.extract_strided_slice %get3A_1557 {offsets = [1], sizes = [1], strides = [1]} : vector<16xi32> to vector<1xi32>
        %squeeze3A_1576 = vector.extract %slice3A_1575[0] : i32 from vector<1xi32>
        %and3A_1577 = arith.constant -8 : i32
        %and3A_1578 = arith.andi %squeeze3A_1576, %and3A_1577 : i32
        %multiple_of3A_1579 = tpu.assume_multiple %and3A_1578, 8 : i32
        %and3A_1580 = arith.constant 7 : i32
        %and3A_1581 = arith.andi %squeeze3A_1576, %and3A_1580 : i32
        %sub3A_1582 = arith.constant 23 : i32
        %sub3A_1583 = arith.subi %sub3A_1582, %and3A_1581 : i32
        %dma_start3A_1584 = arith.constant 0 : i32
        %dma_start3A_1585 = tpu.memref_slice %arg17[%sub3A_1583, %dma_start3A_1584] : memref<512x64xf32, #tpu.memory_space<vmem>> -> memref<8x64xf32, #tpu.memory_space<vmem>>
        %dma_start3A_1586 = arith.constant 0 : i32
        %dma_start3A_1587 = tpu.memref_slice %arg8[%multiple_of3A_1579, %dma_start3A_1586] : memref<100000x64xf32, #tpu.memory_space<hbm>> -> memref<8x64xf32, #tpu.memory_space<hbm>>
        %dma_start3A_1588 = arith.constant 0 : i32
        %dma_start3A_1589 = tpu.memref_slice %arg17[%sub3A_1583, %dma_start3A_1588] : memref<512x64xf32, #tpu.memory_space<vmem>> -> memref<8x64xf32, #tpu.memory_space<vmem>>
        %dma_start3A_1590 = arith.constant 0 : i32
        %dma_start3A_1591 = tpu.memref_slice %arg8[%multiple_of3A_1579, %dma_start3A_1590] : memref<100000x64xf32, #tpu.memory_space<hbm>> -> memref<8x64xf32, #tpu.memory_space<hbm>>
        tpu.enqueue_dma source(%dma_start3A_1591 : memref<8x64xf32, #tpu.memory_space<hbm>>) target(%dma_start3A_1589 : memref<8x64xf32, #tpu.memory_space<vmem>>) target_semaphore(%arg22 : memref<!tpu.dma_semaphore, #tpu.memory_space<semaphore_mem>>)
        %slice3A_1592 = vector.extract_strided_slice %get3A_1557 {offsets = [2], sizes = [1], strides = [1]} : vector<16xi32> to vector<1xi32>
        %squeeze3A_1593 = vector.extract %slice3A_1592[0] : i32 from vector<1xi32>
        %and3A_1594 = arith.constant -8 : i32
        %and3A_1595 = arith.andi %squeeze3A_1593, %and3A_1594 : i32
        %multiple_of3A_1596 = tpu.assume_multiple %and3A_1595, 8 : i32
        %and3A_1597 = arith.constant 7 : i32
        %and3A_1598 = arith.andi %squeeze3A_1593, %and3A_1597 : i32
        %sub3A_1599 = arith.constant 39 : i32
        %sub3A_1600 = arith.subi %sub3A_1599, %and3A_1598 : i32
        %dma_start3A_1601 = arith.constant 0 : i32
        %dma_start3A_1602 = tpu.memref_slice %arg17[%sub3A_1600, %dma_start3A_1601] : memref<512x64xf32, #tpu.memory_space<vmem>> -> memref<8x64xf32, #tpu.memory_space<vmem>>
        %dma_start3A_1603 = arith.constant 0 : i32
        %dma_start3A_1604 = tpu.memref_slice %arg8[%multiple_of3A_1596, %dma_start3A_1603] : memref<100000x64xf32, #tpu.memory_space<hbm>> -> memref<8x64xf32, #tpu.memory_space<hbm>>
        %dma_start3A_1605 = arith.constant 0 : i32
        %dma_start3A_1606 = tpu.memref_slice %arg17[%sub3A_1600, %dma_start3A_1605] : memref<512x64xf32, #tpu.memory_space<vmem>> -> memref<8x64xf32, #tpu.memory_space<vmem>>
        %dma_start3A_1607 = arith.constant 0 : i32
        %dma_start3A_1608 = tpu.memref_slice %arg8[%multiple_of3A_1596, %dma_start3A_1607] : memref<100000x64xf32, #tpu.memory_space<hbm>> -> memref<8x64xf32, #tpu.memory_space<hbm>>
        tpu.enqueue_dma source(%dma_start3A_1608 : memref<8x64xf32, #tpu.memory_space<hbm>>) target(%dma_start3A_1606 : memref<8x64xf32, #tpu.memory_space<vmem>>) target_semaphore(%arg22 : memref<!tpu.dma_semaphore, #tpu.memory_space<semaphore_mem>>)
        %slice3A_1609 = vector.extract_strided_slice %get3A_1557 {offsets = [3], sizes = [1], strides = [1]} : vector<16xi32> to vector<1xi32>
        %squeeze3A_1610 = vector.extract %slice3A_1609[0] : i32 from vector<1xi32>
        %and3A_1611 = arith.constant -8 : i32
        %and3A_1612 = arith.andi %squeeze3A_1610, %and3A_1611 : i32
        %multiple_of3A_1613 = tpu.assume_multiple %and3A_1612, 8 : i32
        %and3A_1614 = arith.constant 7 : i32
        %and3A_1615 = arith.andi %squeeze3A_1610, %and3A_1614 : i32
        %sub3A_1616 = arith.constant 55 : i32
        %sub3A_1617 = arith.subi %sub3A_1616, %and3A_1615 : i32
        %dma_start3A_1618 = arith.constant 0 : i32
        %dma_start3A_1619 = tpu.memref_slice %arg17[%sub3A_1617, %dma_start3A_1618] : memref<512x64xf32, #tpu.memory_space<vmem>> -> memref<8x64xf32, #tpu.memory_space<vmem>>
        %dma_start3A_1620 = arith.constant 0 : i32
        %dma_start3A_1621 = tpu.memref_slice %arg8[%multiple_of3A_1613, %dma_start3A_1620] : memref<100000x64xf32, #tpu.memory_space<hbm>> -> memref<8x64xf32, #tpu.memory_space<hbm>>
        %dma_start3A_1622 = arith.constant 0 : i32
        %dma_start3A_1623 = tpu.memref_slice %arg17[%sub3A_1617, %dma_start3A_1622] : memref<512x64xf32, #tpu.memory_space<vmem>> -> memref<8x64xf32, #tpu.memory_space<vmem>>
        %dma_start3A_1624 = arith.constant 0 : i32
        %dma_start3A_1625 = tpu.memref_slice %arg8[%multiple_of3A_1613, %dma_start3A_1624] : memref<100000x64xf32, #tpu.memory_space<hbm>> -> memref<8x64xf32, #tpu.memory_space<hbm>>
        tpu.enqueue_dma source(%dma_start3A_1625 : memref<8x64xf32, #tpu.memory_space<hbm>>) target(%dma_start3A_1623 : memref<8x64xf32, #tpu.memory_space<vmem>>) target_semaphore(%arg22 : memref<!tpu.dma_semaphore, #tpu.memory_space<semaphore_mem>>)
        %slice3A_1626 = vector.extract_strided_slice %get3A_1557 {offsets = [4], sizes = [1], strides = [1]} : vector<16xi32> to vector<1xi32>
        %squeeze3A_1627 = vector.extract %slice3A_1626[0] : i32 from vector<1xi32>
        %and3A_1628 = arith.constant -8 : i32
        %and3A_1629 = arith.andi %squeeze3A_1627, %and3A_1628 : i32
        %multiple_of3A_1630 = tpu.assume_multiple %and3A_1629, 8 : i32
        %and3A_1631 = arith.constant 7 : i32
        %and3A_1632 = arith.andi %squeeze3A_1627, %and3A_1631 : i32
        %sub3A_1633 = arith.constant 71 : i32
        %sub3A_1634 = arith.subi %sub3A_1633, %and3A_1632 : i32
        %dma_start3A_1635 = arith.constant 0 : i32
        %dma_start3A_1636 = tpu.memref_slice %arg17[%sub3A_1634, %dma_start3A_1635] : memref<512x64xf32, #tpu.memory_space<vmem>> -> memref<8x64xf32, #tpu.memory_space<vmem>>
        %dma_start3A_1637 = arith.constant 0 : i32
        %dma_start3A_1638 = tpu.memref_slice %arg8[%multiple_of3A_1630, %dma_start3A_1637] : memref<100000x64xf32, #tpu.memory_space<hbm>> -> memref<8x64xf32, #tpu.memory_space<hbm>>
        %dma_start3A_1639 = arith.constant 0 : i32
        %dma_start3A_1640 = tpu.memref_slice %arg17[%sub3A_1634, %dma_start3A_1639] : memref<512x64xf32, #tpu.memory_space<vmem>> -> memref<8x64xf32, #tpu.memory_space<vmem>>
        %dma_start3A_1641 = arith.constant 0 : i32
        %dma_start3A_1642 = tpu.memref_slice %arg8[%multiple_of3A_1630, %dma_start3A_1641] : memref<100000x64xf32, #tpu.memory_space<hbm>> -> memref<8x64xf32, #tpu.memory_space<hbm>>
        tpu.enqueue_dma source(%dma_start3A_1642 : memref<8x64xf32, #tpu.memory_space<hbm>>) target(%dma_start3A_1640 : memref<8x64xf32, #tpu.memory_space<vmem>>) target_semaphore(%arg22 : memref<!tpu.dma_semaphore, #tpu.memory_space<semaphore_mem>>)
        %slice3A_1643 = vector.extract_strided_slice %get3A_1557 {offsets = [5], sizes = [1], strides = [1]} : vector<16xi32> to vector<1xi32>
        %squeeze3A_1644 = vector.extract %slice3A_1643[0] : i32 from vector<1xi32>
        %and3A_1645 = arith.constant -8 : i32
        %and3A_1646 = arith.andi %squeeze3A_1644, %and3A_1645 : i32
        %multiple_of3A_1647 = tpu.assume_multiple %and3A_1646, 8 : i32
        %and3A_1648 = arith.constant 7 : i32
        %and3A_1649 = arith.andi %squeeze3A_1644, %and3A_1648 : i32
        %sub3A_1650 = arith.constant 87 : i32
        %sub3A_1651 = arith.subi %sub3A_1650, %and3A_1649 : i32
        %dma_start3A_1652 = arith.constant 0 : i32
        %dma_start3A_1653 = tpu.memref_slice %arg17[%sub3A_1651, %dma_start3A_1652] : memref<512x64xf32, #tpu.memory_space<vmem>> -> memref<8x64xf32, #tpu.memory_space<vmem>>
        %dma_start3A_1654 = arith.constant 0 : i32
        %dma_start3A_1655 = tpu.memref_slice %arg8[%multiple_of3A_1647, %dma_start3A_1654] : memref<100000x64xf32, #tpu.memory_space<hbm>> -> memref<8x64xf32, #tpu.memory_space<hbm>>
        %dma_start3A_1656 = arith.constant 0 : i32
        %dma_start3A_1657 = tpu.memref_slice %arg17[%sub3A_1651, %dma_start3A_1656] : memref<512x64xf32, #tpu.memory_space<vmem>> -> memref<8x64xf32, #tpu.memory_space<vmem>>
        %dma_start3A_1658 = arith.constant 0 : i32
        %dma_start3A_1659 = tpu.memref_slice %arg8[%multiple_of3A_1647, %dma_start3A_1658] : memref<100000x64xf32, #tpu.memory_space<hbm>> -> memref<8x64xf32, #tpu.memory_space<hbm>>
        tpu.enqueue_dma source(%dma_start3A_1659 : memref<8x64xf32, #tpu.memory_space<hbm>>) target(%dma_start3A_1657 : memref<8x64xf32, #tpu.memory_space<vmem>>) target_semaphore(%arg22 : memref<!tpu.dma_semaphore, #tpu.memory_space<semaphore_mem>>)
        %slice3A_1660 = vector.extract_strided_slice %get3A_1557 {offsets = [6], sizes = [1], strides = [1]} : vector<16xi32> to vector<1xi32>
        %squeeze3A_1661 = vector.extract %slice3A_1660[0] : i32 from vector<1xi32>
        %and3A_1662 = arith.constant -8 : i32
        %and3A_1663 = arith.andi %squeeze3A_1661, %and3A_1662 : i32
        %multiple_of3A_1664 = tpu.assume_multiple %and3A_1663, 8 : i32
        %and3A_1665 = arith.constant 7 : i32
        %and3A_1666 = arith.andi %squeeze3A_1661, %and3A_1665 : i32
        %sub3A_1667 = arith.constant 103 : i32
        %sub3A_1668 = arith.subi %sub3A_1667, %and3A_1666 : i32
        %dma_start3A_1669 = arith.constant 0 : i32
        %dma_start3A_1670 = tpu.memref_slice %arg17[%sub3A_1668, %dma_start3A_1669] : memref<512x64xf32, #tpu.memory_space<vmem>> -> memref<8x64xf32, #tpu.memory_space<vmem>>
        %dma_start3A_1671 = arith.constant 0 : i32
        %dma_start3A_1672 = tpu.memref_slice %arg8[%multiple_of3A_1664, %dma_start3A_1671] : memref<100000x64xf32, #tpu.memory_space<hbm>> -> memref<8x64xf32, #tpu.memory_space<hbm>>
        %dma_start3A_1673 = arith.constant 0 : i32
        %dma_start3A_1674 = tpu.memref_slice %arg17[%sub3A_1668, %dma_start3A_1673] : memref<512x64xf32, #tpu.memory_space<vmem>> -> memref<8x64xf32, #tpu.memory_space<vmem>>
        %dma_start3A_1675 = arith.constant 0 : i32
        %dma_start3A_1676 = tpu.memref_slice %arg8[%multiple_of3A_1664, %dma_start3A_1675] : memref<100000x64xf32, #tpu.memory_space<hbm>> -> memref<8x64xf32, #tpu.memory_space<hbm>>
        tpu.enqueue_dma source(%dma_start3A_1676 : memref<8x64xf32, #tpu.memory_space<hbm>>) target(%dma_start3A_1674 : memref<8x64xf32, #tpu.memory_space<vmem>>) target_semaphore(%arg22 : memref<!tpu.dma_semaphore, #tpu.memory_space<semaphore_mem>>)
        %slice3A_1677 = vector.extract_strided_slice %get3A_1557 {offsets = [7], sizes = [1], strides = [1]} : vector<16xi32> to vector<1xi32>
        %squeeze3A_1678 = vector.extract %slice3A_1677[0] : i32 from vector<1xi32>
        %and3A_1679 = arith.constant -8 : i32
        %and3A_1680 = arith.andi %squeeze3A_1678, %and3A_1679 : i32
        %multiple_of3A_1681 = tpu.assume_multiple %and3A_1680, 8 : i32
        %and3A_1682 = arith.constant 7 : i32
        %and3A_1683 = arith.andi %squeeze3A_1678, %and3A_1682 : i32
        %sub3A_1684 = arith.constant 119 : i32
        %sub3A_1685 = arith.subi %sub3A_1684, %and3A_1683 : i32
        %dma_start3A_1686 = arith.constant 0 : i32
        %dma_start3A_1687 = tpu.memref_slice %arg17[%sub3A_1685, %dma_start3A_1686] : memref<512x64xf32, #tpu.memory_space<vmem>> -> memref<8x64xf32, #tpu.memory_space<vmem>>
        %dma_start3A_1688 = arith.constant 0 : i32
        %dma_start3A_1689 = tpu.memref_slice %arg8[%multiple_of3A_1681, %dma_start3A_1688] : memref<100000x64xf32, #tpu.memory_space<hbm>> -> memref<8x64xf32, #tpu.memory_space<hbm>>
        %dma_start3A_1690 = arith.constant 0 : i32
        %dma_start3A_1691 = tpu.memref_slice %arg17[%sub3A_1685, %dma_start3A_1690] : memref<512x64xf32, #tpu.memory_space<vmem>> -> memref<8x64xf32, #tpu.memory_space<vmem>>
        %dma_start3A_1692 = arith.constant 0 : i32
        %dma_start3A_1693 = tpu.memref_slice %arg8[%multiple_of3A_1681, %dma_start3A_1692] : memref<100000x64xf32, #tpu.memory_space<hbm>> -> memref<8x64xf32, #tpu.memory_space<hbm>>
        tpu.enqueue_dma source(%dma_start3A_1693 : memref<8x64xf32, #tpu.memory_space<hbm>>) target(%dma_start3A_1691 : memref<8x64xf32, #tpu.memory_space<vmem>>) target_semaphore(%arg22 : memref<!tpu.dma_semaphore, #tpu.memory_space<semaphore_mem>>)
        %slice3A_1694 = vector.extract_strided_slice %get3A_1557 {offsets = [8], sizes = [1], strides = [1]} : vector<16xi32> to vector<1xi32>
        %squeeze3A_1695 = vector.extract %slice3A_1694[0] : i32 from vector<1xi32>
        %and3A_1696 = arith.constant -8 : i32
        %and3A_1697 = arith.andi %squeeze3A_1695, %and3A_1696 : i32
        %multiple_of3A_1698 = tpu.assume_multiple %and3A_1697, 8 : i32
        %and3A_1699 = arith.constant 7 : i32
        %and3A_1700 = arith.andi %squeeze3A_1695, %and3A_1699 : i32
        %sub3A_1701 = arith.constant 135 : i32
        %sub3A_1702 = arith.subi %sub3A_1701, %and3A_1700 : i32
        %dma_start3A_1703 = arith.constant 0 : i32
        %dma_start3A_1704 = tpu.memref_slice %arg17[%sub3A_1702, %dma_start3A_1703] : memref<512x64xf32, #tpu.memory_space<vmem>> -> memref<8x64xf32, #tpu.memory_space<vmem>>
        %dma_start3A_1705 = arith.constant 0 : i32
        %dma_start3A_1706 = tpu.memref_slice %arg8[%multiple_of3A_1698, %dma_start3A_1705] : memref<100000x64xf32, #tpu.memory_space<hbm>> -> memref<8x64xf32, #tpu.memory_space<hbm>>
        %dma_start3A_1707 = arith.constant 0 : i32
        %dma_start3A_1708 = tpu.memref_slice %arg17[%sub3A_1702, %dma_start3A_1707] : memref<512x64xf32, #tpu.memory_space<vmem>> -> memref<8x64xf32, #tpu.memory_space<vmem>>
        %dma_start3A_1709 = arith.constant 0 : i32
        %dma_start3A_1710 = tpu.memref_slice %arg8[%multiple_of3A_1698, %dma_start3A_1709] : memref<100000x64xf32, #tpu.memory_space<hbm>> -> memref<8x64xf32, #tpu.memory_space<hbm>>
        tpu.enqueue_dma source(%dma_start3A_1710 : memref<8x64xf32, #tpu.memory_space<hbm>>) target(%dma_start3A_1708 : memref<8x64xf32, #tpu.memory_space<vmem>>) target_semaphore(%arg22 : memref<!tpu.dma_semaphore, #tpu.memory_space<semaphore_mem>>)
        %slice3A_1711 = vector.extract_strided_slice %get3A_1557 {offsets = [9], sizes = [1], strides = [1]} : vector<16xi32> to vector<1xi32>
        %squeeze3A_1712 = vector.extract %slice3A_1711[0] : i32 from vector<1xi32>
        %and3A_1713 = arith.constant -8 : i32
        %and3A_1714 = arith.andi %squeeze3A_1712, %and3A_1713 : i32
        %multiple_of3A_1715 = tpu.assume_multiple %and3A_1714, 8 : i32
        %and3A_1716 = arith.constant 7 : i32
        %and3A_1717 = arith.andi %squeeze3A_1712, %and3A_1716 : i32
        %sub3A_1718 = arith.constant 151 : i32
        %sub3A_1719 = arith.subi %sub3A_1718, %and3A_1717 : i32
        %dma_start3A_1720 = arith.constant 0 : i32
        %dma_start3A_1721 = tpu.memref_slice %arg17[%sub3A_1719, %dma_start3A_1720] : memref<512x64xf32, #tpu.memory_space<vmem>> -> memref<8x64xf32, #tpu.memory_space<vmem>>
        %dma_start3A_1722 = arith.constant 0 : i32
        %dma_start3A_1723 = tpu.memref_slice %arg8[%multiple_of3A_1715, %dma_start3A_1722] : memref<100000x64xf32, #tpu.memory_space<hbm>> -> memref<8x64xf32, #tpu.memory_space<hbm>>
        %dma_start3A_1724 = arith.constant 0 : i32
        %dma_start3A_1725 = tpu.memref_slice %arg17[%sub3A_1719, %dma_start3A_1724] : memref<512x64xf32, #tpu.memory_space<vmem>> -> memref<8x64xf32, #tpu.memory_space<vmem>>
        %dma_start3A_1726 = arith.constant 0 : i32
        %dma_start3A_1727 = tpu.memref_slice %arg8[%multiple_of3A_1715, %dma_start3A_1726] : memref<100000x64xf32, #tpu.memory_space<hbm>> -> memref<8x64xf32, #tpu.memory_space<hbm>>
        tpu.enqueue_dma source(%dma_start3A_1727 : memref<8x64xf32, #tpu.memory_space<hbm>>) target(%dma_start3A_1725 : memref<8x64xf32, #tpu.memory_space<vmem>>) target_semaphore(%arg22 : memref<!tpu.dma_semaphore, #tpu.memory_space<semaphore_mem>>)
        %slice3A_1728 = vector.extract_strided_slice %get3A_1557 {offsets = [10], sizes = [1], strides = [1]} : vector<16xi32> to vector<1xi32>
        %squeeze3A_1729 = vector.extract %slice3A_1728[0] : i32 from vector<1xi32>
        %and3A_1730 = arith.constant -8 : i32
        %and3A_1731 = arith.andi %squeeze3A_1729, %and3A_1730 : i32
        %multiple_of3A_1732 = tpu.assume_multiple %and3A_1731, 8 : i32
        %and3A_1733 = arith.constant 7 : i32
        %and3A_1734 = arith.andi %squeeze3A_1729, %and3A_1733 : i32
        %sub3A_1735 = arith.constant 167 : i32
        %sub3A_1736 = arith.subi %sub3A_1735, %and3A_1734 : i32
        %dma_start3A_1737 = arith.constant 0 : i32
        %dma_start3A_1738 = tpu.memref_slice %arg17[%sub3A_1736, %dma_start3A_1737] : memref<512x64xf32, #tpu.memory_space<vmem>> -> memref<8x64xf32, #tpu.memory_space<vmem>>
        %dma_start3A_1739 = arith.constant 0 : i32
        %dma_start3A_1740 = tpu.memref_slice %arg8[%multiple_of3A_1732, %dma_start3A_1739] : memref<100000x64xf32, #tpu.memory_space<hbm>> -> memref<8x64xf32, #tpu.memory_space<hbm>>
        %dma_start3A_1741 = arith.constant 0 : i32
        %dma_start3A_1742 = tpu.memref_slice %arg17[%sub3A_1736, %dma_start3A_1741] : memref<512x64xf32, #tpu.memory_space<vmem>> -> memref<8x64xf32, #tpu.memory_space<vmem>>
        %dma_start3A_1743 = arith.constant 0 : i32
        %dma_start3A_1744 = tpu.memref_slice %arg8[%multiple_of3A_1732, %dma_start3A_1743] : memref<100000x64xf32, #tpu.memory_space<hbm>> -> memref<8x64xf32, #tpu.memory_space<hbm>>
        tpu.enqueue_dma source(%dma_start3A_1744 : memref<8x64xf32, #tpu.memory_space<hbm>>) target(%dma_start3A_1742 : memref<8x64xf32, #tpu.memory_space<vmem>>) target_semaphore(%arg22 : memref<!tpu.dma_semaphore, #tpu.memory_space<semaphore_mem>>)
        %slice3A_1745 = vector.extract_strided_slice %get3A_1557 {offsets = [11], sizes = [1], strides = [1]} : vector<16xi32> to vector<1xi32>
        %squeeze3A_1746 = vector.extract %slice3A_1745[0] : i32 from vector<1xi32>
        %and3A_1747 = arith.constant -8 : i32
        %and3A_1748 = arith.andi %squeeze3A_1746, %and3A_1747 : i32
        %multiple_of3A_1749 = tpu.assume_multiple %and3A_1748, 8 : i32
        %and3A_1750 = arith.constant 7 : i32
        %and3A_1751 = arith.andi %squeeze3A_1746, %and3A_1750 : i32
        %sub3A_1752 = arith.constant 183 : i32
        %sub3A_1753 = arith.subi %sub3A_1752, %and3A_1751 : i32
        %dma_start3A_1754 = arith.constant 0 : i32
        %dma_start3A_1755 = tpu.memref_slice %arg17[%sub3A_1753, %dma_start3A_1754] : memref<512x64xf32, #tpu.memory_space<vmem>> -> memref<8x64xf32, #tpu.memory_space<vmem>>
        %dma_start3A_1756 = arith.constant 0 : i32
        %dma_start3A_1757 = tpu.memref_slice %arg8[%multiple_of3A_1749, %dma_start3A_1756] : memref<100000x64xf32, #tpu.memory_space<hbm>> -> memref<8x64xf32, #tpu.memory_space<hbm>>
        %dma_start3A_1758 = arith.constant 0 : i32
        %dma_start3A_1759 = tpu.memref_slice %arg17[%sub3A_1753, %dma_start3A_1758] : memref<512x64xf32, #tpu.memory_space<vmem>> -> memref<8x64xf32, #tpu.memory_space<vmem>>
        %dma_start3A_1760 = arith.constant 0 : i32
        %dma_start3A_1761 = tpu.memref_slice %arg8[%multiple_of3A_1749, %dma_start3A_1760] : memref<100000x64xf32, #tpu.memory_space<hbm>> -> memref<8x64xf32, #tpu.memory_space<hbm>>
        tpu.enqueue_dma source(%dma_start3A_1761 : memref<8x64xf32, #tpu.memory_space<hbm>>) target(%dma_start3A_1759 : memref<8x64xf32, #tpu.memory_space<vmem>>) target_semaphore(%arg22 : memref<!tpu.dma_semaphore, #tpu.memory_space<semaphore_mem>>)
        %slice3A_1762 = vector.extract_strided_slice %get3A_1557 {offsets = [12], sizes = [1], strides = [1]} : vector<16xi32> to vector<1xi32>
        %squeeze3A_1763 = vector.extract %slice3A_1762[0] : i32 from vector<1xi32>
        %and3A_1764 = arith.constant -8 : i32
        %and3A_1765 = arith.andi %squeeze3A_1763, %and3A_1764 : i32
        %multiple_of3A_1766 = tpu.assume_multiple %and3A_1765, 8 : i32
        %and3A_1767 = arith.constant 7 : i32
        %and3A_1768 = arith.andi %squeeze3A_1763, %and3A_1767 : i32
        %sub3A_1769 = arith.constant 199 : i32
        %sub3A_1770 = arith.subi %sub3A_1769, %and3A_1768 : i32
        %dma_start3A_1771 = arith.constant 0 : i32
        %dma_start3A_1772 = tpu.memref_slice %arg17[%sub3A_1770, %dma_start3A_1771] : memref<512x64xf32, #tpu.memory_space<vmem>> -> memref<8x64xf32, #tpu.memory_space<vmem>>
        %dma_start3A_1773 = arith.constant 0 : i32
        %dma_start3A_1774 = tpu.memref_slice %arg8[%multiple_of3A_1766, %dma_start3A_1773] : memref<100000x64xf32, #tpu.memory_space<hbm>> -> memref<8x64xf32, #tpu.memory_space<hbm>>
        %dma_start3A_1775 = arith.constant 0 : i32
        %dma_start3A_1776 = tpu.memref_slice %arg17[%sub3A_1770, %dma_start3A_1775] : memref<512x64xf32, #tpu.memory_space<vmem>> -> memref<8x64xf32, #tpu.memory_space<vmem>>
        %dma_start3A_1777 = arith.constant 0 : i32
        %dma_start3A_1778 = tpu.memref_slice %arg8[%multiple_of3A_1766, %dma_start3A_1777] : memref<100000x64xf32, #tpu.memory_space<hbm>> -> memref<8x64xf32, #tpu.memory_space<hbm>>
        tpu.enqueue_dma source(%dma_start3A_1778 : memref<8x64xf32, #tpu.memory_space<hbm>>) target(%dma_start3A_1776 : memref<8x64xf32, #tpu.memory_space<vmem>>) target_semaphore(%arg22 : memref<!tpu.dma_semaphore, #tpu.memory_space<semaphore_mem>>)
        %slice3A_1779 = vector.extract_strided_slice %get3A_1557 {offsets = [13], sizes = [1], strides = [1]} : vector<16xi32> to vector<1xi32>
        %squeeze3A_1780 = vector.extract %slice3A_1779[0] : i32 from vector<1xi32>
        %and3A_1781 = arith.constant -8 : i32
        %and3A_1782 = arith.andi %squeeze3A_1780, %and3A_1781 : i32
        %multiple_of3A_1783 = tpu.assume_multiple %and3A_1782, 8 : i32
        %and3A_1784 = arith.constant 7 : i32
        %and3A_1785 = arith.andi %squeeze3A_1780, %and3A_1784 : i32
        %sub3A_1786 = arith.constant 215 : i32
        %sub3A_1787 = arith.subi %sub3A_1786, %and3A_1785 : i32
        %dma_start3A_1788 = arith.constant 0 : i32
        %dma_start3A_1789 = tpu.memref_slice %arg17[%sub3A_1787, %dma_start3A_1788] : memref<512x64xf32, #tpu.memory_space<vmem>> -> memref<8x64xf32, #tpu.memory_space<vmem>>
        %dma_start3A_1790 = arith.constant 0 : i32
        %dma_start3A_1791 = tpu.memref_slice %arg8[%multiple_of3A_1783, %dma_start3A_1790] : memref<100000x64xf32, #tpu.memory_space<hbm>> -> memref<8x64xf32, #tpu.memory_space<hbm>>
        %dma_start3A_1792 = arith.constant 0 : i32
        %dma_start3A_1793 = tpu.memref_slice %arg17[%sub3A_1787, %dma_start3A_1792] : memref<512x64xf32, #tpu.memory_space<vmem>> -> memref<8x64xf32, #tpu.memory_space<vmem>>
        %dma_start3A_1794 = arith.constant 0 : i32
        %dma_start3A_1795 = tpu.memref_slice %arg8[%multiple_of3A_1783, %dma_start3A_1794] : memref<100000x64xf32, #tpu.memory_space<hbm>> -> memref<8x64xf32, #tpu.memory_space<hbm>>
        tpu.enqueue_dma source(%dma_start3A_1795 : memref<8x64xf32, #tpu.memory_space<hbm>>) target(%dma_start3A_1793 : memref<8x64xf32, #tpu.memory_space<vmem>>) target_semaphore(%arg22 : memref<!tpu.dma_semaphore, #tpu.memory_space<semaphore_mem>>)
        %slice3A_1796 = vector.extract_strided_slice %get3A_1557 {offsets = [14], sizes = [1], strides = [1]} : vector<16xi32> to vector<1xi32>
        %squeeze3A_1797 = vector.extract %slice3A_1796[0] : i32 from vector<1xi32>
        %and3A_1798 = arith.constant -8 : i32
        %and3A_1799 = arith.andi %squeeze3A_1797, %and3A_1798 : i32
        %multiple_of3A_1800 = tpu.assume_multiple %and3A_1799, 8 : i32
        %and3A_1801 = arith.constant 7 : i32
        %and3A_1802 = arith.andi %squeeze3A_1797, %and3A_1801 : i32
        %sub3A_1803 = arith.constant 231 : i32
        %sub3A_1804 = arith.subi %sub3A_1803, %and3A_1802 : i32
        %dma_start3A_1805 = arith.constant 0 : i32
        %dma_start3A_1806 = tpu.memref_slice %arg17[%sub3A_1804, %dma_start3A_1805] : memref<512x64xf32, #tpu.memory_space<vmem>> -> memref<8x64xf32, #tpu.memory_space<vmem>>
        %dma_start3A_1807 = arith.constant 0 : i32
        %dma_start3A_1808 = tpu.memref_slice %arg8[%multiple_of3A_1800, %dma_start3A_1807] : memref<100000x64xf32, #tpu.memory_space<hbm>> -> memref<8x64xf32, #tpu.memory_space<hbm>>
        %dma_start3A_1809 = arith.constant 0 : i32
        %dma_start3A_1810 = tpu.memref_slice %arg17[%sub3A_1804, %dma_start3A_1809] : memref<512x64xf32, #tpu.memory_space<vmem>> -> memref<8x64xf32, #tpu.memory_space<vmem>>
        %dma_start3A_1811 = arith.constant 0 : i32
        %dma_start3A_1812 = tpu.memref_slice %arg8[%multiple_of3A_1800, %dma_start3A_1811] : memref<100000x64xf32, #tpu.memory_space<hbm>> -> memref<8x64xf32, #tpu.memory_space<hbm>>
        tpu.enqueue_dma source(%dma_start3A_1812 : memref<8x64xf32, #tpu.memory_space<hbm>>) target(%dma_start3A_1810 : memref<8x64xf32, #tpu.memory_space<vmem>>) target_semaphore(%arg22 : memref<!tpu.dma_semaphore, #tpu.memory_space<semaphore_mem>>)
        %slice3A_1813 = vector.extract_strided_slice %get3A_1557 {offsets = [15], sizes = [1], strides = [1]} : vector<16xi32> to vector<1xi32>
        %squeeze3A_1814 = vector.extract %slice3A_1813[0] : i32 from vector<1xi32>
        %and3A_1815 = arith.constant -8 : i32
        %and3A_1816 = arith.andi %squeeze3A_1814, %and3A_1815 : i32
        %multiple_of3A_1817 = tpu.assume_multiple %and3A_1816, 8 : i32
        %and3A_1818 = arith.constant 7 : i32
        %and3A_1819 = arith.andi %squeeze3A_1814, %and3A_1818 : i32
        %sub3A_1820 = arith.constant 247 : i32
        %sub3A_1821 = arith.subi %sub3A_1820, %and3A_1819 : i32
        %dma_start3A_1822 = arith.constant 0 : i32
        %dma_start3A_1823 = tpu.memref_slice %arg17[%sub3A_1821, %dma_start3A_1822] : memref<512x64xf32, #tpu.memory_space<vmem>> -> memref<8x64xf32, #tpu.memory_space<vmem>>
        %dma_start3A_1824 = arith.constant 0 : i32
        %dma_start3A_1825 = tpu.memref_slice %arg8[%multiple_of3A_1817, %dma_start3A_1824] : memref<100000x64xf32, #tpu.memory_space<hbm>> -> memref<8x64xf32, #tpu.memory_space<hbm>>
        %dma_start3A_1826 = arith.constant 0 : i32
        %dma_start3A_1827 = tpu.memref_slice %arg17[%sub3A_1821, %dma_start3A_1826] : memref<512x64xf32, #tpu.memory_space<vmem>> -> memref<8x64xf32, #tpu.memory_space<vmem>>
        %dma_start3A_1828 = arith.constant 0 : i32
        %dma_start3A_1829 = tpu.memref_slice %arg8[%multiple_of3A_1817, %dma_start3A_1828] : memref<100000x64xf32, #tpu.memory_space<hbm>> -> memref<8x64xf32, #tpu.memory_space<hbm>>
        tpu.enqueue_dma source(%dma_start3A_1829 : memref<8x64xf32, #tpu.memory_space<hbm>>) target(%dma_start3A_1827 : memref<8x64xf32, #tpu.memory_space<vmem>>) target_semaphore(%arg22 : memref<!tpu.dma_semaphore, #tpu.memory_space<semaphore_mem>>)
      } else {
      }
      %dma_wait3A_1083 = arith.constant 64 : i32
      %dma_wait3A_1084 = arith.constant 0 : i32
      %dma_wait3A_1085 = tpu.memref_slice %arg16[%dma_wait3A_1083, %dma_wait3A_1084] : memref<128x128xf32, #tpu.memory_space<vmem>> -> memref<64x128xf32, #tpu.memory_space<vmem>>
      %dma_wait3A_1086 = arith.constant 0 : i32
      %dma_wait3A_1087 = arith.constant 0 : i32
      %dma_wait3A_1088 = tpu.memref_slice %arg7[%dma_wait3A_1086, %dma_wait3A_1087] : memref<1000000x128xf32, #tpu.memory_space<hbm>> -> memref<64x128xf32, #tpu.memory_space<hbm>>
      %dma_wait3A_1089 = arith.constant 64 : i32
      %dma_wait3A_1090 = arith.constant 0 : i32
      %dma_wait3A_1091 = tpu.memref_slice %arg16[%dma_wait3A_1089, %dma_wait3A_1090] : memref<128x128xf32, #tpu.memory_space<vmem>> -> memref<64x128xf32, #tpu.memory_space<vmem>>
      %dma_wait3A_1092 = arith.constant 0 : i32
      %dma_wait3A_1093 = arith.constant 0 : i32
      %dma_wait3A_1094 = tpu.memref_slice %arg7[%dma_wait3A_1092, %dma_wait3A_1093] : memref<1000000x128xf32, #tpu.memory_space<hbm>> -> memref<64x128xf32, #tpu.memory_space<hbm>>
      tpu.wait_dma2 semaphore(%arg21 : memref<!tpu.dma_semaphore, #tpu.memory_space<semaphore_mem>>) src(%dma_wait3A_1094 : memref<64x128xf32, #tpu.memory_space<hbm>>) dst(%dma_wait3A_1091 : memref<64x128xf32, #tpu.memory_space<vmem>>)
      %dma_wait3A_1095 = arith.constant 256 : i32
      %dma_wait3A_1096 = arith.constant 0 : i32
      %dma_wait3A_1097 = tpu.memref_slice %arg17[%dma_wait3A_1095, %dma_wait3A_1096] : memref<512x64xf32, #tpu.memory_space<vmem>> -> memref<8x64xf32, #tpu.memory_space<vmem>>
      %dma_wait3A_1098 = arith.constant 0 : i32
      %dma_wait3A_1099 = arith.constant 0 : i32
      %dma_wait3A_1100 = tpu.memref_slice %arg8[%dma_wait3A_1098, %dma_wait3A_1099] : memref<100000x64xf32, #tpu.memory_space<hbm>> -> memref<8x64xf32, #tpu.memory_space<hbm>>
      %dma_wait3A_1101 = arith.constant 256 : i32
      %dma_wait3A_1102 = arith.constant 0 : i32
      %dma_wait3A_1103 = tpu.memref_slice %arg17[%dma_wait3A_1101, %dma_wait3A_1102] : memref<512x64xf32, #tpu.memory_space<vmem>> -> memref<8x64xf32, #tpu.memory_space<vmem>>
      %dma_wait3A_1104 = arith.constant 0 : i32
      %dma_wait3A_1105 = arith.constant 0 : i32
      %dma_wait3A_1106 = tpu.memref_slice %arg8[%dma_wait3A_1104, %dma_wait3A_1105] : memref<100000x64xf32, #tpu.memory_space<hbm>> -> memref<8x64xf32, #tpu.memory_space<hbm>>
      tpu.wait_dma2 semaphore(%arg23 : memref<!tpu.dma_semaphore, #tpu.memory_space<semaphore_mem>>) src(%dma_wait3A_1106 : memref<8x64xf32, #tpu.memory_space<hbm>>) dst(%dma_wait3A_1103 : memref<8x64xf32, #tpu.memory_space<vmem>>)
      %dma_wait3A_1107 = arith.constant 272 : i32
      %dma_wait3A_1108 = arith.constant 0 : i32
      %dma_wait3A_1109 = tpu.memref_slice %arg17[%dma_wait3A_1107, %dma_wait3A_1108] : memref<512x64xf32, #tpu.memory_space<vmem>> -> memref<8x64xf32, #tpu.memory_space<vmem>>
      %dma_wait3A_1110 = arith.constant 0 : i32
      %dma_wait3A_1111 = arith.constant 0 : i32
      %dma_wait3A_1112 = tpu.memref_slice %arg8[%dma_wait3A_1110, %dma_wait3A_1111] : memref<100000x64xf32, #tpu.memory_space<hbm>> -> memref<8x64xf32, #tpu.memory_space<hbm>>
      %dma_wait3A_1113 = arith.constant 272 : i32
      %dma_wait3A_1114 = arith.constant 0 : i32
      %dma_wait3A_1115 = tpu.memref_slice %arg17[%dma_wait3A_1113, %dma_wait3A_1114] : memref<512x64xf32, #tpu.memory_space<vmem>> -> memref<8x64xf32, #tpu.memory_space<vmem>>
      %dma_wait3A_1116 = arith.constant 0 : i32
      %dma_wait3A_1117 = arith.constant 0 : i32
      %dma_wait3A_1118 = tpu.memref_slice %arg8[%dma_wait3A_1116, %dma_wait3A_1117] : memref<100000x64xf32, #tpu.memory_space<hbm>> -> memref<8x64xf32, #tpu.memory_space<hbm>>
      tpu.wait_dma2 semaphore(%arg23 : memref<!tpu.dma_semaphore, #tpu.memory_space<semaphore_mem>>) src(%dma_wait3A_1118 : memref<8x64xf32, #tpu.memory_space<hbm>>) dst(%dma_wait3A_1115 : memref<8x64xf32, #tpu.memory_space<vmem>>)
      %dma_wait3A_1119 = arith.constant 288 : i32
      %dma_wait3A_1120 = arith.constant 0 : i32
      %dma_wait3A_1121 = tpu.memref_slice %arg17[%dma_wait3A_1119, %dma_wait3A_1120] : memref<512x64xf32, #tpu.memory_space<vmem>> -> memref<8x64xf32, #tpu.memory_space<vmem>>
      %dma_wait3A_1122 = arith.constant 0 : i32
      %dma_wait3A_1123 = arith.constant 0 : i32
      %dma_wait3A_1124 = tpu.memref_slice %arg8[%dma_wait3A_1122, %dma_wait3A_1123] : memref<100000x64xf32, #tpu.memory_space<hbm>> -> memref<8x64xf32, #tpu.memory_space<hbm>>
      %dma_wait3A_1125 = arith.constant 288 : i32
      %dma_wait3A_1126 = arith.constant 0 : i32
      %dma_wait3A_1127 = tpu.memref_slice %arg17[%dma_wait3A_1125, %dma_wait3A_1126] : memref<512x64xf32, #tpu.memory_space<vmem>> -> memref<8x64xf32, #tpu.memory_space<vmem>>
      %dma_wait3A_1128 = arith.constant 0 : i32
      %dma_wait3A_1129 = arith.constant 0 : i32
      %dma_wait3A_1130 = tpu.memref_slice %arg8[%dma_wait3A_1128, %dma_wait3A_1129] : memref<100000x64xf32, #tpu.memory_space<hbm>> -> memref<8x64xf32, #tpu.memory_space<hbm>>
      tpu.wait_dma2 semaphore(%arg23 : memref<!tpu.dma_semaphore, #tpu.memory_space<semaphore_mem>>) src(%dma_wait3A_1130 : memref<8x64xf32, #tpu.memory_space<hbm>>) dst(%dma_wait3A_1127 : memref<8x64xf32, #tpu.memory_space<vmem>>)
      %dma_wait3A_1131 = arith.constant 304 : i32
      %dma_wait3A_1132 = arith.constant 0 : i32
      %dma_wait3A_1133 = tpu.memref_slice %arg17[%dma_wait3A_1131, %dma_wait3A_1132] : memref<512x64xf32, #tpu.memory_space<vmem>> -> memref<8x64xf32, #tpu.memory_space<vmem>>
      %dma_wait3A_1134 = arith.constant 0 : i32
      %dma_wait3A_1135 = arith.constant 0 : i32
      %dma_wait3A_1136 = tpu.memref_slice %arg8[%dma_wait3A_1134, %dma_wait3A_1135] : memref<100000x64xf32, #tpu.memory_space<hbm>> -> memref<8x64xf32, #tpu.memory_space<hbm>>
      %dma_wait3A_1137 = arith.constant 304 : i32
      %dma_wait3A_1138 = arith.constant 0 : i32
      %dma_wait3A_1139 = tpu.memref_slice %arg17[%dma_wait3A_1137, %dma_wait3A_1138] : memref<512x64xf32, #tpu.memory_space<vmem>> -> memref<8x64xf32, #tpu.memory_space<vmem>>
      %dma_wait3A_1140 = arith.constant 0 : i32
      %dma_wait3A_1141 = arith.constant 0 : i32
      %dma_wait3A_1142 = tpu.memref_slice %arg8[%dma_wait3A_1140, %dma_wait3A_1141] : memref<100000x64xf32, #tpu.memory_space<hbm>> -> memref<8x64xf32, #tpu.memory_space<hbm>>
      tpu.wait_dma2 semaphore(%arg23 : memref<!tpu.dma_semaphore, #tpu.memory_space<semaphore_mem>>) src(%dma_wait3A_1142 : memref<8x64xf32, #tpu.memory_space<hbm>>) dst(%dma_wait3A_1139 : memref<8x64xf32, #tpu.memory_space<vmem>>)
      %dma_wait3A_1143 = arith.constant 320 : i32
      %dma_wait3A_1144 = arith.constant 0 : i32
      %dma_wait3A_1145 = tpu.memref_slice %arg17[%dma_wait3A_1143, %dma_wait3A_1144] : memref<512x64xf32, #tpu.memory_space<vmem>> -> memref<8x64xf32, #tpu.memory_space<vmem>>
      %dma_wait3A_1146 = arith.constant 0 : i32
      %dma_wait3A_1147 = arith.constant 0 : i32
      %dma_wait3A_1148 = tpu.memref_slice %arg8[%dma_wait3A_1146, %dma_wait3A_1147] : memref<100000x64xf32, #tpu.memory_space<hbm>> -> memref<8x64xf32, #tpu.memory_space<hbm>>
      %dma_wait3A_1149 = arith.constant 320 : i32
      %dma_wait3A_1150 = arith.constant 0 : i32
      %dma_wait3A_1151 = tpu.memref_slice %arg17[%dma_wait3A_1149, %dma_wait3A_1150] : memref<512x64xf32, #tpu.memory_space<vmem>> -> memref<8x64xf32, #tpu.memory_space<vmem>>
      %dma_wait3A_1152 = arith.constant 0 : i32
      %dma_wait3A_1153 = arith.constant 0 : i32
      %dma_wait3A_1154 = tpu.memref_slice %arg8[%dma_wait3A_1152, %dma_wait3A_1153] : memref<100000x64xf32, #tpu.memory_space<hbm>> -> memref<8x64xf32, #tpu.memory_space<hbm>>
      tpu.wait_dma2 semaphore(%arg23 : memref<!tpu.dma_semaphore, #tpu.memory_space<semaphore_mem>>) src(%dma_wait3A_1154 : memref<8x64xf32, #tpu.memory_space<hbm>>) dst(%dma_wait3A_1151 : memref<8x64xf32, #tpu.memory_space<vmem>>)
      %dma_wait3A_1155 = arith.constant 336 : i32
      %dma_wait3A_1156 = arith.constant 0 : i32
      %dma_wait3A_1157 = tpu.memref_slice %arg17[%dma_wait3A_1155, %dma_wait3A_1156] : memref<512x64xf32, #tpu.memory_space<vmem>> -> memref<8x64xf32, #tpu.memory_space<vmem>>
      %dma_wait3A_1158 = arith.constant 0 : i32
      %dma_wait3A_1159 = arith.constant 0 : i32
      %dma_wait3A_1160 = tpu.memref_slice %arg8[%dma_wait3A_1158, %dma_wait3A_1159] : memref<100000x64xf32, #tpu.memory_space<hbm>> -> memref<8x64xf32, #tpu.memory_space<hbm>>
      %dma_wait3A_1161 = arith.constant 336 : i32
      %dma_wait3A_1162 = arith.constant 0 : i32
      %dma_wait3A_1163 = tpu.memref_slice %arg17[%dma_wait3A_1161, %dma_wait3A_1162] : memref<512x64xf32, #tpu.memory_space<vmem>> -> memref<8x64xf32, #tpu.memory_space<vmem>>
      %dma_wait3A_1164 = arith.constant 0 : i32
      %dma_wait3A_1165 = arith.constant 0 : i32
      %dma_wait3A_1166 = tpu.memref_slice %arg8[%dma_wait3A_1164, %dma_wait3A_1165] : memref<100000x64xf32, #tpu.memory_space<hbm>> -> memref<8x64xf32, #tpu.memory_space<hbm>>
      tpu.wait_dma2 semaphore(%arg23 : memref<!tpu.dma_semaphore, #tpu.memory_space<semaphore_mem>>) src(%dma_wait3A_1166 : memref<8x64xf32, #tpu.memory_space<hbm>>) dst(%dma_wait3A_1163 : memref<8x64xf32, #tpu.memory_space<vmem>>)
      %dma_wait3A_1167 = arith.constant 352 : i32
      %dma_wait3A_1168 = arith.constant 0 : i32
      %dma_wait3A_1169 = tpu.memref_slice %arg17[%dma_wait3A_1167, %dma_wait3A_1168] : memref<512x64xf32, #tpu.memory_space<vmem>> -> memref<8x64xf32, #tpu.memory_space<vmem>>
      %dma_wait3A_1170 = arith.constant 0 : i32
      %dma_wait3A_1171 = arith.constant 0 : i32
      %dma_wait3A_1172 = tpu.memref_slice %arg8[%dma_wait3A_1170, %dma_wait3A_1171] : memref<100000x64xf32, #tpu.memory_space<hbm>> -> memref<8x64xf32, #tpu.memory_space<hbm>>
      %dma_wait3A_1173 = arith.constant 352 : i32
      %dma_wait3A_1174 = arith.constant 0 : i32
      %dma_wait3A_1175 = tpu.memref_slice %arg17[%dma_wait3A_1173, %dma_wait3A_1174] : memref<512x64xf32, #tpu.memory_space<vmem>> -> memref<8x64xf32, #tpu.memory_space<vmem>>
      %dma_wait3A_1176 = arith.constant 0 : i32
      %dma_wait3A_1177 = arith.constant 0 : i32
      %dma_wait3A_1178 = tpu.memref_slice %arg8[%dma_wait3A_1176, %dma_wait3A_1177] : memref<100000x64xf32, #tpu.memory_space<hbm>> -> memref<8x64xf32, #tpu.memory_space<hbm>>
      tpu.wait_dma2 semaphore(%arg23 : memref<!tpu.dma_semaphore, #tpu.memory_space<semaphore_mem>>) src(%dma_wait3A_1178 : memref<8x64xf32, #tpu.memory_space<hbm>>) dst(%dma_wait3A_1175 : memref<8x64xf32, #tpu.memory_space<vmem>>)
      %dma_wait3A_1179 = arith.constant 368 : i32
      %dma_wait3A_1180 = arith.constant 0 : i32
      %dma_wait3A_1181 = tpu.memref_slice %arg17[%dma_wait3A_1179, %dma_wait3A_1180] : memref<512x64xf32, #tpu.memory_space<vmem>> -> memref<8x64xf32, #tpu.memory_space<vmem>>
      %dma_wait3A_1182 = arith.constant 0 : i32
      %dma_wait3A_1183 = arith.constant 0 : i32
      %dma_wait3A_1184 = tpu.memref_slice %arg8[%dma_wait3A_1182, %dma_wait3A_1183] : memref<100000x64xf32, #tpu.memory_space<hbm>> -> memref<8x64xf32, #tpu.memory_space<hbm>>
      %dma_wait3A_1185 = arith.constant 368 : i32
      %dma_wait3A_1186 = arith.constant 0 : i32
      %dma_wait3A_1187 = tpu.memref_slice %arg17[%dma_wait3A_1185, %dma_wait3A_1186] : memref<512x64xf32, #tpu.memory_space<vmem>> -> memref<8x64xf32, #tpu.memory_space<vmem>>
      %dma_wait3A_1188 = arith.constant 0 : i32
      %dma_wait3A_1189 = arith.constant 0 : i32
      %dma_wait3A_1190 = tpu.memref_slice %arg8[%dma_wait3A_1188, %dma_wait3A_1189] : memref<100000x64xf32, #tpu.memory_space<hbm>> -> memref<8x64xf32, #tpu.memory_space<hbm>>
      tpu.wait_dma2 semaphore(%arg23 : memref<!tpu.dma_semaphore, #tpu.memory_space<semaphore_mem>>) src(%dma_wait3A_1190 : memref<8x64xf32, #tpu.memory_space<hbm>>) dst(%dma_wait3A_1187 : memref<8x64xf32, #tpu.memory_space<vmem>>)
      %dma_wait3A_1191 = arith.constant 384 : i32
      %dma_wait3A_1192 = arith.constant 0 : i32
      %dma_wait3A_1193 = tpu.memref_slice %arg17[%dma_wait3A_1191, %dma_wait3A_1192] : memref<512x64xf32, #tpu.memory_space<vmem>> -> memref<8x64xf32, #tpu.memory_space<vmem>>
      %dma_wait3A_1194 = arith.constant 0 : i32
      %dma_wait3A_1195 = arith.constant 0 : i32
      %dma_wait3A_1196 = tpu.memref_slice %arg8[%dma_wait3A_1194, %dma_wait3A_1195] : memref<100000x64xf32, #tpu.memory_space<hbm>> -> memref<8x64xf32, #tpu.memory_space<hbm>>
      %dma_wait3A_1197 = arith.constant 384 : i32
      %dma_wait3A_1198 = arith.constant 0 : i32
      %dma_wait3A_1199 = tpu.memref_slice %arg17[%dma_wait3A_1197, %dma_wait3A_1198] : memref<512x64xf32, #tpu.memory_space<vmem>> -> memref<8x64xf32, #tpu.memory_space<vmem>>
      %dma_wait3A_1200 = arith.constant 0 : i32
      %dma_wait3A_1201 = arith.constant 0 : i32
      %dma_wait3A_1202 = tpu.memref_slice %arg8[%dma_wait3A_1200, %dma_wait3A_1201] : memref<100000x64xf32, #tpu.memory_space<hbm>> -> memref<8x64xf32, #tpu.memory_space<hbm>>
      tpu.wait_dma2 semaphore(%arg23 : memref<!tpu.dma_semaphore, #tpu.memory_space<semaphore_mem>>) src(%dma_wait3A_1202 : memref<8x64xf32, #tpu.memory_space<hbm>>) dst(%dma_wait3A_1199 : memref<8x64xf32, #tpu.memory_space<vmem>>)
      %dma_wait3A_1203 = arith.constant 400 : i32
      %dma_wait3A_1204 = arith.constant 0 : i32
      %dma_wait3A_1205 = tpu.memref_slice %arg17[%dma_wait3A_1203, %dma_wait3A_1204] : memref<512x64xf32, #tpu.memory_space<vmem>> -> memref<8x64xf32, #tpu.memory_space<vmem>>
      %dma_wait3A_1206 = arith.constant 0 : i32
      %dma_wait3A_1207 = arith.constant 0 : i32
      %dma_wait3A_1208 = tpu.memref_slice %arg8[%dma_wait3A_1206, %dma_wait3A_1207] : memref<100000x64xf32, #tpu.memory_space<hbm>> -> memref<8x64xf32, #tpu.memory_space<hbm>>
      %dma_wait3A_1209 = arith.constant 400 : i32
      %dma_wait3A_1210 = arith.constant 0 : i32
      %dma_wait3A_1211 = tpu.memref_slice %arg17[%dma_wait3A_1209, %dma_wait3A_1210] : memref<512x64xf32, #tpu.memory_space<vmem>> -> memref<8x64xf32, #tpu.memory_space<vmem>>
      %dma_wait3A_1212 = arith.constant 0 : i32
      %dma_wait3A_1213 = arith.constant 0 : i32
      %dma_wait3A_1214 = tpu.memref_slice %arg8[%dma_wait3A_1212, %dma_wait3A_1213] : memref<100000x64xf32, #tpu.memory_space<hbm>> -> memref<8x64xf32, #tpu.memory_space<hbm>>
      tpu.wait_dma2 semaphore(%arg23 : memref<!tpu.dma_semaphore, #tpu.memory_space<semaphore_mem>>) src(%dma_wait3A_1214 : memref<8x64xf32, #tpu.memory_space<hbm>>) dst(%dma_wait3A_1211 : memref<8x64xf32, #tpu.memory_space<vmem>>)
      %dma_wait3A_1215 = arith.constant 416 : i32
      %dma_wait3A_1216 = arith.constant 0 : i32
      %dma_wait3A_1217 = tpu.memref_slice %arg17[%dma_wait3A_1215, %dma_wait3A_1216] : memref<512x64xf32, #tpu.memory_space<vmem>> -> memref<8x64xf32, #tpu.memory_space<vmem>>
      %dma_wait3A_1218 = arith.constant 0 : i32
      %dma_wait3A_1219 = arith.constant 0 : i32
      %dma_wait3A_1220 = tpu.memref_slice %arg8[%dma_wait3A_1218, %dma_wait3A_1219] : memref<100000x64xf32, #tpu.memory_space<hbm>> -> memref<8x64xf32, #tpu.memory_space<hbm>>
      %dma_wait3A_1221 = arith.constant 416 : i32
      %dma_wait3A_1222 = arith.constant 0 : i32
      %dma_wait3A_1223 = tpu.memref_slice %arg17[%dma_wait3A_1221, %dma_wait3A_1222] : memref<512x64xf32, #tpu.memory_space<vmem>> -> memref<8x64xf32, #tpu.memory_space<vmem>>
      %dma_wait3A_1224 = arith.constant 0 : i32
      %dma_wait3A_1225 = arith.constant 0 : i32
      %dma_wait3A_1226 = tpu.memref_slice %arg8[%dma_wait3A_1224, %dma_wait3A_1225] : memref<100000x64xf32, #tpu.memory_space<hbm>> -> memref<8x64xf32, #tpu.memory_space<hbm>>
      tpu.wait_dma2 semaphore(%arg23 : memref<!tpu.dma_semaphore, #tpu.memory_space<semaphore_mem>>) src(%dma_wait3A_1226 : memref<8x64xf32, #tpu.memory_space<hbm>>) dst(%dma_wait3A_1223 : memref<8x64xf32, #tpu.memory_space<vmem>>)
      %dma_wait3A_1227 = arith.constant 432 : i32
      %dma_wait3A_1228 = arith.constant 0 : i32
      %dma_wait3A_1229 = tpu.memref_slice %arg17[%dma_wait3A_1227, %dma_wait3A_1228] : memref<512x64xf32, #tpu.memory_space<vmem>> -> memref<8x64xf32, #tpu.memory_space<vmem>>
      %dma_wait3A_1230 = arith.constant 0 : i32
      %dma_wait3A_1231 = arith.constant 0 : i32
      %dma_wait3A_1232 = tpu.memref_slice %arg8[%dma_wait3A_1230, %dma_wait3A_1231] : memref<100000x64xf32, #tpu.memory_space<hbm>> -> memref<8x64xf32, #tpu.memory_space<hbm>>
      %dma_wait3A_1233 = arith.constant 432 : i32
      %dma_wait3A_1234 = arith.constant 0 : i32
      %dma_wait3A_1235 = tpu.memref_slice %arg17[%dma_wait3A_1233, %dma_wait3A_1234] : memref<512x64xf32, #tpu.memory_space<vmem>> -> memref<8x64xf32, #tpu.memory_space<vmem>>
      %dma_wait3A_1236 = arith.constant 0 : i32
      %dma_wait3A_1237 = arith.constant 0 : i32
      %dma_wait3A_1238 = tpu.memref_slice %arg8[%dma_wait3A_1236, %dma_wait3A_1237] : memref<100000x64xf32, #tpu.memory_space<hbm>> -> memref<8x64xf32, #tpu.memory_space<hbm>>
      tpu.wait_dma2 semaphore(%arg23 : memref<!tpu.dma_semaphore, #tpu.memory_space<semaphore_mem>>) src(%dma_wait3A_1238 : memref<8x64xf32, #tpu.memory_space<hbm>>) dst(%dma_wait3A_1235 : memref<8x64xf32, #tpu.memory_space<vmem>>)
      %dma_wait3A_1239 = arith.constant 448 : i32
      %dma_wait3A_1240 = arith.constant 0 : i32
      %dma_wait3A_1241 = tpu.memref_slice %arg17[%dma_wait3A_1239, %dma_wait3A_1240] : memref<512x64xf32, #tpu.memory_space<vmem>> -> memref<8x64xf32, #tpu.memory_space<vmem>>
      %dma_wait3A_1242 = arith.constant 0 : i32
      %dma_wait3A_1243 = arith.constant 0 : i32
      %dma_wait3A_1244 = tpu.memref_slice %arg8[%dma_wait3A_1242, %dma_wait3A_1243] : memref<100000x64xf32, #tpu.memory_space<hbm>> -> memref<8x64xf32, #tpu.memory_space<hbm>>
      %dma_wait3A_1245 = arith.constant 448 : i32
      %dma_wait3A_1246 = arith.constant 0 : i32
      %dma_wait3A_1247 = tpu.memref_slice %arg17[%dma_wait3A_1245, %dma_wait3A_1246] : memref<512x64xf32, #tpu.memory_space<vmem>> -> memref<8x64xf32, #tpu.memory_space<vmem>>
      %dma_wait3A_1248 = arith.constant 0 : i32
      %dma_wait3A_1249 = arith.constant 0 : i32
      %dma_wait3A_1250 = tpu.memref_slice %arg8[%dma_wait3A_1248, %dma_wait3A_1249] : memref<100000x64xf32, #tpu.memory_space<hbm>> -> memref<8x64xf32, #tpu.memory_space<hbm>>
      tpu.wait_dma2 semaphore(%arg23 : memref<!tpu.dma_semaphore, #tpu.memory_space<semaphore_mem>>) src(%dma_wait3A_1250 : memref<8x64xf32, #tpu.memory_space<hbm>>) dst(%dma_wait3A_1247 : memref<8x64xf32, #tpu.memory_space<vmem>>)
      %dma_wait3A_1251 = arith.constant 464 : i32
      %dma_wait3A_1252 = arith.constant 0 : i32
      %dma_wait3A_1253 = tpu.memref_slice %arg17[%dma_wait3A_1251, %dma_wait3A_1252] : memref<512x64xf32, #tpu.memory_space<vmem>> -> memref<8x64xf32, #tpu.memory_space<vmem>>
      %dma_wait3A_1254 = arith.constant 0 : i32
      %dma_wait3A_1255 = arith.constant 0 : i32
      %dma_wait3A_1256 = tpu.memref_slice %arg8[%dma_wait3A_1254, %dma_wait3A_1255] : memref<100000x64xf32, #tpu.memory_space<hbm>> -> memref<8x64xf32, #tpu.memory_space<hbm>>
      %dma_wait3A_1257 = arith.constant 464 : i32
      %dma_wait3A_1258 = arith.constant 0 : i32
      %dma_wait3A_1259 = tpu.memref_slice %arg17[%dma_wait3A_1257, %dma_wait3A_1258] : memref<512x64xf32, #tpu.memory_space<vmem>> -> memref<8x64xf32, #tpu.memory_space<vmem>>
      %dma_wait3A_1260 = arith.constant 0 : i32
      %dma_wait3A_1261 = arith.constant 0 : i32
      %dma_wait3A_1262 = tpu.memref_slice %arg8[%dma_wait3A_1260, %dma_wait3A_1261] : memref<100000x64xf32, #tpu.memory_space<hbm>> -> memref<8x64xf32, #tpu.memory_space<hbm>>
      tpu.wait_dma2 semaphore(%arg23 : memref<!tpu.dma_semaphore, #tpu.memory_space<semaphore_mem>>) src(%dma_wait3A_1262 : memref<8x64xf32, #tpu.memory_space<hbm>>) dst(%dma_wait3A_1259 : memref<8x64xf32, #tpu.memory_space<vmem>>)
      %dma_wait3A_1263 = arith.constant 480 : i32
      %dma_wait3A_1264 = arith.constant 0 : i32
      %dma_wait3A_1265 = tpu.memref_slice %arg17[%dma_wait3A_1263, %dma_wait3A_1264] : memref<512x64xf32, #tpu.memory_space<vmem>> -> memref<8x64xf32, #tpu.memory_space<vmem>>
      %dma_wait3A_1266 = arith.constant 0 : i32
      %dma_wait3A_1267 = arith.constant 0 : i32
      %dma_wait3A_1268 = tpu.memref_slice %arg8[%dma_wait3A_1266, %dma_wait3A_1267] : memref<100000x64xf32, #tpu.memory_space<hbm>> -> memref<8x64xf32, #tpu.memory_space<hbm>>
      %dma_wait3A_1269 = arith.constant 480 : i32
      %dma_wait3A_1270 = arith.constant 0 : i32
      %dma_wait3A_1271 = tpu.memref_slice %arg17[%dma_wait3A_1269, %dma_wait3A_1270] : memref<512x64xf32, #tpu.memory_space<vmem>> -> memref<8x64xf32, #tpu.memory_space<vmem>>
      %dma_wait3A_1272 = arith.constant 0 : i32
      %dma_wait3A_1273 = arith.constant 0 : i32
      %dma_wait3A_1274 = tpu.memref_slice %arg8[%dma_wait3A_1272, %dma_wait3A_1273] : memref<100000x64xf32, #tpu.memory_space<hbm>> -> memref<8x64xf32, #tpu.memory_space<hbm>>
      tpu.wait_dma2 semaphore(%arg23 : memref<!tpu.dma_semaphore, #tpu.memory_space<semaphore_mem>>) src(%dma_wait3A_1274 : memref<8x64xf32, #tpu.memory_space<hbm>>) dst(%dma_wait3A_1271 : memref<8x64xf32, #tpu.memory_space<vmem>>)
      %dma_wait3A_1275 = arith.constant 496 : i32
      %dma_wait3A_1276 = arith.constant 0 : i32
      %dma_wait3A_1277 = tpu.memref_slice %arg17[%dma_wait3A_1275, %dma_wait3A_1276] : memref<512x64xf32, #tpu.memory_space<vmem>> -> memref<8x64xf32, #tpu.memory_space<vmem>>
      %dma_wait3A_1278 = arith.constant 0 : i32
      %dma_wait3A_1279 = arith.constant 0 : i32
      %dma_wait3A_1280 = tpu.memref_slice %arg8[%dma_wait3A_1278, %dma_wait3A_1279] : memref<100000x64xf32, #tpu.memory_space<hbm>> -> memref<8x64xf32, #tpu.memory_space<hbm>>
      %dma_wait3A_1281 = arith.constant 496 : i32
      %dma_wait3A_1282 = arith.constant 0 : i32
      %dma_wait3A_1283 = tpu.memref_slice %arg17[%dma_wait3A_1281, %dma_wait3A_1282] : memref<512x64xf32, #tpu.memory_space<vmem>> -> memref<8x64xf32, #tpu.memory_space<vmem>>
      %dma_wait3A_1284 = arith.constant 0 : i32
      %dma_wait3A_1285 = arith.constant 0 : i32
      %dma_wait3A_1286 = tpu.memref_slice %arg8[%dma_wait3A_1284, %dma_wait3A_1285] : memref<100000x64xf32, #tpu.memory_space<hbm>> -> memref<8x64xf32, #tpu.memory_space<hbm>>
      tpu.wait_dma2 semaphore(%arg23 : memref<!tpu.dma_semaphore, #tpu.memory_space<semaphore_mem>>) src(%dma_wait3A_1286 : memref<8x64xf32, #tpu.memory_space<hbm>>) dst(%dma_wait3A_1283 : memref<8x64xf32, #tpu.memory_space<vmem>>)
      %mul3A_1287 = arith.constant 2 : i32
      %mul3A_1288 = arith.muli %mul3A_1287, %scan3A_342 : i32
      %add3A_1289 = arith.constant 1 : i32
      %add3A_1290 = arith.addi %mul3A_1288, %add3A_1289 : i32
      %scan3A_1291 = arith.constant 0 : i32
      %scan3A_1292 = arith.constant 0 : i32
      %broadcast_in_dim3A_1293 = arith.constant 0.000000e+00 : f32
      %broadcast_in_dim3A_1294 = vector.broadcast %broadcast_in_dim3A_1293 : f32 to vector<16xf32>
      %scan3A_1295 = arith.constant 0 : i32
      %scan3A_1296 = arith.constant 16 : i32
      %scan3A_1297 = arith.addi %scan3A_1295, %scan3A_1296 : i32
      %scan3A_1298 = arith.constant 1 : i32
      %scan3A_1299:4 = scf.for %scan3A_1517 = %scan3A_1295 to %scan3A_1297 step %scan3A_1298 iter_args(%scan3A_1518 = %broadcast_in_dim3A_1294, %scan3A_1519 = %broadcast_in_dim3A_1294, %scan3A_1520 = %broadcast_in_dim3A_1294, %scan3A_1521 = %broadcast_in_dim3A_1294) -> (vector<16xf32>, vector<16xf32>, vector<16xf32>, vector<16xf32>)  : i32 {
        %mul3A_1522 = arith.constant 16 : i32
        %mul3A_1523 = arith.muli %scan3A_1292, %mul3A_1522 : i32
        %add3A_1524 = arith.addi %mul3A_1523, %scan3A_1517 : i32
        %add3A_1525 = arith.constant 64 : i32
        %add3A_1526 = arith.addi %add3A_1525, %add3A_1524 : i32
        %add3A_1527 = arith.constant 16 : i32
        %add3A_1528 = arith.addi %add3A_1527, %add3A_1524 : i32
        %mul3A_1529 = arith.constant 16 : i32
        %mul3A_1530 = arith.muli %add3A_1528, %mul3A_1529 : i32
        %add3A_1531 = arith.constant 7 : i32
        %add3A_1532 = arith.addi %mul3A_1530, %add3A_1531 : i32
        %get3A_1533 = arith.index_cast %add3A_1532 : i32 to index
        %get3A_1534 = arith.constant 0 : index
        %get3A_1535 = tpu.vector_load %arg17[%get3A_1533, %get3A_1534] {strides = array<i32>} : memref<512x64xf32, #tpu.memory_space<vmem>>, vector<1x16xf32>,
        %get3A_1536 = vector.shape_cast %get3A_1535 : vector<1x16xf32> to vector<16xf32>
        %mul3A_1537 = arith.mulf %get3A_1536, %get3A_1536 : vector<16xf32>
        %mul3A_1538 = arith.constant -0.00138888892 : f32
        %mul3A_1539 = vector.broadcast %mul3A_1538 : f32 to vector<16xf32>
        %mul3A_1540 = arith.mulf %mul3A_1537, %mul3A_1539 : vector<16xf32>
        %add3A_1541 = arith.constant 0.0416666679 : f32
        %add3A_1542 = vector.broadcast %add3A_1541 : f32 to vector<16xf32>
        %add3A_1543 = arith.addf %mul3A_1540, %add3A_1542 : vector<16xf32>
        %mul3A_1544 = arith.mulf %add3A_1543, %mul3A_1537 : vector<16xf32>
        %add3A_1545 = arith.constant -5.000000e-01 : f32
        %add3A_1546 = vector.broadcast %add3A_1545 : f32 to vector<16xf32>
        %add3A_1547 = arith.addf %mul3A_1544, %add3A_1546 : vector<16xf32>
        %mul3A_1548 = arith.mulf %add3A_1547, %mul3A_1537 : vector<16xf32>
        %add3A_1549 = arith.constant 1.000000e+00 : f32
        %add3A_1550 = vector.broadcast %add3A_1549 : f32 to vector<16xf32>
        %add3A_1551 = arith.addf %mul3A_1548, %add3A_1550 : vector<16xf32>
        %mul3A_1552 = arith.constant -1.98412701E-4 : f32
        %mul3A_1553 = vector.broadcast %mul3A_1552 : f32 to vector<16xf32>
        %mul3A_1554 = arith.mulf %mul3A_1553, %mul3A_1537 : vector<16xf32>
        %add3A_1555 = arith.constant 0.00833333377 : f32
        %add3A_1556 = vector.broadcast %add3A_1555 : f32 to vector<16xf32>
        %add3A_1557 = arith.addf %mul3A_1554, %add3A_1556 : vector<16xf32>
        %mul3A_1558 = arith.mulf %add3A_1557, %mul3A_1537 : vector<16xf32>
        %add3A_1559 = arith.constant -0.166666672 : f32
        %add3A_1560 = vector.broadcast %add3A_1559 : f32 to vector<16xf32>
        %add3A_1561 = arith.addf %mul3A_1558, %add3A_1560 : vector<16xf32>
        %mul3A_1562 = arith.mulf %add3A_1561, %mul3A_1537 : vector<16xf32>
        %add3A_1563 = arith.constant 1.000000e+00 : f32
        %add3A_1564 = vector.broadcast %add3A_1563 : f32 to vector<16xf32>
        %add3A_1565 = arith.addf %mul3A_1562, %add3A_1564 : vector<16xf32>
        %mul3A_1566 = arith.mulf %get3A_1536, %add3A_1565 : vector<16xf32>
        %lt3A_1567 = arith.constant 0 : i32
        %lt3A_1568 = vector.broadcast %lt3A_1567 : i32 to vector<16xi32>
        %lt3A_1569 = arith.cmpi slt, %shift_right_logical3A_6, %lt3A_1568 : vector<16xi32>
        %add3A_1570 = arith.constant 16 : i32
        %add3A_1571 = vector.broadcast %add3A_1570 : i32 to vector<16xi32>
        %add3A_1572 = arith.addi %shift_right_logical3A_6, %add3A_1571 : vector<16xi32>
        %select_n3A_1573 = arith.select %lt3A_1569, %add3A_1572, %shift_right_logical3A_6 : vector<16xi1>, vector<16xi32>
        %broadcast_in_dim3A_1574 = vector.shape_cast %select_n3A_1573 : vector<16xi32> to vector<16x1xi32>
        %gather3A = vector.shape_cast %broadcast_in_dim3A_1574 : vector<16x1xi32> to vector<16xi32>
        %gather3A_1575 = tpu.dynamic_gather %add3A_1551[%gather3A] in [0] : vector<16xf32>, vector<16xi32> -> vector<16xf32>
        %lt3A_1576 = arith.constant 0 : i32
        %lt3A_1577 = vector.broadcast %lt3A_1576 : i32 to vector<16xi32>
        %lt3A_1578 = arith.cmpi slt, %add3A_9, %lt3A_1577 : vector<16xi32>
        %add3A_1579 = arith.constant 16 : i32
        %add3A_1580 = vector.broadcast %add3A_1579 : i32 to vector<16xi32>
        %add3A_1581 = arith.addi %add3A_9, %add3A_1580 : vector<16xi32>
        %select_n3A_1582 = arith.select %lt3A_1578, %add3A_1581, %add3A_9 : vector<16xi1>, vector<16xi32>
        %broadcast_in_dim3A_1583 = vector.shape_cast %select_n3A_1582 : vector<16xi32> to vector<16x1xi32>
        %gather3A_1584 = vector.shape_cast %broadcast_in_dim3A_1583 : vector<16x1xi32> to vector<16xi32>
        %gather3A_1585 = tpu.dynamic_gather %add3A_1551[%gather3A_1584] in [0] : vector<16xf32>, vector<16xi32> -> vector<16xf32>
        %lt3A_1586 = arith.constant 0 : i32
        %lt3A_1587 = vector.broadcast %lt3A_1586 : i32 to vector<16xi32>
        %lt3A_1588 = arith.cmpi slt, %shift_right_logical3A_6, %lt3A_1587 : vector<16xi32>
        %add3A_1589 = arith.constant 16 : i32
        %add3A_1590 = vector.broadcast %add3A_1589 : i32 to vector<16xi32>
        %add3A_1591 = arith.addi %shift_right_logical3A_6, %add3A_1590 : vector<16xi32>
        %select_n3A_1592 = arith.select %lt3A_1588, %add3A_1591, %shift_right_logical3A_6 : vector<16xi1>, vector<16xi32>
        %broadcast_in_dim3A_1593 = vector.shape_cast %select_n3A_1592 : vector<16xi32> to vector<16x1xi32>
        %gather3A_1594 = vector.shape_cast %broadcast_in_dim3A_1593 : vector<16x1xi32> to vector<16xi32>
        %gather3A_1595 = tpu.dynamic_gather %mul3A_1566[%gather3A_1594] in [0] : vector<16xf32>, vector<16xi32> -> vector<16xf32>
        %mul3A_1596 = arith.mulf %gather3A_1595, %select_n3A : vector<16xf32>
        %lt3A_1597 = arith.constant 0 : i32
        %lt3A_1598 = vector.broadcast %lt3A_1597 : i32 to vector<16xi32>
        %lt3A_1599 = arith.cmpi slt, %add3A_9, %lt3A_1598 : vector<16xi32>
        %add3A_1600 = arith.constant 16 : i32
        %add3A_1601 = vector.broadcast %add3A_1600 : i32 to vector<16xi32>
        %add3A_1602 = arith.addi %add3A_9, %add3A_1601 : vector<16xi32>
        %select_n3A_1603 = arith.select %lt3A_1599, %add3A_1602, %add3A_9 : vector<16xi1>, vector<16xi32>
        %broadcast_in_dim3A_1604 = vector.shape_cast %select_n3A_1603 : vector<16xi32> to vector<16x1xi32>
        %gather3A_1605 = vector.shape_cast %broadcast_in_dim3A_1604 : vector<16x1xi32> to vector<16xi32>
        %gather3A_1606 = tpu.dynamic_gather %mul3A_1566[%gather3A_1605] in [0] : vector<16xf32>, vector<16xi32> -> vector<16xf32>
        %mul3A_1607 = arith.mulf %gather3A_1606, %select_n3A : vector<16xf32>
        %get3A_1608 = arith.index_cast %add3A_1532 : i32 to index
        %get3A_1609 = arith.constant 16 : index
        %get3A_1610 = tpu.vector_load %arg17[%get3A_1608, %get3A_1609] {strides = array<i32>} : memref<512x64xf32, #tpu.memory_space<vmem>>, vector<1x16xf32>,
        %get3A_1611 = vector.shape_cast %get3A_1610 : vector<1x16xf32> to vector<16xf32>
        %mul3A_1612 = arith.mulf %get3A_1611, %get3A_1611 : vector<16xf32>
        %mul3A_1613 = arith.constant -0.00138888892 : f32
        %mul3A_1614 = vector.broadcast %mul3A_1613 : f32 to vector<16xf32>
        %mul3A_1615 = arith.mulf %mul3A_1612, %mul3A_1614 : vector<16xf32>
        %add3A_1616 = arith.constant 0.0416666679 : f32
        %add3A_1617 = vector.broadcast %add3A_1616 : f32 to vector<16xf32>
        %add3A_1618 = arith.addf %mul3A_1615, %add3A_1617 : vector<16xf32>
        %mul3A_1619 = arith.mulf %add3A_1618, %mul3A_1612 : vector<16xf32>
        %add3A_1620 = arith.constant -5.000000e-01 : f32
        %add3A_1621 = vector.broadcast %add3A_1620 : f32 to vector<16xf32>
        %add3A_1622 = arith.addf %mul3A_1619, %add3A_1621 : vector<16xf32>
        %mul3A_1623 = arith.mulf %add3A_1622, %mul3A_1612 : vector<16xf32>
        %add3A_1624 = arith.constant 1.000000e+00 : f32
        %add3A_1625 = vector.broadcast %add3A_1624 : f32 to vector<16xf32>
        %add3A_1626 = arith.addf %mul3A_1623, %add3A_1625 : vector<16xf32>
        %mul3A_1627 = arith.constant -1.98412701E-4 : f32
        %mul3A_1628 = vector.broadcast %mul3A_1627 : f32 to vector<16xf32>
        %mul3A_1629 = arith.mulf %mul3A_1628, %mul3A_1612 : vector<16xf32>
        %add3A_1630 = arith.constant 0.00833333377 : f32
        %add3A_1631 = vector.broadcast %add3A_1630 : f32 to vector<16xf32>
        %add3A_1632 = arith.addf %mul3A_1629, %add3A_1631 : vector<16xf32>
        %mul3A_1633 = arith.mulf %add3A_1632, %mul3A_1612 : vector<16xf32>
        %add3A_1634 = arith.constant -0.166666672 : f32
        %add3A_1635 = vector.broadcast %add3A_1634 : f32 to vector<16xf32>
        %add3A_1636 = arith.addf %mul3A_1633, %add3A_1635 : vector<16xf32>
        %mul3A_1637 = arith.mulf %add3A_1636, %mul3A_1612 : vector<16xf32>
        %add3A_1638 = arith.constant 1.000000e+00 : f32
        %add3A_1639 = vector.broadcast %add3A_1638 : f32 to vector<16xf32>
        %add3A_1640 = arith.addf %mul3A_1637, %add3A_1639 : vector<16xf32>
        %mul3A_1641 = arith.mulf %get3A_1611, %add3A_1640 : vector<16xf32>
        %lt3A_1642 = arith.constant 0 : i32
        %lt3A_1643 = vector.broadcast %lt3A_1642 : i32 to vector<16xi32>
        %lt3A_1644 = arith.cmpi slt, %shift_right_logical3A_6, %lt3A_1643 : vector<16xi32>
        %add3A_1645 = arith.constant 16 : i32
        %add3A_1646 = vector.broadcast %add3A_1645 : i32 to vector<16xi32>
        %add3A_1647 = arith.addi %shift_right_logical3A_6, %add3A_1646 : vector<16xi32>
        %select_n3A_1648 = arith.select %lt3A_1644, %add3A_1647, %shift_right_logical3A_6 : vector<16xi1>, vector<16xi32>
        %broadcast_in_dim3A_1649 = vector.shape_cast %select_n3A_1648 : vector<16xi32> to vector<16x1xi32>
        %gather3A_1650 = vector.shape_cast %broadcast_in_dim3A_1649 : vector<16x1xi32> to vector<16xi32>
        %gather3A_1651 = tpu.dynamic_gather %add3A_1626[%gather3A_1650] in [0] : vector<16xf32>, vector<16xi32> -> vector<16xf32>
        %lt3A_1652 = arith.constant 0 : i32
        %lt3A_1653 = vector.broadcast %lt3A_1652 : i32 to vector<16xi32>
        %lt3A_1654 = arith.cmpi slt, %add3A_9, %lt3A_1653 : vector<16xi32>
        %add3A_1655 = arith.constant 16 : i32
        %add3A_1656 = vector.broadcast %add3A_1655 : i32 to vector<16xi32>
        %add3A_1657 = arith.addi %add3A_9, %add3A_1656 : vector<16xi32>
        %select_n3A_1658 = arith.select %lt3A_1654, %add3A_1657, %add3A_9 : vector<16xi1>, vector<16xi32>
        %broadcast_in_dim3A_1659 = vector.shape_cast %select_n3A_1658 : vector<16xi32> to vector<16x1xi32>
        %gather3A_1660 = vector.shape_cast %broadcast_in_dim3A_1659 : vector<16x1xi32> to vector<16xi32>
        %gather3A_1661 = tpu.dynamic_gather %add3A_1626[%gather3A_1660] in [0] : vector<16xf32>, vector<16xi32> -> vector<16xf32>
        %lt3A_1662 = arith.constant 0 : i32
        %lt3A_1663 = vector.broadcast %lt3A_1662 : i32 to vector<16xi32>
        %lt3A_1664 = arith.cmpi slt, %shift_right_logical3A_6, %lt3A_1663 : vector<16xi32>
        %add3A_1665 = arith.constant 16 : i32
        %add3A_1666 = vector.broadcast %add3A_1665 : i32 to vector<16xi32>
        %add3A_1667 = arith.addi %shift_right_logical3A_6, %add3A_1666 : vector<16xi32>
        %select_n3A_1668 = arith.select %lt3A_1664, %add3A_1667, %shift_right_logical3A_6 : vector<16xi1>, vector<16xi32>
        %broadcast_in_dim3A_1669 = vector.shape_cast %select_n3A_1668 : vector<16xi32> to vector<16x1xi32>
        %gather3A_1670 = vector.shape_cast %broadcast_in_dim3A_1669 : vector<16x1xi32> to vector<16xi32>
        %gather3A_1671 = tpu.dynamic_gather %mul3A_1641[%gather3A_1670] in [0] : vector<16xf32>, vector<16xi32> -> vector<16xf32>
        %mul3A_1672 = arith.mulf %gather3A_1671, %select_n3A : vector<16xf32>
        %lt3A_1673 = arith.constant 0 : i32
        %lt3A_1674 = vector.broadcast %lt3A_1673 : i32 to vector<16xi32>
        %lt3A_1675 = arith.cmpi slt, %add3A_9, %lt3A_1674 : vector<16xi32>
        %add3A_1676 = arith.constant 16 : i32
        %add3A_1677 = vector.broadcast %add3A_1676 : i32 to vector<16xi32>
        %add3A_1678 = arith.addi %add3A_9, %add3A_1677 : vector<16xi32>
        %select_n3A_1679 = arith.select %lt3A_1675, %add3A_1678, %add3A_9 : vector<16xi1>, vector<16xi32>
        %broadcast_in_dim3A_1680 = vector.shape_cast %select_n3A_1679 : vector<16xi32> to vector<16x1xi32>
        %gather3A_1681 = vector.shape_cast %broadcast_in_dim3A_1680 : vector<16x1xi32> to vector<16xi32>
        %gather3A_1682 = tpu.dynamic_gather %mul3A_1641[%gather3A_1681] in [0] : vector<16xf32>, vector<16xi32> -> vector<16xf32>
        %mul3A_1683 = arith.mulf %gather3A_1682, %select_n3A : vector<16xf32>
        %get3A_1684 = arith.index_cast %add3A_1532 : i32 to index
        %get3A_1685 = arith.constant 32 : index
        %get3A_1686 = tpu.vector_load %arg17[%get3A_1684, %get3A_1685] {strides = array<i32>} : memref<512x64xf32, #tpu.memory_space<vmem>>, vector<1x16xf32>,
        %get3A_1687 = vector.shape_cast %get3A_1686 : vector<1x16xf32> to vector<16xf32>
        %mul3A_1688 = arith.mulf %get3A_1687, %get3A_1687 : vector<16xf32>
        %mul3A_1689 = arith.constant -0.00138888892 : f32
        %mul3A_1690 = vector.broadcast %mul3A_1689 : f32 to vector<16xf32>
        %mul3A_1691 = arith.mulf %mul3A_1688, %mul3A_1690 : vector<16xf32>
        %add3A_1692 = arith.constant 0.0416666679 : f32
        %add3A_1693 = vector.broadcast %add3A_1692 : f32 to vector<16xf32>
        %add3A_1694 = arith.addf %mul3A_1691, %add3A_1693 : vector<16xf32>
        %mul3A_1695 = arith.mulf %add3A_1694, %mul3A_1688 : vector<16xf32>
        %add3A_1696 = arith.constant -5.000000e-01 : f32
        %add3A_1697 = vector.broadcast %add3A_1696 : f32 to vector<16xf32>
        %add3A_1698 = arith.addf %mul3A_1695, %add3A_1697 : vector<16xf32>
        %mul3A_1699 = arith.mulf %add3A_1698, %mul3A_1688 : vector<16xf32>
        %add3A_1700 = arith.constant 1.000000e+00 : f32
        %add3A_1701 = vector.broadcast %add3A_1700 : f32 to vector<16xf32>
        %add3A_1702 = arith.addf %mul3A_1699, %add3A_1701 : vector<16xf32>
        %mul3A_1703 = arith.constant -1.98412701E-4 : f32
        %mul3A_1704 = vector.broadcast %mul3A_1703 : f32 to vector<16xf32>
        %mul3A_1705 = arith.mulf %mul3A_1704, %mul3A_1688 : vector<16xf32>
        %add3A_1706 = arith.constant 0.00833333377 : f32
        %add3A_1707 = vector.broadcast %add3A_1706 : f32 to vector<16xf32>
        %add3A_1708 = arith.addf %mul3A_1705, %add3A_1707 : vector<16xf32>
        %mul3A_1709 = arith.mulf %add3A_1708, %mul3A_1688 : vector<16xf32>
        %add3A_1710 = arith.constant -0.166666672 : f32
        %add3A_1711 = vector.broadcast %add3A_1710 : f32 to vector<16xf32>
        %add3A_1712 = arith.addf %mul3A_1709, %add3A_1711 : vector<16xf32>
        %mul3A_1713 = arith.mulf %add3A_1712, %mul3A_1688 : vector<16xf32>
        %add3A_1714 = arith.constant 1.000000e+00 : f32
        %add3A_1715 = vector.broadcast %add3A_1714 : f32 to vector<16xf32>
        %add3A_1716 = arith.addf %mul3A_1713, %add3A_1715 : vector<16xf32>
        %mul3A_1717 = arith.mulf %get3A_1687, %add3A_1716 : vector<16xf32>
        %lt3A_1718 = arith.constant 0 : i32
        %lt3A_1719 = vector.broadcast %lt3A_1718 : i32 to vector<16xi32>
        %lt3A_1720 = arith.cmpi slt, %shift_right_logical3A_6, %lt3A_1719 : vector<16xi32>
        %add3A_1721 = arith.constant 16 : i32
        %add3A_1722 = vector.broadcast %add3A_1721 : i32 to vector<16xi32>
        %add3A_1723 = arith.addi %shift_right_logical3A_6, %add3A_1722 : vector<16xi32>
        %select_n3A_1724 = arith.select %lt3A_1720, %add3A_1723, %shift_right_logical3A_6 : vector<16xi1>, vector<16xi32>
        %broadcast_in_dim3A_1725 = vector.shape_cast %select_n3A_1724 : vector<16xi32> to vector<16x1xi32>
        %gather3A_1726 = vector.shape_cast %broadcast_in_dim3A_1725 : vector<16x1xi32> to vector<16xi32>
        %gather3A_1727 = tpu.dynamic_gather %add3A_1702[%gather3A_1726] in [0] : vector<16xf32>, vector<16xi32> -> vector<16xf32>
        %lt3A_1728 = arith.constant 0 : i32
        %lt3A_1729 = vector.broadcast %lt3A_1728 : i32 to vector<16xi32>
        %lt3A_1730 = arith.cmpi slt, %add3A_9, %lt3A_1729 : vector<16xi32>
        %add3A_1731 = arith.constant 16 : i32
        %add3A_1732 = vector.broadcast %add3A_1731 : i32 to vector<16xi32>
        %add3A_1733 = arith.addi %add3A_9, %add3A_1732 : vector<16xi32>
        %select_n3A_1734 = arith.select %lt3A_1730, %add3A_1733, %add3A_9 : vector<16xi1>, vector<16xi32>
        %broadcast_in_dim3A_1735 = vector.shape_cast %select_n3A_1734 : vector<16xi32> to vector<16x1xi32>
        %gather3A_1736 = vector.shape_cast %broadcast_in_dim3A_1735 : vector<16x1xi32> to vector<16xi32>
        %gather3A_1737 = tpu.dynamic_gather %add3A_1702[%gather3A_1736] in [0] : vector<16xf32>, vector<16xi32> -> vector<16xf32>
        %lt3A_1738 = arith.constant 0 : i32
        %lt3A_1739 = vector.broadcast %lt3A_1738 : i32 to vector<16xi32>
        %lt3A_1740 = arith.cmpi slt, %shift_right_logical3A_6, %lt3A_1739 : vector<16xi32>
        %add3A_1741 = arith.constant 16 : i32
        %add3A_1742 = vector.broadcast %add3A_1741 : i32 to vector<16xi32>
        %add3A_1743 = arith.addi %shift_right_logical3A_6, %add3A_1742 : vector<16xi32>
        %select_n3A_1744 = arith.select %lt3A_1740, %add3A_1743, %shift_right_logical3A_6 : vector<16xi1>, vector<16xi32>
        %broadcast_in_dim3A_1745 = vector.shape_cast %select_n3A_1744 : vector<16xi32> to vector<16x1xi32>
        %gather3A_1746 = vector.shape_cast %broadcast_in_dim3A_1745 : vector<16x1xi32> to vector<16xi32>
        %gather3A_1747 = tpu.dynamic_gather %mul3A_1717[%gather3A_1746] in [0] : vector<16xf32>, vector<16xi32> -> vector<16xf32>
        %mul3A_1748 = arith.mulf %gather3A_1747, %select_n3A : vector<16xf32>
        %lt3A_1749 = arith.constant 0 : i32
        %lt3A_1750 = vector.broadcast %lt3A_1749 : i32 to vector<16xi32>
        %lt3A_1751 = arith.cmpi slt, %add3A_9, %lt3A_1750 : vector<16xi32>
        %add3A_1752 = arith.constant 16 : i32
        %add3A_1753 = vector.broadcast %add3A_1752 : i32 to vector<16xi32>
        %add3A_1754 = arith.addi %add3A_9, %add3A_1753 : vector<16xi32>
        %select_n3A_1755 = arith.select %lt3A_1751, %add3A_1754, %add3A_9 : vector<16xi1>, vector<16xi32>
        %broadcast_in_dim3A_1756 = vector.shape_cast %select_n3A_1755 : vector<16xi32> to vector<16x1xi32>
        %gather3A_1757 = vector.shape_cast %broadcast_in_dim3A_1756 : vector<16x1xi32> to vector<16xi32>
        %gather3A_1758 = tpu.dynamic_gather %mul3A_1717[%gather3A_1757] in [0] : vector<16xf32>, vector<16xi32> -> vector<16xf32>
        %mul3A_1759 = arith.mulf %gather3A_1758, %select_n3A : vector<16xf32>
        %get3A_1760 = arith.index_cast %add3A_1532 : i32 to index
        %get3A_1761 = arith.constant 48 : index
        %get3A_1762 = tpu.vector_load %arg17[%get3A_1760, %get3A_1761] {strides = array<i32>} : memref<512x64xf32, #tpu.memory_space<vmem>>, vector<1x16xf32>,
        %get3A_1763 = vector.shape_cast %get3A_1762 : vector<1x16xf32> to vector<16xf32>
        %mul3A_1764 = arith.mulf %get3A_1763, %get3A_1763 : vector<16xf32>
        %mul3A_1765 = arith.constant -0.00138888892 : f32
        %mul3A_1766 = vector.broadcast %mul3A_1765 : f32 to vector<16xf32>
        %mul3A_1767 = arith.mulf %mul3A_1764, %mul3A_1766 : vector<16xf32>
        %add3A_1768 = arith.constant 0.0416666679 : f32
        %add3A_1769 = vector.broadcast %add3A_1768 : f32 to vector<16xf32>
        %add3A_1770 = arith.addf %mul3A_1767, %add3A_1769 : vector<16xf32>
        %mul3A_1771 = arith.mulf %add3A_1770, %mul3A_1764 : vector<16xf32>
        %add3A_1772 = arith.constant -5.000000e-01 : f32
        %add3A_1773 = vector.broadcast %add3A_1772 : f32 to vector<16xf32>
        %add3A_1774 = arith.addf %mul3A_1771, %add3A_1773 : vector<16xf32>
        %mul3A_1775 = arith.mulf %add3A_1774, %mul3A_1764 : vector<16xf32>
        %add3A_1776 = arith.constant 1.000000e+00 : f32
        %add3A_1777 = vector.broadcast %add3A_1776 : f32 to vector<16xf32>
        %add3A_1778 = arith.addf %mul3A_1775, %add3A_1777 : vector<16xf32>
        %mul3A_1779 = arith.constant -1.98412701E-4 : f32
        %mul3A_1780 = vector.broadcast %mul3A_1779 : f32 to vector<16xf32>
        %mul3A_1781 = arith.mulf %mul3A_1780, %mul3A_1764 : vector<16xf32>
        %add3A_1782 = arith.constant 0.00833333377 : f32
        %add3A_1783 = vector.broadcast %add3A_1782 : f32 to vector<16xf32>
        %add3A_1784 = arith.addf %mul3A_1781, %add3A_1783 : vector<16xf32>
        %mul3A_1785 = arith.mulf %add3A_1784, %mul3A_1764 : vector<16xf32>
        %add3A_1786 = arith.constant -0.166666672 : f32
        %add3A_1787 = vector.broadcast %add3A_1786 : f32 to vector<16xf32>
        %add3A_1788 = arith.addf %mul3A_1785, %add3A_1787 : vector<16xf32>
        %mul3A_1789 = arith.mulf %add3A_1788, %mul3A_1764 : vector<16xf32>
        %add3A_1790 = arith.constant 1.000000e+00 : f32
        %add3A_1791 = vector.broadcast %add3A_1790 : f32 to vector<16xf32>
        %add3A_1792 = arith.addf %mul3A_1789, %add3A_1791 : vector<16xf32>
        %mul3A_1793 = arith.mulf %get3A_1763, %add3A_1792 : vector<16xf32>
        %lt3A_1794 = arith.constant 0 : i32
        %lt3A_1795 = vector.broadcast %lt3A_1794 : i32 to vector<16xi32>
        %lt3A_1796 = arith.cmpi slt, %shift_right_logical3A_6, %lt3A_1795 : vector<16xi32>
        %add3A_1797 = arith.constant 16 : i32
        %add3A_1798 = vector.broadcast %add3A_1797 : i32 to vector<16xi32>
        %add3A_1799 = arith.addi %shift_right_logical3A_6, %add3A_1798 : vector<16xi32>
        %select_n3A_1800 = arith.select %lt3A_1796, %add3A_1799, %shift_right_logical3A_6 : vector<16xi1>, vector<16xi32>
        %broadcast_in_dim3A_1801 = vector.shape_cast %select_n3A_1800 : vector<16xi32> to vector<16x1xi32>
        %gather3A_1802 = vector.shape_cast %broadcast_in_dim3A_1801 : vector<16x1xi32> to vector<16xi32>
        %gather3A_1803 = tpu.dynamic_gather %add3A_1778[%gather3A_1802] in [0] : vector<16xf32>, vector<16xi32> -> vector<16xf32>
        %lt3A_1804 = arith.constant 0 : i32
        %lt3A_1805 = vector.broadcast %lt3A_1804 : i32 to vector<16xi32>
        %lt3A_1806 = arith.cmpi slt, %add3A_9, %lt3A_1805 : vector<16xi32>
        %add3A_1807 = arith.constant 16 : i32
        %add3A_1808 = vector.broadcast %add3A_1807 : i32 to vector<16xi32>
        %add3A_1809 = arith.addi %add3A_9, %add3A_1808 : vector<16xi32>
        %select_n3A_1810 = arith.select %lt3A_1806, %add3A_1809, %add3A_9 : vector<16xi1>, vector<16xi32>
        %broadcast_in_dim3A_1811 = vector.shape_cast %select_n3A_1810 : vector<16xi32> to vector<16x1xi32>
        %gather3A_1812 = vector.shape_cast %broadcast_in_dim3A_1811 : vector<16x1xi32> to vector<16xi32>
        %gather3A_1813 = tpu.dynamic_gather %add3A_1778[%gather3A_1812] in [0] : vector<16xf32>, vector<16xi32> -> vector<16xf32>
        %lt3A_1814 = arith.constant 0 : i32
        %lt3A_1815 = vector.broadcast %lt3A_1814 : i32 to vector<16xi32>
        %lt3A_1816 = arith.cmpi slt, %shift_right_logical3A_6, %lt3A_1815 : vector<16xi32>
        %add3A_1817 = arith.constant 16 : i32
        %add3A_1818 = vector.broadcast %add3A_1817 : i32 to vector<16xi32>
        %add3A_1819 = arith.addi %shift_right_logical3A_6, %add3A_1818 : vector<16xi32>
        %select_n3A_1820 = arith.select %lt3A_1816, %add3A_1819, %shift_right_logical3A_6 : vector<16xi1>, vector<16xi32>
        %broadcast_in_dim3A_1821 = vector.shape_cast %select_n3A_1820 : vector<16xi32> to vector<16x1xi32>
        %gather3A_1822 = vector.shape_cast %broadcast_in_dim3A_1821 : vector<16x1xi32> to vector<16xi32>
        %gather3A_1823 = tpu.dynamic_gather %mul3A_1793[%gather3A_1822] in [0] : vector<16xf32>, vector<16xi32> -> vector<16xf32>
        %mul3A_1824 = arith.mulf %gather3A_1823, %select_n3A : vector<16xf32>
        %lt3A_1825 = arith.constant 0 : i32
        %lt3A_1826 = vector.broadcast %lt3A_1825 : i32 to vector<16xi32>
        %lt3A_1827 = arith.cmpi slt, %add3A_9, %lt3A_1826 : vector<16xi32>
        %add3A_1828 = arith.constant 16 : i32
        %add3A_1829 = vector.broadcast %add3A_1828 : i32 to vector<16xi32>
        %add3A_1830 = arith.addi %add3A_9, %add3A_1829 : vector<16xi32>
        %select_n3A_1831 = arith.select %lt3A_1827, %add3A_1830, %add3A_9 : vector<16xi1>, vector<16xi32>
        %broadcast_in_dim3A_1832 = vector.shape_cast %select_n3A_1831 : vector<16xi32> to vector<16x1xi32>
        %gather3A_1833 = vector.shape_cast %broadcast_in_dim3A_1832 : vector<16x1xi32> to vector<16xi32>
        %gather3A_1834 = tpu.dynamic_gather %mul3A_1793[%gather3A_1833] in [0] : vector<16xf32>, vector<16xi32> -> vector<16xf32>
        %mul3A_1835 = arith.mulf %gather3A_1834, %select_n3A : vector<16xf32>
        %broadcast_in_dim3A_1836 = arith.constant 0.000000e+00 : f32
        %broadcast_in_dim3A_1837 = vector.broadcast %broadcast_in_dim3A_1836 : f32 to vector<16xf32>
        %broadcast_in_dim3A_1838 = arith.constant 0.000000e+00 : f32
        %broadcast_in_dim3A_1839 = vector.broadcast %broadcast_in_dim3A_1838 : f32 to vector<16xf32>
        %get3A_1840 = arith.index_cast %add3A_1526 : i32 to index
        %get3A_1841 = arith.constant 0 : index
        %get3A_1842 = tpu.vector_load %arg16[%get3A_1840, %get3A_1841] {strides = array<i32>} : memref<128x128xf32, #tpu.memory_space<vmem>>, vector<1x16xf32>,
        %get3A_1843 = vector.shape_cast %get3A_1842 : vector<1x16xf32> to vector<16xf32>
        %add3A_1844 = arith.constant 16 : i32
        %add3A_1845 = arith.addi %add3A_1526, %add3A_1844 : i32
        %get3A_1846 = arith.index_cast %add3A_1845 : i32 to index
        %get3A_1847 = arith.constant 0 : index
        %get3A_1848 = tpu.vector_load %arg16[%get3A_1846, %get3A_1847] {strides = array<i32>} : memref<128x128xf32, #tpu.memory_space<vmem>>, vector<1x16xf32>,
        %get3A_1849 = vector.shape_cast %get3A_1848 : vector<1x16xf32> to vector<16xf32>
        %mul3A_1850 = arith.mulf %get3A_1843, %gather3A_1575 : vector<16xf32>
        %lt3A_1851 = arith.constant 0 : i32
        %lt3A_1852 = vector.broadcast %lt3A_1851 : i32 to vector<16xi32>
        %lt3A_1853 = arith.cmpi slt, %xor3A_4, %lt3A_1852 : vector<16xi32>
        %add3A_1854 = arith.constant 16 : i32
        %add3A_1855 = vector.broadcast %add3A_1854 : i32 to vector<16xi32>
        %add3A_1856 = arith.addi %xor3A_4, %add3A_1855 : vector<16xi32>
        %select_n3A_1857 = arith.select %lt3A_1853, %add3A_1856, %xor3A_4 : vector<16xi1>, vector<16xi32>
        %broadcast_in_dim3A_1858 = vector.shape_cast %select_n3A_1857 : vector<16xi32> to vector<16x1xi32>
        %gather3A_1859 = vector.shape_cast %broadcast_in_dim3A_1858 : vector<16x1xi32> to vector<16xi32>
        %gather3A_1860 = tpu.dynamic_gather %get3A_1843[%gather3A_1859] in [0] : vector<16xf32>, vector<16xi32> -> vector<16xf32>
        %mul3A_1861 = arith.mulf %gather3A_1860, %mul3A_1596 : vector<16xf32>
        %add3A_1862 = arith.addf %mul3A_1850, %mul3A_1861 : vector<16xf32>
        %sub3A_1863 = arith.subf %add3A_1862, %get3A_1849 : vector<16xf32>
        %mul3A_1864 = arith.mulf %sub3A_1863, %sub3A_1863 : vector<16xf32>
        %add3A_1865 = arith.addf %broadcast_in_dim3A_1837, %mul3A_1864 : vector<16xf32>
        %add3A_1866 = arith.constant 32 : i32
        %add3A_1867 = arith.addi %add3A_1526, %add3A_1866 : i32
        %get3A_1868 = arith.index_cast %add3A_1867 : i32 to index
        %get3A_1869 = arith.constant 0 : index
        %get3A_1870 = tpu.vector_load %arg16[%get3A_1868, %get3A_1869] {strides = array<i32>} : memref<128x128xf32, #tpu.memory_space<vmem>>, vector<1x16xf32>,
        %get3A_1871 = vector.shape_cast %get3A_1870 : vector<1x16xf32> to vector<16xf32>
        %add3A_1872 = arith.constant 48 : i32
        %add3A_1873 = arith.addi %add3A_1526, %add3A_1872 : i32
        %get3A_1874 = arith.index_cast %add3A_1873 : i32 to index
        %get3A_1875 = arith.constant 0 : index
        %get3A_1876 = tpu.vector_load %arg16[%get3A_1874, %get3A_1875] {strides = array<i32>} : memref<128x128xf32, #tpu.memory_space<vmem>>, vector<1x16xf32>,
        %get3A_1877 = vector.shape_cast %get3A_1876 : vector<1x16xf32> to vector<16xf32>
        %mul3A_1878 = arith.mulf %get3A_1871, %gather3A_1575 : vector<16xf32>
        %lt3A_1879 = arith.constant 0 : i32
        %lt3A_1880 = vector.broadcast %lt3A_1879 : i32 to vector<16xi32>
        %lt3A_1881 = arith.cmpi slt, %xor3A_4, %lt3A_1880 : vector<16xi32>
        %add3A_1882 = arith.constant 16 : i32
        %add3A_1883 = vector.broadcast %add3A_1882 : i32 to vector<16xi32>
        %add3A_1884 = arith.addi %xor3A_4, %add3A_1883 : vector<16xi32>
        %select_n3A_1885 = arith.select %lt3A_1881, %add3A_1884, %xor3A_4 : vector<16xi1>, vector<16xi32>
        %broadcast_in_dim3A_1886 = vector.shape_cast %select_n3A_1885 : vector<16xi32> to vector<16x1xi32>
        %gather3A_1887 = vector.shape_cast %broadcast_in_dim3A_1886 : vector<16x1xi32> to vector<16xi32>
        %gather3A_1888 = tpu.dynamic_gather %get3A_1871[%gather3A_1887] in [0] : vector<16xf32>, vector<16xi32> -> vector<16xf32>
        %mul3A_1889 = arith.mulf %gather3A_1888, %mul3A_1596 : vector<16xf32>
        %add3A_1890 = arith.addf %mul3A_1878, %mul3A_1889 : vector<16xf32>
        %sub3A_1891 = arith.subf %add3A_1890, %get3A_1877 : vector<16xf32>
        %mul3A_1892 = arith.mulf %sub3A_1891, %sub3A_1891 : vector<16xf32>
        %add3A_1893 = arith.addf %broadcast_in_dim3A_1839, %mul3A_1892 : vector<16xf32>
        %get3A_1894 = arith.index_cast %add3A_1526 : i32 to index
        %get3A_1895 = arith.constant 16 : index
        %get3A_1896 = tpu.vector_load %arg16[%get3A_1894, %get3A_1895] {strides = array<i32>} : memref<128x128xf32, #tpu.memory_space<vmem>>, vector<1x16xf32>,
        %get3A_1897 = vector.shape_cast %get3A_1896 : vector<1x16xf32> to vector<16xf32>
        %add3A_1898 = arith.constant 16 : i32
        %add3A_1899 = arith.addi %add3A_1526, %add3A_1898 : i32
        %get3A_1900 = arith.index_cast %add3A_1899 : i32 to index
        %get3A_1901 = arith.constant 16 : index
        %get3A_1902 = tpu.vector_load %arg16[%get3A_1900, %get3A_1901] {strides = array<i32>} : memref<128x128xf32, #tpu.memory_space<vmem>>, vector<1x16xf32>,
        %get3A_1903 = vector.shape_cast %get3A_1902 : vector<1x16xf32> to vector<16xf32>
        %mul3A_1904 = arith.mulf %get3A_1897, %gather3A_1585 : vector<16xf32>
        %lt3A_1905 = arith.constant 0 : i32
        %lt3A_1906 = vector.broadcast %lt3A_1905 : i32 to vector<16xi32>
        %lt3A_1907 = arith.cmpi slt, %xor3A_4, %lt3A_1906 : vector<16xi32>
        %add3A_1908 = arith.constant 16 : i32
        %add3A_1909 = vector.broadcast %add3A_1908 : i32 to vector<16xi32>
        %add3A_1910 = arith.addi %xor3A_4, %add3A_1909 : vector<16xi32>
        %select_n3A_1911 = arith.select %lt3A_1907, %add3A_1910, %xor3A_4 : vector<16xi1>, vector<16xi32>
        %broadcast_in_dim3A_1912 = vector.shape_cast %select_n3A_1911 : vector<16xi32> to vector<16x1xi32>
        %gather3A_1913 = vector.shape_cast %broadcast_in_dim3A_1912 : vector<16x1xi32> to vector<16xi32>
        %gather3A_1914 = tpu.dynamic_gather %get3A_1897[%gather3A_1913] in [0] : vector<16xf32>, vector<16xi32> -> vector<16xf32>
        %mul3A_1915 = arith.mulf %gather3A_1914, %mul3A_1607 : vector<16xf32>
        %add3A_1916 = arith.addf %mul3A_1904, %mul3A_1915 : vector<16xf32>
        %sub3A_1917 = arith.subf %add3A_1916, %get3A_1903 : vector<16xf32>
        %mul3A_1918 = arith.mulf %sub3A_1917, %sub3A_1917 : vector<16xf32>
        %add3A_1919 = arith.addf %add3A_1865, %mul3A_1918 : vector<16xf32>
        %add3A_1920 = arith.constant 32 : i32
        %add3A_1921 = arith.addi %add3A_1526, %add3A_1920 : i32
        %get3A_1922 = arith.index_cast %add3A_1921 : i32 to index
        %get3A_1923 = arith.constant 16 : index
        %get3A_1924 = tpu.vector_load %arg16[%get3A_1922, %get3A_1923] {strides = array<i32>} : memref<128x128xf32, #tpu.memory_space<vmem>>, vector<1x16xf32>,
        %get3A_1925 = vector.shape_cast %get3A_1924 : vector<1x16xf32> to vector<16xf32>
        %add3A_1926 = arith.constant 48 : i32
        %add3A_1927 = arith.addi %add3A_1526, %add3A_1926 : i32
        %get3A_1928 = arith.index_cast %add3A_1927 : i32 to index
        %get3A_1929 = arith.constant 16 : index
        %get3A_1930 = tpu.vector_load %arg16[%get3A_1928, %get3A_1929] {strides = array<i32>} : memref<128x128xf32, #tpu.memory_space<vmem>>, vector<1x16xf32>,
        %get3A_1931 = vector.shape_cast %get3A_1930 : vector<1x16xf32> to vector<16xf32>
        %mul3A_1932 = arith.mulf %get3A_1925, %gather3A_1585 : vector<16xf32>
        %lt3A_1933 = arith.constant 0 : i32
        %lt3A_1934 = vector.broadcast %lt3A_1933 : i32 to vector<16xi32>
        %lt3A_1935 = arith.cmpi slt, %xor3A_4, %lt3A_1934 : vector<16xi32>
        %add3A_1936 = arith.constant 16 : i32
        %add3A_1937 = vector.broadcast %add3A_1936 : i32 to vector<16xi32>
        %add3A_1938 = arith.addi %xor3A_4, %add3A_1937 : vector<16xi32>
        %select_n3A_1939 = arith.select %lt3A_1935, %add3A_1938, %xor3A_4 : vector<16xi1>, vector<16xi32>
        %broadcast_in_dim3A_1940 = vector.shape_cast %select_n3A_1939 : vector<16xi32> to vector<16x1xi32>
        %gather3A_1941 = vector.shape_cast %broadcast_in_dim3A_1940 : vector<16x1xi32> to vector<16xi32>
        %gather3A_1942 = tpu.dynamic_gather %get3A_1925[%gather3A_1941] in [0] : vector<16xf32>, vector<16xi32> -> vector<16xf32>
        %mul3A_1943 = arith.mulf %gather3A_1942, %mul3A_1607 : vector<16xf32>
        %add3A_1944 = arith.addf %mul3A_1932, %mul3A_1943 : vector<16xf32>
        %sub3A_1945 = arith.subf %add3A_1944, %get3A_1931 : vector<16xf32>
        %mul3A_1946 = arith.mulf %sub3A_1945, %sub3A_1945 : vector<16xf32>
        %add3A_1947 = arith.addf %add3A_1893, %mul3A_1946 : vector<16xf32>
        %get3A_1948 = arith.index_cast %add3A_1526 : i32 to index
        %get3A_1949 = arith.constant 32 : index
        %get3A_1950 = tpu.vector_load %arg16[%get3A_1948, %get3A_1949] {strides = array<i32>} : memref<128x128xf32, #tpu.memory_space<vmem>>, vector<1x16xf32>,
        %get3A_1951 = vector.shape_cast %get3A_1950 : vector<1x16xf32> to vector<16xf32>
        %add3A_1952 = arith.constant 16 : i32
        %add3A_1953 = arith.addi %add3A_1526, %add3A_1952 : i32
        %get3A_1954 = arith.index_cast %add3A_1953 : i32 to index
        %get3A_1955 = arith.constant 32 : index
        %get3A_1956 = tpu.vector_load %arg16[%get3A_1954, %get3A_1955] {strides = array<i32>} : memref<128x128xf32, #tpu.memory_space<vmem>>, vector<1x16xf32>,
        %get3A_1957 = vector.shape_cast %get3A_1956 : vector<1x16xf32> to vector<16xf32>
        %mul3A_1958 = arith.mulf %get3A_1951, %gather3A_1651 : vector<16xf32>
        %lt3A_1959 = arith.constant 0 : i32
        %lt3A_1960 = vector.broadcast %lt3A_1959 : i32 to vector<16xi32>
        %lt3A_1961 = arith.cmpi slt, %xor3A_4, %lt3A_1960 : vector<16xi32>
        %add3A_1962 = arith.constant 16 : i32
        %add3A_1963 = vector.broadcast %add3A_1962 : i32 to vector<16xi32>
        %add3A_1964 = arith.addi %xor3A_4, %add3A_1963 : vector<16xi32>
        %select_n3A_1965 = arith.select %lt3A_1961, %add3A_1964, %xor3A_4 : vector<16xi1>, vector<16xi32>
        %broadcast_in_dim3A_1966 = vector.shape_cast %select_n3A_1965 : vector<16xi32> to vector<16x1xi32>
        %gather3A_1967 = vector.shape_cast %broadcast_in_dim3A_1966 : vector<16x1xi32> to vector<16xi32>
        %gather3A_1968 = tpu.dynamic_gather %get3A_1951[%gather3A_1967] in [0] : vector<16xf32>, vector<16xi32> -> vector<16xf32>
        %mul3A_1969 = arith.mulf %gather3A_1968, %mul3A_1672 : vector<16xf32>
        %add3A_1970 = arith.addf %mul3A_1958, %mul3A_1969 : vector<16xf32>
        %sub3A_1971 = arith.subf %add3A_1970, %get3A_1957 : vector<16xf32>
        %mul3A_1972 = arith.mulf %sub3A_1971, %sub3A_1971 : vector<16xf32>
        %add3A_1973 = arith.addf %add3A_1919, %mul3A_1972 : vector<16xf32>
        %add3A_1974 = arith.constant 32 : i32
        %add3A_1975 = arith.addi %add3A_1526, %add3A_1974 : i32
        %get3A_1976 = arith.index_cast %add3A_1975 : i32 to index
        %get3A_1977 = arith.constant 32 : index
        %get3A_1978 = tpu.vector_load %arg16[%get3A_1976, %get3A_1977] {strides = array<i32>} : memref<128x128xf32, #tpu.memory_space<vmem>>, vector<1x16xf32>,
        %get3A_1979 = vector.shape_cast %get3A_1978 : vector<1x16xf32> to vector<16xf32>
        %add3A_1980 = arith.constant 48 : i32
        %add3A_1981 = arith.addi %add3A_1526, %add3A_1980 : i32
        %get3A_1982 = arith.index_cast %add3A_1981 : i32 to index
        %get3A_1983 = arith.constant 32 : index
        %get3A_1984 = tpu.vector_load %arg16[%get3A_1982, %get3A_1983] {strides = array<i32>} : memref<128x128xf32, #tpu.memory_space<vmem>>, vector<1x16xf32>,
        %get3A_1985 = vector.shape_cast %get3A_1984 : vector<1x16xf32> to vector<16xf32>
        %mul3A_1986 = arith.mulf %get3A_1979, %gather3A_1651 : vector<16xf32>
        %lt3A_1987 = arith.constant 0 : i32
        %lt3A_1988 = vector.broadcast %lt3A_1987 : i32 to vector<16xi32>
        %lt3A_1989 = arith.cmpi slt, %xor3A_4, %lt3A_1988 : vector<16xi32>
        %add3A_1990 = arith.constant 16 : i32
        %add3A_1991 = vector.broadcast %add3A_1990 : i32 to vector<16xi32>
        %add3A_1992 = arith.addi %xor3A_4, %add3A_1991 : vector<16xi32>
        %select_n3A_1993 = arith.select %lt3A_1989, %add3A_1992, %xor3A_4 : vector<16xi1>, vector<16xi32>
        %broadcast_in_dim3A_1994 = vector.shape_cast %select_n3A_1993 : vector<16xi32> to vector<16x1xi32>
        %gather3A_1995 = vector.shape_cast %broadcast_in_dim3A_1994 : vector<16x1xi32> to vector<16xi32>
        %gather3A_1996 = tpu.dynamic_gather %get3A_1979[%gather3A_1995] in [0] : vector<16xf32>, vector<16xi32> -> vector<16xf32>
        %mul3A_1997 = arith.mulf %gather3A_1996, %mul3A_1672 : vector<16xf32>
        %add3A_1998 = arith.addf %mul3A_1986, %mul3A_1997 : vector<16xf32>
        %sub3A_1999 = arith.subf %add3A_1998, %get3A_1985 : vector<16xf32>
        %mul3A_2000 = arith.mulf %sub3A_1999, %sub3A_1999 : vector<16xf32>
        %add3A_2001 = arith.addf %add3A_1947, %mul3A_2000 : vector<16xf32>
        %get3A_2002 = arith.index_cast %add3A_1526 : i32 to index
        %get3A_2003 = arith.constant 48 : index
        %get3A_2004 = tpu.vector_load %arg16[%get3A_2002, %get3A_2003] {strides = array<i32>} : memref<128x128xf32, #tpu.memory_space<vmem>>, vector<1x16xf32>,
        %get3A_2005 = vector.shape_cast %get3A_2004 : vector<1x16xf32> to vector<16xf32>
        %add3A_2006 = arith.constant 16 : i32
        %add3A_2007 = arith.addi %add3A_1526, %add3A_2006 : i32
        %get3A_2008 = arith.index_cast %add3A_2007 : i32 to index
        %get3A_2009 = arith.constant 48 : index
        %get3A_2010 = tpu.vector_load %arg16[%get3A_2008, %get3A_2009] {strides = array<i32>} : memref<128x128xf32, #tpu.memory_space<vmem>>, vector<1x16xf32>,
        %get3A_2011 = vector.shape_cast %get3A_2010 : vector<1x16xf32> to vector<16xf32>
        %mul3A_2012 = arith.mulf %get3A_2005, %gather3A_1661 : vector<16xf32>
        %lt3A_2013 = arith.constant 0 : i32
        %lt3A_2014 = vector.broadcast %lt3A_2013 : i32 to vector<16xi32>
        %lt3A_2015 = arith.cmpi slt, %xor3A_4, %lt3A_2014 : vector<16xi32>
        %add3A_2016 = arith.constant 16 : i32
        %add3A_2017 = vector.broadcast %add3A_2016 : i32 to vector<16xi32>
        %add3A_2018 = arith.addi %xor3A_4, %add3A_2017 : vector<16xi32>
        %select_n3A_2019 = arith.select %lt3A_2015, %add3A_2018, %xor3A_4 : vector<16xi1>, vector<16xi32>
        %broadcast_in_dim3A_2020 = vector.shape_cast %select_n3A_2019 : vector<16xi32> to vector<16x1xi32>
        %gather3A_2021 = vector.shape_cast %broadcast_in_dim3A_2020 : vector<16x1xi32> to vector<16xi32>
        %gather3A_2022 = tpu.dynamic_gather %get3A_2005[%gather3A_2021] in [0] : vector<16xf32>, vector<16xi32> -> vector<16xf32>
        %mul3A_2023 = arith.mulf %gather3A_2022, %mul3A_1683 : vector<16xf32>
        %add3A_2024 = arith.addf %mul3A_2012, %mul3A_2023 : vector<16xf32>
        %sub3A_2025 = arith.subf %add3A_2024, %get3A_2011 : vector<16xf32>
        %mul3A_2026 = arith.mulf %sub3A_2025, %sub3A_2025 : vector<16xf32>
        %add3A_2027 = arith.addf %add3A_1973, %mul3A_2026 : vector<16xf32>
        %add3A_2028 = arith.constant 32 : i32
        %add3A_2029 = arith.addi %add3A_1526, %add3A_2028 : i32
        %get3A_2030 = arith.index_cast %add3A_2029 : i32 to index
        %get3A_2031 = arith.constant 48 : index
        %get3A_2032 = tpu.vector_load %arg16[%get3A_2030, %get3A_2031] {strides = array<i32>} : memref<128x128xf32, #tpu.memory_space<vmem>>, vector<1x16xf32>,
        %get3A_2033 = vector.shape_cast %get3A_2032 : vector<1x16xf32> to vector<16xf32>
        %add3A_2034 = arith.constant 48 : i32
        %add3A_2035 = arith.addi %add3A_1526, %add3A_2034 : i32
        %get3A_2036 = arith.index_cast %add3A_2035 : i32 to index
        %get3A_2037 = arith.constant 48 : index
        %get3A_2038 = tpu.vector_load %arg16[%get3A_2036, %get3A_2037] {strides = array<i32>} : memref<128x128xf32, #tpu.memory_space<vmem>>, vector<1x16xf32>,
        %get3A_2039 = vector.shape_cast %get3A_2038 : vector<1x16xf32> to vector<16xf32>
        %mul3A_2040 = arith.mulf %get3A_2033, %gather3A_1661 : vector<16xf32>
        %lt3A_2041 = arith.constant 0 : i32
        %lt3A_2042 = vector.broadcast %lt3A_2041 : i32 to vector<16xi32>
        %lt3A_2043 = arith.cmpi slt, %xor3A_4, %lt3A_2042 : vector<16xi32>
        %add3A_2044 = arith.constant 16 : i32
        %add3A_2045 = vector.broadcast %add3A_2044 : i32 to vector<16xi32>
        %add3A_2046 = arith.addi %xor3A_4, %add3A_2045 : vector<16xi32>
        %select_n3A_2047 = arith.select %lt3A_2043, %add3A_2046, %xor3A_4 : vector<16xi1>, vector<16xi32>
        %broadcast_in_dim3A_2048 = vector.shape_cast %select_n3A_2047 : vector<16xi32> to vector<16x1xi32>
        %gather3A_2049 = vector.shape_cast %broadcast_in_dim3A_2048 : vector<16x1xi32> to vector<16xi32>
        %gather3A_2050 = tpu.dynamic_gather %get3A_2033[%gather3A_2049] in [0] : vector<16xf32>, vector<16xi32> -> vector<16xf32>
        %mul3A_2051 = arith.mulf %gather3A_2050, %mul3A_1683 : vector<16xf32>
        %add3A_2052 = arith.addf %mul3A_2040, %mul3A_2051 : vector<16xf32>
        %sub3A_2053 = arith.subf %add3A_2052, %get3A_2039 : vector<16xf32>
        %mul3A_2054 = arith.mulf %sub3A_2053, %sub3A_2053 : vector<16xf32>
        %add3A_2055 = arith.addf %add3A_2001, %mul3A_2054 : vector<16xf32>
        %get3A_2056 = arith.index_cast %add3A_1526 : i32 to index
        %get3A_2057 = arith.constant 64 : index
        %get3A_2058 = tpu.vector_load %arg16[%get3A_2056, %get3A_2057] {strides = array<i32>} : memref<128x128xf32, #tpu.memory_space<vmem>>, vector<1x16xf32>,
        %get3A_2059 = vector.shape_cast %get3A_2058 : vector<1x16xf32> to vector<16xf32>
        %add3A_2060 = arith.constant 16 : i32
        %add3A_2061 = arith.addi %add3A_1526, %add3A_2060 : i32
        %get3A_2062 = arith.index_cast %add3A_2061 : i32 to index
        %get3A_2063 = arith.constant 64 : index
        %get3A_2064 = tpu.vector_load %arg16[%get3A_2062, %get3A_2063] {strides = array<i32>} : memref<128x128xf32, #tpu.memory_space<vmem>>, vector<1x16xf32>,
        %get3A_2065 = vector.shape_cast %get3A_2064 : vector<1x16xf32> to vector<16xf32>
        %mul3A_2066 = arith.mulf %get3A_2059, %gather3A_1727 : vector<16xf32>
        %lt3A_2067 = arith.constant 0 : i32
        %lt3A_2068 = vector.broadcast %lt3A_2067 : i32 to vector<16xi32>
        %lt3A_2069 = arith.cmpi slt, %xor3A_4, %lt3A_2068 : vector<16xi32>
        %add3A_2070 = arith.constant 16 : i32
        %add3A_2071 = vector.broadcast %add3A_2070 : i32 to vector<16xi32>
        %add3A_2072 = arith.addi %xor3A_4, %add3A_2071 : vector<16xi32>
        %select_n3A_2073 = arith.select %lt3A_2069, %add3A_2072, %xor3A_4 : vector<16xi1>, vector<16xi32>
        %broadcast_in_dim3A_2074 = vector.shape_cast %select_n3A_2073 : vector<16xi32> to vector<16x1xi32>
        %gather3A_2075 = vector.shape_cast %broadcast_in_dim3A_2074 : vector<16x1xi32> to vector<16xi32>
        %gather3A_2076 = tpu.dynamic_gather %get3A_2059[%gather3A_2075] in [0] : vector<16xf32>, vector<16xi32> -> vector<16xf32>
        %mul3A_2077 = arith.mulf %gather3A_2076, %mul3A_1748 : vector<16xf32>
        %add3A_2078 = arith.addf %mul3A_2066, %mul3A_2077 : vector<16xf32>
        %sub3A_2079 = arith.subf %add3A_2078, %get3A_2065 : vector<16xf32>
        %mul3A_2080 = arith.mulf %sub3A_2079, %sub3A_2079 : vector<16xf32>
        %add3A_2081 = arith.addf %add3A_2027, %mul3A_2080 : vector<16xf32>
        %add3A_2082 = arith.constant 32 : i32
        %add3A_2083 = arith.addi %add3A_1526, %add3A_2082 : i32
        %get3A_2084 = arith.index_cast %add3A_2083 : i32 to index
        %get3A_2085 = arith.constant 64 : index
        %get3A_2086 = tpu.vector_load %arg16[%get3A_2084, %get3A_2085] {strides = array<i32>} : memref<128x128xf32, #tpu.memory_space<vmem>>, vector<1x16xf32>,
        %get3A_2087 = vector.shape_cast %get3A_2086 : vector<1x16xf32> to vector<16xf32>
        %add3A_2088 = arith.constant 48 : i32
        %add3A_2089 = arith.addi %add3A_1526, %add3A_2088 : i32
        %get3A_2090 = arith.index_cast %add3A_2089 : i32 to index
        %get3A_2091 = arith.constant 64 : index
        %get3A_2092 = tpu.vector_load %arg16[%get3A_2090, %get3A_2091] {strides = array<i32>} : memref<128x128xf32, #tpu.memory_space<vmem>>, vector<1x16xf32>,
        %get3A_2093 = vector.shape_cast %get3A_2092 : vector<1x16xf32> to vector<16xf32>
        %mul3A_2094 = arith.mulf %get3A_2087, %gather3A_1727 : vector<16xf32>
        %lt3A_2095 = arith.constant 0 : i32
        %lt3A_2096 = vector.broadcast %lt3A_2095 : i32 to vector<16xi32>
        %lt3A_2097 = arith.cmpi slt, %xor3A_4, %lt3A_2096 : vector<16xi32>
        %add3A_2098 = arith.constant 16 : i32
        %add3A_2099 = vector.broadcast %add3A_2098 : i32 to vector<16xi32>
        %add3A_2100 = arith.addi %xor3A_4, %add3A_2099 : vector<16xi32>
        %select_n3A_2101 = arith.select %lt3A_2097, %add3A_2100, %xor3A_4 : vector<16xi1>, vector<16xi32>
        %broadcast_in_dim3A_2102 = vector.shape_cast %select_n3A_2101 : vector<16xi32> to vector<16x1xi32>
        %gather3A_2103 = vector.shape_cast %broadcast_in_dim3A_2102 : vector<16x1xi32> to vector<16xi32>
        %gather3A_2104 = tpu.dynamic_gather %get3A_2087[%gather3A_2103] in [0] : vector<16xf32>, vector<16xi32> -> vector<16xf32>
        %mul3A_2105 = arith.mulf %gather3A_2104, %mul3A_1748 : vector<16xf32>
        %add3A_2106 = arith.addf %mul3A_2094, %mul3A_2105 : vector<16xf32>
        %sub3A_2107 = arith.subf %add3A_2106, %get3A_2093 : vector<16xf32>
        %mul3A_2108 = arith.mulf %sub3A_2107, %sub3A_2107 : vector<16xf32>
        %add3A_2109 = arith.addf %add3A_2055, %mul3A_2108 : vector<16xf32>
        %get3A_2110 = arith.index_cast %add3A_1526 : i32 to index
        %get3A_2111 = arith.constant 80 : index
        %get3A_2112 = tpu.vector_load %arg16[%get3A_2110, %get3A_2111] {strides = array<i32>} : memref<128x128xf32, #tpu.memory_space<vmem>>, vector<1x16xf32>,
        %get3A_2113 = vector.shape_cast %get3A_2112 : vector<1x16xf32> to vector<16xf32>
        %add3A_2114 = arith.constant 16 : i32
        %add3A_2115 = arith.addi %add3A_1526, %add3A_2114 : i32
        %get3A_2116 = arith.index_cast %add3A_2115 : i32 to index
        %get3A_2117 = arith.constant 80 : index
        %get3A_2118 = tpu.vector_load %arg16[%get3A_2116, %get3A_2117] {strides = array<i32>} : memref<128x128xf32, #tpu.memory_space<vmem>>, vector<1x16xf32>,
        %get3A_2119 = vector.shape_cast %get3A_2118 : vector<1x16xf32> to vector<16xf32>
        %mul3A_2120 = arith.mulf %get3A_2113, %gather3A_1737 : vector<16xf32>
        %lt3A_2121 = arith.constant 0 : i32
        %lt3A_2122 = vector.broadcast %lt3A_2121 : i32 to vector<16xi32>
        %lt3A_2123 = arith.cmpi slt, %xor3A_4, %lt3A_2122 : vector<16xi32>
        %add3A_2124 = arith.constant 16 : i32
        %add3A_2125 = vector.broadcast %add3A_2124 : i32 to vector<16xi32>
        %add3A_2126 = arith.addi %xor3A_4, %add3A_2125 : vector<16xi32>
        %select_n3A_2127 = arith.select %lt3A_2123, %add3A_2126, %xor3A_4 : vector<16xi1>, vector<16xi32>
        %broadcast_in_dim3A_2128 = vector.shape_cast %select_n3A_2127 : vector<16xi32> to vector<16x1xi32>
        %gather3A_2129 = vector.shape_cast %broadcast_in_dim3A_2128 : vector<16x1xi32> to vector<16xi32>
        %gather3A_2130 = tpu.dynamic_gather %get3A_2113[%gather3A_2129] in [0] : vector<16xf32>, vector<16xi32> -> vector<16xf32>
        %mul3A_2131 = arith.mulf %gather3A_2130, %mul3A_1759 : vector<16xf32>
        %add3A_2132 = arith.addf %mul3A_2120, %mul3A_2131 : vector<16xf32>
        %sub3A_2133 = arith.subf %add3A_2132, %get3A_2119 : vector<16xf32>
        %mul3A_2134 = arith.mulf %sub3A_2133, %sub3A_2133 : vector<16xf32>
        %add3A_2135 = arith.addf %add3A_2081, %mul3A_2134 : vector<16xf32>
        %add3A_2136 = arith.constant 32 : i32
        %add3A_2137 = arith.addi %add3A_1526, %add3A_2136 : i32
        %get3A_2138 = arith.index_cast %add3A_2137 : i32 to index
        %get3A_2139 = arith.constant 80 : index
        %get3A_2140 = tpu.vector_load %arg16[%get3A_2138, %get3A_2139] {strides = array<i32>} : memref<128x128xf32, #tpu.memory_space<vmem>>, vector<1x16xf32>,
        %get3A_2141 = vector.shape_cast %get3A_2140 : vector<1x16xf32> to vector<16xf32>
        %add3A_2142 = arith.constant 48 : i32
        %add3A_2143 = arith.addi %add3A_1526, %add3A_2142 : i32
        %get3A_2144 = arith.index_cast %add3A_2143 : i32 to index
        %get3A_2145 = arith.constant 80 : index
        %get3A_2146 = tpu.vector_load %arg16[%get3A_2144, %get3A_2145] {strides = array<i32>} : memref<128x128xf32, #tpu.memory_space<vmem>>, vector<1x16xf32>,
        %get3A_2147 = vector.shape_cast %get3A_2146 : vector<1x16xf32> to vector<16xf32>
        %mul3A_2148 = arith.mulf %get3A_2141, %gather3A_1737 : vector<16xf32>
        %lt3A_2149 = arith.constant 0 : i32
        %lt3A_2150 = vector.broadcast %lt3A_2149 : i32 to vector<16xi32>
        %lt3A_2151 = arith.cmpi slt, %xor3A_4, %lt3A_2150 : vector<16xi32>
        %add3A_2152 = arith.constant 16 : i32
        %add3A_2153 = vector.broadcast %add3A_2152 : i32 to vector<16xi32>
        %add3A_2154 = arith.addi %xor3A_4, %add3A_2153 : vector<16xi32>
        %select_n3A_2155 = arith.select %lt3A_2151, %add3A_2154, %xor3A_4 : vector<16xi1>, vector<16xi32>
        %broadcast_in_dim3A_2156 = vector.shape_cast %select_n3A_2155 : vector<16xi32> to vector<16x1xi32>
        %gather3A_2157 = vector.shape_cast %broadcast_in_dim3A_2156 : vector<16x1xi32> to vector<16xi32>
        %gather3A_2158 = tpu.dynamic_gather %get3A_2141[%gather3A_2157] in [0] : vector<16xf32>, vector<16xi32> -> vector<16xf32>
        %mul3A_2159 = arith.mulf %gather3A_2158, %mul3A_1759 : vector<16xf32>
        %add3A_2160 = arith.addf %mul3A_2148, %mul3A_2159 : vector<16xf32>
        %sub3A_2161 = arith.subf %add3A_2160, %get3A_2147 : vector<16xf32>
        %mul3A_2162 = arith.mulf %sub3A_2161, %sub3A_2161 : vector<16xf32>
        %add3A_2163 = arith.addf %add3A_2109, %mul3A_2162 : vector<16xf32>
        %get3A_2164 = arith.index_cast %add3A_1526 : i32 to index
        %get3A_2165 = arith.constant 96 : index
        %get3A_2166 = tpu.vector_load %arg16[%get3A_2164, %get3A_2165] {strides = array<i32>} : memref<128x128xf32, #tpu.memory_space<vmem>>, vector<1x16xf32>,
        %get3A_2167 = vector.shape_cast %get3A_2166 : vector<1x16xf32> to vector<16xf32>
        %add3A_2168 = arith.constant 16 : i32
        %add3A_2169 = arith.addi %add3A_1526, %add3A_2168 : i32
        %get3A_2170 = arith.index_cast %add3A_2169 : i32 to index
        %get3A_2171 = arith.constant 96 : index
        %get3A_2172 = tpu.vector_load %arg16[%get3A_2170, %get3A_2171] {strides = array<i32>} : memref<128x128xf32, #tpu.memory_space<vmem>>, vector<1x16xf32>,
        %get3A_2173 = vector.shape_cast %get3A_2172 : vector<1x16xf32> to vector<16xf32>
        %mul3A_2174 = arith.mulf %get3A_2167, %gather3A_1803 : vector<16xf32>
        %lt3A_2175 = arith.constant 0 : i32
        %lt3A_2176 = vector.broadcast %lt3A_2175 : i32 to vector<16xi32>
        %lt3A_2177 = arith.cmpi slt, %xor3A_4, %lt3A_2176 : vector<16xi32>
        %add3A_2178 = arith.constant 16 : i32
        %add3A_2179 = vector.broadcast %add3A_2178 : i32 to vector<16xi32>
        %add3A_2180 = arith.addi %xor3A_4, %add3A_2179 : vector<16xi32>
        %select_n3A_2181 = arith.select %lt3A_2177, %add3A_2180, %xor3A_4 : vector<16xi1>, vector<16xi32>
        %broadcast_in_dim3A_2182 = vector.shape_cast %select_n3A_2181 : vector<16xi32> to vector<16x1xi32>
        %gather3A_2183 = vector.shape_cast %broadcast_in_dim3A_2182 : vector<16x1xi32> to vector<16xi32>
        %gather3A_2184 = tpu.dynamic_gather %get3A_2167[%gather3A_2183] in [0] : vector<16xf32>, vector<16xi32> -> vector<16xf32>
        %mul3A_2185 = arith.mulf %gather3A_2184, %mul3A_1824 : vector<16xf32>
        %add3A_2186 = arith.addf %mul3A_2174, %mul3A_2185 : vector<16xf32>
        %sub3A_2187 = arith.subf %add3A_2186, %get3A_2173 : vector<16xf32>
        %mul3A_2188 = arith.mulf %sub3A_2187, %sub3A_2187 : vector<16xf32>
        %add3A_2189 = arith.addf %add3A_2135, %mul3A_2188 : vector<16xf32>
        %add3A_2190 = arith.constant 32 : i32
        %add3A_2191 = arith.addi %add3A_1526, %add3A_2190 : i32
        %get3A_2192 = arith.index_cast %add3A_2191 : i32 to index
        %get3A_2193 = arith.constant 96 : index
        %get3A_2194 = tpu.vector_load %arg16[%get3A_2192, %get3A_2193] {strides = array<i32>} : memref<128x128xf32, #tpu.memory_space<vmem>>, vector<1x16xf32>,
        %get3A_2195 = vector.shape_cast %get3A_2194 : vector<1x16xf32> to vector<16xf32>
        %add3A_2196 = arith.constant 48 : i32
        %add3A_2197 = arith.addi %add3A_1526, %add3A_2196 : i32
        %get3A_2198 = arith.index_cast %add3A_2197 : i32 to index
        %get3A_2199 = arith.constant 96 : index
        %get3A_2200 = tpu.vector_load %arg16[%get3A_2198, %get3A_2199] {strides = array<i32>} : memref<128x128xf32, #tpu.memory_space<vmem>>, vector<1x16xf32>,
        %get3A_2201 = vector.shape_cast %get3A_2200 : vector<1x16xf32> to vector<16xf32>
        %mul3A_2202 = arith.mulf %get3A_2195, %gather3A_1803 : vector<16xf32>
        %lt3A_2203 = arith.constant 0 : i32
        %lt3A_2204 = vector.broadcast %lt3A_2203 : i32 to vector<16xi32>
        %lt3A_2205 = arith.cmpi slt, %xor3A_4, %lt3A_2204 : vector<16xi32>
        %add3A_2206 = arith.constant 16 : i32
        %add3A_2207 = vector.broadcast %add3A_2206 : i32 to vector<16xi32>
        %add3A_2208 = arith.addi %xor3A_4, %add3A_2207 : vector<16xi32>
        %select_n3A_2209 = arith.select %lt3A_2205, %add3A_2208, %xor3A_4 : vector<16xi1>, vector<16xi32>
        %broadcast_in_dim3A_2210 = vector.shape_cast %select_n3A_2209 : vector<16xi32> to vector<16x1xi32>
        %gather3A_2211 = vector.shape_cast %broadcast_in_dim3A_2210 : vector<16x1xi32> to vector<16xi32>
        %gather3A_2212 = tpu.dynamic_gather %get3A_2195[%gather3A_2211] in [0] : vector<16xf32>, vector<16xi32> -> vector<16xf32>
        %mul3A_2213 = arith.mulf %gather3A_2212, %mul3A_1824 : vector<16xf32>
        %add3A_2214 = arith.addf %mul3A_2202, %mul3A_2213 : vector<16xf32>
        %sub3A_2215 = arith.subf %add3A_2214, %get3A_2201 : vector<16xf32>
        %mul3A_2216 = arith.mulf %sub3A_2215, %sub3A_2215 : vector<16xf32>
        %add3A_2217 = arith.addf %add3A_2163, %mul3A_2216 : vector<16xf32>
        %get3A_2218 = arith.index_cast %add3A_1526 : i32 to index
        %get3A_2219 = arith.constant 112 : index
        %get3A_2220 = tpu.vector_load %arg16[%get3A_2218, %get3A_2219] {strides = array<i32>} : memref<128x128xf32, #tpu.memory_space<vmem>>, vector<1x16xf32>,
        %get3A_2221 = vector.shape_cast %get3A_2220 : vector<1x16xf32> to vector<16xf32>
        %add3A_2222 = arith.constant 16 : i32
        %add3A_2223 = arith.addi %add3A_1526, %add3A_2222 : i32
        %get3A_2224 = arith.index_cast %add3A_2223 : i32 to index
        %get3A_2225 = arith.constant 112 : index
        %get3A_2226 = tpu.vector_load %arg16[%get3A_2224, %get3A_2225] {strides = array<i32>} : memref<128x128xf32, #tpu.memory_space<vmem>>, vector<1x16xf32>,
        %get3A_2227 = vector.shape_cast %get3A_2226 : vector<1x16xf32> to vector<16xf32>
        %mul3A_2228 = arith.mulf %get3A_2221, %gather3A_1813 : vector<16xf32>
        %lt3A_2229 = arith.constant 0 : i32
        %lt3A_2230 = vector.broadcast %lt3A_2229 : i32 to vector<16xi32>
        %lt3A_2231 = arith.cmpi slt, %xor3A_4, %lt3A_2230 : vector<16xi32>
        %add3A_2232 = arith.constant 16 : i32
        %add3A_2233 = vector.broadcast %add3A_2232 : i32 to vector<16xi32>
        %add3A_2234 = arith.addi %xor3A_4, %add3A_2233 : vector<16xi32>
        %select_n3A_2235 = arith.select %lt3A_2231, %add3A_2234, %xor3A_4 : vector<16xi1>, vector<16xi32>
        %broadcast_in_dim3A_2236 = vector.shape_cast %select_n3A_2235 : vector<16xi32> to vector<16x1xi32>
        %gather3A_2237 = vector.shape_cast %broadcast_in_dim3A_2236 : vector<16x1xi32> to vector<16xi32>
        %gather3A_2238 = tpu.dynamic_gather %get3A_2221[%gather3A_2237] in [0] : vector<16xf32>, vector<16xi32> -> vector<16xf32>
        %mul3A_2239 = arith.mulf %gather3A_2238, %mul3A_1835 : vector<16xf32>
        %add3A_2240 = arith.addf %mul3A_2228, %mul3A_2239 : vector<16xf32>
        %sub3A_2241 = arith.subf %add3A_2240, %get3A_2227 : vector<16xf32>
        %mul3A_2242 = arith.mulf %sub3A_2241, %sub3A_2241 : vector<16xf32>
        %add3A_2243 = arith.addf %add3A_2189, %mul3A_2242 : vector<16xf32>
        %add3A_2244 = arith.constant 32 : i32
        %add3A_2245 = arith.addi %add3A_1526, %add3A_2244 : i32
        %get3A_2246 = arith.index_cast %add3A_2245 : i32 to index
        %get3A_2247 = arith.constant 112 : index
        %get3A_2248 = tpu.vector_load %arg16[%get3A_2246, %get3A_2247] {strides = array<i32>} : memref<128x128xf32, #tpu.memory_space<vmem>>, vector<1x16xf32>,
        %get3A_2249 = vector.shape_cast %get3A_2248 : vector<1x16xf32> to vector<16xf32>
        %add3A_2250 = arith.constant 48 : i32
        %add3A_2251 = arith.addi %add3A_1526, %add3A_2250 : i32
        %get3A_2252 = arith.index_cast %add3A_2251 : i32 to index
        %get3A_2253 = arith.constant 112 : index
        %get3A_2254 = tpu.vector_load %arg16[%get3A_2252, %get3A_2253] {strides = array<i32>} : memref<128x128xf32, #tpu.memory_space<vmem>>, vector<1x16xf32>,
        %get3A_2255 = vector.shape_cast %get3A_2254 : vector<1x16xf32> to vector<16xf32>
        %mul3A_2256 = arith.mulf %get3A_2249, %gather3A_1813 : vector<16xf32>
        %lt3A_2257 = arith.constant 0 : i32
        %lt3A_2258 = vector.broadcast %lt3A_2257 : i32 to vector<16xi32>
        %lt3A_2259 = arith.cmpi slt, %xor3A_4, %lt3A_2258 : vector<16xi32>
        %add3A_2260 = arith.constant 16 : i32
        %add3A_2261 = vector.broadcast %add3A_2260 : i32 to vector<16xi32>
        %add3A_2262 = arith.addi %xor3A_4, %add3A_2261 : vector<16xi32>
        %select_n3A_2263 = arith.select %lt3A_2259, %add3A_2262, %xor3A_4 : vector<16xi1>, vector<16xi32>
        %broadcast_in_dim3A_2264 = vector.shape_cast %select_n3A_2263 : vector<16xi32> to vector<16x1xi32>
        %gather3A_2265 = vector.shape_cast %broadcast_in_dim3A_2264 : vector<16x1xi32> to vector<16xi32>
        %gather3A_2266 = tpu.dynamic_gather %get3A_2249[%gather3A_2265] in [0] : vector<16xf32>, vector<16xi32> -> vector<16xf32>
        %mul3A_2267 = arith.mulf %gather3A_2266, %mul3A_1835 : vector<16xf32>
        %add3A_2268 = arith.addf %mul3A_2256, %mul3A_2267 : vector<16xf32>
        %sub3A_2269 = arith.subf %add3A_2268, %get3A_2255 : vector<16xf32>
        %mul3A_2270 = arith.mulf %sub3A_2269, %sub3A_2269 : vector<16xf32>
        %add3A_2271 = arith.addf %add3A_2217, %mul3A_2270 : vector<16xf32>
        %lt3A_2272 = arith.constant 0 : i32
        %lt3A_2273 = vector.broadcast %lt3A_2272 : i32 to vector<16xi32>
        %lt3A_2274 = arith.cmpi slt, %xor3A_24, %lt3A_2273 : vector<16xi32>
        %add3A_2275 = arith.constant 16 : i32
        %add3A_2276 = vector.broadcast %add3A_2275 : i32 to vector<16xi32>
        %add3A_2277 = arith.addi %xor3A_24, %add3A_2276 : vector<16xi32>
        %select_n3A_2278 = arith.select %lt3A_2274, %add3A_2277, %xor3A_24 : vector<16xi1>, vector<16xi32>
        %broadcast_in_dim3A_2279 = vector.shape_cast %select_n3A_2278 : vector<16xi32> to vector<16x1xi32>
        %gather3A_2280 = vector.shape_cast %broadcast_in_dim3A_2279 : vector<16x1xi32> to vector<16xi32>
        %gather3A_2281 = tpu.dynamic_gather %add3A_2243[%gather3A_2280] in [0] : vector<16xf32>, vector<16xi32> -> vector<16xf32>
        %add3A_2282 = arith.addf %add3A_2243, %gather3A_2281 : vector<16xf32>
        %lt3A_2283 = arith.constant 0 : i32
        %lt3A_2284 = vector.broadcast %lt3A_2283 : i32 to vector<16xi32>
        %lt3A_2285 = arith.cmpi slt, %xor3A_27, %lt3A_2284 : vector<16xi32>
        %add3A_2286 = arith.constant 16 : i32
        %add3A_2287 = vector.broadcast %add3A_2286 : i32 to vector<16xi32>
        %add3A_2288 = arith.addi %xor3A_27, %add3A_2287 : vector<16xi32>
        %select_n3A_2289 = arith.select %lt3A_2285, %add3A_2288, %xor3A_27 : vector<16xi1>, vector<16xi32>
        %broadcast_in_dim3A_2290 = vector.shape_cast %select_n3A_2289 : vector<16xi32> to vector<16x1xi32>
        %gather3A_2291 = vector.shape_cast %broadcast_in_dim3A_2290 : vector<16x1xi32> to vector<16xi32>
        %gather3A_2292 = tpu.dynamic_gather %add3A_2282[%gather3A_2291] in [0] : vector<16xf32>, vector<16xi32> -> vector<16xf32>
        %add3A_2293 = arith.addf %add3A_2282, %gather3A_2292 : vector<16xf32>
        %lt3A_2294 = arith.constant 0 : i32
        %lt3A_2295 = vector.broadcast %lt3A_2294 : i32 to vector<16xi32>
        %lt3A_2296 = arith.cmpi slt, %xor3A_30, %lt3A_2295 : vector<16xi32>
        %add3A_2297 = arith.constant 16 : i32
        %add3A_2298 = vector.broadcast %add3A_2297 : i32 to vector<16xi32>
        %add3A_2299 = arith.addi %xor3A_30, %add3A_2298 : vector<16xi32>
        %select_n3A_2300 = arith.select %lt3A_2296, %add3A_2299, %xor3A_30 : vector<16xi1>, vector<16xi32>
        %broadcast_in_dim3A_2301 = vector.shape_cast %select_n3A_2300 : vector<16xi32> to vector<16x1xi32>
        %gather3A_2302 = vector.shape_cast %broadcast_in_dim3A_2301 : vector<16x1xi32> to vector<16xi32>
        %gather3A_2303 = tpu.dynamic_gather %add3A_2293[%gather3A_2302] in [0] : vector<16xf32>, vector<16xi32> -> vector<16xf32>
        %add3A_2304 = arith.addf %add3A_2293, %gather3A_2303 : vector<16xf32>
        %lt3A_2305 = arith.constant 0 : i32
        %lt3A_2306 = vector.broadcast %lt3A_2305 : i32 to vector<16xi32>
        %lt3A_2307 = arith.cmpi slt, %and3A_18, %lt3A_2306 : vector<16xi32>
        %add3A_2308 = arith.constant 16 : i32
        %add3A_2309 = vector.broadcast %add3A_2308 : i32 to vector<16xi32>
        %add3A_2310 = arith.addi %and3A_18, %add3A_2309 : vector<16xi32>
        %select_n3A_2311 = arith.select %lt3A_2307, %add3A_2310, %and3A_18 : vector<16xi1>, vector<16xi32>
        %broadcast_in_dim3A_2312 = vector.shape_cast %select_n3A_2311 : vector<16xi32> to vector<16x1xi32>
        %gather3A_2313 = vector.shape_cast %broadcast_in_dim3A_2312 : vector<16x1xi32> to vector<16xi32>
        %gather3A_2314 = tpu.dynamic_gather %add3A_2304[%gather3A_2313] in [0] : vector<16xf32>, vector<16xi32> -> vector<16xf32>
        %lt3A_2315 = arith.constant 0 : i32
        %lt3A_2316 = vector.broadcast %lt3A_2315 : i32 to vector<16xi32>
        %lt3A_2317 = arith.cmpi slt, %add3A_21, %lt3A_2316 : vector<16xi32>
        %add3A_2318 = arith.constant 16 : i32
        %add3A_2319 = vector.broadcast %add3A_2318 : i32 to vector<16xi32>
        %add3A_2320 = arith.addi %add3A_21, %add3A_2319 : vector<16xi32>
        %select_n3A_2321 = arith.select %lt3A_2317, %add3A_2320, %add3A_21 : vector<16xi1>, vector<16xi32>
        %broadcast_in_dim3A_2322 = vector.shape_cast %select_n3A_2321 : vector<16xi32> to vector<16x1xi32>
        %gather3A_2323 = vector.shape_cast %broadcast_in_dim3A_2322 : vector<16x1xi32> to vector<16xi32>
        %gather3A_2324 = tpu.dynamic_gather %add3A_2304[%gather3A_2323] in [0] : vector<16xf32>, vector<16xi32> -> vector<16xf32>
        %lt3A_2325 = arith.constant 0 : i32
        %lt3A_2326 = vector.broadcast %lt3A_2325 : i32 to vector<16xi32>
        %lt3A_2327 = arith.cmpi slt, %xor3A_24, %lt3A_2326 : vector<16xi32>
        %add3A_2328 = arith.constant 16 : i32
        %add3A_2329 = vector.broadcast %add3A_2328 : i32 to vector<16xi32>
        %add3A_2330 = arith.addi %xor3A_24, %add3A_2329 : vector<16xi32>
        %select_n3A_2331 = arith.select %lt3A_2327, %add3A_2330, %xor3A_24 : vector<16xi1>, vector<16xi32>
        %broadcast_in_dim3A_2332 = vector.shape_cast %select_n3A_2331 : vector<16xi32> to vector<16x1xi32>
        %gather3A_2333 = vector.shape_cast %broadcast_in_dim3A_2332 : vector<16x1xi32> to vector<16xi32>
        %gather3A_2334 = tpu.dynamic_gather %add3A_2271[%gather3A_2333] in [0] : vector<16xf32>, vector<16xi32> -> vector<16xf32>
        %add3A_2335 = arith.addf %add3A_2271, %gather3A_2334 : vector<16xf32>
        %lt3A_2336 = arith.constant 0 : i32
        %lt3A_2337 = vector.broadcast %lt3A_2336 : i32 to vector<16xi32>
        %lt3A_2338 = arith.cmpi slt, %xor3A_27, %lt3A_2337 : vector<16xi32>
        %add3A_2339 = arith.constant 16 : i32
        %add3A_2340 = vector.broadcast %add3A_2339 : i32 to vector<16xi32>
        %add3A_2341 = arith.addi %xor3A_27, %add3A_2340 : vector<16xi32>
        %select_n3A_2342 = arith.select %lt3A_2338, %add3A_2341, %xor3A_27 : vector<16xi1>, vector<16xi32>
        %broadcast_in_dim3A_2343 = vector.shape_cast %select_n3A_2342 : vector<16xi32> to vector<16x1xi32>
        %gather3A_2344 = vector.shape_cast %broadcast_in_dim3A_2343 : vector<16x1xi32> to vector<16xi32>
        %gather3A_2345 = tpu.dynamic_gather %add3A_2335[%gather3A_2344] in [0] : vector<16xf32>, vector<16xi32> -> vector<16xf32>
        %add3A_2346 = arith.addf %add3A_2335, %gather3A_2345 : vector<16xf32>
        %lt3A_2347 = arith.constant 0 : i32
        %lt3A_2348 = vector.broadcast %lt3A_2347 : i32 to vector<16xi32>
        %lt3A_2349 = arith.cmpi slt, %xor3A_30, %lt3A_2348 : vector<16xi32>
        %add3A_2350 = arith.constant 16 : i32
        %add3A_2351 = vector.broadcast %add3A_2350 : i32 to vector<16xi32>
        %add3A_2352 = arith.addi %xor3A_30, %add3A_2351 : vector<16xi32>
        %select_n3A_2353 = arith.select %lt3A_2349, %add3A_2352, %xor3A_30 : vector<16xi1>, vector<16xi32>
        %broadcast_in_dim3A_2354 = vector.shape_cast %select_n3A_2353 : vector<16xi32> to vector<16x1xi32>
        %gather3A_2355 = vector.shape_cast %broadcast_in_dim3A_2354 : vector<16x1xi32> to vector<16xi32>
        %gather3A_2356 = tpu.dynamic_gather %add3A_2346[%gather3A_2355] in [0] : vector<16xf32>, vector<16xi32> -> vector<16xf32>
        %add3A_2357 = arith.addf %add3A_2346, %gather3A_2356 : vector<16xf32>
        %lt3A_2358 = arith.constant 0 : i32
        %lt3A_2359 = vector.broadcast %lt3A_2358 : i32 to vector<16xi32>
        %lt3A_2360 = arith.cmpi slt, %and3A_18, %lt3A_2359 : vector<16xi32>
        %add3A_2361 = arith.constant 16 : i32
        %add3A_2362 = vector.broadcast %add3A_2361 : i32 to vector<16xi32>
        %add3A_2363 = arith.addi %and3A_18, %add3A_2362 : vector<16xi32>
        %select_n3A_2364 = arith.select %lt3A_2360, %add3A_2363, %and3A_18 : vector<16xi1>, vector<16xi32>
        %broadcast_in_dim3A_2365 = vector.shape_cast %select_n3A_2364 : vector<16xi32> to vector<16x1xi32>
        %gather3A_2366 = vector.shape_cast %broadcast_in_dim3A_2365 : vector<16x1xi32> to vector<16xi32>
        %gather3A_2367 = tpu.dynamic_gather %add3A_2357[%gather3A_2366] in [0] : vector<16xf32>, vector<16xi32> -> vector<16xf32>
        %lt3A_2368 = arith.constant 0 : i32
        %lt3A_2369 = vector.broadcast %lt3A_2368 : i32 to vector<16xi32>
        %lt3A_2370 = arith.cmpi slt, %add3A_21, %lt3A_2369 : vector<16xi32>
        %add3A_2371 = arith.constant 16 : i32
        %add3A_2372 = vector.broadcast %add3A_2371 : i32 to vector<16xi32>
        %add3A_2373 = arith.addi %add3A_21, %add3A_2372 : vector<16xi32>
        %select_n3A_2374 = arith.select %lt3A_2370, %add3A_2373, %add3A_21 : vector<16xi1>, vector<16xi32>
        %broadcast_in_dim3A_2375 = vector.shape_cast %select_n3A_2374 : vector<16xi32> to vector<16x1xi32>
        %gather3A_2376 = vector.shape_cast %broadcast_in_dim3A_2375 : vector<16x1xi32> to vector<16xi32>
        %gather3A_2377 = tpu.dynamic_gather %add3A_2357[%gather3A_2376] in [0] : vector<16xf32>, vector<16xi32> -> vector<16xf32>
        %eq3A_2378 = vector.broadcast %scan3A_1517 : i32 to vector<16xi32>
        %eq3A_2379 = arith.cmpi eq, %iota3A, %eq3A_2378 : vector<16xi32>
        %select_n3A_2380 = arith.select %eq3A_2379, %gather3A_2314, %scan3A_1518 : vector<16xi1>, vector<16xf32>
        %select_n3A_2381 = arith.select %eq3A_2379, %gather3A_2324, %scan3A_1519 : vector<16xi1>, vector<16xf32>
        %select_n3A_2382 = arith.select %eq3A_2379, %gather3A_2367, %scan3A_1520 : vector<16xi1>, vector<16xf32>
        %select_n3A_2383 = arith.select %eq3A_2379, %gather3A_2377, %scan3A_1521 : vector<16xi1>, vector<16xf32>
        scf.yield %select_n3A_2380, %select_n3A_2381, %select_n3A_2382, %select_n3A_2383 : vector<16xf32>, vector<16xf32>, vector<16xf32>, vector<16xf32>
      }
      %scan3A_1300 = arith.constant 16 : i32
      %mul3A_1301 = arith.constant 16 : i32
      %mul3A_1302 = arith.muli %add3A_1290, %mul3A_1301 : i32
      %mul3A_1303 = arith.constant 16 : i32
      %mul3A_1304 = arith.muli %scan3A_1292, %mul3A_1303 : i32
      %add3A_1305 = arith.addi %mul3A_1302, %mul3A_1304 : i32
      %max3A_1306 = arith.constant 9.99999996E-13 : f32
      %max3A_1307 = vector.broadcast %max3A_1306 : f32 to vector<16xf32>
      %max3A_1308 = arith.maximumf %scan3A_1299#0, %max3A_1307 : vector<16xf32>
      %bitcast_convert_type3A_1309 = tpu.bitcast %max3A_1308 : vector<16xf32> -> vector<16xi32>
      %shift_right_logical3A_1310 = arith.constant 1 : i32
      %shift_right_logical3A_1311 = vector.broadcast %shift_right_logical3A_1310 : i32 to vector<16xi32>
      %shift_right_logical3A_1312 = arith.shrui %bitcast_convert_type3A_1309, %shift_right_logical3A_1311 : vector<16xi32>
      %sub3A_1313 = arith.constant 1597463007 : i32
      %sub3A_1314 = vector.broadcast %sub3A_1313 : i32 to vector<16xi32>
      %sub3A_1315 = arith.subi %sub3A_1314, %shift_right_logical3A_1312 : vector<16xi32>
      %bitcast_convert_type3A_1316 = tpu.bitcast %sub3A_1315 : vector<16xi32> -> vector<16xf32>
      %mul3A_1317 = arith.constant 5.000000e-01 : f32
      %mul3A_1318 = vector.broadcast %mul3A_1317 : f32 to vector<16xf32>
      %mul3A_1319 = arith.mulf %mul3A_1318, %max3A_1308 : vector<16xf32>
      %mul3A_1320 = arith.mulf %mul3A_1319, %bitcast_convert_type3A_1316 : vector<16xf32>
      %mul3A_1321 = arith.mulf %mul3A_1320, %bitcast_convert_type3A_1316 : vector<16xf32>
      %sub3A_1322 = arith.constant 1.500000e+00 : f32
      %sub3A_1323 = vector.broadcast %sub3A_1322 : f32 to vector<16xf32>
      %sub3A_1324 = arith.subf %sub3A_1323, %mul3A_1321 : vector<16xf32>
      %mul3A_1325 = arith.mulf %bitcast_convert_type3A_1316, %sub3A_1324 : vector<16xf32>
      %mul3A_1326 = arith.constant 5.000000e-01 : f32
      %mul3A_1327 = vector.broadcast %mul3A_1326 : f32 to vector<16xf32>
      %mul3A_1328 = arith.mulf %mul3A_1327, %max3A_1308 : vector<16xf32>
      %mul3A_1329 = arith.mulf %mul3A_1328, %mul3A_1325 : vector<16xf32>
      %mul3A_1330 = arith.mulf %mul3A_1329, %mul3A_1325 : vector<16xf32>
      %sub3A_1331 = arith.constant 1.500000e+00 : f32
      %sub3A_1332 = vector.broadcast %sub3A_1331 : f32 to vector<16xf32>
      %sub3A_1333 = arith.subf %sub3A_1332, %mul3A_1330 : vector<16xf32>
      %mul3A_1334 = arith.mulf %mul3A_1325, %sub3A_1333 : vector<16xf32>
      %mul3A_1335 = arith.constant 5.000000e-01 : f32
      %mul3A_1336 = vector.broadcast %mul3A_1335 : f32 to vector<16xf32>
      %mul3A_1337 = arith.mulf %mul3A_1336, %max3A_1308 : vector<16xf32>
      %mul3A_1338 = arith.mulf %mul3A_1337, %mul3A_1334 : vector<16xf32>
      %mul3A_1339 = arith.mulf %mul3A_1338, %mul3A_1334 : vector<16xf32>
      %sub3A_1340 = arith.constant 1.500000e+00 : f32
      %sub3A_1341 = vector.broadcast %sub3A_1340 : f32 to vector<16xf32>
      %sub3A_1342 = arith.subf %sub3A_1341, %mul3A_1339 : vector<16xf32>
      %mul3A_1343 = arith.mulf %mul3A_1334, %sub3A_1342 : vector<16xf32>
      %mul3A_1344 = arith.mulf %max3A_1308, %mul3A_1343 : vector<16xf32>
      %neg3A_1345 = arith.constant 0.000000e+00 : f32
      %neg3A_1346 = vector.broadcast %neg3A_1345 : f32 to vector<16xf32>
      %neg3A_1347 = arith.subf %neg3A_1346, %mul3A_1344 : vector<16xf32>
      %exp3A_1348 = math.exp %neg3A_1347 : vector<16xf32>
      %add3A_1349 = arith.constant 1.000000e+00 : f32
      %add3A_1350 = vector.broadcast %add3A_1349 : f32 to vector<16xf32>
      %add3A_1351 = arith.addf %add3A_1350, %exp3A_1348 : vector<16xf32>
      %div3A_1352 = arith.divf %exp3A_1348, %add3A_1351 : vector<16xf32>
      %swap3A_1353 = arith.index_cast %add3A_1305 : i32 to index
      %swap3A_1354 = tpu.vector_load %arg18[%swap3A_1353] {strides = array<i32>} : memref<1024xf32, #tpu.memory_space<vmem>>, vector<16xf32>,
      %swap3A_1355 = vector.shape_cast %swap3A_1354 : vector<16xf32> to vector<16xf32>
      %swap3A_1356 = vector.shape_cast %div3A_1352 : vector<16xf32> to vector<16xf32>
      tpu.vector_store %arg18[%swap3A_1353], %swap3A_1356 {strides = array<i32>} : memref<1024xf32, #tpu.memory_space<vmem>>, vector<16xf32>,
      %max3A_1357 = arith.constant 9.99999996E-13 : f32
      %max3A_1358 = vector.broadcast %max3A_1357 : f32 to vector<16xf32>
      %max3A_1359 = arith.maximumf %scan3A_1299#1, %max3A_1358 : vector<16xf32>
      %bitcast_convert_type3A_1360 = tpu.bitcast %max3A_1359 : vector<16xf32> -> vector<16xi32>
      %shift_right_logical3A_1361 = arith.constant 1 : i32
      %shift_right_logical3A_1362 = vector.broadcast %shift_right_logical3A_1361 : i32 to vector<16xi32>
      %shift_right_logical3A_1363 = arith.shrui %bitcast_convert_type3A_1360, %shift_right_logical3A_1362 : vector<16xi32>
      %sub3A_1364 = arith.constant 1597463007 : i32
      %sub3A_1365 = vector.broadcast %sub3A_1364 : i32 to vector<16xi32>
      %sub3A_1366 = arith.subi %sub3A_1365, %shift_right_logical3A_1363 : vector<16xi32>
      %bitcast_convert_type3A_1367 = tpu.bitcast %sub3A_1366 : vector<16xi32> -> vector<16xf32>
      %mul3A_1368 = arith.constant 5.000000e-01 : f32
      %mul3A_1369 = vector.broadcast %mul3A_1368 : f32 to vector<16xf32>
      %mul3A_1370 = arith.mulf %mul3A_1369, %max3A_1359 : vector<16xf32>
      %mul3A_1371 = arith.mulf %mul3A_1370, %bitcast_convert_type3A_1367 : vector<16xf32>
      %mul3A_1372 = arith.mulf %mul3A_1371, %bitcast_convert_type3A_1367 : vector<16xf32>
      %sub3A_1373 = arith.constant 1.500000e+00 : f32
      %sub3A_1374 = vector.broadcast %sub3A_1373 : f32 to vector<16xf32>
      %sub3A_1375 = arith.subf %sub3A_1374, %mul3A_1372 : vector<16xf32>
      %mul3A_1376 = arith.mulf %bitcast_convert_type3A_1367, %sub3A_1375 : vector<16xf32>
      %mul3A_1377 = arith.constant 5.000000e-01 : f32
      %mul3A_1378 = vector.broadcast %mul3A_1377 : f32 to vector<16xf32>
      %mul3A_1379 = arith.mulf %mul3A_1378, %max3A_1359 : vector<16xf32>
      %mul3A_1380 = arith.mulf %mul3A_1379, %mul3A_1376 : vector<16xf32>
      %mul3A_1381 = arith.mulf %mul3A_1380, %mul3A_1376 : vector<16xf32>
      %sub3A_1382 = arith.constant 1.500000e+00 : f32
      %sub3A_1383 = vector.broadcast %sub3A_1382 : f32 to vector<16xf32>
      %sub3A_1384 = arith.subf %sub3A_1383, %mul3A_1381 : vector<16xf32>
      %mul3A_1385 = arith.mulf %mul3A_1376, %sub3A_1384 : vector<16xf32>
      %mul3A_1386 = arith.constant 5.000000e-01 : f32
      %mul3A_1387 = vector.broadcast %mul3A_1386 : f32 to vector<16xf32>
      %mul3A_1388 = arith.mulf %mul3A_1387, %max3A_1359 : vector<16xf32>
      %mul3A_1389 = arith.mulf %mul3A_1388, %mul3A_1385 : vector<16xf32>
      %mul3A_1390 = arith.mulf %mul3A_1389, %mul3A_1385 : vector<16xf32>
      %sub3A_1391 = arith.constant 1.500000e+00 : f32
      %sub3A_1392 = vector.broadcast %sub3A_1391 : f32 to vector<16xf32>
      %sub3A_1393 = arith.subf %sub3A_1392, %mul3A_1390 : vector<16xf32>
      %mul3A_1394 = arith.mulf %mul3A_1385, %sub3A_1393 : vector<16xf32>
      %mul3A_1395 = arith.mulf %max3A_1359, %mul3A_1394 : vector<16xf32>
      %neg3A_1396 = arith.constant 0.000000e+00 : f32
      %neg3A_1397 = vector.broadcast %neg3A_1396 : f32 to vector<16xf32>
      %neg3A_1398 = arith.subf %neg3A_1397, %mul3A_1395 : vector<16xf32>
      %exp3A_1399 = math.exp %neg3A_1398 : vector<16xf32>
      %add3A_1400 = arith.constant 1.000000e+00 : f32
      %add3A_1401 = vector.broadcast %add3A_1400 : f32 to vector<16xf32>
      %add3A_1402 = arith.addf %add3A_1401, %exp3A_1399 : vector<16xf32>
      %div3A_1403 = arith.divf %exp3A_1399, %add3A_1402 : vector<16xf32>
      %add3A_1404 = arith.constant 512 : i32
      %add3A_1405 = arith.addi %add3A_1404, %add3A_1305 : i32
      %swap3A_1406 = arith.index_cast %add3A_1405 : i32 to index
      %swap3A_1407 = tpu.vector_load %arg18[%swap3A_1406] {strides = array<i32>} : memref<1024xf32, #tpu.memory_space<vmem>>, vector<16xf32>,
      %swap3A_1408 = vector.shape_cast %swap3A_1407 : vector<16xf32> to vector<16xf32>
      %swap3A_1409 = vector.shape_cast %div3A_1403 : vector<16xf32> to vector<16xf32>
      tpu.vector_store %arg18[%swap3A_1406], %swap3A_1409 {strides = array<i32>} : memref<1024xf32, #tpu.memory_space<vmem>>, vector<16xf32>,
      %max3A_1410 = arith.constant 9.99999996E-13 : f32
      %max3A_1411 = vector.broadcast %max3A_1410 : f32 to vector<16xf32>
      %max3A_1412 = arith.maximumf %scan3A_1299#2, %max3A_1411 : vector<16xf32>
      %bitcast_convert_type3A_1413 = tpu.bitcast %max3A_1412 : vector<16xf32> -> vector<16xi32>
      %shift_right_logical3A_1414 = arith.constant 1 : i32
      %shift_right_logical3A_1415 = vector.broadcast %shift_right_logical3A_1414 : i32 to vector<16xi32>
      %shift_right_logical3A_1416 = arith.shrui %bitcast_convert_type3A_1413, %shift_right_logical3A_1415 : vector<16xi32>
      %sub3A_1417 = arith.constant 1597463007 : i32
      %sub3A_1418 = vector.broadcast %sub3A_1417 : i32 to vector<16xi32>
      %sub3A_1419 = arith.subi %sub3A_1418, %shift_right_logical3A_1416 : vector<16xi32>
      %bitcast_convert_type3A_1420 = tpu.bitcast %sub3A_1419 : vector<16xi32> -> vector<16xf32>
      %mul3A_1421 = arith.constant 5.000000e-01 : f32
      %mul3A_1422 = vector.broadcast %mul3A_1421 : f32 to vector<16xf32>
      %mul3A_1423 = arith.mulf %mul3A_1422, %max3A_1412 : vector<16xf32>
      %mul3A_1424 = arith.mulf %mul3A_1423, %bitcast_convert_type3A_1420 : vector<16xf32>
      %mul3A_1425 = arith.mulf %mul3A_1424, %bitcast_convert_type3A_1420 : vector<16xf32>
      %sub3A_1426 = arith.constant 1.500000e+00 : f32
      %sub3A_1427 = vector.broadcast %sub3A_1426 : f32 to vector<16xf32>
      %sub3A_1428 = arith.subf %sub3A_1427, %mul3A_1425 : vector<16xf32>
      %mul3A_1429 = arith.mulf %bitcast_convert_type3A_1420, %sub3A_1428 : vector<16xf32>
      %mul3A_1430 = arith.constant 5.000000e-01 : f32
      %mul3A_1431 = vector.broadcast %mul3A_1430 : f32 to vector<16xf32>
      %mul3A_1432 = arith.mulf %mul3A_1431, %max3A_1412 : vector<16xf32>
      %mul3A_1433 = arith.mulf %mul3A_1432, %mul3A_1429 : vector<16xf32>
      %mul3A_1434 = arith.mulf %mul3A_1433, %mul3A_1429 : vector<16xf32>
      %sub3A_1435 = arith.constant 1.500000e+00 : f32
      %sub3A_1436 = vector.broadcast %sub3A_1435 : f32 to vector<16xf32>
      %sub3A_1437 = arith.subf %sub3A_1436, %mul3A_1434 : vector<16xf32>
      %mul3A_1438 = arith.mulf %mul3A_1429, %sub3A_1437 : vector<16xf32>
      %mul3A_1439 = arith.constant 5.000000e-01 : f32
      %mul3A_1440 = vector.broadcast %mul3A_1439 : f32 to vector<16xf32>
      %mul3A_1441 = arith.mulf %mul3A_1440, %max3A_1412 : vector<16xf32>
      %mul3A_1442 = arith.mulf %mul3A_1441, %mul3A_1438 : vector<16xf32>
      %mul3A_1443 = arith.mulf %mul3A_1442, %mul3A_1438 : vector<16xf32>
      %sub3A_1444 = arith.constant 1.500000e+00 : f32
      %sub3A_1445 = vector.broadcast %sub3A_1444 : f32 to vector<16xf32>
      %sub3A_1446 = arith.subf %sub3A_1445, %mul3A_1443 : vector<16xf32>
      %mul3A_1447 = arith.mulf %mul3A_1438, %sub3A_1446 : vector<16xf32>
      %mul3A_1448 = arith.mulf %max3A_1412, %mul3A_1447 : vector<16xf32>
      %neg3A_1449 = arith.constant 0.000000e+00 : f32
      %neg3A_1450 = vector.broadcast %neg3A_1449 : f32 to vector<16xf32>
      %neg3A_1451 = arith.subf %neg3A_1450, %mul3A_1448 : vector<16xf32>
      %exp3A_1452 = math.exp %neg3A_1451 : vector<16xf32>
      %add3A_1453 = arith.constant 1.000000e+00 : f32
      %add3A_1454 = vector.broadcast %add3A_1453 : f32 to vector<16xf32>
      %add3A_1455 = arith.addf %add3A_1454, %exp3A_1452 : vector<16xf32>
      %div3A_1456 = arith.divf %exp3A_1452, %add3A_1455 : vector<16xf32>
      %swap3A_1457 = arith.index_cast %add3A_1305 : i32 to index
      %swap3A_1458 = tpu.vector_load %arg19[%swap3A_1457] {strides = array<i32>} : memref<1024xf32, #tpu.memory_space<vmem>>, vector<16xf32>,
      %swap3A_1459 = vector.shape_cast %swap3A_1458 : vector<16xf32> to vector<16xf32>
      %swap3A_1460 = vector.shape_cast %div3A_1456 : vector<16xf32> to vector<16xf32>
      tpu.vector_store %arg19[%swap3A_1457], %swap3A_1460 {strides = array<i32>} : memref<1024xf32, #tpu.memory_space<vmem>>, vector<16xf32>,
      %max3A_1461 = arith.constant 9.99999996E-13 : f32
      %max3A_1462 = vector.broadcast %max3A_1461 : f32 to vector<16xf32>
      %max3A_1463 = arith.maximumf %scan3A_1299#3, %max3A_1462 : vector<16xf32>
      %bitcast_convert_type3A_1464 = tpu.bitcast %max3A_1463 : vector<16xf32> -> vector<16xi32>
      %shift_right_logical3A_1465 = arith.constant 1 : i32
      %shift_right_logical3A_1466 = vector.broadcast %shift_right_logical3A_1465 : i32 to vector<16xi32>
      %shift_right_logical3A_1467 = arith.shrui %bitcast_convert_type3A_1464, %shift_right_logical3A_1466 : vector<16xi32>
      %sub3A_1468 = arith.constant 1597463007 : i32
      %sub3A_1469 = vector.broadcast %sub3A_1468 : i32 to vector<16xi32>
      %sub3A_1470 = arith.subi %sub3A_1469, %shift_right_logical3A_1467 : vector<16xi32>
      %bitcast_convert_type3A_1471 = tpu.bitcast %sub3A_1470 : vector<16xi32> -> vector<16xf32>
      %mul3A_1472 = arith.constant 5.000000e-01 : f32
      %mul3A_1473 = vector.broadcast %mul3A_1472 : f32 to vector<16xf32>
      %mul3A_1474 = arith.mulf %mul3A_1473, %max3A_1463 : vector<16xf32>
      %mul3A_1475 = arith.mulf %mul3A_1474, %bitcast_convert_type3A_1471 : vector<16xf32>
      %mul3A_1476 = arith.mulf %mul3A_1475, %bitcast_convert_type3A_1471 : vector<16xf32>
      %sub3A_1477 = arith.constant 1.500000e+00 : f32
      %sub3A_1478 = vector.broadcast %sub3A_1477 : f32 to vector<16xf32>
      %sub3A_1479 = arith.subf %sub3A_1478, %mul3A_1476 : vector<16xf32>
      %mul3A_1480 = arith.mulf %bitcast_convert_type3A_1471, %sub3A_1479 : vector<16xf32>
      %mul3A_1481 = arith.constant 5.000000e-01 : f32
      %mul3A_1482 = vector.broadcast %mul3A_1481 : f32 to vector<16xf32>
      %mul3A_1483 = arith.mulf %mul3A_1482, %max3A_1463 : vector<16xf32>
      %mul3A_1484 = arith.mulf %mul3A_1483, %mul3A_1480 : vector<16xf32>
      %mul3A_1485 = arith.mulf %mul3A_1484, %mul3A_1480 : vector<16xf32>
      %sub3A_1486 = arith.constant 1.500000e+00 : f32
      %sub3A_1487 = vector.broadcast %sub3A_1486 : f32 to vector<16xf32>
      %sub3A_1488 = arith.subf %sub3A_1487, %mul3A_1485 : vector<16xf32>
      %mul3A_1489 = arith.mulf %mul3A_1480, %sub3A_1488 : vector<16xf32>
      %mul3A_1490 = arith.constant 5.000000e-01 : f32
      %mul3A_1491 = vector.broadcast %mul3A_1490 : f32 to vector<16xf32>
      %mul3A_1492 = arith.mulf %mul3A_1491, %max3A_1463 : vector<16xf32>
      %mul3A_1493 = arith.mulf %mul3A_1492, %mul3A_1489 : vector<16xf32>
      %mul3A_1494 = arith.mulf %mul3A_1493, %mul3A_1489 : vector<16xf32>
      %sub3A_1495 = arith.constant 1.500000e+00 : f32
      %sub3A_1496 = vector.broadcast %sub3A_1495 : f32 to vector<16xf32>
      %sub3A_1497 = arith.subf %sub3A_1496, %mul3A_1494 : vector<16xf32>
      %mul3A_1498 = arith.mulf %mul3A_1489, %sub3A_1497 : vector<16xf32>
      %mul3A_1499 = arith.mulf %max3A_1463, %mul3A_1498 : vector<16xf32>
      %neg3A_1500 = arith.constant 0.000000e+00 : f32
      %neg3A_1501 = vector.broadcast %neg3A_1500 : f32 to vector<16xf32>
      %neg3A_1502 = arith.subf %neg3A_1501, %mul3A_1499 : vector<16xf32>
      %exp3A_1503 = math.exp %neg3A_1502 : vector<16xf32>
      %add3A_1504 = arith.constant 1.000000e+00 : f32
      %add3A_1505 = vector.broadcast %add3A_1504 : f32 to vector<16xf32>
      %add3A_1506 = arith.addf %add3A_1505, %exp3A_1503 : vector<16xf32>
      %div3A_1507 = arith.divf %exp3A_1503, %add3A_1506 : vector<16xf32>
      %add3A_1508 = arith.constant 512 : i32
      %add3A_1509 = arith.addi %add3A_1508, %add3A_1305 : i32
      %swap3A_1510 = arith.index_cast %add3A_1509 : i32 to index
      %swap3A_1511 = tpu.vector_load %arg19[%swap3A_1510] {strides = array<i32>} : memref<1024xf32, #tpu.memory_space<vmem>>, vector<16xf32>,
      %swap3A_1512 = vector.shape_cast %swap3A_1511 : vector<16xf32> to vector<16xf32>
      %swap3A_1513 = vector.shape_cast %div3A_1507 : vector<16xf32> to vector<16xf32>
      tpu.vector_store %arg19[%swap3A_1510], %swap3A_1513 {strides = array<i32>} : memref<1024xf32, #tpu.memory_space<vmem>>, vector<16xf32>,
      %scan3A_1514 = arith.constant 0 : i32
      %scan3A_1515 = arith.constant 1 : i32
      %scan3A_1516 = arith.constant 0 : i32
      scf.yield %scan3A_1516 : i32
    }
    %scan3A_337 = arith.constant 16 : i32
    "tpu.region"() ({
      %run_scoped3A = tpu.sem_alloc : memref<!tpu.dma_semaphore, #tpu.memory_space<semaphore_mem>>
      %dma_start3A_342 = arith.constant 0 : i32
      %dma_start3A_343 = tpu.memref_slice %arg18[%dma_start3A_342] : memref<1024xf32, #tpu.memory_space<vmem>> -> memref<512xf32, #tpu.memory_space<vmem>>
      %dma_start3A_344 = tpu.memref_slice %arg9[%mul3A_2] : memref<32768xf32, #tpu.memory_space<hbm>> -> memref<512xf32, #tpu.memory_space<hbm>>
      %dma_start3A_345 = tpu.memref_slice %arg9[%mul3A_2] : memref<32768xf32, #tpu.memory_space<hbm>> -> memref<512xf32, #tpu.memory_space<hbm>>
      %dma_start3A_346 = arith.constant 0 : i32
      %dma_start3A_347 = tpu.memref_slice %arg18[%dma_start3A_346] : memref<1024xf32, #tpu.memory_space<vmem>> -> memref<512xf32, #tpu.memory_space<vmem>>
      tpu.enqueue_dma source(%dma_start3A_347 : memref<512xf32, #tpu.memory_space<vmem>>) target(%dma_start3A_345 : memref<512xf32, #tpu.memory_space<hbm>>) target_semaphore(%run_scoped3A : memref<!tpu.dma_semaphore, #tpu.memory_space<semaphore_mem>>)
      %dma_wait3A = arith.constant 0 : i32
      %dma_wait3A_348 = tpu.memref_slice %arg18[%dma_wait3A] : memref<1024xf32, #tpu.memory_space<vmem>> -> memref<512xf32, #tpu.memory_space<vmem>>
      %dma_wait3A_349 = tpu.memref_slice %arg9[%mul3A_2] : memref<32768xf32, #tpu.memory_space<hbm>> -> memref<512xf32, #tpu.memory_space<hbm>>
      %dma_wait3A_350 = tpu.memref_slice %arg9[%mul3A_2] : memref<32768xf32, #tpu.memory_space<hbm>> -> memref<512xf32, #tpu.memory_space<hbm>>
      %dma_wait3A_351 = arith.constant 0 : i32
      %dma_wait3A_352 = tpu.memref_slice %arg18[%dma_wait3A_351] : memref<1024xf32, #tpu.memory_space<vmem>> -> memref<512xf32, #tpu.memory_space<vmem>>
      tpu.wait_dma2 semaphore(%run_scoped3A : memref<!tpu.dma_semaphore, #tpu.memory_space<semaphore_mem>>) src(%dma_wait3A_352 : memref<512xf32, #tpu.memory_space<vmem>>) dst(%dma_wait3A_350 : memref<512xf32, #tpu.memory_space<hbm>>)
      tpu.yield
    }) : () -> ()
    %add3A_338 = arith.constant 16384 : i32
    %add3A_339 = arith.addi %add3A_338, %mul3A_2 : i32
    "tpu.region"() ({
      %run_scoped3A = tpu.sem_alloc : memref<!tpu.dma_semaphore, #tpu.memory_space<semaphore_mem>>
      %dma_start3A_342 = arith.constant 512 : i32
      %dma_start3A_343 = tpu.memref_slice %arg18[%dma_start3A_342] : memref<1024xf32, #tpu.memory_space<vmem>> -> memref<512xf32, #tpu.memory_space<vmem>>
      %dma_start3A_344 = tpu.memref_slice %arg9[%add3A_339] : memref<32768xf32, #tpu.memory_space<hbm>> -> memref<512xf32, #tpu.memory_space<hbm>>
      %dma_start3A_345 = tpu.memref_slice %arg9[%add3A_339] : memref<32768xf32, #tpu.memory_space<hbm>> -> memref<512xf32, #tpu.memory_space<hbm>>
      %dma_start3A_346 = arith.constant 512 : i32
      %dma_start3A_347 = tpu.memref_slice %arg18[%dma_start3A_346] : memref<1024xf32, #tpu.memory_space<vmem>> -> memref<512xf32, #tpu.memory_space<vmem>>
      tpu.enqueue_dma source(%dma_start3A_347 : memref<512xf32, #tpu.memory_space<vmem>>) target(%dma_start3A_345 : memref<512xf32, #tpu.memory_space<hbm>>) target_semaphore(%run_scoped3A : memref<!tpu.dma_semaphore, #tpu.memory_space<semaphore_mem>>)
      %dma_wait3A = arith.constant 512 : i32
      %dma_wait3A_348 = tpu.memref_slice %arg18[%dma_wait3A] : memref<1024xf32, #tpu.memory_space<vmem>> -> memref<512xf32, #tpu.memory_space<vmem>>
      %dma_wait3A_349 = tpu.memref_slice %arg9[%add3A_339] : memref<32768xf32, #tpu.memory_space<hbm>> -> memref<512xf32, #tpu.memory_space<hbm>>
      %dma_wait3A_350 = tpu.memref_slice %arg9[%add3A_339] : memref<32768xf32, #tpu.memory_space<hbm>> -> memref<512xf32, #tpu.memory_space<hbm>>
      %dma_wait3A_351 = arith.constant 512 : i32
      %dma_wait3A_352 = tpu.memref_slice %arg18[%dma_wait3A_351] : memref<1024xf32, #tpu.memory_space<vmem>> -> memref<512xf32, #tpu.memory_space<vmem>>
      tpu.wait_dma2 semaphore(%run_scoped3A : memref<!tpu.dma_semaphore, #tpu.memory_space<semaphore_mem>>) src(%dma_wait3A_352 : memref<512xf32, #tpu.memory_space<vmem>>) dst(%dma_wait3A_350 : memref<512xf32, #tpu.memory_space<hbm>>)
      tpu.yield
    }) : () -> ()
    "tpu.region"() ({
      %run_scoped3A = tpu.sem_alloc : memref<!tpu.dma_semaphore, #tpu.memory_space<semaphore_mem>>
      %dma_start3A_342 = arith.constant 0 : i32
      %dma_start3A_343 = tpu.memref_slice %arg19[%dma_start3A_342] : memref<1024xf32, #tpu.memory_space<vmem>> -> memref<512xf32, #tpu.memory_space<vmem>>
      %dma_start3A_344 = tpu.memref_slice %arg10[%mul3A_2] : memref<32768xf32, #tpu.memory_space<hbm>> -> memref<512xf32, #tpu.memory_space<hbm>>
      %dma_start3A_345 = tpu.memref_slice %arg10[%mul3A_2] : memref<32768xf32, #tpu.memory_space<hbm>> -> memref<512xf32, #tpu.memory_space<hbm>>
      %dma_start3A_346 = arith.constant 0 : i32
      %dma_start3A_347 = tpu.memref_slice %arg19[%dma_start3A_346] : memref<1024xf32, #tpu.memory_space<vmem>> -> memref<512xf32, #tpu.memory_space<vmem>>
      tpu.enqueue_dma source(%dma_start3A_347 : memref<512xf32, #tpu.memory_space<vmem>>) target(%dma_start3A_345 : memref<512xf32, #tpu.memory_space<hbm>>) target_semaphore(%run_scoped3A : memref<!tpu.dma_semaphore, #tpu.memory_space<semaphore_mem>>)
      %dma_wait3A = arith.constant 0 : i32
      %dma_wait3A_348 = tpu.memref_slice %arg19[%dma_wait3A] : memref<1024xf32, #tpu.memory_space<vmem>> -> memref<512xf32, #tpu.memory_space<vmem>>
      %dma_wait3A_349 = tpu.memref_slice %arg10[%mul3A_2] : memref<32768xf32, #tpu.memory_space<hbm>> -> memref<512xf32, #tpu.memory_space<hbm>>
      %dma_wait3A_350 = tpu.memref_slice %arg10[%mul3A_2] : memref<32768xf32, #tpu.memory_space<hbm>> -> memref<512xf32, #tpu.memory_space<hbm>>
      %dma_wait3A_351 = arith.constant 0 : i32
      %dma_wait3A_352 = tpu.memref_slice %arg19[%dma_wait3A_351] : memref<1024xf32, #tpu.memory_space<vmem>> -> memref<512xf32, #tpu.memory_space<vmem>>
      tpu.wait_dma2 semaphore(%run_scoped3A : memref<!tpu.dma_semaphore, #tpu.memory_space<semaphore_mem>>) src(%dma_wait3A_352 : memref<512xf32, #tpu.memory_space<vmem>>) dst(%dma_wait3A_350 : memref<512xf32, #tpu.memory_space<hbm>>)
      tpu.yield
    }) : () -> ()
    %add3A_340 = arith.constant 16384 : i32
    %add3A_341 = arith.addi %add3A_340, %mul3A_2 : i32
    "tpu.region"() ({
      %run_scoped3A = tpu.sem_alloc : memref<!tpu.dma_semaphore, #tpu.memory_space<semaphore_mem>>
      %dma_start3A_342 = arith.constant 512 : i32
      %dma_start3A_343 = tpu.memref_slice %arg19[%dma_start3A_342] : memref<1024xf32, #tpu.memory_space<vmem>> -> memref<512xf32, #tpu.memory_space<vmem>>
      %dma_start3A_344 = tpu.memref_slice %arg10[%add3A_341] : memref<32768xf32, #tpu.memory_space<hbm>> -> memref<512xf32, #tpu.memory_space<hbm>>
      %dma_start3A_345 = tpu.memref_slice %arg10[%add3A_341] : memref<32768xf32, #tpu.memory_space<hbm>> -> memref<512xf32, #tpu.memory_space<hbm>>
      %dma_start3A_346 = arith.constant 512 : i32
      %dma_start3A_347 = tpu.memref_slice %arg19[%dma_start3A_346] : memref<1024xf32, #tpu.memory_space<vmem>> -> memref<512xf32, #tpu.memory_space<vmem>>
      tpu.enqueue_dma source(%dma_start3A_347 : memref<512xf32, #tpu.memory_space<vmem>>) target(%dma_start3A_345 : memref<512xf32, #tpu.memory_space<hbm>>) target_semaphore(%run_scoped3A : memref<!tpu.dma_semaphore, #tpu.memory_space<semaphore_mem>>)
      %dma_wait3A = arith.constant 512 : i32
      %dma_wait3A_348 = tpu.memref_slice %arg19[%dma_wait3A] : memref<1024xf32, #tpu.memory_space<vmem>> -> memref<512xf32, #tpu.memory_space<vmem>>
      %dma_wait3A_349 = tpu.memref_slice %arg10[%add3A_341] : memref<32768xf32, #tpu.memory_space<hbm>> -> memref<512xf32, #tpu.memory_space<hbm>>
      %dma_wait3A_350 = tpu.memref_slice %arg10[%add3A_341] : memref<32768xf32, #tpu.memory_space<hbm>> -> memref<512xf32, #tpu.memory_space<hbm>>
      %dma_wait3A_351 = arith.constant 512 : i32
      %dma_wait3A_352 = tpu.memref_slice %arg19[%dma_wait3A_351] : memref<1024xf32, #tpu.memory_space<vmem>> -> memref<512xf32, #tpu.memory_space<vmem>>
      tpu.wait_dma2 semaphore(%run_scoped3A : memref<!tpu.dma_semaphore, #tpu.memory_space<semaphore_mem>>) src(%dma_wait3A_352 : memref<512xf32, #tpu.memory_space<vmem>>) dst(%dma_wait3A_350 : memref<512xf32, #tpu.memory_space<hbm>>)
      tpu.yield
    }) : () -> ()
    return
  }
}

</mosaic_0001>

<sc_bundles>
// kernel: kernel.3.cloned.1.call-start
scs
__scs_entry_jumppad:
0x0: {  	(pc) =	sbr.rel $0x88, $3  }
0x1: {  	(tag) =	ssettag $0x0;
	lr =	simm.s32 $0x1  }
0x2: {  	[smem:$0x3F9E] =	sst lr;
	_ =	strace $0xD0000000  }
0x3: {  	_ = 	snop  }
0x4: {  	_ = 	snop  }
0x5: {  	_ = 	snop  }
0x6: {  	_ = 	snop  }
0x7: {  	_ = 	snop  }
__scs_overlays_trampoline_lowered:
0x8: {  	[smem:$0x3FAD] =	sst s0  }
0x9: {  	[smem:$0x3FAE] =	sst s1  }
0xa: {  	[smem:$0x3FAF] =	sst s2  }
0xb: {  	[smem:$0x3FB0] =	sst s3  }
0xc: {  	[smem:$0x3FB1] =	sst s4  }
0xd: {  	[smem:$0x3FB2] =	sst s5  }
0xe: {  	[smem:$0x3FB3] =	sst s6  }
0xf: {  	[smem:$0x3FB4] =	sst s7  }
0x10: {  	[smem:$0x3FB5] =	sst s8  }
0x11: {  	[smem:$0x3FB6] =	sst s9;
	s0 =	simm.s32 @!p0 $0x0  }
0x12: {  	s1 =	sld [smem:$0x3F9C];
	s0 =	simm.s32 @p0 $0x1  }
0x13: {  	[smem:$0x3FB7] =	sst s0;
	s0 =	simm.s32 @!p1 $0x0  }
0x14: {  	s2 =	sld [smem:$0x3F9B];
	s0 =	simm.s32 @p1 $0x1  }
0x15: {  	[smem:$0x3FB8] =	sst s0;
	s0 =	simm.s32 @!p2 $0x0  }
0x16: {  	s3 =	sld [smem:$0x3FDB];
	s0 =	simm.s32 @p2 $0x1  }
0x17: {  	s4 =	simm.s32 $0x1BF5;
	[smem:$0x3FBA] =	sst s0  }
0x18: {  	s0 =	sld [smem:$0x3F9D];
	_ =	swait.ge [sflag:s4], $0x0  }
0x19: {  	s7 =	sld [smem:$0x3F9E]  }
0x1a: {  	s8 =	sadd.s32 $0xFFFFE003, lr  }
0x1b: {  	s9 =	sadd.s32 $0xFFFFFEF7, lr;
	s5 =	simm.s32 $0xFFFFFFFF;
	p2 =	slt.u32 s8, $0xFFFFF086  }
0x1c: {  	p1 =	slt.u32 s9, $0xF7A;
	s5 =	simm.s32 @!p2 $0x0  }
0x1d: {  	s5 =	simm.s32 @p1 $0x1;
	p0 =	seq.s32 s7, s2  }
0x1e: {  	s7 =	smul.u32 @!p0 $0xF7A, s2;
	p2 =	seq.s32 @!p0 s5, $0x0  }
0x1f: {  	s9 =	smul.u32 $0xF7A, s1;
	s8 =	simm.s32 @!p0 $0x1BF5;
	p2 =	por !p2, p0  }
0x20: {  	[sflag:s8] =	ssyncset.s32 @!p0 $0xFFFFF086;
	s6 =	sadd.s32 @!p0 s3, s7;
	s7 =	simm.s32 @!p0 $0x108  }
0x21: {  	s3 =	sadd.s32 s3, s9;
	s6 =	sadd.s32 @!p0 $0x88, s6;
	s7 =	simm.s32 @p2 $0x1082  }
0x22: {  	[simem:s7], [sflag:s8] =	dma.local @!p0 [hbm:s6], $0xF7A  }
0x23: {  	s9 =	sor.u32 $0xD0000000, s2;
	s6 =	simm.s32 $0x108;
	_ =	swait.ge @!p0 [sflag:s8], $0x0  }
0x24: {  	s3 =	sadd.s32 $0x88, s3;
	s6 =	simm.s32 @!p1 $0x1082;
	[sflag:s4] =	ssyncset.s32 $0xFFFFF086  }
0x25: {  	[simem:s6], [sflag:s4] =	dma.local [hbm:s3], $0xF7A  }
0x26: {  	[smem:$0x3F9E] =	sst s1;
	(tag) =	ssettag s2;
	_ =	strace s9  }
0x27: {  	s1 =	sld [smem:$0x3FAE]  }
0x28: {  	s2 =	sld [smem:$0x3FAF]  }
0x29: {  	s4 =	sld [smem:$0x3FB1]  }
0x2a: {  	p0 =	seq.s32 s5, $0x0;
	s5 =	sld [smem:$0x3FB2]  }
0x2b: {  	s6 =	sld [smem:$0x3FB3]  }
0x2c: {  	s7 =	sld [smem:$0x3FB4]  }
0x2d: {  	s3 =	simm.s32 $0x108;
	s8 =	sld [smem:$0x3FB5]  }
0x2e: {  	s3 =	simm.s32 @!p0 $0x1082;
	s9 =	sld [smem:$0x3FB6]  }
0x2f: {  	lr =	sadd.s32 s0, s3;
	s0 =	sld [smem:$0x3FAD]  }
0x30: {  	s3 =	sld [smem:$0x3FB0]  }
0x31: {  	[smem:$0x3FB9] =	sst s10  }
0x32: {  	s10 =	sld [smem:$0x3FB7];
	_ =	sdelay $0x3  }
0x33: {  	p0 =	seq.s32 s10, $0x1;
	s10 =	sld [smem:$0x3FB9];
	_ =	sdelay $0x3  }
0x34: {  	[smem:$0x3FB9] =	sst s10  }
0x35: {  	s10 =	sld [smem:$0x3FB8];
	_ =	sdelay $0x3  }
0x36: {  	p1 =	seq.s32 s10, $0x1;
	s10 =	sld [smem:$0x3FB9];
	_ =	sdelay $0x3  }
0x37: {  	[smem:$0x3FB9] =	sst s10  }
0x38: {  	s10 =	sld [smem:$0x3FBA]  }
0x39: {  	_ = 	snop;
	(pc) =	sbr.ind lr, $3  }
0x3a: {  	_ = 	snop  }
0x3b: {  	_ = 	snop  }
0x3c: {  	p2 =	seq.s32 s10, $0x1;
	s10 =	sld [smem:$0x3FB9]  }
0x3d: {  	_ =	shalt  }
0x3e: {  	_ =	shalt  }
0x3f: {  	_ =	shalt  }
0x40: {  	_ =	shalt  }
0x41: {  	_ =	shalt  }
0x42: {  	_ =	shalt  }
0x43: {  	_ =	shalt  }
0x44: {  	_ =	shalt  }
0x45: {  	_ =	shalt  }
0x46: {  	_ =	shalt  }
0x47: {  	_ =	shalt  }
0x48: {  	_ =	shalt  }
0x49: {  	_ =	shalt  }
0x4a: {  	_ =	shalt  }
0x4b: {  	_ =	shalt  }
0x4c: {  	_ =	shalt  }
0x4d: {  	_ =	shalt  }
0x4e: {  	_ =	shalt  }
0x4f: {  	_ =	shalt  }
0x50: {  	_ =	shalt  }
0x51: {  	_ =	shalt  }
0x52: {  	_ =	shalt  }
0x53: {  	_ =	shalt  }
0x54: {  	_ =	shalt  }
0x55: {  	_ =	shalt  }
0x56: {  	_ =	shalt  }
0x57: {  	_ =	shalt  }
0x58: {  	_ =	shalt  }
0x59: {  	_ =	shalt  }
0x5a: {  	_ =	shalt  }
0x5b: {  	_ =	shalt  }
0x5c: {  	_ =	shalt  }
0x5d: {  	_ =	shalt  }
0x5e: {  	_ =	shalt  }
0x5f: {  	_ =	shalt  }
0x60: {  	_ =	shalt  }
0x61: {  	_ =	shalt  }
0x62: {  	_ =	shalt  }
0x63: {  	_ =	shalt  }
0x64: {  	_ =	shalt  }
0x65: {  	_ =	shalt  }
0x66: {  	_ =	shalt  }
0x67: {  	_ =	shalt  }
0x68: {  	_ =	shalt  }
0x69: {  	_ =	shalt  }
0x6a: {  	_ =	shalt  }
0x6b: {  	_ =	shalt  }
0x6c: {  	_ =	shalt  }
0x6d: {  	_ =	shalt  }
0x6e: {  	_ =	shalt  }
0x6f: {  	_ =	shalt  }
0x70: {  	_ =	shalt  }
0x71: {  	_ =	shalt  }
0x72: {  	_ =	shalt  }
0x73: {  	_ =	shalt  }
0x74: {  	_ =	shalt  }
0x75: {  	_ =	shalt  }
0x76: {  	_ =	shalt  }
0x77: {  	_ =	shalt  }
0x78: {  	_ =	shalt  }
0x79: {  	_ =	shalt  }
0x7a: {  	_ =	shalt  }
0x7b: {  	_ =	shalt  }
0x7c: {  	_ =	shalt  }
0x7d: {  	_ =	shalt  }
0x7e: {  	_ =	shalt  }
0x7f: {  	_ =	shalt  }
0x80: {  	_ =	shalt  }
0x81: {  	_ =	shalt  }
0x82: {  	_ =	shalt  }
0x83: {  	_ =	shalt  }
0x84: {  	_ =	shalt  }
0x85: {  	_ =	shalt  }
0x86: {  	_ =	shalt  }
0x87: {  	_ =	shalt  }
.Lfunc_end0:
.L_simem_size_0:
called_computation_lowered:
.L_overlay_start_0:
0x88: {  	s2 =	sld [smem:$0x3FD9]  }
0x89: {  	s3 =	sld [smem:$0x3FFE];
	_ =	sdelay $0x1  }
0x8a: {  	s1 =	srdreg.scid  }
0x8b: {  	s0 =	sand.u32 $0x1, s1  }
0x8c: {  	s14 =	sshll.u32 s0, $0xA;
	s2 =	sadd.s32 s3, s2  }
0x8d: {  	s2 =	sadd.s32 s2, s14  }
0x8e: {  	[smem:$0x3FC5] =	sst s2  }
0x8f: {  	_ = 	snop  }
0x90: {  	s2 =	sld [smem:$0x3FD0];
	_ =	sdelay $0x2  }
0x91: {  	s4 =	simm.s32 $0xA;
	s5 =	simm.s32 $0x10;
	s15 =	sld [smem:$0x3FC8]  }
0x92: {  	[smem:s5], [sflag:s4] =	dma.local [hbm:s2], $0x1  }
0x93: {  	_ =	swait.eq [sflag:s4], $0x1  }
0x94: {  	s16 =	sld [smem:$0x10];
	[sflag:s4] =	ssyncset.done $0x0  }
0x95: {  	s17 =	sld [smem:$0x11];
	[sflag:s4] =	ssyncadd.s32 $0xFFFFFFFF  }
0x96: {  	s18 =	sld [smem:$0x12];
	(tm) =	ssettm $0x1  }
0x97: {  	s6 =	sld [smem:$0x3FFB];
	_ =	sdelay $0x3  }
0x98: {  	_ =	strace s6  }
0x99: {  	s6 =	sld [smem:$0x3FFC];
	_ =	sdelay $0x3  }
0x9a: {  	_ =	strace s6  }
0x9b: {  	s6 =	sld [smem:$0x3FFD];
	_ =	sdelay $0x3  }
0x9c: {  	_ =	strace s6  }
0x9d: {  	_ =	strace $0x8FFFFFFF  }
0x9e: {  	s19 =	sld [smem:$0x3FDB];
	_ =	sdelay $0x1  }
0x9f: {  	s7 =	simm.s32 $_scs_section_size  }
0xa0: {  	s8 =	simm.s32 $_size__tile_overlayer_lowered;
	s9 =	simm.s32 $_tile_overlayer_lowered  }
0xa1: {  	s22 =	simm.s32 $0x1BFF;
	s21 =	sshll.u32 s9, $0x1;
	s6 =	sadd.s32 s7, s19  }
0xa2: {  	s10 =	simm.s32 $0x0;
	s20 =	sshll.u32 s8, $0x1;
	s8 =	sadd.s32 s21, s6  }
0xa3: {  	[timem:s10], [sflag:s22] =	dma.local [hbm:s8], s20  }
0xa4: {  	_ =	swait.ge [sflag:s22], s20  }
0xa5: {  	s7 =	ssub.s32 $0x0, s20;
	[sflag:s22] =	ssyncset.done $0x0  }
0xa6: {  	[sflag:s22] =	ssyncadd.s32 s7;
	_ =	sdelay $0x1  }
0xa7: {  	s23 =	simm.s32 $0x1B8B  }
0xa8: {  	_ =	swait.ge [sflag:s23], $0x1  }
0xa9: {  	[sflag:s23] =	ssyncset.done $0x0  }
0xaa: {  	s25 =	simm.s32 $0x1B8E;
	s24 =	sld [smem:$0x3FFE];
	[sflag:s23] =	ssyncadd.s32 $0xFFFFFFFF  }
0xab: {  	s26 =	simm.s32 $execute0_lowered;
	[smem:$0x3FD2] =	sst s25  }
0xac: {  	s8 =	sshll.u32 s26, $0x1;
	_ =	strace $0x80000046;
	[dreg:$0x1] =	wrdreg $0xFFFFFFFF  }
0xad: {  	s28 =	simm.s32 $_size_execute0_lowered;
	s6 =	sadd.s32 s6, s8;
	[dreg:$0x0] =	wrdreg $0x0  }
0xae: {  	s8 =	sshll.u32 s28, $0x1;
	[dreg:$0x2] =	wrdreg s6  }
0xaf: {  	[dreg:$0x3] =	wrdreg s8  }
0xb0: {  	[dreg:$0x4] =	wrdreg $0xC0  }
0xb1: {  	_ =	task [dreg:s10], $0x5FFFF  }
0xb2: {  	[dreg:$0x1] =	wrdreg $0xFFFFFFFF  }
0xb3: {  	[dreg:$0x0] =	wrdreg $0x60  }
0xb4: {  	[dreg:$0x2] =	wrdreg s24  }
0xb5: {  	[dreg:$0x3] =	wrdreg s16  }
0xb6: {  	[dreg:$0x4] =	wrdreg s18  }
0xb7: {  	[dreg:$0x5] =	wrdreg s15  }
0xb8: {  	[dreg:$0x6] =	wrdreg s17  }
0xb9: {  	[dreg:$0x7] =	wrdreg $0x9  }
0xba: {  	_ =	task.clear_ibuf [dreg:s10], $0x8FFFF;
	_ =	strace $0x90000046  }
0xbb: {  	s29 =	simm.s32 $0x9;
	_ =	strace $0x80000048  }
0xbc: {  	_ =	swait.ge [sflag:s29], $0x1  }
0xbd: {  	[sflag:s29] =	ssyncadd.s32 $0xFFFFFFFF  }
0xbe: {  	_ =	strace $0x90000048  }
0xbf: {  	_ =	sfence  }
0xc0: {  	s30 =	sld [smem:$0x0];
	_ =	sdelay $0x2  }
0xc1: {  	s31 =	sshll.u32 s1, $0xD;
	s1 =	sshrl.u32 s1, $0x2  }
0xc2: {  	s3 =	sand.u32 $0x4000, s31;
	s1 =	sadd.s32 s1, s30  }
0xc3: {  	s0 =	sor.u32 s3, s0;
	s1 =	sshll.u32 s1, $0x11  }
0xc4: {  	s0 =	sor.u32 s1, s0  }
0xc5: {  	s0 =	sadd.s32 $0x8F2B, s0  }
0xc6: {  	[sflag:s0] =	ssyncadd.remote.s32 $0x1  }
0xc7: {  	_ =	sfence.sel $0xFFFF  }
0xc8: {  	[dreg:$0x0] =	wrdreg $0xFFFFFFFF;
	(pc) =	sbr.abs _section_cstart, $3  }
0xc9: {  	[dreg:$0x1] =	wrdreg $0xFFFFFFFF  }
0xca: {  	_ =	task.clear_ibuf [dreg:s10], $0x2FFFF;
	_ =	strace $0x9FFFFFFF  }
0xcb: {  	(tm) =	ssettm $0x7FFFFFFF  }
tec
execute0_lowered:
.L_overlay_start_1:
0x0: {  	(tag) =	ssettag $0x1  }
0x1: {  	s0 =	rddreg [dreg:$0x0];
	v0 =	vimm.f32 $1.000000000e+00;
	vm0 =	vcmask $0x300  }
0x2: {  	s2 =	rddreg [dreg:$0x1];
	vm9 =	vcmask $0xB08;
	v0 =	vsel vm0, $0xBF800000, v0  }
0x3: {  	s5 =	rddreg [dreg:$0x2];
	vm10 =	vcmask $0x1310;
	v0 =	vsel vm9, $0xBF800000, v0  }
0x4: {  	s1 =	rddreg [dreg:$0x3];
	vm11 =	vcmask $0x1B18;
	v0 =	vsel vm10, $0xBF800000, v0  }
0x5: {  	s6 =	rddreg [dreg:$0x4];
	vm12 =	vcmask $0x2320;
	v1 =	vsel vm11, $0xBF800000, v0  }
0x6: {  	s4 =	srdreg.scid;
	s3 =	simm.s32 $0x0;
	s7 =	stileid.u32;
	vm13 =	vcmask $0x2B28;
	v1 =	vsel vm12, $0xBF800000, v1  }
0x7: {  	v3 =	vimm.s32 $0x67452301;
	s15 =	simm.s32 $0x5;
	s20 =	simm.s32 $0x10;
	s21 =	simm.s32 $0xA00;
	v2 =	vsel vm13, $0xBF800000, v1;
	v1 =	vimm.s32 $0xEFCDAB89  }
0x8: {  	v56 =	vlaneseq.u32;
	vm14 =	vcmask $0x3330;
	s22 =	simm.s32 $0x1200;
	s28 =	simm.s32 $0x3A00;
	s29 =	simm.s32 $0x4200;
	v4 =	vunpack.c.l.s4.s8 v1  }
0x9: {  	v6 =	vimm.s32 $0x54761032;
	v7 =	vimm.s32 $0xBA98FEDC;
	s30 =	simm.s32 $0x1;
	s31 =	simm.s32 $0x3;
	s17 =	simm.s32 $0x0;
	v3 =	vunpack.c.l.s4.s8 v3  }
0xa: {  	s4 =	sand.u32 $0x1, s4;
	[smem:$0x7FF] =	sst s3;
	s7 =	sshll.u32 s7, $0x7;
	v5 =	vsel vm14, $0xBF800000, v2;
	v2 =	vunpack.c.0.s8.s32 v4;
	v4 =	vimm.s32 $0xDCFE98BA  }
0xb: {  	v8 =	vimm.s32 $0x32107654;
	s8 =	sshll.u32 s4, $0x6;
	_ =	strace $0x80000047;
	s23 =	ssub.s32 $0x2, s4;
	v3 =	vunpack.c.0.s8.s32 v3;
	v4 =	vunpack.c.l.s4.s8 v4  }
0xc: {  	v63 =	vimm.s32 $0x76543210;
	v6 =	vunpack.c.l.s4.s8 v6;
	v7 =	vunpack.c.l.s4.s8 v7;
	s4 =	sadd.s32 $0x2200, s0;
	s7 =	sor.u32 s8, s7;
	s10 =	sshrl.u32 s23, $0x1  }
0xd: {  	s9 =	sadd.s32 s7, s0;
	s0 =	sadd.s32 $0x188C00, s0;
	s8 =	ssub.s32 s23, s10;
	v9 =	vcombine.low v3, v2;
	v3 =	vunpack.c.l.s4.s8 v8;
	v2 =	vunpack.c.0.s8.s32 v4  }
0xe: {  	s2 =	sadd.s32 s2, s7;
	s10 =	sadd.s32 s6, s7;
	s26 =	sor.u32 $0x800, s7;
	v4 =	vunpack.c.0.s8.s32 v6;
	v6 =	vunpack.c.0.s8.s32 v7;
	v7 =	vimm.s32 $0xFEDCBA98  }
0xf: {  	vm15 =	vcmask $0x3B38;
	v61 =	vimm.s32 $0x0;
	s23 =	simm.s32 $0x1A00;
	s24 =	sadd.s32 $0x1A00, s9;
	s25 =	sadd.s32 $0x1200, s9;
	v7 =	vunpack.c.l.s4.s8 v7  }
0x10: {  	v62 =	vimm.s32 $0x1;
	s9 =	sadd.s32 $0xA00, s9;
	[dreg:$0x9] =	wrdreg s2;
	s11 =	sadd.s32 s6, s26;
	v8 =	vunpack.c.l.s4.s8 v63;
	v3 =	vunpack.c.0.s8.s32 v3  }
0x11: {  	s12 =	sadd.s32 s0, s7;
	s13 =	sadd.s32 s0, s26;
	[dreg:$0x6] =	wrdreg s24;
	v1 =	vshrl.u32 v56, $0x1;
	v10 =	vcombine.low v4, v2;
	v7 =	vunpack.c.0.s8.s32 v7  }
0x12: {  	s14 =	smax.u32 s8, $0x1;
	s26 =	simm.s32 $0x3200;
	[dreg:$0x7] =	wrdreg s25;
	v8 =	vunpack.c.0.s8.s32 v8;
	v2 =	vor.u32 $0x8, v1;
	v6 =	vcombine.low v3, v6  }
0x13: {  	s0 =	simm.s32 $0x2;
	s2 =	simm.s32 $0x4;
	[dreg:$0x8] =	wrdreg s9;
	v4 =	vand.u32 $0xF, v9;
	v58 =	vand.u32 $0xF, v10;
	v7 =	vand.u32 $0xF, v7  }
0x14: {  	s9 =	sadd.s32 s5, s7;
	s24 =	simm.s32 $0x2200;
	s25 =	simm.s32 $0x2A00;
	v3 =	vsel vm15, $0xBF800000, v5;
	v59 =	vand.u32 $0xF, v6;
	[tilespmem:$0x1FFF0] =	vst v58;
	v60 =	vcombine.low v7, v8  }
.LBB2_1:
0x15: {  	s5 =	rddreg [dreg:$0x6]  }
0x16: {  	[tilespmem:s3], [sflag:$0x5] =	stream.linear.gather [hbm4b:s5+s3], $0x200, $0x38;
	[tilespmem:$0x15200] =	vst v63  }
0x17: {  	_ =	swait.ge [sflag:s15], $0x200  }
0x18: {  	[sflag:s15] =	ssyncset.done $0x0  }
0x19: {  	s6 =	simm.s32 $0x200;
	s18 =	rddreg [dreg:$0x7];
	[sflag:s15] =	ssyncadd.s32 $0xFFFFFE00  }
0x1a: {  	[tilespmem:s6], [sflag:$0x5] =	stream.linear.gather [hbm4b:s18+s3], $0x200, $0x38;
	[tilespmem:$0x15200] =	vst v63  }
0x1b: {  	_ =	swait.ge [sflag:s15], $0x200  }
0x1c: {  	[sflag:s15] =	ssyncset.done $0x0  }
0x1d: {  	s7 =	simm.s32 $0x400;
	s19 =	rddreg [dreg:$0x8];
	[sflag:s15] =	ssyncadd.s32 $0xFFFFFE00  }
0x1e: {  	[tilespmem:s7], [sflag:$0x5] =	stream.linear.gather [hbm4b:s19+s3], $0x200, $0x38;
	[tilespmem:$0x15200] =	vst v63  }
0x1f: {  	_ =	swait.ge [sflag:s15], $0x200  }
0x20: {  	[sflag:s15] =	ssyncset.done $0x0  }
0x21: {  	s8 =	simm.s32 $0x600;
	s7 =	rddreg [dreg:$0x9];
	[sflag:s15] =	ssyncadd.s32 $0xFFFFFE00  }
0x22: {  	[tilespmem:s8], [sflag:$0x5] =	stream.linear.gather [hbm4b:s7+s3], $0x200, $0x38;
	[tilespmem:$0x15200] =	vst v63  }
0x23: {  	_ =	swait.ge [sflag:s15], $0x200  }
0x24: {  	[sflag:s15] =	ssyncset.done $0x0  }
0x25: {  	s16 =	simm.s32 $0x800;
	[sflag:s15] =	ssyncadd.s32 $0xFFFFFE00  }
0x26: {  	[tilespmem:s16], [sflag:$0x5] =	stream.linear.gather [hbm4b:s9+s3], $0x200, $0x38;
	[tilespmem:$0x15200] =	vst v63  }
0x27: {  	_ =	swait.ge [sflag:s15], $0x200  }
0x28: {  	[sflag:s15] =	ssyncset.done $0x0  }
0x29: {  	[sflag:s15] =	ssyncadd.s32 $0xFFFFFE00  }
0x2a: {  	[tilespmem:s21], [sflag:$0x1] =	stream.indirect.gather [hbm4b:s1+s20], $0x80, s3, s20, $0xb8;
	[tilespmem:$0x15200] =	vst v63  }
0x2b: {  	_ = 	snop  }
0x2c: {  	[tilespmem:s22], [sflag:$0x1] =	stream.indirect.gather [hbm4b:s1+s20], $0x80, s6, s20, $0xb8;
	[tilespmem:$0x15200] =	vst v63  }
0x2d: {  	_ = 	snop  }
0x2e: {  	[tilespmem:s23], [sflag:$0x1] =	stream.indirect.gather [hbm4b:s1+s20], $0x80, s8, s20, $0xb8;
	[tilespmem:$0x15200] =	vst v63  }
0x2f: {  	_ = 	snop  }
0x30: {  	[tilespmem:s24], [sflag:$0x1] =	stream.indirect.gather [hbm4b:s1+s20], $0x80, s16, s20, $0xb8;
	[tilespmem:$0x15200] =	vst v63  }
0x31: {  	v10 =	vld [tilespmem:$0x400];
	_ =	sdelay $0x4  }
0x32: {  	(v2sf) =	vpush v10, $0x0;
	_ =	sdelay $0x5  }
0x33: {  	(v2sf) =	vpush v10, $0x1;
	_ =	sdelay $0x2  }
0x34: {  	(v2sf) =	vpush v10, $0x2;
	_ =	sdelay $0x5  }
0x35: {  	s18 =	spop (v2sf);
	(v2sf) =	vpush v10, $0x3  }
0x36: {  	s19 =	sxor.u32 $0xFFFFFFFF, s18  }
0x37: {  	s5 =	sshll.u32 s18, $0x4;
	s6 =	sshll.u32 s19, $0x7  }
0x38: {  	s5 =	sand.u32 $0xFFFFF80, s5;
	s6 =	sand.u32 $0x380, s6  }
0x39: {  	s5 =	sadd.s32 s4, s5;
	s6 =	sadd.s32 $0x4A00, s6  }
0x3a: {  	[tilespmem:s6], [sflag:$0x3] =	stream.linear.gather [hbm4b:s5+s3], $0x400, $0x38;
	[tilespmem:$0x15200] =	vst v63  }
0x3b: {  	s6 =	spop (v2sf);
	(v2sf) =	vpush v10, $0x4;
	_ =	sdelay $0x2  }
0x3c: {  	s7 =	sshll.u32 s6, $0x7;
	s5 =	sshll.u32 s6, $0x4;
	s8 =	spop (v2sf);
	(v2sf) =	vpush v10, $0x5  }
0x3d: {  	s6 =	sand.u32 $0x380, s7;
	s5 =	sand.u32 $0xFFFFF80, s5  }
0x3e: {  	s6 =	ssub.s32 $0x5580, s6;
	s5 =	sadd.s32 s4, s5  }
0x3f: {  	[tilespmem:s6], [sflag:$0x3] =	stream.linear.gather [hbm4b:s5+s3], $0x400, $0x38;
	[tilespmem:$0x15200] =	vst v63  }
0x40: {  	s16 =	sshll.u32 s8, $0x7;
	s5 =	sshll.u32 s8, $0x4  }
0x41: {  	s6 =	sand.u32 $0x380, s16;
	s5 =	sand.u32 $0xFFFFF80, s5  }
0x42: {  	s6 =	ssub.s32 $0x5D80, s6;
	s5 =	sadd.s32 s4, s5;
	s18 =	spop (v2sf);
	(v2sf) =	vpush v10, $0x6  }
0x43: {  	[tilespmem:s6], [sflag:$0x3] =	stream.linear.gather [hbm4b:s5+s3], $0x400, $0x38;
	[tilespmem:$0x15200] =	vst v63  }
0x44: {  	s19 =	sshll.u32 s18, $0x7;
	s5 =	sshll.u32 s18, $0x4  }
0x45: {  	s6 =	sand.u32 $0x380, s19;
	s5 =	sand.u32 $0xFFFFF80, s5  }
0x46: {  	s6 =	ssub.s32 $0x6580, s6;
	s5 =	sadd.s32 s4, s5  }
0x47: {  	[tilespmem:s6], [sflag:$0x3] =	stream.linear.gather [hbm4b:s5+s3], $0x400, $0x38;
	[tilespmem:$0x15200] =	vst v63  }
0x48: {  	s6 =	spop (v2sf);
	(v2sf) =	vpush v10, $0x7;
	_ =	sdelay $0x2  }
0x49: {  	s7 =	sshll.u32 s6, $0x7;
	s5 =	sshll.u32 s6, $0x4;
	s8 =	spop (v2sf);
	(v2sf) =	vpush v10, $0x8  }
0x4a: {  	s6 =	sand.u32 $0x380, s7;
	s5 =	sand.u32 $0xFFFFF80, s5  }
0x4b: {  	s6 =	ssub.s32 $0x6D80, s6;
	s5 =	sadd.s32 s4, s5  }
0x4c: {  	[tilespmem:s6], [sflag:$0x3] =	stream.linear.gather [hbm4b:s5+s3], $0x400, $0x38;
	[tilespmem:$0x15200] =	vst v63  }
0x4d: {  	s16 =	sshll.u32 s8, $0x7;
	s5 =	sshll.u32 s8, $0x4  }
0x4e: {  	s6 =	sand.u32 $0x380, s16;
	s5 =	sand.u32 $0xFFFFF80, s5  }
0x4f: {  	s6 =	ssub.s32 $0x7580, s6;
	s5 =	sadd.s32 s4, s5;
	s18 =	spop (v2sf);
	(v2sf) =	vpush v10, $0x9  }
0x50: {  	[tilespmem:s6], [sflag:$0x3] =	stream.linear.gather [hbm4b:s5+s3], $0x400, $0x38;
	[tilespmem:$0x15200] =	vst v63  }
0x51: {  	s19 =	sshll.u32 s18, $0x7;
	s5 =	sshll.u32 s18, $0x4  }
0x52: {  	s6 =	sand.u32 $0x380, s19;
	s5 =	sand.u32 $0xFFFFF80, s5  }
0x53: {  	s6 =	ssub.s32 $0x7D80, s6;
	s5 =	sadd.s32 s4, s5  }
0x54: {  	[tilespmem:s6], [sflag:$0x3] =	stream.linear.gather [hbm4b:s5+s3], $0x400, $0x38;
	[tilespmem:$0x15200] =	vst v63  }
0x55: {  	s6 =	spop (v2sf);
	(v2sf) =	vpush v10, $0xA;
	_ =	sdelay $0x2  }
0x56: {  	s7 =	sshll.u32 s6, $0x7;
	s5 =	sshll.u32 s6, $0x4;
	s8 =	spop (v2sf);
	(v2sf) =	vpush v10, $0xB  }
0x57: {  	s6 =	sand.u32 $0x380, s7;
	s5 =	sand.u32 $0xFFFFF80, s5  }
0x58: {  	s6 =	ssub.s32 $0x8580, s6;
	s5 =	sadd.s32 s4, s5  }
0x59: {  	[tilespmem:s6], [sflag:$0x3] =	stream.linear.gather [hbm4b:s5+s3], $0x400, $0x38;
	[tilespmem:$0x15200] =	vst v63  }
0x5a: {  	s16 =	sshll.u32 s8, $0x7;
	s5 =	sshll.u32 s8, $0x4  }
0x5b: {  	s6 =	sand.u32 $0x380, s16;
	s5 =	sand.u32 $0xFFFFF80, s5  }
0x5c: {  	s6 =	ssub.s32 $0x8D80, s6;
	s5 =	sadd.s32 s4, s5;
	s18 =	spop (v2sf);
	(v2sf) =	vpush v10, $0xC  }
0x5d: {  	[tilespmem:s6], [sflag:$0x3] =	stream.linear.gather [hbm4b:s5+s3], $0x400, $0x38;
	[tilespmem:$0x15200] =	vst v63  }
0x5e: {  	s19 =	sshll.u32 s18, $0x7;
	s5 =	sshll.u32 s18, $0x4  }
0x5f: {  	s6 =	sand.u32 $0x380, s19;
	s5 =	sand.u32 $0xFFFFF80, s5  }
0x60: {  	s6 =	ssub.s32 $0x9580, s6;
	s5 =	sadd.s32 s4, s5  }
0x61: {  	[tilespmem:s6], [sflag:$0x3] =	stream.linear.gather [hbm4b:s5+s3], $0x400, $0x38;
	[tilespmem:$0x15200] =	vst v63  }
0x62: {  	s6 =	spop (v2sf);
	(v2sf) =	vpush v10, $0xD;
	_ =	sdelay $0x2  }
0x63: {  	s7 =	sshll.u32 s6, $0x7;
	s5 =	sshll.u32 s6, $0x4;
	s8 =	spop (v2sf);
	(v2sf) =	vpush v10, $0xE  }
0x64: {  	s6 =	sand.u32 $0x380, s7;
	s5 =	sand.u32 $0xFFFFF80, s5  }
0x65: {  	s6 =	ssub.s32 $0x9D80, s6;
	s5 =	sadd.s32 s4, s5  }
0x66: {  	[tilespmem:s6], [sflag:$0x3] =	stream.linear.gather [hbm4b:s5+s3], $0x400, $0x38;
	[tilespmem:$0x15200] =	vst v63  }
0x67: {  	s16 =	sshll.u32 s8, $0x7;
	s5 =	sshll.u32 s8, $0x4  }
0x68: {  	s6 =	sand.u32 $0x380, s16;
	s5 =	sand.u32 $0xFFFFF80, s5  }
0x69: {  	s6 =	ssub.s32 $0xA580, s6;
	s5 =	sadd.s32 s4, s5;
	s18 =	spop (v2sf);
	(v2sf) =	vpush v10, $0xF  }
0x6a: {  	[tilespmem:s6], [sflag:$0x3] =	stream.linear.gather [hbm4b:s5+s3], $0x400, $0x38;
	[tilespmem:$0x15200] =	vst v63  }
0x6b: {  	s19 =	sshll.u32 s18, $0x7;
	s5 =	sshll.u32 s18, $0x4  }
0x6c: {  	s6 =	sand.u32 $0x380, s19;
	s5 =	sand.u32 $0xFFFFF80, s5  }
0x6d: {  	s6 =	ssub.s32 $0xAD80, s6;
	s5 =	sadd.s32 s4, s5  }
0x6e: {  	[tilespmem:s6], [sflag:$0x3] =	stream.linear.gather [hbm4b:s5+s3], $0x400, $0x38;
	[tilespmem:$0x15200] =	vst v63  }
0x6f: {  	s6 =	spop (v2sf)  }
0x70: {  	s7 =	sshll.u32 s6, $0x7;
	s5 =	sshll.u32 s6, $0x4  }
0x71: {  	s6 =	sand.u32 $0x380, s7;
	s5 =	sand.u32 $0xFFFFF80, s5  }
0x72: {  	s8 =	spop (v2sf);
	s6 =	ssub.s32 $0xB580, s6;
	s5 =	sadd.s32 s4, s5  }
0x73: {  	[tilespmem:s6], [sflag:$0x3] =	stream.linear.gather [hbm4b:s5+s3], $0x400, $0x38;
	[tilespmem:$0x15200] =	vst v63  }
0x74: {  	s16 =	sshll.u32 s8, $0x7;
	s5 =	sshll.u32 s8, $0x4  }
0x75: {  	s6 =	sand.u32 $0x380, s16;
	s5 =	sand.u32 $0xFFFFF80, s5  }
0x76: {  	s6 =	ssub.s32 $0xBD80, s6;
	s5 =	sadd.s32 s4, s5  }
0x77: {  	[tilespmem:s6], [sflag:$0x3] =	stream.linear.gather [hbm4b:s5+s3], $0x400, $0x38;
	[tilespmem:$0x15200] =	vst v63  }
0x78: {  	s18 =	spop (v2sf)  }
0x79: {  	s19 =	sshll.u32 s18, $0x7;
	s5 =	sshll.u32 s18, $0x4  }
0x7a: {  	s6 =	sand.u32 $0x380, s19;
	s5 =	sand.u32 $0xFFFFF80, s5  }
0x7b: {  	s16 =	simm.s32 $0x0;
	s6 =	ssub.s32 $0xC580, s6;
	s5 =	sadd.s32 s4, s5  }
0x7c: {  	[tilespmem:s6], [sflag:$0x3] =	stream.linear.gather [hbm4b:s5+s3], $0x400, $0x38;
	[tilespmem:$0x15200] =	vst v63  }
.LBB2_2:
0x7d: {  	s18 =	sshll.u32 s16, $0x5  }
0x7e: {  	s19 =	sor.u32 $0x10, s18  }
0x7f: {  	[tilespmem:s25], [sflag:$0x2] =	stream.indirect.gather [hbm4b:s1+s20], $0x80, s19, s20, $0xb8;
	[tilespmem:$0x15200] =	vst v63  }
0x80: {  	s5 =	sadd.s32 $0x210, s18  }
0x81: {  	[tilespmem:s26], [sflag:$0x2] =	stream.indirect.gather [hbm4b:s1+s20], $0x80, s5, s20, $0xb8;
	[tilespmem:$0x15200] =	vst v63  }
0x82: {  	s6 =	sadd.s32 $0x610, s18  }
0x83: {  	[tilespmem:s28], [sflag:$0x2] =	stream.indirect.gather [hbm4b:s1+s20], $0x80, s6, s20, $0xb8;
	[tilespmem:$0x15200] =	vst v63  }
0x84: {  	s7 =	sadd.s32 $0x810, s18  }
0x85: {  	[tilespmem:s29], [sflag:$0x2] =	stream.indirect.gather [hbm4b:s1+s20], $0x80, s7, s20, $0xb8;
	[tilespmem:$0x15200] =	vst v63  }
0x86: {  	v10 =	vld [tilespmem:s18+$0x410];
	_ =	sdelay $0x4  }
0x87: {  	(v2sf) =	vpush v10, $0x0;
	_ =	sdelay $0x4  }
0x88: {  	(v2sf) =	vpush v10, $0x1;
	_ =	sdelay $0x4  }
0x89: {  	(v2sf) =	vpush v10, $0x2;
	_ =	sdelay $0x4  }
0x8a: {  	s8 =	spop (v2sf);
	(v2sf) =	vpush v10, $0x3  }
0x8b: {  	s6 =	sshll.u32 s8, $0x7;
	s5 =	sshll.u32 s8, $0x4  }
0x8c: {  	s6 =	sand.u32 $0x380, s6;
	s5 =	sand.u32 $0xFFFFF80, s5  }
0x8d: {  	s6 =	ssub.s32 $0xCD80, s6;
	s7 =	sadd.s32 s4, s5;
	s5 =	simm.s32 $0x0  }
0x8e: {  	[tilespmem:s6], [sflag:$0x4] =	stream.linear.gather [hbm4b:s7+s5], $0x400, $0x38;
	[tilespmem:$0x15200] =	vst v63  }
0x8f: {  	s7 =	spop (v2sf);
	(v2sf) =	vpush v10, $0x4  }
0x90: {  	s8 =	sshll.u32 s7, $0x7;
	s6 =	sshll.u32 s7, $0x4  }
0x91: {  	s7 =	sand.u32 $0x380, s8;
	s6 =	sand.u32 $0xFFFFF80, s6  }
0x92: {  	s7 =	ssub.s32 $0xD580, s7;
	s6 =	sadd.s32 s4, s6  }
0x93: {  	[tilespmem:s7], [sflag:$0x4] =	stream.linear.gather [hbm4b:s6+s5], $0x400, $0x38;
	[tilespmem:$0x15200] =	vst v63  }
0x94: {  	(v2sf) =	vpush v10, $0x5;
	s7 =	spop (v2sf)  }
0x95: {  	s8 =	sshll.u32 s7, $0x7;
	s6 =	sshll.u32 s7, $0x4  }
0x96: {  	s7 =	sand.u32 $0x380, s8;
	s6 =	sand.u32 $0xFFFFF80, s6  }
0x97: {  	s7 =	ssub.s32 $0xDD80, s7;
	s6 =	sadd.s32 s4, s6  }
0x98: {  	[tilespmem:s7], [sflag:$0x4] =	stream.linear.gather [hbm4b:s6+s5], $0x400, $0x38;
	[tilespmem:$0x15200] =	vst v63  }
0x99: {  	s7 =	spop (v2sf);
	(v2sf) =	vpush v10, $0x6  }
0x9a: {  	s8 =	sshll.u32 s7, $0x7;
	s6 =	sshll.u32 s7, $0x4  }
0x9b: {  	s7 =	sand.u32 $0x380, s8;
	s6 =	sand.u32 $0xFFFFF80, s6  }
0x9c: {  	s7 =	ssub.s32 $0xE580, s7;
	s6 =	sadd.s32 s4, s6  }
0x9d: {  	[tilespmem:s7], [sflag:$0x4] =	stream.linear.gather [hbm4b:s6+s5], $0x400, $0x38;
	[tilespmem:$0x15200] =	vst v63  }
0x9e: {  	s7 =	spop (v2sf);
	(v2sf) =	vpush v10, $0x7  }
0x9f: {  	s8 =	sshll.u32 s7, $0x7;
	s6 =	sshll.u32 s7, $0x4  }
0xa0: {  	s7 =	sand.u32 $0x380, s8;
	s6 =	sand.u32 $0xFFFFF80, s6  }
0xa1: {  	s7 =	ssub.s32 $0xED80, s7;
	s6 =	sadd.s32 s4, s6  }
0xa2: {  	[tilespmem:s7], [sflag:$0x4] =	stream.linear.gather [hbm4b:s6+s5], $0x400, $0x38;
	[tilespmem:$0x15200] =	vst v63  }
0xa3: {  	s7 =	spop (v2sf);
	(v2sf) =	vpush v10, $0x8  }
0xa4: {  	s8 =	sshll.u32 s7, $0x7;
	s6 =	sshll.u32 s7, $0x4  }
0xa5: {  	s7 =	sand.u32 $0x380, s8;
	s6 =	sand.u32 $0xFFFFF80, s6  }
0xa6: {  	s7 =	ssub.s32 $0xF580, s7;
	s6 =	sadd.s32 s4, s6  }
0xa7: {  	[tilespmem:s7], [sflag:$0x4] =	stream.linear.gather [hbm4b:s6+s5], $0x400, $0x38;
	[tilespmem:$0x15200] =	vst v63  }
0xa8: {  	s7 =	spop (v2sf);
	(v2sf) =	vpush v10, $0x9  }
0xa9: {  	s8 =	sshll.u32 s7, $0x7;
	s6 =	sshll.u32 s7, $0x4  }
0xaa: {  	s7 =	sand.u32 $0x380, s8;
	s6 =	sand.u32 $0xFFFFF80, s6  }
0xab: {  	s7 =	ssub.s32 $0xFD80, s7;
	s6 =	sadd.s32 s4, s6  }
0xac: {  	[tilespmem:s7], [sflag:$0x4] =	stream.linear.gather [hbm4b:s6+s5], $0x400, $0x38;
	[tilespmem:$0x15200] =	vst v63  }
0xad: {  	s7 =	spop (v2sf);
	(v2sf) =	vpush v10, $0xA  }
0xae: {  	s8 =	sshll.u32 s7, $0x7;
	s6 =	sshll.u32 s7, $0x4  }
0xaf: {  	s7 =	sand.u32 $0x380, s8;
	s6 =	sand.u32 $0xFFFFF80, s6  }
0xb0: {  	s7 =	ssub.s32 $0x10580, s7;
	s6 =	sadd.s32 s4, s6  }
0xb1: {  	[tilespmem:s7], [sflag:$0x4] =	stream.linear.gather [hbm4b:s6+s5], $0x400, $0x38;
	[tilespmem:$0x15200] =	vst v63  }
0xb2: {  	(v2sf) =	vpush v10, $0xB;
	s7 =	spop (v2sf)  }
0xb3: {  	s8 =	sshll.u32 s7, $0x7;
	s6 =	sshll.u32 s7, $0x4  }
0xb4: {  	s7 =	sand.u32 $0x380, s8;
	s6 =	sand.u32 $0xFFFFF80, s6  }
0xb5: {  	(v2sf) =	vpush v10, $0xC;
	s7 =	ssub.s32 $0x10D80, s7;
	s6 =	sadd.s32 s4, s6  }
0xb6: {  	[tilespmem:s7], [sflag:$0x4] =	stream.linear.gather [hbm4b:s6+s5], $0x400, $0x38;
	[tilespmem:$0x15200] =	vst v63  }
0xb7: {  	s7 =	spop (v2sf)  }
0xb8: {  	s8 =	sshll.u32 s7, $0x7;
	s6 =	sshll.u32 s7, $0x4  }
0xb9: {  	(v2sf) =	vpush v10, $0xD;
	s7 =	sand.u32 $0x380, s8;
	s6 =	sand.u32 $0xFFFFF80, s6  }
0xba: {  	s7 =	ssub.s32 $0x11580, s7;
	s6 =	sadd.s32 s4, s6  }
0xbb: {  	[tilespmem:s7], [sflag:$0x4] =	stream.linear.gather [hbm4b:s6+s5], $0x400, $0x38;
	[tilespmem:$0x15200] =	vst v63  }
0xbc: {  	s7 =	spop (v2sf)  }
0xbd: {  	(v2sf) =	vpush v10, $0xE;
	s8 =	sshll.u32 s7, $0x7;
	s6 =	sshll.u32 s7, $0x4  }
0xbe: {  	s7 =	sand.u32 $0x380, s8;
	s6 =	sand.u32 $0xFFFFF80, s6  }
0xbf: {  	s7 =	ssub.s32 $0x11D80, s7;
	s6 =	sadd.s32 s4, s6  }
0xc0: {  	[tilespmem:s7], [sflag:$0x4] =	stream.linear.gather [hbm4b:s6+s5], $0x400, $0x38;
	[tilespmem:$0x15200] =	vst v63  }
0xc1: {  	s7 =	spop (v2sf)  }
0xc2: {  	s8 =	sshll.u32 s7, $0x7;
	s6 =	sshll.u32 s7, $0x4  }
0xc3: {  	(v2sf) =	vpush v10, $0xF;
	s7 =	sand.u32 $0x380, s8;
	s6 =	sand.u32 $0xFFFFF80, s6  }
0xc4: {  	s8 =	spop (v2sf);
	s7 =	ssub.s32 $0x12580, s7;
	s6 =	sadd.s32 s4, s6  }
0xc5: {  	[tilespmem:s7], [sflag:$0x4] =	stream.linear.gather [hbm4b:s6+s5], $0x400, $0x38;
	[tilespmem:$0x15200] =	vst v63  }
0xc6: {  	s7 =	sshll.u32 s8, $0x7;
	s8 =	sshll.u32 s8, $0x4  }
0xc7: {  	s6 =	sand.u32 $0x380, s7;
	s7 =	sand.u32 $0xFFFFF80, s8  }
0xc8: {  	s6 =	ssub.s32 $0x12D80, s6;
	s7 =	sadd.s32 s4, s7;
	s8 =	spop (v2sf)  }
0xc9: {  	[tilespmem:s6], [sflag:$0x4] =	stream.linear.gather [hbm4b:s7+s5], $0x400, $0x38;
	[tilespmem:$0x15200] =	vst v63  }
0xca: {  	s7 =	sshll.u32 s8, $0x7;
	s8 =	sshll.u32 s8, $0x4  }
0xcb: {  	s6 =	sand.u32 $0x380, s7;
	s7 =	sand.u32 $0xFFFFF80, s8  }
0xcc: {  	s6 =	ssub.s32 $0x13580, s6;
	s7 =	sadd.s32 s4, s7;
	s8 =	spop (v2sf)  }
0xcd: {  	[tilespmem:s6], [sflag:$0x4] =	stream.linear.gather [hbm4b:s7+s5], $0x400, $0x38;
	[tilespmem:$0x15200] =	vst v63  }
0xce: {  	s7 =	sshll.u32 s8, $0x7;
	s8 =	sshll.u32 s8, $0x4  }
0xcf: {  	s6 =	sand.u32 $0x380, s7;
	s7 =	sand.u32 $0xFFFFF80, s8  }
0xd0: {  	s6 =	ssub.s32 $0x13D80, s6;
	s7 =	sadd.s32 s4, s7  }
0xd1: {  	[tilespmem:s6], [sflag:$0x4] =	stream.linear.gather [hbm4b:s7+s5], $0x400, $0x38;
	[tilespmem:$0x15200] =	vst v63  }
0xd2: {  	s7 =	spop (v2sf)  }
0xd3: {  	s8 =	sshll.u32 s7, $0x7;
	s6 =	sshll.u32 s7, $0x4  }
0xd4: {  	s7 =	sand.u32 $0x380, s8;
	s6 =	sand.u32 $0xFFFFF80, s6  }
0xd5: {  	s7 =	ssub.s32 $0x14580, s7;
	s6 =	sadd.s32 s4, s6  }
0xd6: {  	[tilespmem:s7], [sflag:$0x4] =	stream.linear.gather [hbm4b:s6+s5], $0x400, $0x38;
	[tilespmem:$0x15200] =	vst v63  }
0xd7: {  	_ =	swait.ge [sflag:s30], $0x2000  }
0xd8: {  	[sflag:s30] =	ssyncset.done $0x0  }
0xd9: {  	[sflag:s30] =	ssyncadd.s32 $0xFFFFE000  }
0xda: {  	_ =	swait.ge [sflag:s31], $0x400  }
0xdb: {  	[sflag:s31] =	ssyncset.done $0x0  }
0xdc: {  	[sflag:s31] =	ssyncadd.s32 $0xFFFFFC00  }
0xdd: {  	_ =	swait.ge [sflag:s31], $0x400  }
0xde: {  	[sflag:s31] =	ssyncset.done $0x0  }
0xdf: {  	[sflag:s31] =	ssyncadd.s32 $0xFFFFFC00  }
0xe0: {  	_ =	swait.ge [sflag:s31], $0x400  }
0xe1: {  	[sflag:s31] =	ssyncset.done $0x0  }
0xe2: {  	[sflag:s31] =	ssyncadd.s32 $0xFFFFFC00  }
0xe3: {  	_ =	swait.ge [sflag:s31], $0x400  }
0xe4: {  	[sflag:s31] =	ssyncset.done $0x0  }
0xe5: {  	[sflag:s31] =	ssyncadd.s32 $0xFFFFFC00  }
0xe6: {  	_ =	swait.ge [sflag:s31], $0x400  }
0xe7: {  	[sflag:s31] =	ssyncset.done $0x0  }
0xe8: {  	[sflag:s31] =	ssyncadd.s32 $0xFFFFFC00  }
0xe9: {  	_ =	swait.ge [sflag:s31], $0x400  }
0xea: {  	[sflag:s31] =	ssyncset.done $0x0  }
0xeb: {  	[sflag:s31] =	ssyncadd.s32 $0xFFFFFC00  }
0xec: {  	_ =	swait.ge [sflag:s31], $0x400  }
0xed: {  	[sflag:s31] =	ssyncset.done $0x0  }
0xee: {  	[sflag:s31] =	ssyncadd.s32 $0xFFFFFC00  }
0xef: {  	_ =	swait.ge [sflag:s31], $0x400  }
0xf0: {  	[sflag:s31] =	ssyncset.done $0x0  }
0xf1: {  	[sflag:s31] =	ssyncadd.s32 $0xFFFFFC00  }
0xf2: {  	_ =	swait.ge [sflag:s31], $0x400  }
0xf3: {  	[sflag:s31] =	ssyncset.done $0x0  }
0xf4: {  	[sflag:s31] =	ssyncadd.s32 $0xFFFFFC00  }
0xf5: {  	_ =	swait.ge [sflag:s31], $0x400  }
0xf6: {  	[sflag:s31] =	ssyncset.done $0x0  }
0xf7: {  	[sflag:s31] =	ssyncadd.s32 $0xFFFFFC00  }
0xf8: {  	_ =	swait.ge [sflag:s31], $0x400  }
0xf9: {  	[sflag:s31] =	ssyncset.done $0x0  }
0xfa: {  	[sflag:s31] =	ssyncadd.s32 $0xFFFFFC00  }
0xfb: {  	_ =	swait.ge [sflag:s31], $0x400  }
0xfc: {  	[sflag:s31] =	ssyncset.done $0x0  }
0xfd: {  	[sflag:s31] =	ssyncadd.s32 $0xFFFFFC00  }
0xfe: {  	_ =	swait.ge [sflag:s31], $0x400  }
0xff: {  	[sflag:s31] =	ssyncset.done $0x0  }
0x100: {  	[sflag:s31] =	ssyncadd.s32 $0xFFFFFC00  }
0x101: {  	_ =	swait.ge [sflag:s31], $0x400  }
0x102: {  	[sflag:s31] =	ssyncset.done $0x0  }
0x103: {  	[sflag:s31] =	ssyncadd.s32 $0xFFFFFC00  }
0x104: {  	_ =	swait.ge [sflag:s31], $0x400  }
0x105: {  	[sflag:s31] =	ssyncset.done $0x0  }
0x106: {  	[sflag:s31] =	ssyncadd.s32 $0xFFFFFC00  }
0x107: {  	_ =	swait.ge [sflag:s31], $0x400  }
0x108: {  	[sflag:s31] =	ssyncset.done $0x0  }
0x109: {  	s6 =	simm.s32 $0x1A00;
	[sflag:s31] =	ssyncadd.s32 $0xFFFFFC00  }
0x10a: {  	v12 =	vld [tilespmem:s6+$0x70]  }
0x10b: {  	v15 =	vld [tilespmem:s6+$0x60]  }
0x10c: {  	v16 =	vld [tilespmem:s6+$0x50]  }
0x10d: {  	v17 =	vld [tilespmem:s6+$0x40]  }
0x10e: {  	v18 =	vld [tilespmem:s6+$0x30]  }
0x10f: {  	v19 =	vld [tilespmem:s6+$0x20]  }
0x110: {  	v20 =	vld [tilespmem:s6+$0x0]  }
0x111: {  	s8 =	simm.s32 $0x4DB0;
	v21 =	vld [tilespmem:s6+$0x10]  }
0x112: {  	v22 =	vld [tilespmem:s8+$0x0]  }
0x113: {  	v23 =	vld [tilespmem:s8+$0xFFFFFFF0]  }
0x114: {  	v24 =	vld [tilespmem:s8+$0xFFFFFFE0]  }
0x115: {  	v25 =	vld [tilespmem:s8+$0xFFFFFFD0];
	v13 =	vperm.xlane v12, v4;
	v26 =	vperm.xlane v16, v4  }
0x116: {  	v27 =	vperm.xlane v15, v4;
	v28 =	vperm.xlane v18, v4  }
0x117: {  	v29 =	vperm.xlane v17, v4;
	v30 =	vperm.xlane v20, v4  }
0x118: {  	v31 =	vperm.xlane v19, v4;
	v10 =	vmul.f32 v22, v22  }
0x119: {  	v32 =	vperm.xlane v21, v4;
	v14 =	vmul.f32 v23, v23  }
0x11a: {  	v11 =	vmul.f32 v24, v24;
	v33 =	vmul.f32 v25, v25  }
0x11b: {  	v34 =	vmul.f32 $1.388888920e-03, v10;
	v35 =	vmul.f32 $1.388888920e-03, v14  }
0x11c: {  	v36 =	vmul.f32 $1.984127010e-04, v10;
	v37 =	vmul.f32 $1.388888920e-03, v11  }
0x11d: {  	v38 =	vmul.f32 $1.984127010e-04, v14;
	v39 =	vmul.f32 $1.388888920e-03, v33;
	v35 =	vsub.f32 $4.166666790e-02, v35  }
0x11e: {  	v40 =	vmul.f32 $1.984127010e-04, v11;
	v34 =	vsub.f32 $4.166666790e-02, v34;
	v37 =	vsub.f32 $4.166666790e-02, v37  }
0x11f: {  	v41 =	vmul.f32 $1.984127010e-04, v33;
	v36 =	vsub.f32 $8.333333770e-03, v36;
	v39 =	vsub.f32 $4.166666790e-02, v39  }
0x120: {  	v38 =	vsub.f32 $8.333333770e-03, v38;
	v35 =	vmul.f32 v35, v14;
	v34 =	vmul.f32 v34, v10  }
0x121: {  	v40 =	vsub.f32 $8.333333770e-03, v40;
	v37 =	vmul.f32 v37, v11;
	v36 =	vmul.f32 v36, v10  }
0x122: {  	v41 =	vsub.f32 $8.333333770e-03, v41;
	v39 =	vmul.f32 v39, v33;
	v38 =	vmul.f32 v38, v14  }
0x123: {  	v40 =	vmul.f32 v40, v11;
	v34 =	vadd.f32 $-5.000000000e-01, v34;
	v35 =	vadd.f32 $-5.000000000e-01, v35  }
0x124: {  	v41 =	vmul.f32 v41, v33;
	v36 =	vadd.f32 $-1.666666720e-01, v36;
	v37 =	vadd.f32 $-5.000000000e-01, v37  }
0x125: {  	v38 =	vadd.f32 $-1.666666720e-01, v38;
	v39 =	vadd.f32 $-5.000000000e-01, v39;
	v35 =	vmul.f32 v35, v14  }
0x126: {  	v40 =	vadd.f32 $-1.666666720e-01, v40;
	v34 =	vmul.f32 v34, v10;
	v37 =	vmul.f32 v37, v11  }
0x127: {  	v43 =	vadd.f32 $-1.666666720e-01, v41;
	v10 =	vmul.f32 v36, v10;
	v42 =	vmul.f32 v39, v33  }
0x128: {  	v14 =	vmul.f32 v38, v14;
	v44 =	vmul.f32 v40, v11;
	v11 =	vadd.f32 $1.000000000e+00, v34  }
0x129: {  	v33 =	vmul.f32 v43, v33;
	v35 =	vadd.f32 $1.000000000e+00, v35;
	v45 =	vadd.f32 $1.000000000e+00, v37  }
0x12a: {  	v46 =	vadd.f32 $1.000000000e+00, v10;
	v47 =	vadd.f32 $1.000000000e+00, v14;
	v10 =	vperm.xlane v11, v1  }
0x12b: {  	v36 =	vadd.f32 $1.000000000e+00, v42;
	v48 =	vperm.xlane v35, v1;
	v14 =	vperm.xlane v35, v2  }
0x12c: {  	v49 =	vadd.f32 $1.000000000e+00, v44;
	v50 =	vperm.xlane v45, v2;
	v22 =	vmul.f32 v46, v22  }
0x12d: {  	v33 =	vadd.f32 $1.000000000e+00, v33;
	v34 =	vperm.xlane v45, v1;
	v23 =	vmul.f32 v47, v23  }
0x12e: {  	v51 =	vperm.xlane v36, v1;
	v36 =	vperm.xlane v36, v2  }
0x12f: {  	v25 =	vmul.f32 v33, v25;
	v24 =	vmul.f32 v49, v24  }
0x130: {  	v52 =	vperm.xlane v22, v2;
	v15 =	vmul.f32 v15, v10  }
0x131: {  	v22 =	vperm.xlane v22, v1;
	v16 =	vmul.f32 v16, v14  }
0x132: {  	v53 =	vperm.xlane v23, v1;
	v23 =	vperm.xlane v23, v2  }
0x133: {  	v54 =	vperm.xlane v24, v2;
	v19 =	vmul.f32 v19, v34  }
0x134: {  	v55 =	vperm.xlane v25, v1;
	v25 =	vperm.xlane v25, v2  }
0x135: {  	v24 =	vperm.xlane v24, v1;
	v20 =	vmul.f32 v20, v51  }
0x136: {  	v21 =	vmul.f32 v21, v36;
	v18 =	vmul.f32 v18, v50  }
0x137: {  	v43 =	vld [tilespmem:s6+$0x810];
	v41 =	vmul.f32 v3, v55;
	v25 =	vmul.f32 v3, v25  }
0x138: {  	v42 =	vld [tilespmem:s6+$0x800];
	v17 =	vmul.f32 v17, v48;
	v24 =	vmul.f32 v3, v24  }
0x139: {  	v30 =	vmul.f32 v30, v41;
	v32 =	vmul.f32 v32, v25  }
0x13a: {  	v44 =	vld [tilespmem:s6+$0x820];
	v39 =	vmul.f32 v3, v54;
	v31 =	vmul.f32 v31, v24  }
0x13b: {  	v23 =	vmul.f32 v3, v23;
	v20 =	vadd.f32 v30, v20;
	v21 =	vadd.f32 v32, v21  }
0x13c: {  	v28 =	vmul.f32 v28, v39;
	v30 =	vmul.f32 v3, v53;
	v19 =	vadd.f32 v31, v19;
	v31 =	vld [tilespmem:s6+$0x830]  }
0x13d: {  	v57 =	vmul.f32 v3, v22;
	v20 =	vsub.f32 v20, v42;
	v21 =	vsub.f32 v21, v43  }
0x13e: {  	v26 =	vmul.f32 v26, v23;
	v18 =	vadd.f32 v28, v18;
	v28 =	vld [tilespmem:s6+$0x840];
	v29 =	vmul.f32 v29, v30  }
0x13f: {  	s7 =	simm.s32 $0x1A80;
	v22 =	vld [tilespmem:s6+$0x850];
	v19 =	vsub.f32 v19, v44;
	v20 =	vmul.f32 v20, v20;
	v21 =	vmul.f32 v21, v21  }
0x140: {  	v35 =	vld [tilespmem:s7+$0x0];
	v27 =	vmul.f32 v27, v57;
	v16 =	vadd.f32 v26, v16;
	v17 =	vadd.f32 v29, v17  }
0x141: {  	v26 =	vld [tilespmem:s6+$0x860];
	v19 =	vmul.f32 v19, v19;
	v18 =	vsub.f32 v18, v31;
	v20 =	vadd.f32 v21, v20  }
0x142: {  	v11 =	vperm.xlane v11, v2;
	v15 =	vadd.f32 v27, v15;
	v27 =	vld [tilespmem:s6+$0xFFFFF010];
	v21 =	vmul.f32 v3, v52  }
0x143: {  	v29 =	vld [tilespmem:s6+$0xFFFFF000];
	v17 =	vsub.f32 v17, v28;
	v18 =	vmul.f32 v18, v18;
	v19 =	vadd.f32 v19, v20  }
0x144: {  	s8 =	simm.s32 $0x55B0;
	v12 =	vmul.f32 v12, v11;
	v16 =	vsub.f32 v16, v22;
	v20 =	vld [tilespmem:s6+$0x870]  }
0x145: {  	v38 =	vld [tilespmem:s8+$0xFFFFFFD0];
	v13 =	vmul.f32 v13, v21;
	v17 =	vmul.f32 v17, v17;
	v18 =	vadd.f32 v18, v19  }
0x146: {  	v37 =	vld [tilespmem:s8+$0xFFFFFFE0];
	v43 =	vperm.xlane v35, v4;
	v15 =	vsub.f32 v15, v26  }
0x147: {  	v16 =	vmul.f32 v16, v16;
	v19 =	vld [tilespmem:s6+$0xFFFFF020];
	v12 =	vadd.f32 v13, v12;
	v17 =	vadd.f32 v17, v18  }
0x148: {  	v26 =	vld [tilespmem:s6+$0xFFFFF810];
	v15 =	vmul.f32 v15, v15;
	v22 =	vperm.xlane v29, v4  }
0x149: {  	v13 =	vld [tilespmem:s6+$0xFFFFF030];
	v12 =	vsub.f32 v12, v20;
	v20 =	vperm.xlane v27, v4;
	v16 =	vadd.f32 v16, v17  }
0x14a: {  	v29 =	vmul.f32 v29, v51;
	v22 =	vmul.f32 v22, v41;
	v18 =	vld [tilespmem:s6+$0xFFFFF800]  }
0x14b: {  	v28 =	vld [tilespmem:s6+$0xFFFFF820];
	v12 =	vmul.f32 v12, v12;
	v20 =	vmul.f32 v20, v25;
	v15 =	vadd.f32 v15, v16  }
0x14c: {  	v25 =	vmul.f32 v27, v36;
	v31 =	vperm.xlane v19, v4;
	v36 =	vld [tilespmem:s7+$0x10]  }
0x14d: {  	v22 =	vadd.f32 v22, v29;
	v17 =	vld [tilespmem:s6+$0xFFFFF040];
	v19 =	vmul.f32 v19, v34;
	v12 =	vadd.f32 v12, v15  }
0x14e: {  	v16 =	vld [tilespmem:s6+$0xFFFFF050];
	v20 =	vadd.f32 v20, v25;
	v25 =	vperm.xlane v13, v4;
	v24 =	vmul.f32 v31, v24  }
0x14f: {  	v27 =	vld [tilespmem:s6+$0xFFFFF830];
	v18 =	vsub.f32 v22, v18;
	v13 =	vmul.f32 v13, v50;
	v22 =	vperm.xlane v12, v58  }
0x150: {  	v29 =	vld [tilespmem:s6+$0xFFFFF840];
	v20 =	vsub.f32 v20, v26;
	v25 =	vmul.f32 v25, v39;
	v19 =	vadd.f32 v24, v19  }
0x151: {  	v15 =	vld [tilespmem:s6+$0xFFFFF060];
	v24 =	vmul.f32 v18, v18;
	v45 =	vperm.xlane v36, v4;
	v18 =	vadd.f32 v22, v12  }
0x152: {  	v33 =	vmul.f32 v20, v20;
	v13 =	vadd.f32 v25, v13;
	v25 =	vld [tilespmem:s7+$0x60];
	v22 =	vperm.xlane v17, v4  }
0x153: {  	v19 =	vsub.f32 v19, v28;
	v14 =	vmul.f32 v16, v14;
	v12 =	vld [tilespmem:s7+$0x70];
	v20 =	vperm.xlane v18, v59  }
0x154: {  	v31 =	vld [tilespmem:s6+$0xFFFFF070];
	v13 =	vsub.f32 v13, v27;
	v28 =	vmul.f32 v22, v30;
	v30 =	vperm.xlane v16, v4  }
0x155: {  	v17 =	vmul.f32 v17, v48;
	v27 =	vld [tilespmem:s7+$0x50];
	v34 =	vmul.f32 v19, v19  }
0x156: {  	v22 =	vld [tilespmem:s7+$0x40];
	v16 =	vadd.f32 v20, v18;
	v18 =	vmul.f32 v30, v23;
	v23 =	vmul.f32 v13, v13  }
0x157: {  	v26 =	vld [tilespmem:s6+$0xFFFFF850];
	v17 =	vadd.f32 v28, v17;
	v13 =	vperm.xlane v15, v4;
	v40 =	vperm.xlane v25, v4  }
0x158: {  	v28 =	vld [tilespmem:s7+$0x30];
	v20 =	vperm.xlane v12, v4;
	v19 =	vperm.xlane v16, v60  }
0x159: {  	v30 =	vld [tilespmem:s7+$0x20];
	v17 =	vsub.f32 v17, v29;
	v29 =	vmul.f32 v15, v10;
	v32 =	vmul.f32 v13, v57  }
0x15a: {  	v18 =	vadd.f32 v18, v14;
	v13 =	vperm.xlane v31, v4;
	v39 =	vperm.xlane v27, v4  }
0x15b: {  	v42 =	vperm.xlane v22, v4;
	v14 =	vmul.f32 v17, v17  }
0x15c: {  	v15 =	vsub.f32 v18, v26;
	v17 =	vmul.f32 v31, v11;
	v18 =	vmul.f32 v13, v21  }
0x15d: {  	v10 =	vadd.f32 v19, v16;
	v26 =	vld [tilespmem:s8+$0x0];
	v16 =	vmul.f32 v37, v37;
	v21 =	vmul.f32 v38, v38  }
0x15e: {  	v31 =	vld [tilespmem:s8+$0xFFFFFFF0];
	v41 =	vperm.xlane v28, v4;
	v44 =	vperm.xlane v30, v4  }
0x15f: {  	v11 =	vperm.xlane v10, v62;
	v49 =	vmul.f32 $1.388888920e-03, v16  }
0x160: {  	v51 =	vmul.f32 $1.388888920e-03, v21;
	v52 =	vmul.f32 $1.984127010e-04, v16  }
0x161: {  	v13 =	vmul.f32 v15, v15;
	v53 =	vmul.f32 $1.984127010e-04, v21;
	v49 =	vsub.f32 $4.166666790e-02, v49  }
0x162: {  	v51 =	vsub.f32 $4.166666790e-02, v51;
	v52 =	vsub.f32 $8.333333770e-03, v52;
	v15 =	vmul.f32 v26, v26  }
0x163: {  	v53 =	vsub.f32 $8.333333770e-03, v53;
	v19 =	vmul.f32 v31, v31;
	v49 =	vmul.f32 v49, v16  }
0x164: {  	v51 =	vmul.f32 v51, v21;
	v52 =	vmul.f32 v52, v16  }
0x165: {  	v53 =	vmul.f32 v53, v21;
	v46 =	vmul.f32 $1.388888920e-03, v15  }
0x166: {  	v47 =	vmul.f32 $1.388888920e-03, v19;
	v49 =	vadd.f32 $-5.000000000e-01, v49;
	v51 =	vadd.f32 $-5.000000000e-01, v51  }
0x167: {  	v48 =	vmul.f32 $1.984127010e-04, v15;
	v52 =	vadd.f32 $-1.666666720e-01, v52;
	v55 =	vadd.f32 $-1.666666720e-01, v53  }
0x168: {  	v50 =	vmul.f32 $1.984127010e-04, v19;
	v47 =	vsub.f32 $4.166666790e-02, v47;
	v46 =	vsub.f32 $4.166666790e-02, v46  }
0x169: {  	v48 =	vsub.f32 $8.333333770e-03, v48;
	v49 =	vmul.f32 v49, v16;
	v63 =	vmul.f32 v51, v21  }
0x16a: {  	v50 =	vsub.f32 $8.333333770e-03, v50;
	v51 =	vmul.f32 v55, v21;
	v47 =	vmul.f32 v47, v19  }
0x16b: {  	v46 =	vmul.f32 v46, v15;
	v48 =	vmul.f32 v48, v15;
	v63 =	vadd.f32 $1.000000000e+00, v63  }
0x16c: {  	v50 =	vmul.f32 v50, v19;
	v55 =	vadd.f32 $1.000000000e+00, v51;
	v47 =	vadd.f32 $-5.000000000e-01, v47  }
0x16d: {  	v46 =	vadd.f32 $-5.000000000e-01, v46;
	v48 =	vadd.f32 $-1.666666720e-01, v48;
	v51 =	vperm.xlane v63, v1  }
0x16e: {  	v49 =	vadd.f32 $1.000000000e+00, v49;
	v38 =	vmul.f32 v55, v38;
	v47 =	vmul.f32 v47, v19  }
0x16f: {  	v50 =	vadd.f32 $-1.666666720e-01, v50;
	v46 =	vmul.f32 v46, v15;
	v15 =	vmul.f32 v48, v15  }
0x170: {  	v48 =	vperm.xlane v49, v2;
	v49 =	vperm.xlane v49, v1  }
0x171: {  	v19 =	vmul.f32 v50, v19;
	v50 =	vmul.f32 v52, v16;
	v46 =	vadd.f32 $1.000000000e+00, v46  }
0x172: {  	v35 =	vmul.f32 v35, v51;
	v47 =	vadd.f32 $1.000000000e+00, v47;
	v30 =	vmul.f32 v30, v49  }
0x173: {  	v52 =	vadd.f32 $1.000000000e+00, v15;
	v28 =	vmul.f32 v28, v48;
	v16 =	vperm.xlane v46, v1  }
0x174: {  	v57 =	vadd.f32 $1.000000000e+00, v19;
	v15 =	vperm.xlane v46, v2;
	v21 =	vperm.xlane v47, v1  }
0x175: {  	v54 =	vadd.f32 $1.000000000e+00, v50;
	v19 =	vperm.xlane v47, v2;
	v26 =	vmul.f32 v52, v26  }
0x176: {  	v31 =	vmul.f32 v57, v31;
	v46 =	vperm.xlane v63, v2  }
0x177: {  	v24 =	vadd.f32 v33, v24;
	v37 =	vmul.f32 v54, v37;
	v57 =	vperm.xlane v38, v1  }
0x178: {  	v38 =	vperm.xlane v38, v2;
	v47 =	vperm.xlane v26, v2  }
0x179: {  	v24 =	vadd.f32 v34, v24;
	v25 =	vmul.f32 v25, v16;
	v26 =	vperm.xlane v26, v1  }
0x17a: {  	v27 =	vmul.f32 v27, v19;
	v50 =	vperm.xlane v31, v1  }
0x17b: {  	v23 =	vadd.f32 v23, v24;
	v53 =	vld [tilespmem:s6+$0xFFFFF860];
	v31 =	vperm.xlane v31, v2;
	v52 =	vperm.xlane v37, v2  }
0x17c: {  	v29 =	vadd.f32 v32, v29;
	v37 =	vperm.xlane v37, v1;
	v33 =	vmul.f32 v3, v57  }
0x17d: {  	v14 =	vadd.f32 v14, v23;
	v34 =	vmul.f32 v3, v38;
	v38 =	vld [tilespmem:s7+$0x800];
	v36 =	vmul.f32 v36, v46  }
0x17e: {  	v17 =	vadd.f32 v18, v17;
	v22 =	vmul.f32 v22, v21;
	v32 =	vmul.f32 v3, v37;
	v37 =	vld [tilespmem:s7+$0x810]  }
0x17f: {  	v13 =	vadd.f32 v13, v14;
	v24 =	vmul.f32 v43, v33;
	v63 =	vmul.f32 v45, v34  }
0x180: {  	v29 =	vsub.f32 v29, v53;
	v45 =	vmul.f32 v3, v52;
	v52 =	vld [tilespmem:s7+$0x820];
	v44 =	vmul.f32 v44, v32  }
0x181: {  	v54 =	vld [tilespmem:s6+$0xFFFFF870];
	v12 =	vmul.f32 v12, v15;
	v24 =	vadd.f32 v24, v35;
	v57 =	vadd.f32 v63, v36  }
0x182: {  	v36 =	vmul.f32 v3, v50;
	v63 =	vld [tilespmem:s7+$0x830];
	v41 =	vmul.f32 v41, v45;
	v30 =	vadd.f32 v44, v30  }
0x183: {  	v31 =	vmul.f32 v3, v31;
	v24 =	vsub.f32 v24, v38;
	v35 =	vsub.f32 v57, v37  }
0x184: {  	v26 =	vmul.f32 v3, v26;
	v50 =	vld [tilespmem:s7+$0x840];
	v28 =	vadd.f32 v41, v28;
	v53 =	vmul.f32 v42, v36  }
0x185: {  	v55 =	vld [tilespmem:s7+$0x850];
	v24 =	vmul.f32 v24, v24;
	v30 =	vsub.f32 v30, v52;
	v35 =	vmul.f32 v35, v35  }
0x186: {  	v17 =	vsub.f32 v17, v54;
	v39 =	vmul.f32 v39, v31;
	v57 =	vld [tilespmem:s7+$0xFFFFF000];
	v22 =	vadd.f32 v53, v22  }
0x187: {  	v28 =	vsub.f32 v28, v63;
	v63 =	vld [tilespmem:s7+$0x860];
	v30 =	vmul.f32 v30, v30;
	v24 =	vadd.f32 v35, v24  }
0x188: {  	v40 =	vmul.f32 v40, v26;
	v27 =	vadd.f32 v39, v27;
	v35 =	vmul.f32 v3, v47;
	v47 =	vld [tilespmem:s7+$0xFFFFF010]  }
0x189: {  	v22 =	vsub.f32 v22, v50;
	v28 =	vmul.f32 v28, v28;
	v24 =	vadd.f32 v30, v24;
	v30 =	vld [tilespmem:s7+$0x870]  }
0x18a: {  	v17 =	vmul.f32 v17, v17;
	v27 =	vsub.f32 v27, v55;
	v20 =	vmul.f32 v20, v35  }
0x18b: {  	s8 =	simm.s32 $0x5DB0;
	v25 =	vadd.f32 v40, v25;
	v53 =	vld [tilespmem:s7+$0xFFFFF060];
	v22 =	vmul.f32 v22, v22;
	v24 =	vadd.f32 v28, v24  }
0x18c: {  	v43 =	vld [tilespmem:s8+$0xFFFFFFD0];
	v28 =	vmul.f32 v29, v29;
	v12 =	vadd.f32 v20, v12;
	v20 =	vmul.f32 v27, v27  }
0x18d: {  	v27 =	vperm.xlane v47, v4;
	v18 =	vadd.f32 v22, v24;
	v22 =	vsub.f32 v25, v63;
	v24 =	vld [tilespmem:s7+$0xFFFFF020]  }
0x18e: {  	v29 =	vld [tilespmem:s7+$0xFFFFF030];
	v50 =	vmul.f32 v47, v46;
	v25 =	vperm.xlane v57, v4;
	v12 =	vsub.f32 v12, v30  }
0x18f: {  	v27 =	vmul.f32 v27, v34;
	v18 =	vadd.f32 v20, v18;
	v20 =	vmul.f32 v22, v22;
	v22 =	vld [tilespmem:s7+$0xFFFFF800]  }
0x190: {  	v16 =	vmul.f32 v53, v16;
	v13 =	vadd.f32 v28, v13;
	v23 =	vmul.f32 v25, v33;
	v25 =	vld [tilespmem:s7+$0xFFFFF810]  }
0x191: {  	v30 =	vmul.f32 v57, v51;
	v12 =	vmul.f32 v12, v12;
	v27 =	vadd.f32 v27, v50  }
0x192: {  	v14 =	vld [tilespmem:s7+$0xFFFFF040];
	v20 =	vadd.f32 v20, v18;
	v18 =	vperm.xlane v10, v61;
	v51 =	vperm.xlane v24, v4  }
0x193: {  	v10 =	vld [tilespmem:s7+$0xFFFFF820];
	v23 =	vadd.f32 v23, v30;
	v30 =	vperm.xlane v29, v4;
	v24 =	vmul.f32 v24, v49  }
0x194: {  	v49 =	vmul.f32 v43, v43;
	v12 =	vadd.f32 v12, v20;
	v20 =	vld [tilespmem:s7+$0xFFFFF050];
	v32 =	vmul.f32 v51, v32  }
0x195: {  	v40 =	vld [tilespmem:s8+$0xFFFFFFF0];
	v22 =	vsub.f32 v23, v22;
	v23 =	vsub.f32 v27, v25;
	v27 =	vmul.f32 v29, v48  }
0x196: {  	v13 =	vadd.f32 v17, v13;
	v29 =	vmul.f32 v30, v45;
	v30 =	vld [tilespmem:s7+$0xFFFFF070];
	v52 =	vperm.xlane v12, v58  }
0x197: {  	v28 =	vld [tilespmem:s7+$0xFFFFF830];
	v24 =	vadd.f32 v32, v24;
	v63 =	vmul.f32 v22, v22;
	v22 =	vperm.xlane v14, v4  }
0x198: {  	v25 =	vld [tilespmem:s7+$0xFFFFF840];
	v54 =	vmul.f32 v23, v23;
	v14 =	vmul.f32 v14, v21;
	v12 =	vadd.f32 v52, v12  }
0x199: {  	v17 =	vld [tilespmem:s7+$0xFFFFF850];
	v10 =	vsub.f32 v24, v10;
	v21 =	vperm.xlane v20, v4;
	v22 =	vmul.f32 v22, v36  }
0x19a: {  	s6 =	simm.s32 $0x1B00;
	v24 =	vld [tilespmem:s7+$0xFFFFF870];
	v20 =	vmul.f32 v20, v19;
	v19 =	vadd.f32 v29, v27;
	v23 =	vperm.xlane v12, v59  }
0x19b: {  	v36 =	vld [tilespmem:s6+$0x10];
	v29 =	vperm.xlane v30, v4;
	v15 =	vmul.f32 v30, v15;
	v14 =	vadd.f32 v22, v14  }
0x19c: {  	v27 =	vld [tilespmem:s6+$0x60];
	v21 =	vmul.f32 v21, v31;
	v28 =	vsub.f32 v19, v28;
	v57 =	vadd.f32 v23, v12  }
0x19d: {  	v30 =	vld [tilespmem:s6+$0x20];
	v23 =	vperm.xlane v53, v4;
	v14 =	vsub.f32 v14, v25;
	v25 =	vmul.f32 v29, v35  }
0x19e: {  	v32 =	vadd.f32 v54, v63;
	v19 =	vld [tilespmem:s6+$0x40];
	v29 =	vmul.f32 v10, v10;
	v28 =	vmul.f32 v28, v28  }
0x19f: {  	v31 =	vld [tilespmem:s6+$0x0];
	v10 =	vadd.f32 v21, v20;
	v21 =	vmul.f32 v40, v40;
	v22 =	vperm.xlane v57, v60  }
0x1a0: {  	v42 =	vld [tilespmem:s8+$0xFFFFFFE0];
	v23 =	vmul.f32 v23, v26;
	v48 =	vperm.xlane v36, v4;
	v15 =	vadd.f32 v25, v15  }
0x1a1: {  	v10 =	vsub.f32 v10, v17;
	v17 =	vperm.xlane v13, v58;
	v34 =	vmul.f32 v14, v14  }
0x1a2: {  	v12 =	vld [tilespmem:s6+$0x70];
	v47 =	vperm.xlane v30, v4;
	v63 =	vmul.f32 $1.984127010e-04, v21;
	v16 =	vadd.f32 v23, v16  }
0x1a3: {  	v55 =	vld [tilespmem:s7+$0xFFFFF860];
	v20 =	vadd.f32 v22, v57;
	v22 =	vperm.xlane v27, v4;
	v45 =	vperm.xlane v19, v4  }
0x1a4: {  	v26 =	vld [tilespmem:s6+$0x50];
	v46 =	vperm.xlane v31, v4;
	v57 =	vmul.f32 $1.388888920e-03, v49;
	v15 =	vsub.f32 v15, v24  }
0x1a5: {  	v37 =	vmul.f32 v10, v10;
	v14 =	vadd.f32 v13, v17;
	v17 =	vmul.f32 v42, v42  }
0x1a6: {  	v39 =	vld [tilespmem:s8+$0x0];
	v24 =	vmov s5;
	v35 =	vperm.xlane v20, v62;
	v13 =	vperm.xlane v20, v61  }
0x1a7: {  	v20 =	vperm.xlane v12, v4;
	vm0 =	veq.s32 v24, v56;
	v24 =	vmul.f32 $1.388888920e-03, v21  }
0x1a8: {  	v16 =	vsub.f32 v16, v55;
	v55 =	vmul.f32 $1.984127010e-04, v49;
	v41 =	vmul.f32 v15, v15  }
0x1a9: {  	v15 =	vperm.xlane v14, v59;
	v25 =	vperm.xlane v26, v4  }
0x1aa: {  	v52 =	vsub.f32 $8.333333770e-03, v63;
	v33 =	vmul.f32 $1.388888920e-03, v17;
	v54 =	vmul.f32 $1.984127010e-04, v17  }
0x1ab: {  	v53 =	vsub.f32 $4.166666790e-02, v57;
	v38 =	vmul.f32 v16, v16;
	v16 =	vmul.f32 v39, v39  }
0x1ac: {  	v52 =	vmul.f32 v52, v21;
	v24 =	vsub.f32 $4.166666790e-02, v24;
	v55 =	vsub.f32 $8.333333770e-03, v55  }
0x1ad: {  	v53 =	vmul.f32 v53, v49;
	v33 =	vsub.f32 $4.166666790e-02, v33;
	v50 =	vmul.f32 $1.388888920e-03, v16  }
0x1ae: {  	v54 =	vsub.f32 $8.333333770e-03, v54;
	v52 =	vadd.f32 $-1.666666720e-01, v52;
	v51 =	vmul.f32 $1.984127010e-04, v16  }
0x1af: {  	v24 =	vmul.f32 v24, v21;
	v55 =	vmul.f32 v55, v49;
	v50 =	vsub.f32 $4.166666790e-02, v50  }
0x1b0: {  	v53 =	vadd.f32 $-5.000000000e-01, v53;
	v54 =	vmul.f32 v54, v17;
	v51 =	vsub.f32 $8.333333770e-03, v51  }
0x1b1: {  	v33 =	vmul.f32 v33, v17;
	v24 =	vadd.f32 $-5.000000000e-01, v24;
	v50 =	vmul.f32 v50, v16  }
0x1b2: {  	v63 =	vadd.f32 $-1.666666720e-01, v55;
	v54 =	vadd.f32 $-1.666666720e-01, v54;
	v51 =	vmul.f32 v51, v16  }
0x1b3: {  	v23 =	vld [tilespmem:s6+$0x30];
	v33 =	vadd.f32 $-5.000000000e-01, v33;
	v24 =	vmul.f32 v24, v21;
	v50 =	vadd.f32 $-5.000000000e-01, v50  }
0x1b4: {  	v21 =	vmul.f32 v52, v21;
	v52 =	vmul.f32 v54, v17;
	v51 =	vadd.f32 $-1.666666720e-01, v51  }
0x1b5: {  	v33 =	vmul.f32 v33, v17;
	v54 =	vadd.f32 $1.000000000e+00, v24;
	v50 =	vmul.f32 v50, v16  }
0x1b6: {  	v52 =	vadd.f32 $1.000000000e+00, v52;
	v16 =	vmul.f32 v51, v16;
	v51 =	vmul.f32 v53, v49  }
0x1b7: {  	v49 =	vmul.f32 v63, v49;
	v63 =	vadd.f32 $1.000000000e+00, v21;
	v21 =	vperm.xlane v54, v2  }
0x1b8: {  	v44 =	vperm.xlane v23, v4;
	v42 =	vmul.f32 v52, v42;
	v24 =	vadd.f32 $1.000000000e+00, v50  }
0x1b9: {  	v33 =	vadd.f32 $1.000000000e+00, v33;
	v40 =	vmul.f32 v63, v40;
	v26 =	vmul.f32 v26, v21  }
0x1ba: {  	v57 =	vadd.f32 $1.000000000e+00, v16;
	v53 =	vperm.xlane v42, v1;
	v17 =	vperm.xlane v24, v1  }
0x1bb: {  	v51 =	vadd.f32 $1.000000000e+00, v51;
	v16 =	vperm.xlane v24, v2;
	v24 =	vperm.xlane v54, v1  }
0x1bc: {  	v49 =	vadd.f32 $1.000000000e+00, v49;
	v54 =	vperm.xlane v33, v2;
	v39 =	vmul.f32 v57, v39  }
0x1bd: {  	v29 =	vadd.f32 v29, v32;
	v33 =	vperm.xlane v33, v1;
	v50 =	vperm.xlane v51, v1  }
0x1be: {  	v10 =	vimm.f32 $0.0e+00;
	v51 =	vperm.xlane v51, v2;
	v32 =	vmul.f32 v49, v43  }
0x1bf: {  	v43 =	vsel vm0, v18, v10;
	v18 =	vadd.f32 v28, v29;
	v29 =	vperm.xlane v40, v1  }
0x1c0: {  	v49 =	vperm.xlane v39, v2;
	v27 =	vmul.f32 v27, v17  }
0x1c1: {  	v11 =	vsel vm0, v11, v10;
	v28 =	vperm.xlane v39, v1;
	v39 =	vperm.xlane v40, v2  }
0x1c2: {  	v18 =	vadd.f32 v34, v18;
	v34 =	vperm.xlane v42, v2;
	v30 =	vmul.f32 v30, v33  }
0x1c3: {  	vm1 =	vmmov vm0;
	v63 =	vperm.xlane v32, v1;
	v32 =	vperm.xlane v32, v2  }
0x1c4: {  	s7 =	simm.s32 $0x1;
	v14 =	vadd.f32 v14, v15;
	v31 =	vmul.f32 v31, v50;
	v36 =	vmul.f32 v36, v51  }
0x1c5: {  	v57 =	vmov s7;
	v23 =	vmul.f32 v23, v54;
	v29 =	vmul.f32 v3, v29  }
0x1c6: {  	v19 =	vmul.f32 v19, v24;
	v18 =	vadd.f32 v37, v18;
	v40 =	vmul.f32 v3, v63  }
0x1c7: {  	v55 =	vld [tilespmem:s6+$0x800];
	vm0 =	veq.s32 v57, v56;
	v32 =	vmul.f32 v3, v32;
	v37 =	vmul.f32 v3, v53  }
0x1c8: {  	v57 =	vld [tilespmem:s6+$0x810];
	v34 =	vmul.f32 v3, v34;
	v28 =	vmul.f32 v3, v28;
	v18 =	vadd.f32 v38, v18  }
0x1c9: {  	v11 =	vsel vm0, v35, v11;
	v63 =	vmul.f32 v46, v40;
	v52 =	vmul.f32 v48, v32  }
0x1ca: {  	v53 =	vld [tilespmem:s6+$0x820];
	v47 =	vmul.f32 v47, v37;
	v22 =	vmul.f32 v22, v28;
	v18 =	vadd.f32 v41, v18  }
0x1cb: {  	v12 =	vmul.f32 v12, v16;
	v48 =	vld [tilespmem:s6+$0x830];
	v31 =	vadd.f32 v63, v31;
	v63 =	vadd.f32 v52, v36  }
0x1cc: {  	v44 =	vmul.f32 v44, v34;
	v46 =	vld [tilespmem:s6+$0xFFFFF010];
	v30 =	vadd.f32 v47, v30;
	v22 =	vadd.f32 v22, v27  }
0x1cd: {  	v52 =	vmul.f32 v3, v39;
	v27 =	vld [tilespmem:s6+$0x870];
	v31 =	vsub.f32 v31, v55;
	v35 =	vsub.f32 v63, v57  }
0x1ce: {  	s7 =	simm.s32 $0x65B0;
	v23 =	vadd.f32 v44, v23;
	v47 =	vmul.f32 v3, v49;
	v55 =	vld [tilespmem:s6+$0x840];
	v57 =	vmul.f32 v45, v29  }
0x1cf: {  	v41 =	vld [tilespmem:s7+$0x0];
	v30 =	vsub.f32 v30, v53;
	v31 =	vmul.f32 v31, v31;
	v35 =	vmul.f32 v35, v35  }
0x1d0: {  	v45 =	vld [tilespmem:s6+$0x850];
	v25 =	vmul.f32 v25, v52;
	v20 =	vmul.f32 v20, v47;
	v23 =	vsub.f32 v23, v48  }
0x1d1: {  	v63 =	vld [tilespmem:s6+$0xFFFFF000];
	v19 =	vadd.f32 v57, v19;
	v30 =	vmul.f32 v30, v30;
	v31 =	vadd.f32 v35, v31  }
0x1d2: {  	vm1 =	vmmov vm1;
	v25 =	vadd.f32 v25, v26;
	v26 =	vld [tilespmem:s6+$0x860];
	v12 =	vadd.f32 v20, v12  }
0x1d3: {  	v23 =	vmul.f32 v23, v23;
	v19 =	vsub.f32 v19, v55;
	v30 =	vadd.f32 v30, v31  }
0x1d4: {  	v15 =	vld [tilespmem:s6+$0xFFFFF800];
	v48 =	vperm.xlane v46, v4;
	v44 =	vmul.f32 v41, v41;
	v12 =	vsub.f32 v12, v27  }
0x1d5: {  	v27 =	vld [tilespmem:s6+$0xFFFFF040];
	v25 =	vsub.f32 v25, v45;
	v19 =	vmul.f32 v19, v19;
	v23 =	vadd.f32 v23, v30  }
0x1d6: {  	v49 =	vsel vm0, v13, v43;
	v13 =	vmul.f32 v63, v50;
	v31 =	vperm.xlane v63, v4;
	v30 =	vld [tilespmem:s6+$0xFFFFF020]  }
0x1d7: {  	v20 =	vld [tilespmem:s6+$0xFFFFF030];
	v22 =	vsub.f32 v22, v26;
	v19 =	vadd.f32 v19, v23;
	v23 =	vmul.f32 v25, v25  }
0x1d8: {  	s5 =	simm.s32 $0x1B80;
	vm2 =	vmmov vm0;
	v12 =	vmul.f32 v12, v12;
	v25 =	vmul.f32 v31, v40;
	v31 =	vld [tilespmem:s6+$0xFFFFF810]  }
0x1d9: {  	v26 =	vmul.f32 v48, v32;
	v22 =	vmul.f32 v22, v22;
	v40 =	vld [tilespmem:s5+$0x0];
	v19 =	vadd.f32 v23, v19  }
0x1da: {  	v42 =	vld [tilespmem:s7+$0xFFFFFFE0];
	v24 =	vmul.f32 v27, v24;
	v23 =	vmul.f32 v46, v51;
	v13 =	vadd.f32 v25, v13  }
0x1db: {  	v46 =	vld [tilespmem:s7+$0xFFFFFFD0];
	v53 =	vperm.xlane v30, v4;
	v25 =	vmul.f32 v30, v33;
	v19 =	vadd.f32 v22, v19  }
0x1dc: {  	v30 =	vperm.xlane v20, v4;
	v20 =	vmul.f32 v20, v54;
	v22 =	vld [tilespmem:s6+$0xFFFFF820];
	v23 =	vadd.f32 v26, v23  }
0x1dd: {  	v13 =	vsub.f32 v13, v15;
	v26 =	vmul.f32 v53, v37;
	v12 =	vadd.f32 v12, v19;
	v19 =	vld [tilespmem:s6+$0xFFFFF050]  }
0x1de: {  	v54 =	vperm.xlane v27, v4;
	v36 =	vperm.xlane v40, v4;
	v15 =	vsub.f32 v23, v31;
	v23 =	vld [tilespmem:s6+$0xFFFFF830]  }
0x1df: {  	v31 =	vld [tilespmem:s6+$0xFFFFF060];
	v13 =	vmul.f32 v13, v13;
	v25 =	vadd.f32 v26, v25;
	v26 =	vmul.f32 v30, v34  }
0x1e0: {  	vm0 =	vmmov vm1;
	v34 =	vld [tilespmem:s5+$0x20];
	v53 =	vmul.f32 v46, v46;
	v30 =	vperm.xlane v12, v58  }
0x1e1: {  	v43 =	vld [tilespmem:s7+$0xFFFFFFF0];
	v15 =	vmul.f32 v15, v15;
	v22 =	vsub.f32 v25, v22;
	v20 =	vadd.f32 v26, v20  }
0x1e2: {  	v55 =	vld [tilespmem:s6+$0xFFFFF840];
	v26 =	vmul.f32 v54, v29;
	v54 =	vmul.f32 v42, v42;
	v12 =	vadd.f32 v30, v12  }
0x1e3: {  	v25 =	vld [tilespmem:s6+$0xFFFFF070];
	v13 =	vadd.f32 v15, v13;
	v15 =	vperm.xlane v19, v4;
	v22 =	vmul.f32 v22, v22  }
0x1e4: {  	v20 =	vsub.f32 v20, v23;
	v19 =	vmul.f32 v19, v21;
	v17 =	vmul.f32 v31, v17  }
0x1e5: {  	v23 =	vadd.f32 v26, v24;
	v29 =	vperm.xlane v12, v59;
	v32 =	vperm.xlane v34, v4  }
0x1e6: {  	v21 =	vmul.f32 v15, v52;
	v13 =	vadd.f32 v22, v13;
	v22 =	vmul.f32 v20, v20  }
0x1e7: {  	v27 =	vld [tilespmem:s6+$0xFFFFF850];
	v20 =	vperm.xlane v31, v4;
	v23 =	vsub.f32 v23, v55;
	v55 =	vmul.f32 v43, v43  }
0x1e8: {  	vm1 =	vmmov vm2;
	v52 =	vmul.f32 $1.984127010e-04, v54;
	v57 =	vperm.xlane v25, v4  }
0x1e9: {  	v30 =	vld [tilespmem:s6+$0xFFFFF860];
	v12 =	vadd.f32 v29, v12;
	v16 =	vmul.f32 v25, v16;
	v28 =	vmul.f32 v20, v28  }
0x1ea: {  	v15 =	vld [tilespmem:s5+$0x70];
	v21 =	vadd.f32 v21, v19;
	v23 =	vmul.f32 v23, v23;
	v63 =	vmul.f32 $1.984127010e-04, v55  }
0x1eb: {  	s8 =	simm.s32 $0x2;
	v25 =	vld [tilespmem:s5+$0x10];
	v13 =	vadd.f32 v22, v13;
	v29 =	vperm.xlane v12, v60;
	v22 =	vmul.f32 v57, v47  }
0x1ec: {  	v26 =	vld [tilespmem:s6+$0xFFFFF870];
	v27 =	vsub.f32 v21, v27;
	v17 =	vadd.f32 v28, v17;
	v28 =	vmov s8  }
0x1ed: {  	v20 =	vld [tilespmem:s5+$0x50];
	v13 =	vadd.f32 v23, v13;
	v23 =	vperm.xlane v18, v58;
	v58 =	vmul.f32 $1.984127010e-04, v44  }
0x1ee: {  	v12 =	vadd.f32 v29, v12;
	v16 =	vadd.f32 v22, v16;
	vm3 =	veq.s32 v28, v56  }
0x1ef: {  	v28 =	vperm.xlane v14, v60;
	v56 =	vmul.f32 $1.984127010e-04, v53;
	v17 =	vsub.f32 v17, v30  }
0x1f0: {  	v39 =	vld [tilespmem:s5+$0xFFFFF820];
	v29 =	vadd.f32 v18, v23;
	v18 =	vperm.xlane v15, v4;
	v38 =	vperm.xlane v25, v4  }
0x1f1: {  	v24 =	vld [tilespmem:s5+$0x60];
	v22 =	vperm.xlane v12, v62;
	v16 =	vsub.f32 v16, v26;
	v26 =	vmul.f32 v27, v27  }
0x1f2: {  	v19 =	vld [tilespmem:s5+$0x40];
	v51 =	vsub.f32 $8.333333770e-03, v63;
	v12 =	vperm.xlane v12, v61;
	v23 =	vperm.xlane v20, v4  }
0x1f3: {  	v21 =	vld [tilespmem:s5+$0x30];
	v61 =	vmul.f32 $1.388888920e-03, v54;
	v17 =	vmul.f32 v17, v17;
	v13 =	vadd.f32 v26, v13  }
0x1f4: {  	v35 =	vld [tilespmem:s5+$0xFFFFF800];
	vm2 =	vmmov vm3;
	v62 =	vmul.f32 $1.388888920e-03, v53;
	v30 =	vperm.xlane v29, v59  }
0x1f5: {  	v33 =	vld [tilespmem:s5+$0xFFFFF010];
	v16 =	vmul.f32 v16, v16;
	v11 =	vsel vm3, v22, v11;
	v17 =	vadd.f32 v17, v13  }
0x1f6: {  	v37 =	vld [tilespmem:s5+$0xFFFFF810];
	v22 =	vperm.xlane v24, v4;
	v13 =	vadd.f32 v14, v28;
	v14 =	vmul.f32 $1.388888920e-03, v44  }
0x1f7: {  	v31 =	vld [tilespmem:s5+$0xFFFFF000];
	v17 =	vadd.f32 v16, v17;
	v16 =	vadd.f32 v29, v30;
	v29 =	vmul.f32 $1.388888920e-03, v55  }
0x1f8: {  	v50 =	vsub.f32 $8.333333770e-03, v58;
	v27 =	vperm.xlane v21, v4;
	v26 =	vperm.xlane v19, v4;
	v28 =	vld [tilespmem:s5+$0xFFFFF030]  }
0x1f9: {  	v12 =	vsel vm3, v12, v49;
	v30 =	vld [tilespmem:s5+$0xFFFFF020];
	v49 =	vsub.f32 $4.166666790e-02, v14;
	v45 =	vsub.f32 $4.166666790e-02, v29  }
0x1fa: {  	s6 =	simm.s32 $0x3;
	s8 =	simm.s32 $0x4;
	v47 =	vsub.f32 $4.166666790e-02, v61;
	v48 =	vsub.f32 $4.166666790e-02, v62;
	v14 =	vimm.f32 $0.0e+00;
	v29 =	vld [tilespmem:s5+$0xFFFFF040]  }
.LBB2_3:
0x1fb: {  	v57 =	vsub.f32 $8.333333770e-03, v52;
	v45 =	vmul.f32 v45, v55;
	v58 =	vmul.f32 v49, v44  }
0x1fc: {  	v56 =	vsub.f32 $8.333333770e-03, v56;
	v47 =	vmul.f32 v47, v54;
	v50 =	vmul.f32 v50, v44  }
0x1fd: {  	v7 =	vmovc v59;
	v6 =	vmovc v60;
	v59 =	vmul.f32 v48, v53;
	v60 =	vmul.f32 v51, v55;
	v58 =	vadd.f32 $-5.000000000e-01, v58  }
0x1fe: {  	v57 =	vmul.f32 v57, v54;
	v45 =	vadd.f32 $-5.000000000e-01, v45;
	v61 =	vadd.f32 $-1.666666720e-01, v50  }
0x1ff: {  	v56 =	vmul.f32 v56, v53;
	v62 =	vadd.f32 $-5.000000000e-01, v47;
	v60 =	vadd.f32 $-1.666666720e-01, v60  }
0x200: {  	v59 =	vadd.f32 $-5.000000000e-01, v59;
	v63 =	vmul.f32 v45, v55;
	v58 =	vmul.f32 v58, v44  }
0x201: {  	v62 =	vmul.f32 v62, v54;
	v57 =	vadd.f32 $-1.666666720e-01, v57;
	v61 =	vmul.f32 v61, v44  }
0x202: {  	v59 =	vmul.f32 v59, v53;
	v56 =	vadd.f32 $-1.666666720e-01, v56;
	v55 =	vmul.f32 v60, v55  }
0x203: {  	v57 =	vmul.f32 v57, v54;
	v60 =	vadd.f32 $1.000000000e+00, v63;
	v58 =	vadd.f32 $1.000000000e+00, v58  }
0x204: {  	v63 =	vmul.f32 v56, v53;
	v62 =	vadd.f32 $1.000000000e+00, v62;
	v61 =	vadd.f32 $1.000000000e+00, v61  }
0x205: {  	v0 =	vadd.f32 $1.000000000e+00, v55;
	v54 =	vperm.xlane v58, v1;
	v53 =	vperm.xlane v58, v2  }
0x206: {  	v58 =	vadd.f32 $1.000000000e+00, v59;
	v56 =	vperm.xlane v60, v1;
	v55 =	vperm.xlane v60, v2  }
0x207: {  	v57 =	vadd.f32 $1.000000000e+00, v57;
	v59 =	vperm.xlane v62, v2;
	v41 =	vmul.f32 v61, v41  }
0x208: {  	v60 =	vadd.f32 $1.000000000e+00, v63;
	v61 =	vperm.xlane v62, v1;
	v0 =	vmul.f32 v0, v43  }
0x209: {  	v43 =	vperm.xlane v58, v1;
	v58 =	vperm.xlane v58, v2  }
0x20a: {  	v46 =	vmul.f32 v60, v46;
	v42 =	vmul.f32 v57, v42  }
0x20b: {  	v57 =	vperm.xlane v41, v2;
	v24 =	vmul.f32 v24, v54  }
0x20c: {  	v41 =	vperm.xlane v41, v1;
	v20 =	vmul.f32 v20, v55  }
0x20d: {  	v60 =	vperm.xlane v0, v1;
	v0 =	vperm.xlane v0, v2  }
0x20e: {  	v34 =	vmul.f32 v34, v61;
	v62 =	vperm.xlane v42, v2  }
0x20f: {  	v63 =	vperm.xlane v46, v1;
	v46 =	vperm.xlane v46, v2  }
0x210: {  	v8 =	vld [tilespmem:s5+$0x800];
	v42 =	vperm.xlane v42, v1;
	v40 =	vmul.f32 v40, v43  }
0x211: {  	v9 =	vld [tilespmem:s5+$0x810];
	v63 =	vmul.f32 v3, v63;
	v46 =	vmul.f32 v3, v46  }
0x212: {  	v5 =	vld [tilespmem:s5+$0x820];
	v25 =	vmul.f32 v25, v58;
	v42 =	vmul.f32 v3, v42  }
0x213: {  	v49 =	vld [tilespmem:s5+$0xFFFFF050];
	v36 =	vmul.f32 v36, v63;
	v38 =	vmul.f32 v38, v46  }
0x214: {  	v52 =	vld [tilespmem:s5+$0xFFFFF830];
	v62 =	vmul.f32 v3, v62;
	v32 =	vmul.f32 v32, v42  }
0x215: {  	v48 =	vld [tilespmem:s5+$0xFFFFF060];
	v21 =	vmul.f32 v21, v59;
	v36 =	vadd.f32 v36, v40;
	v25 =	vadd.f32 v38, v25  }
0x216: {  	v27 =	vmul.f32 v27, v62;
	v38 =	vmul.f32 v3, v60;
	v32 =	vadd.f32 v32, v34;
	v40 =	vld [tilespmem:s5+$0x830]  }
0x217: {  	v51 =	vld [tilespmem:s5+$0xFFFFF840];
	v19 =	vmul.f32 v19, v56;
	v8 =	vsub.f32 v36, v8;
	v9 =	vsub.f32 v25, v9  }
0x218: {  	v0 =	vmul.f32 v3, v0;
	v21 =	vadd.f32 v27, v21;
	v25 =	vld [tilespmem:s5+$0x840];
	v26 =	vmul.f32 v26, v38  }
0x219: {  	v47 =	vld [tilespmem:s5+$0xFFFFF070];
	v5 =	vsub.f32 v32, v5;
	v8 =	vmul.f32 v8, v8;
	v9 =	vmul.f32 v9, v9  }
0x21a: {  	v23 =	vmul.f32 v23, v0;
	v27 =	vmul.f32 v3, v41;
	v19 =	vadd.f32 v26, v19;
	v26 =	vld [tilespmem:s5+$0x850]  }
0x21b: {  	v50 =	vld [tilespmem:s5+$0xFFFFF850];
	v5 =	vmul.f32 v5, v5;
	v8 =	vadd.f32 v9, v8;
	v9 =	vsub.f32 v21, v40  }
0x21c: {  	v45 =	vld [tilespmem:s5+$0xFFFFF860];
	v20 =	vadd.f32 v23, v20;
	v22 =	vmul.f32 v22, v27;
	v21 =	vmul.f32 v3, v57  }
0x21d: {  	v23 =	vld [tilespmem:s5+$0x860];
	v5 =	vadd.f32 v5, v8;
	v8 =	vmul.f32 v9, v9;
	v9 =	vsub.f32 v19, v25  }
0x21e: {  	v44 =	vld [tilespmem:s5+$0xFFFFF870];
	v15 =	vmul.f32 v15, v53;
	v19 =	vadd.f32 v22, v24;
	v18 =	vmul.f32 v18, v21  }
0x21f: {  	v22 =	vld [tilespmem:s5+$0x870];
	s5 =	sadd.s32 $0x80, s5;
	v5 =	vadd.f32 v8, v5;
	v8 =	vmul.f32 v9, v9;
	v9 =	vsub.f32 v20, v26  }
0x220: {  	v24 =	vperm.xlane v33, v4;
	v34 =	vld [tilespmem:s5+$0x20];
	v20 =	vperm.xlane v31, v4  }
0x221: {  	v40 =	vld [tilespmem:s5+$0x0];
	v15 =	vadd.f32 v18, v15;
	v5 =	vadd.f32 v8, v5;
	v8 =	vmul.f32 v9, v9  }
0x222: {  	v9 =	vsub.f32 v19, v23;
	v18 =	vmul.f32 v20, v63;
	v19 =	vmul.f32 v24, v46  }
0x223: {  	v20 =	vmul.f32 v33, v58;
	v23 =	vperm.xlane v47, v4;
	v5 =	vadd.f32 v8, v5  }
0x224: {  	v8 =	vmul.f32 v9, v9;
	v9 =	vsub.f32 v15, v22;
	v15 =	vmul.f32 v31, v43  }
0x225: {  	v57 =	vlaneseq.u32;
	v22 =	vperm.xlane v30, v4;
	v23 =	vmul.f32 v23, v21  }
0x226: {  	v26 =	vmov s6;
	v36 =	vperm.xlane v40, v4;
	v32 =	vperm.xlane v34, v4  }
0x227: {  	v58 =	vld [tilespmem:$0x1FFF0];
	v5 =	vadd.f32 v8, v5;
	v8 =	vmul.f32 v9, v9;
	v9 =	vadd.f32 v18, v15  }
0x228: {  	v15 =	vadd.f32 v19, v20;
	v18 =	vmul.f32 v30, v61;
	v19 =	vmul.f32 v22, v42  }
0x229: {  	v20 =	vperm.xlane v28, v4;
	v22 =	vperm.xlane v29, v4;
	v5 =	vadd.f32 v8, v5  }
0x22a: {  	v8 =	vsub.f32 v9, v35;
	v9 =	vsub.f32 v15, v37;
	v15 =	vmul.f32 v28, v59  }
0x22b: {  	v18 =	vadd.f32 v19, v18;
	v19 =	vmul.f32 v20, v62;
	v62 =	vimm.s32 $0x1  }
0x22c: {  	vm3 =	veq.s32 v26, v57;
	v28 =	vperm.xlane v13, v62;
	v20 =	vperm.xlane v5, v58  }
0x22d: {  	s7 =	sadd.s32 $0x800, s7;
	v61 =	vimm.s32 $0x0;
	v8 =	vmul.f32 v8, v8;
	v9 =	vmul.f32 v9, v9  }
0x22e: {  	v43 =	vld [tilespmem:s7+$0xFFFFFFF0];
	v18 =	vsub.f32 v18, v39;
	v15 =	vadd.f32 v19, v15;
	v19 =	vmul.f32 v29, v56  }
0x22f: {  	v5 =	vadd.f32 v20, v5;
	v20 =	vmul.f32 v22, v38;
	v8 =	vadd.f32 v9, v8  }
0x230: {  	v21 =	vld [tilespmem:s5+$0x30];
	v9 =	vperm.xlane v49, v4;
	v18 =	vmul.f32 v18, v18;
	v15 =	vsub.f32 v15, v52  }
0x231: {  	v42 =	vld [tilespmem:s7+$0xFFFFFFE0];
	v22 =	vperm.xlane v5, v7;
	v19 =	vadd.f32 v20, v19;
	v20 =	vmul.f32 v49, v55  }
0x232: {  	v0 =	vmul.f32 v9, v0;
	v8 =	vadd.f32 v18, v8;
	v9 =	vmul.f32 v15, v15  }
0x233: {  	v46 =	vld [tilespmem:s7+$0xFFFFFFD0];
	v18 =	vperm.xlane v48, v4;
	v55 =	vmul.f32 v43, v43;
	v5 =	vadd.f32 v22, v5  }
0x234: {  	v19 =	vsub.f32 v19, v51;
	v8 =	vadd.f32 v9, v8;
	v9 =	vmul.f32 v48, v54  }
0x235: {  	v0 =	vadd.f32 v0, v20;
	v18 =	vmul.f32 v18, v27;
	v27 =	vperm.xlane v21, v4  }
0x236: {  	v14 =	vsel vm0, v28, v14;
	v54 =	vmul.f32 v42, v42;
	v51 =	vmul.f32 $1.984127010e-04, v55  }
0x237: {  	v20 =	vperm.xlane v5, v6;
	v22 =	vmul.f32 v19, v19;
	v0 =	vsub.f32 v0, v50  }
0x238: {  	v9 =	vadd.f32 v18, v9;
	v18 =	vmul.f32 v47, v53;
	v53 =	vmul.f32 v46, v46  }
0x239: {  	v41 =	vld [tilespmem:s7+$0x0];
	v52 =	vmul.f32 $1.984127010e-04, v54;
	v5 =	vadd.f32 v20, v5;
	v8 =	vadd.f32 v22, v8  }
0x23a: {  	v24 =	vld [tilespmem:s5+$0x60];
	v0 =	vmul.f32 v0, v0;
	v9 =	vsub.f32 v9, v45;
	v22 =	vperm.xlane v16, v6  }
0x23b: {  	v18 =	vadd.f32 v23, v18;
	v23 =	vperm.xlane v13, v61;
	v63 =	vmul.f32 $1.388888920e-03, v53  }
0x23c: {  	v19 =	vld [tilespmem:s5+$0x40];
	v51 =	vsub.f32 $8.333333770e-03, v51;
	v56 =	vmul.f32 $1.984127010e-04, v53;
	v25 =	vperm.xlane v5, v62  }
0x23d: {  	v33 =	vld [tilespmem:s5+$0xFFFFF010];
	v0 =	vadd.f32 v0, v8;
	v8 =	vperm.xlane v17, v58;
	v9 =	vmul.f32 v9, v9  }
0x23e: {  	v15 =	vld [tilespmem:s5+$0x70];
	v18 =	vsub.f32 v18, v44;
	v13 =	vadd.f32 v16, v22;
	v5 =	vperm.xlane v5, v61  }
0x23f: {  	v31 =	vld [tilespmem:s5+$0xFFFFF000];
	v10 =	vsel vm0, v23, v10;
	v22 =	vperm.xlane v24, v4;
	v44 =	vmul.f32 v41, v41  }
0x240: {  	v30 =	vld [tilespmem:s5+$0xFFFFF020];
	vm0 =	vmmov vm1;
	vm1 =	vmmov vm2;
	vm2 =	vmmov vm3  }
0x241: {  	v20 =	vld [tilespmem:s5+$0x50];
	v48 =	vsub.f32 $4.166666790e-02, v63;
	v26 =	vperm.xlane v19, v4;
	v8 =	vadd.f32 v17, v8  }
0x242: {  	p0 =	sne.s32 s8, $0xF;
	v11 =	vsel vm3, v25, v11;
	v25 =	vld [tilespmem:s5+$0x10];
	v0 =	vadd.f32 v9, v0;
	v9 =	vmul.f32 v18, v18  }
.Ltmp0:
0x243: {  	v35 =	vld [tilespmem:s5+$0xFFFFF800];
	v18 =	vperm.xlane v15, v4;
	v12 =	vsel vm3, v5, v12;
	v16 =	vperm.xlane v8, v7;
	(pc) =	sbr.rel @p0 .LBB2_3-.Ltmp0, $4  }
0x244: {  	v37 =	vld [tilespmem:s5+$0xFFFFF810];
	v5 =	vmul.f32 $1.388888920e-03, v55;
	v17 =	vadd.f32 v9, v0;
	v0 =	vmul.f32 $1.388888920e-03, v44  }
0x245: {  	v29 =	vld [tilespmem:s5+$0xFFFFF040];
	v9 =	vmul.f32 $1.388888920e-03, v54;
	v16 =	vadd.f32 v8, v16;
	v8 =	vmul.f32 $1.984127010e-04, v44  }
0x246: {  	v39 =	vld [tilespmem:s5+$0xFFFFF820];
	v23 =	vperm.xlane v20, v4;
	v45 =	vsub.f32 $4.166666790e-02, v5;
	v49 =	vsub.f32 $4.166666790e-02, v0  }
0x247: {  	v60 =	vmovc v6;
	s6 =	smov.u32 s8;
	s8 =	sadd.s32 $0x1, s8;
	v59 =	vmovc v7;
	v28 =	vld [tilespmem:s5+$0xFFFFF030];
	v47 =	vsub.f32 $4.166666790e-02, v9;
	v38 =	vperm.xlane v25, v4;
	v50 =	vsub.f32 $8.333333770e-03, v8  }
0x248: {  	v0 =	vsub.f32 $8.333333770e-03, v52;
	v5 =	vmul.f32 v45, v55;
	v8 =	vmul.f32 v49, v44  }
0x249: {  	v9 =	vsub.f32 $8.333333770e-03, v56;
	v48 =	vmul.f32 v48, v53;
	v56 =	vmul.f32 v51, v55  }
0x24a: {  	v63 =	vmul.f32 v47, v54;
	v52 =	vmul.f32 v50, v44  }
0x24b: {  	v8 =	vadd.f32 $-5.000000000e-01, v8;
	v0 =	vmul.f32 v0, v54;
	v5 =	vadd.f32 $-5.000000000e-01, v5  }
0x24c: {  	v9 =	vmul.f32 v9, v53;
	v49 =	vadd.f32 $-1.666666720e-01, v56;
	v48 =	vadd.f32 $-5.000000000e-01, v48  }
0x24d: {  	v47 =	vadd.f32 $-1.666666720e-01, v52;
	v45 =	vadd.f32 $-5.000000000e-01, v63;
	v5 =	vmul.f32 v5, v55  }
0x24e: {  	v8 =	vmul.f32 v8, v44;
	v0 =	vadd.f32 $-1.666666720e-01, v0;
	v52 =	vmul.f32 v48, v53  }
0x24f: {  	v9 =	vadd.f32 $-1.666666720e-01, v9;
	v55 =	vmul.f32 v49, v55;
	v45 =	vmul.f32 v45, v54  }
0x250: {  	v63 =	vmul.f32 v47, v44;
	v0 =	vmul.f32 v0, v54;
	v8 =	vadd.f32 $1.000000000e+00, v8  }
0x251: {  	v5 =	vadd.f32 $1.000000000e+00, v5;
	v9 =	vmul.f32 v9, v53;
	v48 =	vadd.f32 $1.000000000e+00, v55  }
0x252: {  	v55 =	vperm.xlane v28, v4;
	v45 =	vadd.f32 $1.000000000e+00, v45;
	v50 =	vperm.xlane v8, v1  }
0x253: {  	v56 =	vadd.f32 $1.000000000e+00, v63;
	v44 =	vperm.xlane v8, v2;
	v47 =	vperm.xlane v5, v1  }
0x254: {  	v8 =	vadd.f32 $1.000000000e+00, v52;
	v5 =	vperm.xlane v5, v2;
	v43 =	vmul.f32 v48, v43  }
0x255: {  	v0 =	vadd.f32 $1.000000000e+00, v0;
	v51 =	vperm.xlane v45, v2;
	v41 =	vmul.f32 v56, v41  }
0x256: {  	v9 =	vadd.f32 $1.000000000e+00, v9;
	v45 =	vperm.xlane v45, v1;
	v56 =	vperm.xlane v31, v4  }
0x257: {  	v48 =	vperm.xlane v8, v1;
	v8 =	vperm.xlane v8, v2  }
0x258: {  	v9 =	vmul.f32 v9, v46;
	v0 =	vmul.f32 v0, v42  }
0x259: {  	v46 =	vperm.xlane v43, v1;
	v43 =	vperm.xlane v43, v2  }
0x25a: {  	v42 =	vperm.xlane v41, v2;
	v34 =	vmul.f32 v34, v45  }
0x25b: {  	v41 =	vperm.xlane v41, v1;
	v63 =	vperm.xlane v9, v1  }
0x25c: {  	v52 =	vperm.xlane v0, v2;
	v9 =	vperm.xlane v9, v2  }
0x25d: {  	v40 =	vmul.f32 v40, v48;
	v31 =	vmul.f32 v31, v48  }
0x25e: {  	v0 =	vperm.xlane v0, v1;
	v46 =	vmul.f32 v3, v46  }
0x25f: {  	v43 =	vmul.f32 v3, v43;
	v49 =	vmul.f32 v3, v63  }
0x260: {  	v9 =	vmul.f32 v3, v9;
	v63 =	vperm.xlane v33, v4  }
0x261: {  	v0 =	vmul.f32 v3, v0;
	v53 =	vmul.f32 v56, v49  }
0x262: {  	v48 =	vmul.f32 v63, v9;
	v56 =	vmul.f32 v33, v8  }
0x263: {  	v63 =	vperm.xlane v30, v4;
	v30 =	vmul.f32 v30, v45  }
0x264: {  	v31 =	vadd.f32 v53, v31;
	v33 =	vadd.f32 v48, v56;
	v48 =	vmul.f32 v3, v52;
	v52 =	vld [tilespmem:s5+$0xFFFFF050]  }
0x265: {  	v45 =	vmul.f32 v63, v0;
	v56 =	vld [tilespmem:s5+$0xFFFFF830];
	v63 =	vmul.f32 v28, v51  }
0x266: {  	v31 =	vsub.f32 v31, v35;
	v33 =	vsub.f32 v33, v37;
	v35 =	vmul.f32 v55, v48  }
0x267: {  	v41 =	vmul.f32 v3, v41;
	v53 =	vperm.xlane v29, v4;
	v30 =	vadd.f32 v45, v30  }
0x268: {  	v45 =	vld [tilespmem:s5+$0xFFFFF060];
	v31 =	vmul.f32 v31, v31;
	v33 =	vmul.f32 v33, v33;
	v28 =	vadd.f32 v35, v63  }
0x269: {  	v54 =	vld [tilespmem:s5+$0xFFFFF840];
	v55 =	vmul.f32 v29, v47;
	v30 =	vsub.f32 v30, v39;
	v39 =	vmul.f32 v53, v46  }
0x26a: {  	v31 =	vadd.f32 v33, v31;
	v33 =	vld [tilespmem:s5+$0xFFFFF070];
	v28 =	vsub.f32 v28, v56;
	v56 =	vperm.xlane v52, v4  }
0x26b: {  	v42 =	vmul.f32 v3, v42;
	v63 =	vld [tilespmem:s5+$0xFFFFF850];
	v30 =	vmul.f32 v30, v30  }
0x26c: {  	v29 =	vadd.f32 v39, v55;
	v52 =	vmul.f32 v52, v5;
	v37 =	vmul.f32 v56, v43  }
0x26d: {  	v53 =	vperm.xlane v45, v4;
	v45 =	vmul.f32 v45, v50;
	v30 =	vadd.f32 v30, v31  }
0x26e: {  	v29 =	vsub.f32 v29, v54;
	v54 =	vld [tilespmem:s5+$0xFFFFF860];
	v28 =	vmul.f32 v28, v28;
	v31 =	vadd.f32 v37, v52  }
0x26f: {  	v35 =	vmul.f32 v53, v41;
	v55 =	vperm.xlane v33, v4  }
0x270: {  	v28 =	vadd.f32 v28, v30;
	v29 =	vmul.f32 v29, v29;
	v56 =	vsub.f32 v31, v63;
	v63 =	vld [tilespmem:s5+$0xFFFFF870]  }
0x271: {  	v35 =	vadd.f32 v35, v45;
	v33 =	vmul.f32 v33, v44;
	v45 =	vmul.f32 v55, v42  }
0x272: {  	v24 =	vmul.f32 v24, v50;
	v19 =	vmul.f32 v19, v47;
	v28 =	vadd.f32 v29, v28  }
0x273: {  	v35 =	vsub.f32 v35, v54;
	v30 =	vmul.f32 v56, v56;
	v33 =	vadd.f32 v45, v33  }
0x274: {  	vm1 =	vmmov vm1;
	v15 =	vmul.f32 v15, v44;
	v49 =	vmul.f32 v36, v49;
	v50 =	vld [tilespmem:s5+$0x800]  }
0x275: {  	v52 =	vld [tilespmem:s5+$0x810];
	v54 =	vmul.f32 v35, v35;
	v28 =	vadd.f32 v30, v28;
	v53 =	vsub.f32 v33, v63  }
0x276: {  	vm2 =	vmmov vm2;
	v8 =	vmul.f32 v25, v8;
	v9 =	vmul.f32 v38, v9  }
0x277: {  	v25 =	vadd.f32 v49, v40;
	v56 =	vld [tilespmem:s5+$0x820];
	v28 =	vadd.f32 v54, v28;
	v30 =	vmul.f32 v53, v53  }
0x278: {  	v26 =	vmul.f32 v26, v46;
	v0 =	vmul.f32 v32, v0;
	v8 =	vadd.f32 v9, v8  }
0x279: {  	v23 =	vmul.f32 v23, v43;
	v25 =	vsub.f32 v25, v50;
	v28 =	vadd.f32 v30, v28  }
0x27a: {  	v0 =	vadd.f32 v0, v34;
	v8 =	vsub.f32 v8, v52;
	v30 =	vperm.xlane v17, v58  }
0x27b: {  	vm2 =	vmmov vm2;
	v25 =	vmul.f32 v25, v25;
	v31 =	vperm.xlane v28, v58  }
0x27c: {  	v8 =	vmul.f32 v8, v8;
	v0 =	vsub.f32 v0, v56;
	v17 =	vadd.f32 v17, v30  }
0x27d: {  	v22 =	vmul.f32 v22, v41;
	v55 =	vmul.f32 v21, v51;
	v21 =	vadd.f32 v28, v31  }
0x27e: {  	v8 =	vadd.f32 v8, v25;
	v0 =	vmul.f32 v0, v0;
	v33 =	vperm.xlane v17, v59  }
0x27f: {  	v19 =	vadd.f32 v26, v19;
	v36 =	vmov s6;
	v34 =	vperm.xlane v21, v59  }
0x280: {  	vm3 =	veq.s32 v36, v57;
	v0 =	vadd.f32 v0, v8;
	v8 =	vadd.f32 v17, v33  }
0x281: {  	v22 =	vadd.f32 v22, v24;
	v35 =	vperm.xlane v16, v60;
	v63 =	vld [tilespmem:s5+$0x830];
	v21 =	vadd.f32 v21, v34  }
0x282: {  	vm4 =	vmmov vm3;
	v27 =	vmul.f32 v27, v48;
	v38 =	vperm.xlane v8, v60  }
0x283: {  	v32 =	vld [tilespmem:s5+$0x840];
	vm4 =	vmmov vm4;
	v16 =	vadd.f32 v16, v35;
	v39 =	vperm.xlane v21, v60  }
0x284: {  	v37 =	vperm.xlane v13, v61;
	v9 =	vadd.f32 v27, v55;
	v8 =	vadd.f32 v8, v38  }
0x285: {  	v5 =	vmul.f32 v20, v5;
	v40 =	vperm.xlane v16, v61;
	v20 =	vadd.f32 v21, v39  }
0x286: {  	v41 =	vld [tilespmem:s5+$0x850];
	v10 =	vsel vm0, v37, v10;
	v9 =	vsub.f32 v9, v63;
	v43 =	vperm.xlane v8, v61  }
0x287: {  	vm4 =	vmmov vm4;
	v46 =	vld [tilespmem:s5+$0x860];
	v10 =	vsel vm1, v40, v10;
	v45 =	vperm.xlane v20, v61  }
0x288: {  	v19 =	vsub.f32 v19, v32;
	v9 =	vmul.f32 v9, v9;
	v10 =	vsel vm2, v43, v10  }
0x289: {  	v49 =	vmul.f32 v18, v42;
	v5 =	vadd.f32 v23, v5;
	v47 =	vsel vm4, v45, v10  }
0x28a: {  	v48 =	vld [tilespmem:s5+$0x870];
	v19 =	vmul.f32 v19, v19;
	v0 =	vadd.f32 v9, v0;
	v9 =	vmax.f32 v47, $9.999999960e-13  }
0x28b: {  	v5 =	vsub.f32 v5, v41;
	v50 =	vshrl.u32 v9, $0x1;
	v51 =	vmul.f32 $5.000000000e-01, v9  }
0x28c: {  	v15 =	vadd.f32 v49, v15;
	v52 =	vsub.f32 v22, v46;
	v18 =	vsub.s32 $0x5F3759DF, v50  }
0x28d: {  	v5 =	vmul.f32 v5, v5;
	v0 =	vadd.f32 v19, v0;
	v53 =	vmul.f32 v18, v51  }
0x28e: {  	v54 =	vmul.f32 v52, v52  }
0x28f: {  	v0 =	vadd.f32 v5, v0;
	v5 =	vsub.f32 v15, v48;
	v55 =	vmul.f32 v18, v53  }
0x290: {  	v56 =	vperm.xlane v13, v62  }
0x291: {  	v0 =	vadd.f32 v54, v0;
	v5 =	vmul.f32 v5, v5;
	v63 =	vsub.f32 $1.500000000e+00, v55  }
0x292: {  	v13 =	vsel vm0, v56, v14;
	v17 =	vperm.xlane v16, v62  }
0x293: {  	v0 =	vadd.f32 v5, v0;
	v5 =	vperm.xlane v8, v62;
	v8 =	vmul.f32 v18, v63  }
0x294: {  	v19 =	vsel vm1, v17, v13;
	v20 =	vperm.xlane v20, v62  }
0x295: {  	v5 =	vsel vm2, v5, v19;
	v22 =	vmul.f32 v8, v51  }
0x296: {  	v21 =	vperm.xlane v0, v58;
	v5 =	vsel vm4, v20, v5  }
0x297: {  	v5 =	vmax.f32 v5, $9.999999960e-13;
	v10 =	vmul.f32 v22, v8  }
0x298: {  	v0 =	vadd.f32 v21, v0;
	v24 =	vshrl.u32 v5, $0x1;
	v25 =	vmul.f32 $5.000000000e-01, v5  }
0x299: {  	v13 =	vsub.s32 $0x5F3759DF, v24;
	v10 =	vsub.f32 $1.500000000e+00, v10  }
0x29a: {  	v26 =	vperm.xlane v0, v59;
	v27 =	vmul.f32 v13, v25  }
0x29b: {  	v8 =	vmul.f32 v10, v8  }
0x29c: {  	v0 =	vadd.f32 v26, v0;
	v28 =	vmul.f32 v13, v27  }
0x29d: {  	v29 =	vmul.f32 v8, v51  }
0x29e: {  	v15 =	vperm.xlane v0, v60;
	v10 =	vsub.f32 $1.500000000e+00, v28  }
0x29f: {  	v30 =	vmul.f32 v29, v8  }
0x2a0: {  	v0 =	vadd.f32 v15, v0;
	v10 =	vmul.f32 v13, v10  }
0x2a1: {  	v15 =	vsub.f32 $1.500000000e+00, v30  }
0x2a2: {  	v31 =	vperm.xlane v0, v61;
	v32 =	vmul.f32 v10, v25  }
0x2a3: {  	v8 =	vmul.f32 v15, v8  }
0x2a4: {  	v12 =	vsel vm3, v31, v12;
	v33 =	vmul.f32 v32, v10  }
0x2a5: {  	v12 =	vmax.f32 v12, $9.999999960e-13;
	v8 =	vmul.f32 v8, v9  }
0x2a6: {  	v34 =	vshrl.u32 v12, $0x1;
	v35 =	vmul.f32 $5.000000000e-01, v12;
	v13 =	vsub.f32 $1.500000000e+00, v33  }
0x2a7: {  	v9 =	vsub.s32 $0x5F3759DF, v34;
	v8 =	vsub.f32 $0.0e+00, v8  }
0x2a8: {  	v10 =	vmul.f32 v13, v10;
	v36 =	vmul.f32 v9, v35  }
0x2a9: {  	v8 =	vmul.f32 $1.442695020e+00, v8  }
0x2aa: {  	v14 =	vmul.f32 v10, v25;
	v37 =	vmul.f32 v9, v36  }
0x2ab: {  	(erf) = vpow2.f32 v8  }
0x2ac: {  	v38 =	vmul.f32 v14, v10;
	v8 =	vsub.f32 $1.500000000e+00, v37  }
0x2ad: {  	v0 =	vperm.xlane v0, v62  }
0x2ae: {  	v39 =	vsub.f32 $1.500000000e+00, v38;
	v8 =	vmul.f32 v9, v8  }
0x2af: {  	v0 =	vsel vm3, v0, v11  }
0x2b0: {  	v0 =	vmax.f32 v0, $9.999999960e-13;
	v9 =	vmul.f32 v39, v10;
	v40 =	vmul.f32 v8, v35  }
0x2b1: {  	v42 =	vshrl.u32 v0, $0x1;
	v43 =	vmul.f32 $5.000000000e-01, v0  }
0x2b2: {  	v5 =	vmul.f32 v9, v5;
	v9 =	vsub.s32 $0x5F3759DF, v42;
	v41 =	vmul.f32 v40, v8  }
0x2b3: {  	v45 =	vmul.f32 v9, v43  }
0x2b4: {  	v5 =	vsub.f32 $0.0e+00, v5;
	v10 =	vsub.f32 $1.500000000e+00, v41;
	v44 =	vpop (erf)  }
0x2b5: {  	v14 =	vmul.f32 v9, v45;
	v46 =	vadd.f32 $1.000000000e+00, v44  }
0x2b6: {  	v5 =	vmul.f32 $1.442695020e+00, v5;
	v8 =	vmul.f32 v10, v8  }
0x2b7: {  	(erf) = vrcp.f32 v46  }
0x2b8: {  	v47 =	vmul.f32 v8, v35;
	(erf) = vpow2.f32 v5;
	v5 =	vsub.f32 $1.500000000e+00, v14;
	_ =	sdelay $0x1  }
0x2b9: {  	v10 =	vmul.f32 v47, v8;
	v5 =	vmul.f32 v9, v5;
	_ =	sdelay $0x1  }
0x2ba: {  	v48 =	vsub.f32 $1.500000000e+00, v10;
	v49 =	vmul.f32 v5, v43;
	_ =	sdelay $0x1  }
0x2bb: {  	v8 =	vmul.f32 v48, v8;
	v50 =	vmul.f32 v49, v5;
	_ =	sdelay $0x1  }
0x2bc: {  	v8 =	vmul.f32 v8, v12;
	v9 =	vsub.f32 $1.500000000e+00, v50  }
0x2bd: {  	v51 =	vpop (erf)  }
0x2be: {  	v52 =	vpop (erf);
	v8 =	vsub.f32 $0.0e+00, v8;
	v5 =	vmul.f32 v9, v5  }
0x2bf: {  	v53 =	vadd.f32 $1.000000000e+00, v52  }
0x2c0: {  	v8 =	vmul.f32 $1.442695020e+00, v8;
	v54 =	vmul.f32 v5, v43  }
0x2c1: {  	(erf) = vrcp.f32 v53  }
0x2c2: {  	(erf) = vpow2.f32 v8;
	v8 =	vmul.f32 v54, v5;
	_ =	sdelay $0x1  }
0x2c3: {  	v8 =	vsub.f32 $1.500000000e+00, v8;
	_ =	sdelay $0x1  }
0x2c4: {  	v5 =	vmul.f32 v8, v5;
	_ =	sdelay $0x2  }
0x2c5: {  	v0 =	vmul.f32 v5, v0  }
0x2c6: {  	v5 =	vpop (erf)  }
0x2c7: {  	v0 =	vsub.f32 $0.0e+00, v0;
	v8 =	vpop (erf)  }
0x2c8: {  	v55 =	vadd.f32 $1.000000000e+00, v8  }
0x2c9: {  	v0 =	vmul.f32 $1.442695020e+00, v0  }
0x2ca: {  	(erf) = vrcp.f32 v55  }
0x2cb: {  	(erf) = vpow2.f32 v0;
	_ =	sdelay $0x7  }
0x2cc: {  	v0 =	vpop (erf)  }
0x2cd: {  	v56 =	vpop (erf)  }
0x2ce: {  	v63 =	vadd.f32 $1.000000000e+00, v56;
	_ =	sdelay $0x1  }
0x2cf: {  	(erf) = vrcp.f32 v63;
	_ =	sdelay $0x6  }
0x2d0: {  	p0 =	seq.s32 s16, $0xF;
	v10 =	vmul.f32 v51, v44  }
.Ltmp1:
0x2d1: {  	v5 =	vmul.f32 v5, v52;
	(pc) =	sbr.rel @p0 .LBB2_6-.Ltmp1, $4  }
0x2d2: {  	[tilespmem:s18+$0x14A00] =	vst v10;
	v0 =	vmul.f32 v0, v8;
	v8 =	vpop (erf)  }
0x2d3: {  	[tilespmem:s18+$0x14C00] =	vst v5;
	v5 =	vmul.f32 v8, v56  }
0x2d4: {  	[tilespmem:s18+$0x14E00] =	vst v0  }
0x2d5: {  	[tilespmem:s18+$0x15000] =	vst v5  }
0x2d6: {  	s5 =	sadd.s32 $0x20, s18  }
0x2d7: {  	[tilespmem:s21], [sflag:$0x1] =	stream.indirect.gather [hbm4b:s1+s20], $0x80, s5, s20, $0xb8;
	[tilespmem:$0x15200] =	vst v63  }
0x2d8: {  	s8 =	sadd.s32 $0x220, s18  }
0x2d9: {  	[tilespmem:s22], [sflag:$0x1] =	stream.indirect.gather [hbm4b:s1+s20], $0x80, s8, s20, $0xb8;
	[tilespmem:$0x15200] =	vst v63  }
0x2da: {  	s6 =	sadd.s32 $0x620, s18  }
0x2db: {  	[tilespmem:s23], [sflag:$0x1] =	stream.indirect.gather [hbm4b:s1+s20], $0x80, s6, s20, $0xb8;
	[tilespmem:$0x15200] =	vst v63  }
0x2dc: {  	s7 =	sadd.s32 $0x820, s18  }
0x2dd: {  	[tilespmem:s24], [sflag:$0x1] =	stream.indirect.gather [hbm4b:s1+s20], $0x80, s7, s20, $0xb8;
	[tilespmem:$0x15200] =	vst v63  }
0x2de: {  	v0 =	vld [tilespmem:s18+$0x420];
	_ =	sdelay $0x4  }
0x2df: {  	(v2sf) =	vpush v0, $0x0;
	_ =	sdelay $0x4  }
0x2e0: {  	(v2sf) =	vpush v0, $0x1;
	_ =	sdelay $0x3  }
0x2e1: {  	(v2sf) =	vpush v0, $0x2;
	_ =	sdelay $0x5  }
0x2e2: {  	s8 =	spop (v2sf);
	(v2sf) =	vpush v0, $0x3;
	_ =	sdelay $0x3  }
0x2e3: {  	s6 =	sxor.u32 $0xFFFFFFFF, s8  }
0x2e4: {  	s5 =	sshll.u32 s8, $0x4;
	s7 =	spop (v2sf);
	(v2sf) =	vpush v0, $0x4;
	s6 =	sshll.u32 s6, $0x7  }
0x2e5: {  	s5 =	sand.u32 $0xFFFFF80, s5;
	s6 =	sand.u32 $0x380, s6  }
0x2e6: {  	s5 =	sadd.s32 s4, s5;
	s6 =	sadd.s32 $0x4A00, s6  }
0x2e7: {  	[tilespmem:s6], [sflag:$0x3] =	stream.linear.gather [hbm4b:s5+s3], $0x400, $0x38;
	[tilespmem:$0x15200] =	vst v63  }
0x2e8: {  	s8 =	sshll.u32 s7, $0x7;
	s5 =	sshll.u32 s7, $0x4;
	s7 =	spop (v2sf);
	(v2sf) =	vpush v0, $0x5  }
0x2e9: {  	_ =	sdelay $0x1  }
0x2ea: {  	s6 =	sand.u32 $0x380, s8;
	s5 =	sand.u32 $0xFFFFF80, s5  }
0x2eb: {  	s6 =	ssub.s32 $0x5580, s6;
	s5 =	sadd.s32 s4, s5  }
0x2ec: {  	[tilespmem:s6], [sflag:$0x3] =	stream.linear.gather [hbm4b:s5+s3], $0x400, $0x38;
	[tilespmem:$0x15200] =	vst v63  }
0x2ed: {  	s8 =	sshll.u32 s7, $0x7;
	s5 =	sshll.u32 s7, $0x4;
	s7 =	spop (v2sf);
	(v2sf) =	vpush v0, $0x6  }
0x2ee: {  	_ = 	snop  }
0x2ef: {  	s6 =	sand.u32 $0x380, s8;
	s5 =	sand.u32 $0xFFFFF80, s5  }
0x2f0: {  	s6 =	ssub.s32 $0x5D80, s6;
	s5 =	sadd.s32 s4, s5  }
0x2f1: {  	[tilespmem:s6], [sflag:$0x3] =	stream.linear.gather [hbm4b:s5+s3], $0x400, $0x38;
	[tilespmem:$0x15200] =	vst v63  }
0x2f2: {  	s8 =	sshll.u32 s7, $0x7;
	s5 =	sshll.u32 s7, $0x4;
	s7 =	spop (v2sf);
	(v2sf) =	vpush v0, $0x7  }
0x2f3: {  	s6 =	sand.u32 $0x380, s8;
	s5 =	sand.u32 $0xFFFFF80, s5  }
0x2f4: {  	s6 =	ssub.s32 $0x6580, s6;
	s5 =	sadd.s32 s4, s5  }
0x2f5: {  	[tilespmem:s6], [sflag:$0x3] =	stream.linear.gather [hbm4b:s5+s3], $0x400, $0x38;
	[tilespmem:$0x15200] =	vst v63  }
0x2f6: {  	s8 =	sshll.u32 s7, $0x7;
	s5 =	sshll.u32 s7, $0x4;
	s7 =	spop (v2sf);
	(v2sf) =	vpush v0, $0x8  }
0x2f7: {  	_ =	sdelay $0x1  }
0x2f8: {  	s6 =	sand.u32 $0x380, s8;
	s5 =	sand.u32 $0xFFFFF80, s5  }
0x2f9: {  	s6 =	ssub.s32 $0x6D80, s6;
	s5 =	sadd.s32 s4, s5  }
0x2fa: {  	[tilespmem:s6], [sflag:$0x3] =	stream.linear.gather [hbm4b:s5+s3], $0x400, $0x38;
	[tilespmem:$0x15200] =	vst v63  }
0x2fb: {  	s8 =	sshll.u32 s7, $0x7;
	s5 =	sshll.u32 s7, $0x4;
	s7 =	spop (v2sf);
	(v2sf) =	vpush v0, $0x9  }
0x2fc: {  	_ = 	snop  }
0x2fd: {  	s6 =	sand.u32 $0x380, s8;
	s5 =	sand.u32 $0xFFFFF80, s5  }
0x2fe: {  	s6 =	ssub.s32 $0x7580, s6;
	s5 =	sadd.s32 s4, s5  }
0x2ff: {  	[tilespmem:s6], [sflag:$0x3] =	stream.linear.gather [hbm4b:s5+s3], $0x400, $0x38;
	[tilespmem:$0x15200] =	vst v63  }
0x300: {  	s8 =	sshll.u32 s7, $0x7;
	s5 =	sshll.u32 s7, $0x4;
	s7 =	spop (v2sf);
	(v2sf) =	vpush v0, $0xA  }
0x301: {  	s6 =	sand.u32 $0x380, s8;
	s5 =	sand.u32 $0xFFFFF80, s5  }
0x302: {  	s6 =	ssub.s32 $0x7D80, s6;
	s5 =	sadd.s32 s4, s5  }
0x303: {  	[tilespmem:s6], [sflag:$0x3] =	stream.linear.gather [hbm4b:s5+s3], $0x400, $0x38;
	[tilespmem:$0x15200] =	vst v63  }
0x304: {  	s8 =	sshll.u32 s7, $0x7;
	s5 =	sshll.u32 s7, $0x4;
	s7 =	spop (v2sf);
	(v2sf) =	vpush v0, $0xB  }
0x305: {  	_ =	sdelay $0x1  }
0x306: {  	s6 =	sand.u32 $0x380, s8;
	s5 =	sand.u32 $0xFFFFF80, s5  }
0x307: {  	s6 =	ssub.s32 $0x8580, s6;
	s5 =	sadd.s32 s4, s5  }
0x308: {  	[tilespmem:s6], [sflag:$0x3] =	stream.linear.gather [hbm4b:s5+s3], $0x400, $0x38;
	[tilespmem:$0x15200] =	vst v63  }
0x309: {  	s8 =	sshll.u32 s7, $0x7;
	s5 =	sshll.u32 s7, $0x4;
	s7 =	spop (v2sf);
	(v2sf) =	vpush v0, $0xC  }
0x30a: {  	_ = 	snop  }
0x30b: {  	s6 =	sand.u32 $0x380, s8;
	s5 =	sand.u32 $0xFFFFF80, s5  }
0x30c: {  	s6 =	ssub.s32 $0x8D80, s6;
	s5 =	sadd.s32 s4, s5  }
0x30d: {  	[tilespmem:s6], [sflag:$0x3] =	stream.linear.gather [hbm4b:s5+s3], $0x400, $0x38;
	[tilespmem:$0x15200] =	vst v63  }
0x30e: {  	s8 =	sshll.u32 s7, $0x7;
	s5 =	sshll.u32 s7, $0x4;
	s7 =	spop (v2sf);
	(v2sf) =	vpush v0, $0xD  }
0x30f: {  	s6 =	sand.u32 $0x380, s8;
	s5 =	sand.u32 $0xFFFFF80, s5  }
0x310: {  	s6 =	ssub.s32 $0x9580, s6;
	s5 =	sadd.s32 s4, s5  }
0x311: {  	[tilespmem:s6], [sflag:$0x3] =	stream.linear.gather [hbm4b:s5+s3], $0x400, $0x38;
	[tilespmem:$0x15200] =	vst v63  }
0x312: {  	s8 =	sshll.u32 s7, $0x7;
	s5 =	sshll.u32 s7, $0x4;
	s7 =	spop (v2sf);
	(v2sf) =	vpush v0, $0xE  }
0x313: {  	_ = 	snop  }
0x314: {  	s6 =	sand.u32 $0x380, s8;
	s5 =	sand.u32 $0xFFFFF80, s5  }
0x315: {  	s6 =	ssub.s32 $0x9D80, s6;
	s5 =	sadd.s32 s4, s5  }
0x316: {  	[tilespmem:s6], [sflag:$0x3] =	stream.linear.gather [hbm4b:s5+s3], $0x400, $0x38;
	[tilespmem:$0x15200] =	vst v63  }
0x317: {  	s8 =	sshll.u32 s7, $0x7;
	s5 =	sshll.u32 s7, $0x4  }
0x318: {  	s6 =	sand.u32 $0x380, s8;
	s5 =	sand.u32 $0xFFFFF80, s5;
	s7 =	spop (v2sf);
	(v2sf) =	vpush v0, $0xF  }
0x319: {  	s6 =	ssub.s32 $0xA580, s6;
	s5 =	sadd.s32 s4, s5  }
0x31a: {  	[tilespmem:s6], [sflag:$0x3] =	stream.linear.gather [hbm4b:s5+s3], $0x400, $0x38;
	[tilespmem:$0x15200] =	vst v63  }
0x31b: {  	s8 =	sshll.u32 s7, $0x7;
	s5 =	sshll.u32 s7, $0x4  }
0x31c: {  	s6 =	sand.u32 $0x380, s8;
	s5 =	sand.u32 $0xFFFFF80, s5  }
0x31d: {  	s7 =	spop (v2sf);
	s6 =	ssub.s32 $0xAD80, s6;
	s5 =	sadd.s32 s4, s5  }
0x31e: {  	[tilespmem:s6], [sflag:$0x3] =	stream.linear.gather [hbm4b:s5+s3], $0x400, $0x38;
	[tilespmem:$0x15200] =	vst v63  }
0x31f: {  	s8 =	sshll.u32 s7, $0x7;
	s5 =	sshll.u32 s7, $0x4  }
0x320: {  	s6 =	sand.u32 $0x380, s8;
	s5 =	sand.u32 $0xFFFFF80, s5  }
0x321: {  	s6 =	ssub.s32 $0xB580, s6;
	s7 =	spop (v2sf);
	s5 =	sadd.s32 s4, s5  }
0x322: {  	[tilespmem:s6], [sflag:$0x3] =	stream.linear.gather [hbm4b:s5+s3], $0x400, $0x38;
	[tilespmem:$0x15200] =	vst v63  }
0x323: {  	s8 =	sshll.u32 s7, $0x7;
	s5 =	sshll.u32 s7, $0x4  }
0x324: {  	s6 =	sand.u32 $0x380, s8;
	s5 =	sand.u32 $0xFFFFF80, s5  }
0x325: {  	s6 =	ssub.s32 $0xBD80, s6;
	s5 =	sadd.s32 s4, s5  }
0x326: {  	[tilespmem:s6], [sflag:$0x3] =	stream.linear.gather [hbm4b:s5+s3], $0x400, $0x38;
	[tilespmem:$0x15200] =	vst v63  }
0x327: {  	s7 =	spop (v2sf)  }
0x328: {  	s8 =	sshll.u32 s7, $0x7;
	s5 =	sshll.u32 s7, $0x4  }
0x329: {  	s6 =	sand.u32 $0x380, s8;
	s5 =	sand.u32 $0xFFFFF80, s5  }
0x32a: {  	s6 =	ssub.s32 $0xC580, s6;
	s5 =	sadd.s32 s4, s5  }
0x32b: {  	[tilespmem:s6], [sflag:$0x3] =	stream.linear.gather [hbm4b:s5+s3], $0x400, $0x38;
	[tilespmem:$0x15200] =	vst v63  }
.LBB2_6:
0x32c: {  	_ =	swait.ge [sflag:s0], $0x2000  }
0x32d: {  	[sflag:s0] =	ssyncset.done $0x0  }
0x32e: {  	[sflag:s0] =	ssyncadd.s32 $0xFFFFE000  }
0x32f: {  	_ =	swait.ge [sflag:s2], $0x400  }
0x330: {  	[sflag:s2] =	ssyncset.done $0x0  }
0x331: {  	[sflag:s2] =	ssyncadd.s32 $0xFFFFFC00  }
0x332: {  	_ =	swait.ge [sflag:s2], $0x400  }
0x333: {  	[sflag:s2] =	ssyncset.done $0x0  }
0x334: {  	[sflag:s2] =	ssyncadd.s32 $0xFFFFFC00  }
0x335: {  	_ =	swait.ge [sflag:s2], $0x400  }
0x336: {  	[sflag:s2] =	ssyncset.done $0x0  }
0x337: {  	[sflag:s2] =	ssyncadd.s32 $0xFFFFFC00  }
0x338: {  	_ =	swait.ge [sflag:s2], $0x400  }
0x339: {  	[sflag:s2] =	ssyncset.done $0x0  }
0x33a: {  	[sflag:s2] =	ssyncadd.s32 $0xFFFFFC00  }
0x33b: {  	_ =	swait.ge [sflag:s2], $0x400  }
0x33c: {  	[sflag:s2] =	ssyncset.done $0x0  }
0x33d: {  	[sflag:s2] =	ssyncadd.s32 $0xFFFFFC00  }
0x33e: {  	_ =	swait.ge [sflag:s2], $0x400  }
0x33f: {  	[sflag:s2] =	ssyncset.done $0x0  }
0x340: {  	[sflag:s2] =	ssyncadd.s32 $0xFFFFFC00  }
0x341: {  	_ =	swait.ge [sflag:s2], $0x400  }
0x342: {  	[sflag:s2] =	ssyncset.done $0x0  }
0x343: {  	[sflag:s2] =	ssyncadd.s32 $0xFFFFFC00  }
0x344: {  	_ =	swait.ge [sflag:s2], $0x400  }
0x345: {  	[sflag:s2] =	ssyncset.done $0x0  }
0x346: {  	[sflag:s2] =	ssyncadd.s32 $0xFFFFFC00  }
0x347: {  	_ =	swait.ge [sflag:s2], $0x400  }
0x348: {  	[sflag:s2] =	ssyncset.done $0x0  }
0x349: {  	[sflag:s2] =	ssyncadd.s32 $0xFFFFFC00  }
0x34a: {  	_ =	swait.ge [sflag:s2], $0x400  }
0x34b: {  	[sflag:s2] =	ssyncset.done $0x0  }
0x34c: {  	[sflag:s2] =	ssyncadd.s32 $0xFFFFFC00  }
0x34d: {  	_ =	swait.ge [sflag:s2], $0x400  }
0x34e: {  	[sflag:s2] =	ssyncset.done $0x0  }
0x34f: {  	[sflag:s2] =	ssyncadd.s32 $0xFFFFFC00  }
0x350: {  	_ =	swait.ge [sflag:s2], $0x400  }
0x351: {  	[sflag:s2] =	ssyncset.done $0x0  }
0x352: {  	[sflag:s2] =	ssyncadd.s32 $0xFFFFFC00  }
0x353: {  	_ =	swait.ge [sflag:s2], $0x400  }
0x354: {  	[sflag:s2] =	ssyncset.done $0x0  }
0x355: {  	[sflag:s2] =	ssyncadd.s32 $0xFFFFFC00  }
0x356: {  	_ =	swait.ge [sflag:s2], $0x400  }
0x357: {  	[sflag:s2] =	ssyncset.done $0x0  }
0x358: {  	[sflag:s2] =	ssyncadd.s32 $0xFFFFFC00  }
0x359: {  	_ =	swait.ge [sflag:s2], $0x400  }
0x35a: {  	[sflag:s2] =	ssyncset.done $0x0  }
0x35b: {  	[sflag:s2] =	ssyncadd.s32 $0xFFFFFC00  }
0x35c: {  	_ =	swait.ge [sflag:s2], $0x400  }
0x35d: {  	[sflag:s2] =	ssyncset.done $0x0  }
0x35e: {  	s5 =	simm.s32 $0x4270;
	[sflag:s2] =	ssyncadd.s32 $0xFFFFFC00  }
0x35f: {  	v12 =	vld [tilespmem:s5+$0xFFFFF800]  }
0x360: {  	v0 =	vld [tilespmem:s5+$0xFFFFF7F0]  }
0x361: {  	v5 =	vld [tilespmem:s5+$0xFFFFF7E0]  }
0x362: {  	v8 =	vld [tilespmem:s5+$0xFFFFF7D0]  }
0x363: {  	v9 =	vld [tilespmem:s5+$0xFFFFF7C0]  }
0x364: {  	s6 =	simm.s32 $0x0;
	v15 =	vld [tilespmem:s5+$0xFFFFF7B0]  }
0x365: {  	v16 =	vld [tilespmem:s6+$0xCDB0]  }
0x366: {  	v17 =	vld [tilespmem:s6+$0xCDA0]  }
0x367: {  	v18 =	vld [tilespmem:s6+$0xCD90]  }
0x368: {  	v19 =	vld [tilespmem:s6+$0xCD80]  }
0x369: {  	v27 =	vld [tilespmem:s5+$0xFFFFF790];
	v13 =	vperm.xlane v12, v4  }
0x36a: {  	v30 =	vld [tilespmem:s5+$0xFFFFF7A0];
	v20 =	vperm.xlane v5, v4;
	v21 =	vperm.xlane v0, v4  }
0x36b: {  	v22 =	vperm.xlane v9, v4;
	v23 =	vperm.xlane v8, v4  }
0x36c: {  	v10 =	vmul.f32 v16, v16;
	v24 =	vperm.xlane v15, v4  }
0x36d: {  	v11 =	vmul.f32 v18, v18;
	v14 =	vmul.f32 v17, v17  }
0x36e: {  	v25 =	vmul.f32 v19, v19;
	v36 =	vperm.xlane v27, v4  }
0x36f: {  	v37 =	vperm.xlane v30, v4;
	v26 =	vmul.f32 $1.388888920e-03, v10  }
0x370: {  	v28 =	vmul.f32 $1.388888920e-03, v14;
	v29 =	vmul.f32 $1.984127010e-04, v10  }
0x371: {  	v31 =	vmul.f32 $1.388888920e-03, v11;
	v32 =	vmul.f32 $1.984127010e-04, v14  }
0x372: {  	v33 =	vmul.f32 $1.388888920e-03, v25;
	v28 =	vsub.f32 $4.166666790e-02, v28;
	v26 =	vsub.f32 $4.166666790e-02, v26  }
0x373: {  	v34 =	vmul.f32 $1.984127010e-04, v11;
	v31 =	vsub.f32 $4.166666790e-02, v31;
	v29 =	vsub.f32 $8.333333770e-03, v29  }
0x374: {  	v35 =	vmul.f32 $1.984127010e-04, v25;
	v33 =	vsub.f32 $4.166666790e-02, v33;
	v32 =	vsub.f32 $8.333333770e-03, v32  }
0x375: {  	v34 =	vsub.f32 $8.333333770e-03, v34;
	v28 =	vmul.f32 v28, v14;
	v26 =	vmul.f32 v26, v10  }
0x376: {  	v35 =	vsub.f32 $8.333333770e-03, v35;
	v31 =	vmul.f32 v31, v11;
	v29 =	vmul.f32 v29, v10  }
0x377: {  	v33 =	vmul.f32 v33, v25;
	v32 =	vmul.f32 v32, v14;
	v26 =	vadd.f32 $-5.000000000e-01, v26  }
0x378: {  	v34 =	vmul.f32 v34, v11;
	v28 =	vadd.f32 $-5.000000000e-01, v28;
	v29 =	vadd.f32 $-1.666666720e-01, v29  }
0x379: {  	v35 =	vmul.f32 v35, v25;
	v31 =	vadd.f32 $-5.000000000e-01, v31;
	v32 =	vadd.f32 $-1.666666720e-01, v32  }
0x37a: {  	v33 =	vadd.f32 $-5.000000000e-01, v33;
	v28 =	vmul.f32 v28, v14;
	v26 =	vmul.f32 v26, v10  }
0x37b: {  	v34 =	vadd.f32 $-1.666666720e-01, v34;
	v31 =	vmul.f32 v31, v11;
	v10 =	vmul.f32 v29, v10  }
0x37c: {  	v45 =	vadd.f32 $-1.666666720e-01, v35;
	v29 =	vmul.f32 v33, v25;
	v14 =	vmul.f32 v32, v14  }
0x37d: {  	v46 =	vmul.f32 v34, v11;
	v28 =	vadd.f32 $1.000000000e+00, v28;
	v11 =	vadd.f32 $1.000000000e+00, v26  }
0x37e: {  	v25 =	vmul.f32 v45, v25;
	v26 =	vadd.f32 $1.000000000e+00, v31;
	v31 =	vadd.f32 $1.000000000e+00, v10  }
0x37f: {  	v47 =	vadd.f32 $1.000000000e+00, v14;
	v10 =	vperm.xlane v11, v1;
	v48 =	vperm.xlane v28, v1  }
0x380: {  	v29 =	vadd.f32 $1.000000000e+00, v29;
	v14 =	vperm.xlane v28, v2;
	v49 =	vperm.xlane v26, v2  }
0x381: {  	v25 =	vadd.f32 $1.000000000e+00, v25;
	v16 =	vmul.f32 v31, v16;
	v26 =	vperm.xlane v26, v1  }
0x382: {  	v28 =	vadd.f32 $1.000000000e+00, v46;
	v17 =	vmul.f32 v47, v17;
	v31 =	vperm.xlane v29, v1  }
0x383: {  	v29 =	vperm.xlane v29, v2;
	v19 =	vmul.f32 v25, v19  }
0x384: {  	v18 =	vmul.f32 v28, v18;
	v25 =	vperm.xlane v16, v2  }
0x385: {  	v16 =	vperm.xlane v16, v1;
	v5 =	vmul.f32 v5, v14  }
0x386: {  	v28 =	vperm.xlane v17, v1;
	v17 =	vperm.xlane v17, v2  }
0x387: {  	v15 =	vmul.f32 v15, v26;
	v51 =	vperm.xlane v19, v1  }
0x388: {  	v19 =	vperm.xlane v19, v2;
	v27 =	vmul.f32 v27, v31  }
0x389: {  	v30 =	vmul.f32 v30, v29;
	v9 =	vmul.f32 v9, v49  }
0x38a: {  	v50 =	vperm.xlane v18, v2;
	v18 =	vperm.xlane v18, v1  }
0x38b: {  	v38 =	vld [tilespmem:s5+$0xFFFFFF90];
	v35 =	vmul.f32 v3, v51;
	v19 =	vmul.f32 v3, v19  }
0x38c: {  	v39 =	vld [tilespmem:s5+$0xFFFFFFA0];
	v8 =	vmul.f32 v8, v48;
	v18 =	vmul.f32 v3, v18  }
0x38d: {  	v36 =	vmul.f32 v36, v35;
	v37 =	vmul.f32 v37, v19  }
0x38e: {  	v33 =	vmul.f32 v3, v50;
	v24 =	vmul.f32 v24, v18  }
0x38f: {  	v40 =	vld [tilespmem:s5+$0xFFFFFFB0];
	v28 =	vmul.f32 v3, v28;
	v27 =	vadd.f32 v36, v27;
	v30 =	vadd.f32 v37, v30  }
0x390: {  	v17 =	vmul.f32 v3, v17;
	v22 =	vmul.f32 v22, v33;
	v15 =	vadd.f32 v24, v15  }
0x391: {  	v23 =	vmul.f32 v23, v28;
	v24 =	vld [tilespmem:s5+$0xFFFFFFC0];
	v27 =	vsub.f32 v27, v38;
	v30 =	vsub.f32 v30, v39  }
0x392: {  	v16 =	vmul.f32 v3, v16;
	v20 =	vmul.f32 v20, v17;
	v9 =	vadd.f32 v22, v9;
	v22 =	vld [tilespmem:s5+$0xFFFFFFD0]  }
0x393: {  	v8 =	vadd.f32 v23, v8;
	v23 =	vld [tilespmem:s5+$0xFFFFFFE0];
	v27 =	vmul.f32 v27, v27;
	v30 =	vmul.f32 v30, v30  }
0x394: {  	v11 =	vperm.xlane v11, v2;
	v5 =	vadd.f32 v20, v5;
	v20 =	vld [tilespmem:s5+$0xFFFFFFF0];
	v15 =	vsub.f32 v15, v40  }
0x395: {  	v0 =	vmul.f32 v0, v10;
	v21 =	vmul.f32 v21, v16;
	v27 =	vadd.f32 v30, v27  }
0x396: {  	v15 =	vmul.f32 v15, v15;
	v9 =	vsub.f32 v9, v24;
	v24 =	vmul.f32 v3, v25;
	v25 =	vld [tilespmem:s5+$0xFFFFE790]  }
0x397: {  	s8 =	simm.s32 $0x42F0;
	v12 =	vmul.f32 v12, v11;
	v0 =	vadd.f32 v21, v0;
	v21 =	vld [tilespmem:s5+$0x0];
	v8 =	vsub.f32 v8, v22  }
0x398: {  	v30 =	vld [tilespmem:s8+$0xFFFFF7C0];
	v15 =	vadd.f32 v15, v27;
	v9 =	vmul.f32 v9, v9;
	v13 =	vmul.f32 v13, v24  }
0x399: {  	v5 =	vsub.f32 v5, v23;
	v0 =	vsub.f32 v0, v20;
	v22 =	vld [tilespmem:s5+$0xFFFFE7A0]  }
0x39a: {  	v8 =	vmul.f32 v8, v8;
	v9 =	vadd.f32 v9, v15;
	v12 =	vadd.f32 v13, v12;
	v13 =	vld [tilespmem:s5+$0xFFFFE7B0]  }
0x39b: {  	v15 =	vperm.xlane v25, v4  }
0x39c: {  	v42 =	vld [tilespmem:s8+$0xFFFFF7A0];
	v5 =	vmul.f32 v5, v5;
	v0 =	vmul.f32 v0, v0;
	v8 =	vadd.f32 v8, v9  }
0x39d: {  	v20 =	vld [tilespmem:s5+$0xFFFFEF90];
	v25 =	vmul.f32 v25, v31;
	v15 =	vmul.f32 v15, v35  }
0x39e: {  	v9 =	vld [tilespmem:s5+$0xFFFFE7C0];
	v35 =	vperm.xlane v30, v4;
	v5 =	vadd.f32 v5, v8;
	v8 =	vsub.f32 v12, v21  }
0x39f: {  	v23 =	vld [tilespmem:s5+$0xFFFFE7D0];
	v21 =	vperm.xlane v22, v4;
	v27 =	vperm.xlane v13, v4;
	v15 =	vadd.f32 v15, v25  }
0x3a0: {  	v12 =	vld [tilespmem:s5+$0xFFFFEFA0];
	v13 =	vmul.f32 v13, v26;
	v0 =	vadd.f32 v0, v5;
	v5 =	vmul.f32 v8, v8  }
0x3a1: {  	v8 =	vld [tilespmem:s5+$0xFFFFEFB0];
	v19 =	vmul.f32 v21, v19;
	v21 =	vmul.f32 v22, v29  }
0x3a2: {  	v22 =	vld [tilespmem:s5+$0xFFFFE7E0];
	v18 =	vmul.f32 v27, v18;
	v15 =	vsub.f32 v15, v20;
	v0 =	vadd.f32 v5, v0  }
0x3a3: {  	s7 =	simm.s32 $0x800;
	v39 =	vld [tilespmem:s8+$0xFFFFF790];
	v19 =	vadd.f32 v19, v21;
	v21 =	vperm.xlane v9, v4;
	v9 =	vmul.f32 v9, v49  }
0x3a4: {  	v32 =	vld [tilespmem:s7+$0xCDA0];
	v49 =	vperm.xlane v42, v4;
	v13 =	vadd.f32 v18, v13;
	v27 =	vmul.f32 v15, v15  }
0x3a5: {  	v25 =	vld [tilespmem:s5+$0xFFFFE7F0];
	v18 =	vperm.xlane v23, v4;
	v20 =	vperm.xlane v0, v58;
	v12 =	vsub.f32 v19, v12  }
0x3a6: {  	v5 =	vld [tilespmem:s5+$0xFFFFEFC0];
	v19 =	vmul.f32 v21, v33;
	v8 =	vsub.f32 v13, v8;
	v13 =	vmul.f32 v23, v48  }
0x3a7: {  	v26 =	vld [tilespmem:s5+$0xFFFFEFD0];
	v18 =	vmul.f32 v18, v28;
	v14 =	vmul.f32 v22, v14  }
0x3a8: {  	v21 =	vld [tilespmem:s5+$0xFFFFE800];
	v48 =	vperm.xlane v39, v4;
	v0 =	vadd.f32 v20, v0;
	v29 =	vmul.f32 v12, v12  }
0x3a9: {  	v28 =	vld [tilespmem:s8+$0xFFFFF7E0];
	v9 =	vadd.f32 v19, v9;
	v20 =	vperm.xlane v22, v4;
	v8 =	vmul.f32 v8, v8  }
0x3aa: {  	v15 =	vld [tilespmem:s5+$0xFFFFEFE0];
	v13 =	vadd.f32 v18, v13;
	v18 =	vperm.xlane v25, v4;
	v25 =	vmul.f32 v25, v10  }
0x3ab: {  	v22 =	vld [tilespmem:s8+$0xFFFFF7D0];
	v19 =	vperm.xlane v0, v59;
	v5 =	vsub.f32 v9, v5;
	v17 =	vmul.f32 v20, v17  }
0x3ac: {  	v33 =	vld [tilespmem:s7+$0xCD80];
	v20 =	vmul.f32 v32, v32;
	v31 =	vmul.f32 v18, v16  }
0x3ad: {  	v9 =	vld [tilespmem:s8+$0xFFFFF7F0];
	v13 =	vsub.f32 v13, v26;
	v16 =	vperm.xlane v21, v4;
	v5 =	vmul.f32 v5, v5  }
0x3ae: {  	v12 =	vld [tilespmem:s8+$0xFFFFF800];
	v0 =	vadd.f32 v19, v0;
	v34 =	vperm.xlane v28, v4;
	v53 =	vmul.f32 $1.388888920e-03, v20  }
0x3af: {  	v26 =	vld [tilespmem:s8+$0xFFFFF7B0];
	v17 =	vadd.f32 v17, v14;
	v44 =	vmul.f32 $1.984127010e-04, v20;
	v14 =	vmul.f32 v13, v13  }
0x3b0: {  	v18 =	vmul.f32 v16, v24;
	v36 =	vperm.xlane v22, v4  }
0x3b1: {  	v24 =	vld [tilespmem:s7+$0xCD90];
	v19 =	vperm.xlane v0, v60;
	v13 =	vsub.f32 v17, v15;
	v17 =	vmul.f32 v21, v11  }
0x3b2: {  	v21 =	vmul.f32 v33, v33;
	v40 =	vsub.f32 $4.166666790e-02, v53;
	v23 =	vperm.xlane v9, v4  }
0x3b3: {  	v10 =	vadd.f32 v19, v0;
	v13 =	vmul.f32 v13, v13;
	v19 =	vperm.xlane v12, v4  }
0x3b4: {  	v44 =	vsub.f32 $8.333333770e-03, v44;
	v37 =	vperm.xlane v26, v4;
	v45 =	vmul.f32 $1.388888920e-03, v21  }
0x3b5: {  	v0 =	vld [tilespmem:s7+$0xCDB0];
	v47 =	vmul.f32 $1.984127010e-04, v21;
	v40 =	vmul.f32 v40, v20  }
0x3b6: {  	v44 =	vmul.f32 v44, v20;
	v16 =	vmul.f32 v24, v24  }
0x3b7: {  	v11 =	vperm.xlane v10, v62;
	v45 =	vsub.f32 $4.166666790e-02, v45;
	v47 =	vsub.f32 $8.333333770e-03, v47  }
0x3b8: {  	v40 =	vadd.f32 $-5.000000000e-01, v40;
	v43 =	vmul.f32 $1.388888920e-03, v16;
	v46 =	vmul.f32 $1.984127010e-04, v16  }
0x3b9: {  	v44 =	vadd.f32 $-1.666666720e-01, v44;
	v45 =	vmul.f32 v45, v21;
	v47 =	vmul.f32 v47, v21  }
0x3ba: {  	v40 =	vmul.f32 v40, v20;
	v15 =	vmul.f32 v0, v0  }
0x3bb: {  	v20 =	vmul.f32 v44, v20;
	v43 =	vsub.f32 $4.166666790e-02, v43;
	v46 =	vsub.f32 $8.333333770e-03, v46  }
0x3bc: {  	v45 =	vadd.f32 $-5.000000000e-01, v45;
	v55 =	vadd.f32 $-1.666666720e-01, v47;
	v52 =	vmul.f32 $1.388888920e-03, v15  }
0x3bd: {  	v40 =	vadd.f32 $1.000000000e+00, v40;
	v41 =	vmul.f32 $1.984127010e-04, v15;
	v43 =	vmul.f32 v43, v16  }
0x3be: {  	v50 =	vadd.f32 $1.000000000e+00, v20;
	v46 =	vmul.f32 v46, v16;
	v54 =	vmul.f32 v45, v21  }
0x3bf: {  	v27 =	vadd.f32 v29, v27;
	v45 =	vmul.f32 v55, v21;
	v20 =	vperm.xlane v40, v2  }
0x3c0: {  	v21 =	vperm.xlane v40, v1;
	v32 =	vmul.f32 v50, v32;
	v38 =	vsub.f32 $4.166666790e-02, v52  }
0x3c1: {  	v41 =	vsub.f32 $8.333333770e-03, v41;
	v43 =	vadd.f32 $-5.000000000e-01, v43;
	v28 =	vmul.f32 v28, v20  }
0x3c2: {  	v46 =	vadd.f32 $-1.666666720e-01, v46;
	v44 =	vperm.xlane v32, v1;
	v32 =	vperm.xlane v32, v2  }
0x3c3: {  	v53 =	vadd.f32 $1.000000000e+00, v45;
	v22 =	vmul.f32 v22, v21;
	v38 =	vmul.f32 v38, v15  }
0x3c4: {  	v51 =	vadd.f32 $1.000000000e+00, v54;
	v41 =	vmul.f32 v41, v15;
	v43 =	vmul.f32 v43, v16  }
0x3c5: {  	v56 =	vmul.f32 v46, v16;
	v33 =	vmul.f32 v53, v33  }
0x3c6: {  	v8 =	vadd.f32 v8, v27;
	v45 =	vperm.xlane v51, v1;
	v32 =	vmul.f32 v3, v32  }
0x3c7: {  	v38 =	vadd.f32 $-5.000000000e-01, v38;
	v41 =	vadd.f32 $-1.666666720e-01, v41;
	v29 =	vperm.xlane v33, v1  }
0x3c8: {  	v43 =	vadd.f32 $1.000000000e+00, v43;
	v33 =	vperm.xlane v33, v2;
	v39 =	vmul.f32 v39, v45  }
0x3c9: {  	v52 =	vadd.f32 $1.000000000e+00, v56;
	v34 =	vmul.f32 v34, v32;
	v38 =	vmul.f32 v38, v15  }
0x3ca: {  	v25 =	vadd.f32 v31, v25;
	v15 =	vmul.f32 v41, v15;
	v41 =	vperm.xlane v43, v2  }
0x3cb: {  	v5 =	vadd.f32 v5, v8;
	v43 =	vperm.xlane v43, v1;
	v24 =	vmul.f32 v52, v24  }
0x3cc: {  	v55 =	vld [tilespmem:s5+$0xFFFFEFF0];
	v27 =	vmul.f32 v3, v29;
	v29 =	vmul.f32 v3, v33;
	v38 =	vadd.f32 $1.000000000e+00, v38  }
0x3cd: {  	v5 =	vadd.f32 v14, v5;
	v54 =	vperm.xlane v24, v2;
	v24 =	vperm.xlane v24, v1  }
0x3ce: {  	v63 =	vadd.f32 $1.000000000e+00, v15;
	v8 =	vmul.f32 v48, v27;
	v16 =	vperm.xlane v38, v1  }
0x3cf: {  	v17 =	vadd.f32 v18, v17;
	v56 =	vld [tilespmem:s8+$0xFFFFFF90];
	v15 =	vperm.xlane v38, v2;
	v38 =	vperm.xlane v51, v2  }
0x3d0: {  	v31 =	vld [tilespmem:s8+$0xFFFFFFA0];
	v5 =	vadd.f32 v13, v5;
	v0 =	vmul.f32 v63, v0;
	v63 =	vmul.f32 v49, v29  }
0x3d1: {  	v25 =	vsub.f32 v25, v55;
	v24 =	vmul.f32 v3, v24;
	v42 =	vmul.f32 v42, v38  }
0x3d2: {  	v52 =	vld [tilespmem:s8+$0xFFFFFFB0];
	v26 =	vmul.f32 v26, v43;
	v46 =	vmul.f32 v3, v54;
	v8 =	vadd.f32 v8, v39  }
0x3d3: {  	v30 =	vmul.f32 v30, v41;
	v37 =	vmul.f32 v37, v24;
	v53 =	vadd.f32 v63, v42  }
0x3d4: {  	v55 =	vld [tilespmem:s8+$0xFFFFFFC0];
	v54 =	vmul.f32 v3, v44;
	v35 =	vmul.f32 v35, v46;
	v8 =	vsub.f32 v8, v56  }
0x3d5: {  	v40 =	vperm.xlane v0, v2;
	v56 =	vld [tilespmem:s8+$0xFFFFFFD0];
	v26 =	vadd.f32 v37, v26;
	v31 =	vsub.f32 v53, v31  }
0x3d6: {  	v0 =	vperm.xlane v0, v1;
	v63 =	vmul.f32 v36, v54;
	v30 =	vadd.f32 v35, v30  }
0x3d7: {  	v47 =	vld [tilespmem:s8+$0xFFFFFFE0];
	v8 =	vmul.f32 v8, v8;
	v26 =	vsub.f32 v26, v52;
	v31 =	vmul.f32 v31, v31  }
0x3d8: {  	v50 =	vld [tilespmem:s8+$0xFFFFE7A0];
	v28 =	vadd.f32 v34, v28;
	v0 =	vmul.f32 v3, v0;
	v22 =	vadd.f32 v63, v22  }
0x3d9: {  	v49 =	vld [tilespmem:s8+$0xFFFFFFF0];
	v30 =	vsub.f32 v30, v55;
	v26 =	vmul.f32 v26, v26;
	v8 =	vadd.f32 v31, v8  }
0x3da: {  	v48 =	vld [tilespmem:s8+$0xFFFFE790];
	v9 =	vmul.f32 v9, v16;
	v23 =	vmul.f32 v23, v0;
	v22 =	vsub.f32 v22, v56  }
0x3db: {  	v44 =	vld [tilespmem:s5+$0xFFFFF000];
	v31 =	vmul.f32 v3, v40;
	v8 =	vadd.f32 v26, v8;
	v26 =	vmul.f32 v30, v30  }
0x3dc: {  	v12 =	vmul.f32 v12, v15;
	v9 =	vadd.f32 v23, v9;
	v23 =	vld [tilespmem:s8+$0x0];
	v22 =	vmul.f32 v22, v22  }
0x3dd: {  	v19 =	vmul.f32 v19, v31;
	v8 =	vadd.f32 v26, v8;
	v26 =	vsub.f32 v28, v47  }
0x3de: {  	v25 =	vmul.f32 v25, v25;
	s5 =	simm.s32 $0x4370;
	v13 =	vmul.f32 v50, v38;
	v9 =	vsub.f32 v9, v49  }
0x3df: {  	v42 =	vld [tilespmem:s5+$0xFFFFF790];
	v12 =	vadd.f32 v19, v12;
	v8 =	vadd.f32 v22, v8;
	v18 =	vmul.f32 v26, v26  }
0x3e0: {  	v17 =	vsub.f32 v17, v44;
	v9 =	vmul.f32 v9, v9;
	v19 =	vld [tilespmem:s8+$0xFFFFE7B0];
	v22 =	vperm.xlane v48, v4  }
0x3e1: {  	v28 =	vld [tilespmem:s8+$0xFFFFE7C0];
	v26 =	vperm.xlane v50, v4;
	v12 =	vsub.f32 v12, v23;
	v8 =	vadd.f32 v18, v8  }
0x3e2: {  	v5 =	vadd.f32 v25, v5;
	v14 =	vmul.f32 v17, v17;
	v23 =	vld [tilespmem:s8+$0xFFFFEFA0];
	v22 =	vmul.f32 v22, v27  }
0x3e3: {  	v17 =	vld [tilespmem:s8+$0xFFFFEF90];
	v26 =	vmul.f32 v26, v29;
	v8 =	vadd.f32 v9, v8;
	v9 =	vmul.f32 v12, v12  }
0x3e4: {  	v5 =	vadd.f32 v14, v5;
	v18 =	vperm.xlane v10, v61;
	v10 =	vld [tilespmem:s8+$0xFFFFE7D0];
	v12 =	vmul.f32 v48, v45  }
0x3e5: {  	v27 =	vperm.xlane v19, v4;
	v13 =	vadd.f32 v26, v13;
	v8 =	vadd.f32 v9, v8;
	v9 =	vld [tilespmem:s8+$0xFFFFEFB0]  }
0x3e6: {  	s7 =	simm.s32 $0x1000;
	v50 =	vperm.xlane v42, v4;
	v25 =	vperm.xlane v28, v4;
	v12 =	vadd.f32 v22, v12;
	v22 =	vld [tilespmem:s8+$0xFFFFE7E0]  }
0x3e7: {  	v35 =	vld [tilespmem:s7+$0xCDA0];
	v19 =	vmul.f32 v19, v43;
	v24 =	vmul.f32 v27, v24;
	v13 =	vsub.f32 v13, v23  }
0x3e8: {  	v29 =	vld [tilespmem:s8+$0xFFFFEFC0];
	v25 =	vmul.f32 v25, v46;
	v26 =	vperm.xlane v8, v58;
	v12 =	vsub.f32 v12, v17  }
0x3e9: {  	v23 =	vmul.f32 v28, v41;
	v19 =	vadd.f32 v24, v19;
	v17 =	vld [tilespmem:s8+$0xFFFFE7F0];
	v27 =	vmul.f32 v13, v13  }
0x3ea: {  	v14 =	vld [tilespmem:s8+$0xFFFFEFD0];
	v8 =	vadd.f32 v26, v8;
	v24 =	vmul.f32 v12, v12;
	v12 =	vperm.xlane v10, v4  }
0x3eb: {  	v26 =	vld [tilespmem:s8+$0xFFFFE800];
	v10 =	vmul.f32 v10, v21;
	v9 =	vsub.f32 v19, v9;
	v19 =	vperm.xlane v22, v4  }
0x3ec: {  	v46 =	vld [tilespmem:s5+$0xFFFFF7A0];
	v20 =	vmul.f32 v22, v20;
	v22 =	vadd.f32 v25, v23;
	v13 =	vperm.xlane v8, v59  }
0x3ed: {  	v28 =	vld [tilespmem:s8+$0xFFFFEFE0];
	v12 =	vmul.f32 v12, v54;
	v27 =	vadd.f32 v27, v24;
	v19 =	vmul.f32 v19, v32  }
0x3ee: {  	v21 =	vld [tilespmem:s8+$0xFFFFEFF0];
	v23 =	vperm.xlane v17, v4;
	v22 =	vsub.f32 v22, v29;
	v16 =	vmul.f32 v17, v16  }
0x3ef: {  	v29 =	vld [tilespmem:s5+$0xFFFFF7F0];
	v9 =	vmul.f32 v9, v9;
	v8 =	vadd.f32 v13, v8;
	v10 =	vadd.f32 v12, v10  }
0x3f0: {  	v13 =	vld [tilespmem:s8+$0xFFFFF000];
	s8 =	simm.s32 $0x0;
	v30 =	vperm.xlane v26, v4;
	v0 =	vmul.f32 v23, v0;
	v17 =	vadd.f32 v19, v20  }
0x3f1: {  	v12 =	vld [tilespmem:s5+$0xFFFFF800];
	v51 =	vmov s8;
	v25 =	vperm.xlane v8, v60;
	v10 =	vsub.f32 v10, v14  }
0x3f2: {  	v23 =	vld [tilespmem:s5+$0xFFFFF7C0];
	v14 =	vmul.f32 v26, v15;
	vm0 =	veq.s32 v51, v57;
	v51 =	vperm.xlane v46, v4  }
0x3f3: {  	v20 =	vld [tilespmem:s5+$0xFFFFF7D0];
	v15 =	vmul.f32 v30, v31;
	v0 =	vadd.f32 v0, v16;
	v30 =	vmul.f32 v22, v22  }
0x3f4: {  	v16 =	vperm.xlane v5, v58;
	v8 =	vadd.f32 v25, v8;
	v31 =	vmul.f32 v10, v10  }
0x3f5: {  	v33 =	vld [tilespmem:s7+$0xCDB0];
	v22 =	vperm.xlane v29, v4;
	v14 =	vadd.f32 v15, v14;
	v15 =	vsub.f32 v17, v28  }
0x3f6: {  	v26 =	vld [tilespmem:s5+$0xFFFFF7E0];
	v0 =	vsub.f32 v0, v21;
	v19 =	vperm.xlane v12, v4;
	v21 =	vmul.f32 v35, v35  }
0x3f7: {  	v9 =	vadd.f32 v9, v27;
	v32 =	vperm.xlane v8, v62;
	v37 =	vperm.xlane v23, v4  }
0x3f8: {  	vm1 =	vmmov vm0;
	v38 =	vperm.xlane v20, v4;
	v34 =	vmul.f32 v15, v15  }
0x3f9: {  	v28 =	vld [tilespmem:s5+$0xFFFFF7B0];
	v10 =	vsub.f32 v14, v13;
	v0 =	vmul.f32 v0, v0;
	v13 =	vperm.xlane v8, v61  }
0x3fa: {  	v14 =	vadd.f32 v5, v16;
	v5 =	vld [tilespmem:s7+$0xCD90];
	v16 =	vmul.f32 v33, v33;
	v52 =	vmul.f32 $1.388888920e-03, v21  }
0x3fb: {  	vm1 =	vmmov vm1;
	v8 =	vld [tilespmem:s7+$0xCD80];
	v25 =	vperm.xlane v26, v4;
	v55 =	vmul.f32 $1.984127010e-04, v21  }
0x3fc: {  	v36 =	vmul.f32 v10, v10;
	v41 =	vmul.f32 $1.388888920e-03, v16;
	v44 =	vsub.f32 $4.166666790e-02, v52  }
0x3fd: {  	v15 =	vperm.xlane v14, v59;
	v53 =	vmul.f32 $1.984127010e-04, v16;
	v47 =	vsub.f32 $8.333333770e-03, v55  }
0x3fe: {  	v39 =	vperm.xlane v28, v4;
	v41 =	vsub.f32 $4.166666790e-02, v41;
	v44 =	vmul.f32 v44, v21  }
0x3ff: {  	v45 =	vsub.f32 $8.333333770e-03, v53;
	v47 =	vmul.f32 v47, v21;
	v17 =	vmul.f32 v5, v5  }
0x400: {  	v9 =	vadd.f32 v30, v9;
	v40 =	vmul.f32 v8, v8;
	v41 =	vmul.f32 v41, v16  }
0x401: {  	v45 =	vmul.f32 v45, v16;
	v44 =	vadd.f32 $-5.000000000e-01, v44;
	v54 =	vmul.f32 $1.388888920e-03, v17  }
0x402: {  	v47 =	vadd.f32 $-1.666666720e-01, v47;
	v24 =	vmul.f32 $1.388888920e-03, v40;
	v56 =	vmul.f32 $1.984127010e-04, v17  }
0x403: {  	v63 =	vmul.f32 $1.984127010e-04, v40;
	v41 =	vadd.f32 $-5.000000000e-01, v41;
	v45 =	vadd.f32 $-1.666666720e-01, v45  }
0x404: {  	v44 =	vmul.f32 v44, v21;
	v43 =	vsub.f32 $4.166666790e-02, v54;
	v24 =	vsub.f32 $4.166666790e-02, v24  }
0x405: {  	v21 =	vmul.f32 v47, v21;
	v48 =	vsub.f32 $8.333333770e-03, v56;
	v49 =	vsub.f32 $8.333333770e-03, v63  }
0x406: {  	v41 =	vmul.f32 v41, v16;
	v16 =	vmul.f32 v45, v16;
	v44 =	vadd.f32 $1.000000000e+00, v44  }
0x407: {  	v56 =	vadd.f32 $1.000000000e+00, v21;
	v43 =	vmul.f32 v43, v17;
	v24 =	vmul.f32 v24, v40  }
0x408: {  	v48 =	vmul.f32 v48, v17;
	v49 =	vmul.f32 v49, v40;
	v41 =	vadd.f32 $1.000000000e+00, v41  }
0x409: {  	v55 =	vadd.f32 $1.000000000e+00, v16;
	v21 =	vperm.xlane v44, v2;
	v35 =	vmul.f32 v56, v35  }
0x40a: {  	v43 =	vadd.f32 $-5.000000000e-01, v43;
	v24 =	vadd.f32 $-5.000000000e-01, v24;
	v16 =	vperm.xlane v41, v2  }
0x40b: {  	v48 =	vadd.f32 $-1.666666720e-01, v48;
	v33 =	vmul.f32 v55, v33;
	v26 =	vmul.f32 v26, v21  }
0x40c: {  	v53 =	vadd.f32 $-1.666666720e-01, v49;
	v52 =	vperm.xlane v35, v1;
	v35 =	vperm.xlane v35, v2  }
0x40d: {  	v9 =	vadd.f32 v31, v9;
	v43 =	vmul.f32 v43, v17;
	v24 =	vmul.f32 v24, v40  }
0x40e: {  	v10 =	vimm.f32 $0.0e+00;
	v54 =	vmul.f32 v48, v17;
	v40 =	vmul.f32 v53, v40  }
0x40f: {  	v17 =	vperm.xlane v41, v1;
	v30 =	vperm.xlane v33, v1;
	v43 =	vadd.f32 $1.000000000e+00, v43  }
0x410: {  	v12 =	vmul.f32 v12, v16;
	v63 =	vadd.f32 $1.000000000e+00, v24;
	v24 =	vperm.xlane v44, v1  }
0x411: {  	v49 =	vadd.f32 $1.000000000e+00, v54;
	v29 =	vmul.f32 v29, v17;
	v47 =	vperm.xlane v43, v2  }
0x412: {  	v40 =	vadd.f32 $1.000000000e+00, v40;
	v43 =	vperm.xlane v43, v1;
	v45 =	vperm.xlane v63, v1  }
0x413: {  	v9 =	vadd.f32 v34, v9;
	v41 =	vperm.xlane v63, v2;
	v5 =	vmul.f32 v49, v5  }
0x414: {  	v11 =	vsel vm0, v11, v10;
	v8 =	vmul.f32 v40, v8;
	v40 =	vperm.xlane v33, v2  }
0x415: {  	s7 =	simm.s32 $0x1;
	v27 =	vsel vm0, v18, v10;
	v31 =	vperm.xlane v5, v2;
	v28 =	vmul.f32 v28, v43  }
0x416: {  	v18 =	vmov s7;
	v53 =	vperm.xlane v8, v1;
	v8 =	vperm.xlane v8, v2  }
0x417: {  	vm0 =	veq.s32 v18, v57;
	v5 =	vperm.xlane v5, v1;
	v54 =	vmul.f32 v42, v45  }
0x418: {  	v0 =	vadd.f32 v0, v9;
	v9 =	vld [tilespmem:s5+$0xFFFFFFA0];
	v42 =	vmul.f32 v3, v53;
	v8 =	vmul.f32 v3, v8  }
0x419: {  	v14 =	vadd.f32 v14, v15;
	v55 =	vld [tilespmem:s5+$0xFFFFFF90];
	v46 =	vmul.f32 v46, v41;
	v5 =	vmul.f32 v3, v5  }
0x41a: {  	v11 =	vsel vm0, v32, v11;
	v56 =	vmul.f32 v50, v42;
	v63 =	vmul.f32 v51, v8  }
0x41b: {  	v18 =	vadd.f32 v36, v0;
	v0 =	vmul.f32 v3, v31;
	v31 =	vld [tilespmem:s5+$0xFFFFFFB0];
	v49 =	vmul.f32 v39, v5  }
0x41c: {  	v33 =	vmul.f32 v3, v52;
	v32 =	vadd.f32 v56, v54;
	v50 =	vadd.f32 v63, v46  }
0x41d: {  	v23 =	vmul.f32 v23, v47;
	v51 =	vld [tilespmem:s5+$0xFFFFFFC0];
	v37 =	vmul.f32 v37, v0;
	v28 =	vadd.f32 v49, v28  }
0x41e: {  	s8 =	simm.s32 $0x1800;
	v20 =	vmul.f32 v20, v24;
	v53 =	vld [tilespmem:s5+$0xFFFFFFD0];
	v32 =	vsub.f32 v32, v55;
	v9 =	vsub.f32 v50, v9  }
0x41f: {  	v52 =	vmul.f32 v3, v35;
	v39 =	vld [tilespmem:s8+$0xCD90];
	v23 =	vadd.f32 v37, v23;
	v54 =	vmul.f32 v38, v33  }
0x420: {  	v56 =	vld [tilespmem:s5+$0xFFFFE7A0];
	v28 =	vsub.f32 v28, v31;
	v32 =	vmul.f32 v32, v32;
	v9 =	vmul.f32 v9, v9  }
0x421: {  	v30 =	vmul.f32 v3, v30;
	v25 =	vmul.f32 v25, v52;
	v20 =	vadd.f32 v54, v20;
	v31 =	vld [tilespmem:s5+$0xFFFFFFE0]  }
0x422: {  	v55 =	vld [tilespmem:s5+$0xFFFFE790];
	v23 =	vsub.f32 v23, v51;
	v28 =	vmul.f32 v28, v28;
	v9 =	vadd.f32 v9, v32  }
0x423: {  	v22 =	vmul.f32 v22, v30;
	v25 =	vadd.f32 v25, v26;
	v63 =	vmul.f32 v3, v40;
	v40 =	vld [tilespmem:s8+$0xCDA0]  }
0x424: {  	v26 =	vld [tilespmem:s5+$0xFFFFFFF0];
	v20 =	vsub.f32 v20, v53;
	v23 =	vmul.f32 v23, v23;
	v9 =	vadd.f32 v28, v9  }
0x425: {  	v22 =	vadd.f32 v22, v29;
	v19 =	vmul.f32 v19, v63;
	v51 =	vmul.f32 v39, v39  }
0x426: {  	v20 =	vmul.f32 v20, v20;
	v28 =	vld [tilespmem:s5+$0x0];
	v9 =	vadd.f32 v23, v9;
	v23 =	vsub.f32 v25, v31  }
0x427: {  	v12 =	vadd.f32 v19, v12;
	v19 =	vld [tilespmem:s5+$0xFFFFE7C0];
	v29 =	vperm.xlane v55, v4;
	v31 =	vperm.xlane v56, v4  }
0x428: {  	v54 =	vmul.f32 v40, v40;
	v25 =	vld [tilespmem:s5+$0xFFFFE7B0];
	v9 =	vadd.f32 v20, v9;
	v20 =	vmul.f32 v23, v23  }
0x429: {  	v22 =	vsub.f32 v22, v26;
	v23 =	vmul.f32 v29, v42;
	v8 =	vmul.f32 v31, v8  }
0x42a: {  	v15 =	vld [tilespmem:s5+$0xFFFFEF90];
	v31 =	vsel vm0, v13, v27;
	v13 =	vmul.f32 v55, v45;
	v45 =	vmul.f32 $1.984127010e-04, v51  }
0x42b: {  	v38 =	vld [tilespmem:s8+$0xCDB0];
	v12 =	vsub.f32 v12, v28;
	v9 =	vadd.f32 v20, v9;
	v20 =	vmul.f32 v22, v22  }
0x42c: {  	v26 =	vld [tilespmem:s5+$0xFFFFEFA0];
	v22 =	vmul.f32 v56, v41;
	v13 =	vadd.f32 v23, v13;
	v23 =	vperm.xlane v19, v4  }
0x42d: {  	vm2 =	vmmov vm0;
	v27 =	vld [tilespmem:s5+$0xFFFFE7D0];
	v28 =	vperm.xlane v25, v4;
	v12 =	vmul.f32 v12, v12  }
0x42e: {  	v9 =	vadd.f32 v20, v9;
	v20 =	vld [tilespmem:s5+$0xFFFFEFB0];
	v8 =	vadd.f32 v8, v22;
	v22 =	vmul.f32 v25, v43  }
0x42f: {  	v13 =	vsub.f32 v13, v15;
	v15 =	vmul.f32 v19, v47;
	v19 =	vld [tilespmem:s5+$0xFFFFEFC0];
	v5 =	vmul.f32 v28, v5  }
0x430: {  	v41 =	vmul.f32 v38, v38;
	v0 =	vmul.f32 v23, v0;
	v9 =	vadd.f32 v12, v9;
	v12 =	vld [tilespmem:s5+$0xFFFFE7E0]  }
0x431: {  	v43 =	vmul.f32 $1.984127010e-04, v54;
	v8 =	vsub.f32 v8, v26;
	v5 =	vadd.f32 v5, v22  }
0x432: {  	v42 =	vld [tilespmem:s8+$0xCD80];
	v25 =	vperm.xlane v27, v4;
	v0 =	vadd.f32 v0, v15;
	v22 =	vperm.xlane v9, v58  }
0x433: {  	v23 =	vld [tilespmem:s5+$0xFFFFE7F0];
	v13 =	vmul.f32 v13, v13;
	v8 =	vmul.f32 v8, v8;
	v5 =	vsub.f32 v5, v20  }
0x434: {  	v26 =	vld [tilespmem:s5+$0xFFFFEFD0];
	v15 =	vmul.f32 v27, v24;
	v0 =	vsub.f32 v0, v19;
	v9 =	vadd.f32 v22, v9  }
0x435: {  	v20 =	vld [tilespmem:s5+$0xFFFFE800];
	v22 =	vmul.f32 v25, v33;
	v8 =	vadd.f32 v8, v13;
	v13 =	vperm.xlane v12, v4  }
0x436: {  	vm0 =	vmmov vm1;
	v5 =	vmul.f32 v5, v5;
	v12 =	vmul.f32 v12, v21  }
0x437: {  	v27 =	vld [tilespmem:s5+$0xFFFFF000];
	v0 =	vmul.f32 v0, v0;
	v24 =	vperm.xlane v9, v59;
	v15 =	vadd.f32 v22, v15  }
0x438: {  	v25 =	vld [tilespmem:s5+$0xFFFFEFE0];
	v13 =	vmul.f32 v13, v52;
	v5 =	vadd.f32 v5, v8;
	v8 =	vperm.xlane v23, v4  }
0x439: {  	v22 =	vld [tilespmem:s5+$0xFFFFEFF0];
	s5 =	simm.s32 $0x43F0;
	v52 =	vmul.f32 v42, v42;
	v9 =	vadd.f32 v24, v9;
	v19 =	vsub.f32 v15, v26  }
0x43a: {  	v34 =	vld [tilespmem:s5+$0xFFFFF7B0];
	v26 =	vperm.xlane v20, v4;
	v12 =	vadd.f32 v13, v12;
	v13 =	vmul.f32 v23, v17  }
0x43b: {  	v50 =	vld [tilespmem:s5+$0xFFFFF790];
	v8 =	vmul.f32 v8, v30;
	v0 =	vadd.f32 v0, v5;
	v5 =	vmul.f32 v20, v16  }
0x43c: {  	vm1 =	vmmov vm2;
	v46 =	vmul.f32 $1.388888920e-03, v52;
	v21 =	vperm.xlane v9, v60  }
0x43d: {  	v24 =	vld [tilespmem:s5+$0xFFFFF7F0];
	v16 =	vmul.f32 v26, v63;
	v17 =	vmul.f32 v19, v19;
	v12 =	vsub.f32 v12, v25  }
0x43e: {  	v15 =	vld [tilespmem:s5+$0xFFFFF800];
	v44 =	vmul.f32 $1.984127010e-04, v52;
	v8 =	vadd.f32 v8, v13;
	v9 =	vadd.f32 v21, v9  }
0x43f: {  	s6 =	simm.s32 $0x2;
	v20 =	vld [tilespmem:s5+$0xFFFFF7E0];
	v5 =	vadd.f32 v16, v5;
	v0 =	vadd.f32 v17, v0;
	v17 =	vperm.xlane v18, v58  }
0x440: {  	v19 =	vld [tilespmem:s5+$0xFFFFF7D0];
	v16 =	vmov s6;
	v32 =	vperm.xlane v34, v4;
	v53 =	vperm.xlane v50, v4  }
0x441: {  	v12 =	vmul.f32 v12, v12;
	vm3 =	veq.s32 v16, v57;
	v16 =	vperm.xlane v14, v60  }
0x442: {  	v29 =	vld [tilespmem:s5+$0xFFFFE790];
	v8 =	vsub.f32 v8, v22;
	v22 =	vperm.xlane v24, v4;
	v13 =	vperm.xlane v9, v62  }
0x443: {  	v28 =	vld [tilespmem:s5+$0xFFFFE7B0];
	v5 =	vsub.f32 v5, v27;
	v27 =	vadd.f32 v18, v17;
	v9 =	vperm.xlane v9, v61  }
0x444: {  	v37 =	vld [tilespmem:s5+$0xFFFFF7A0];
	v18 =	vperm.xlane v15, v4;
	v23 =	vperm.xlane v20, v4;
	vm2 =	vmmov vm3  }
0x445: {  	v33 =	vld [tilespmem:s5+$0xFFFFEF90];
	v8 =	vmul.f32 v8, v8;
	v0 =	vadd.f32 v12, v0;
	v25 =	vperm.xlane v19, v4  }
0x446: {  	v21 =	vld [tilespmem:s5+$0xFFFFF7C0];
	v5 =	vmul.f32 v5, v5;
	v11 =	vsel vm3, v13, v11;
	v12 =	vperm.xlane v27, v59  }
0x447: {  	v36 =	vld [tilespmem:s5+$0xFFFFEFA0];
	v13 =	vadd.f32 v14, v16;
	v0 =	vadd.f32 v8, v0;
	v8 =	vmul.f32 $1.984127010e-04, v41  }
0x448: {  	v35 =	vld [tilespmem:s5+$0xFFFFEFB0];
	v16 =	vadd.f32 v27, v12;
	v12 =	vsel vm3, v9, v31;
	v9 =	vmul.f32 $1.388888920e-03, v51  }
0x449: {  	v30 =	vld [tilespmem:s5+$0xFFFFE7A0];
	v17 =	vadd.f32 v5, v0;
	v0 =	vmul.f32 $1.388888920e-03, v41;
	v5 =	vmul.f32 $1.388888920e-03, v54  }
0x44a: {  	v14 =	vimm.f32 $0.0e+00;
	v27 =	vld [tilespmem:s5+$0xFFFFE7C0];
	v47 =	vsub.f32 $8.333333770e-03, v8;
	v55 =	vsub.f32 $4.166666790e-02, v9  }
0x44b: {  	s7 =	simm.s32 $0x8000;
	v26 =	vperm.xlane v21, v4;
	v31 =	vld [tilespmem:s5+$0xFFFFE7D0];
	v48 =	vsub.f32 $4.166666790e-02, v5;
	v49 =	vsub.f32 $4.166666790e-02, v0  }
.LBB2_7:
0x44c: {  	v0 =	vsub.f32 $4.166666790e-02, v46  }
0x44d: {  	v5 =	vsub.f32 $8.333333770e-03, v43;
	v62 =	vmul.f32 v48, v54;
	v63 =	vmul.f32 v49, v41  }
0x44e: {  	v9 =	vsub.f32 $8.333333770e-03, v45;
	v55 =	vmul.f32 v55, v51;
	v60 =	vmul.f32 v47, v41  }
0x44f: {  	v56 =	vsub.f32 $8.333333770e-03, v44;
	v0 =	vmul.f32 v0, v52;
	v5 =	vmul.f32 v5, v54  }
0x450: {  	v57 =	vadd.f32 $-5.000000000e-01, v63;
	v9 =	vmul.f32 v9, v51;
	v43 =	vadd.f32 $-5.000000000e-01, v62  }
0x451: {  	v58 =	vadd.f32 $-1.666666720e-01, v60;
	v56 =	vmul.f32 v56, v52;
	v55 =	vadd.f32 $-5.000000000e-01, v55  }
0x452: {  	v8 =	vperm.xlane v37, v4;
	v5 =	vadd.f32 $-1.666666720e-01, v5;
	v59 =	vmul.f32 v43, v54  }
0x453: {  	v0 =	vadd.f32 $-5.000000000e-01, v0;
	v57 =	vmul.f32 v57, v41;
	v55 =	vmul.f32 v55, v51  }
0x454: {  	v9 =	vadd.f32 $-1.666666720e-01, v9;
	v58 =	vmul.f32 v58, v41;
	v56 =	vadd.f32 $-1.666666720e-01, v56  }
0x455: {  	v0 =	vmul.f32 v0, v52;
	v5 =	vmul.f32 v5, v54;
	v62 =	vadd.f32 $1.000000000e+00, v57  }
0x456: {  	v9 =	vmul.f32 v9, v51;
	v61 =	vadd.f32 $1.000000000e+00, v59;
	v56 =	vmul.f32 v56, v52  }
0x457: {  	v63 =	vadd.f32 $1.000000000e+00, v55;
	v58 =	vadd.f32 $1.000000000e+00, v58;
	v52 =	vperm.xlane v62, v1  }
0x458: {  	v5 =	vadd.f32 $1.000000000e+00, v5;
	v51 =	vperm.xlane v62, v2;
	v55 =	vperm.xlane v61, v1  }
0x459: {  	v0 =	vadd.f32 $1.000000000e+00, v0;
	v54 =	vperm.xlane v61, v2;
	v59 =	vperm.xlane v63, v2  }
0x45a: {  	v38 =	vmul.f32 v58, v38;
	v56 =	vadd.f32 $1.000000000e+00, v56;
	v57 =	vperm.xlane v63, v1  }
0x45b: {  	v9 =	vadd.f32 $1.000000000e+00, v9;
	v5 =	vmul.f32 v5, v40;
	v40 =	vperm.xlane v0, v1  }
0x45c: {  	v0 =	vperm.xlane v0, v2;
	v42 =	vmul.f32 v56, v42  }
0x45d: {  	v9 =	vmul.f32 v9, v39;
	v39 =	vperm.xlane v38, v2  }
0x45e: {  	v24 =	vmul.f32 v24, v52;
	v38 =	vperm.xlane v38, v1  }
0x45f: {  	v20 =	vmul.f32 v20, v54;
	v34 =	vmul.f32 v34, v57  }
0x460: {  	v21 =	vmul.f32 v21, v59;
	v19 =	vmul.f32 v19, v55  }
0x461: {  	v15 =	vmul.f32 v15, v51;
	v56 =	vperm.xlane v5, v1  }
0x462: {  	v5 =	vperm.xlane v5, v2;
	v58 =	vperm.xlane v9, v2  }
0x463: {  	v46 =	vld [tilespmem:s5+$0xFFFFE7E0];
	v60 =	vperm.xlane v42, v1;
	v42 =	vperm.xlane v42, v2  }
0x464: {  	v49 =	vld [tilespmem:s5+$0xFFFFEFC0];
	v9 =	vperm.xlane v9, v1;
	v50 =	vmul.f32 v50, v40  }
0x465: {  	v61 =	vld [tilespmem:s5+$0xFFFFFF90];
	v60 =	vmul.f32 v3, v60;
	v42 =	vmul.f32 v3, v42  }
0x466: {  	v62 =	vld [tilespmem:s5+$0xFFFFFFA0];
	v37 =	vmul.f32 v37, v0;
	v9 =	vmul.f32 v3, v9  }
0x467: {  	v63 =	vld [tilespmem:s5+$0xFFFFFFB0];
	v53 =	vmul.f32 v53, v60;
	v8 =	vmul.f32 v8, v42  }
0x468: {  	v45 =	vld [tilespmem:s5+$0xFFFFE7F0];
	v58 =	vmul.f32 v3, v58;
	v32 =	vmul.f32 v32, v9  }
0x469: {  	v48 =	vld [tilespmem:s5+$0xFFFFEFD0];
	v50 =	vadd.f32 v53, v50;
	v8 =	vadd.f32 v8, v37;
	v53 =	vmul.f32 v3, v56  }
0x46a: {  	v38 =	vmul.f32 v3, v38;
	v26 =	vmul.f32 v26, v58;
	v32 =	vadd.f32 v32, v34;
	v56 =	vld [tilespmem:s5+$0xFFFFFFC0]  }
0x46b: {  	v44 =	vld [tilespmem:s5+$0xFFFFE800];
	v50 =	vsub.f32 v50, v61;
	v8 =	vsub.f32 v8, v62;
	v25 =	vmul.f32 v25, v53  }
0x46c: {  	v5 =	vmul.f32 v3, v5;
	v21 =	vadd.f32 v26, v21;
	v26 =	vld [tilespmem:s5+$0xFFFFFFD0];
	v32 =	vsub.f32 v32, v63  }
0x46d: {  	v50 =	vmul.f32 v50, v50;
	v8 =	vmul.f32 v8, v8;
	v19 =	vadd.f32 v25, v19;
	v25 =	vld [tilespmem:s5+$0xFFFFFFE0]  }
0x46e: {  	v47 =	vld [tilespmem:s5+$0xFFFFEFE0];
	v22 =	vmul.f32 v22, v38;
	v23 =	vmul.f32 v23, v5  }
0x46f: {  	v43 =	vld [tilespmem:s5+$0xFFFFEFF0];
	v32 =	vmul.f32 v32, v32;
	v21 =	vsub.f32 v21, v56;
	v8 =	vadd.f32 v8, v50  }
0x470: {  	v22 =	vadd.f32 v22, v24;
	v20 =	vadd.f32 v23, v20;
	v23 =	vld [tilespmem:s5+$0xFFFFFFF0];
	v63 =	vmul.f32 v3, v39  }
0x471: {  	v24 =	vld [tilespmem:s5+$0x0];
	v19 =	vsub.f32 v19, v26;
	v21 =	vmul.f32 v21, v21;
	v8 =	vadd.f32 v32, v8  }
0x472: {  	v41 =	vld [tilespmem:s5+$0xFFFFF000];
	v0 =	vmul.f32 v30, v0;
	v18 =	vmul.f32 v18, v63;
	s5 =	sadd.s32 $0x80, s5;
	v20 =	vsub.f32 v20, v25  }
0x473: {  	v34 =	vld [tilespmem:s5+$0xFFFFF7B0];
	v19 =	vmul.f32 v19, v19;
	v8 =	vadd.f32 v21, v8;
	v21 =	vperm.xlane v29, v4  }
0x474: {  	v15 =	vadd.f32 v18, v15;
	v25 =	vperm.xlane v30, v4;
	v18 =	vmul.f32 v20, v20  }
0x475: {  	v8 =	vadd.f32 v19, v8;
	v19 =	vsub.f32 v22, v23;
	v20 =	vmul.f32 v21, v60  }
0x476: {  	v15 =	vsub.f32 v15, v24;
	v21 =	vmul.f32 v25, v42;
	v22 =	vperm.xlane v28, v4  }
0x477: {  	v8 =	vadd.f32 v18, v8;
	v18 =	vmul.f32 v19, v19;
	v19 =	vmul.f32 v29, v40  }
0x478: {  	v15 =	vmul.f32 v15, v15;
	v32 =	vperm.xlane v34, v4;
	v0 =	vadd.f32 v21, v0  }
0x479: {  	s8 =	sshra.s32 s7, $0x2;
	v9 =	vmul.f32 v22, v9;
	v8 =	vadd.f32 v18, v8;
	v18 =	vadd.f32 v20, v19  }
0x47a: {  	v39 =	vld [tilespmem:s8+$0xCD90];
	v19 =	vmul.f32 v28, v57;
	v20 =	vperm.xlane v27, v4;
	v0 =	vsub.f32 v0, v36  }
0x47b: {  	v21 =	vperm.xlane v31, v4;
	v8 =	vadd.f32 v15, v8;
	v15 =	vsub.f32 v18, v33  }
0x47c: {  	v18 =	vmul.f32 v27, v59;
	v9 =	vadd.f32 v9, v19;
	v19 =	vmul.f32 v20, v58;
	v58 =	vld [tilespmem:$0x1FFF0]  }
0x47d: {  	v62 =	vimm.s32 $0x1;
	v0 =	vmul.f32 v0, v0;
	v15 =	vmul.f32 v15, v15  }
0x47e: {  	v22 =	vmul.f32 v44, v51;
	v9 =	vsub.f32 v9, v35;
	v18 =	vadd.f32 v19, v18  }
0x47f: {  	v50 =	vld [tilespmem:s5+$0xFFFFF790];
	v51 =	vmul.f32 v39, v39;
	v27 =	vperm.xlane v13, v62;
	v0 =	vadd.f32 v0, v15  }
0x480: {  	v42 =	vld [tilespmem:s8+$0xCD80];
	v15 =	vperm.xlane v46, v4;
	v9 =	vmul.f32 v9, v9;
	v18 =	vsub.f32 v18, v49  }
0x481: {  	v61 =	vimm.s32 $0x0;
	v19 =	vmul.f32 v31, v55;
	v20 =	vperm.xlane v8, v58  }
0x482: {  	v40 =	vld [tilespmem:s8+$0xCDA0];
	v5 =	vmul.f32 v15, v5;
	v0 =	vadd.f32 v9, v0;
	v9 =	vmul.f32 v18, v18  }
0x483: {  	v15 =	vperm.xlane v45, v4;
	v8 =	vadd.f32 v20, v8;
	v20 =	vmul.f32 v21, v53  }
0x484: {  	v53 =	vperm.xlane v50, v4;
	v0 =	vadd.f32 v9, v0;
	v9 =	vmul.f32 v45, v52  }
0x485: {  	v56 =	vlaneseq.u32;
	v52 =	vmul.f32 v42, v42;
	v21 =	vperm.xlane v8, v7  }
0x486: {  	v45 =	vmul.f32 $1.984127010e-04, v51;
	v19 =	vadd.f32 v20, v19;
	v20 =	vmul.f32 v46, v54  }
0x487: {  	v54 =	vmul.f32 v40, v40;
	v46 =	vmul.f32 $1.388888920e-03, v52;
	v8 =	vadd.f32 v21, v8  }
0x488: {  	v18 =	vsub.f32 v19, v48;
	v5 =	vadd.f32 v5, v20;
	v20 =	vmul.f32 v15, v38  }
0x489: {  	v14 =	vsel vm0, v27, v14;
	v21 =	vperm.xlane v44, v4;
	v44 =	vmul.f32 $1.984127010e-04, v52  }
0x48a: {  	s6 =	sadd.s32 $0x1, s6;
	v19 =	vperm.xlane v8, v6;
	v18 =	vmul.f32 v18, v18;
	v5 =	vsub.f32 v5, v47  }
0x48b: {  	v37 =	vld [tilespmem:s5+$0xFFFFF7A0];
	v9 =	vadd.f32 v20, v9;
	v23 =	vmul.f32 v21, v63;
	v21 =	vmov s6  }
0x48c: {  	v24 =	vld [tilespmem:s5+$0xFFFFF7F0];
	vm3 =	veq.s32 v21, v56;
	v8 =	vadd.f32 v19, v8;
	v0 =	vadd.f32 v18, v0  }
0x48d: {  	v38 =	vld [tilespmem:s8+$0xCDB0];
	v5 =	vmul.f32 v5, v5;
	v18 =	vadd.f32 v23, v22;
	v22 =	vperm.xlane v16, v6  }
0x48e: {  	v20 =	vld [tilespmem:s5+$0xFFFFF7E0];
	v9 =	vsub.f32 v9, v43;
	v23 =	vperm.xlane v13, v61;
	v43 =	vmul.f32 $1.984127010e-04, v54  }
0x48f: {  	v30 =	vld [tilespmem:s5+$0xFFFFE7A0];
	v25 =	vperm.xlane v8, v62;
	v0 =	vadd.f32 v5, v0;
	v5 =	vperm.xlane v17, v58  }
0x490: {  	v15 =	vld [tilespmem:s5+$0xFFFFF800];
	v9 =	vmul.f32 v9, v9;
	v18 =	vsub.f32 v18, v41;
	v13 =	vadd.f32 v16, v22  }
0x491: {  	v29 =	vld [tilespmem:s5+$0xFFFFE790];
	v8 =	vperm.xlane v8, v61;
	v10 =	vsel vm0, v23, v10;
	v22 =	vperm.xlane v24, v4  }
0x492: {  	v28 =	vld [tilespmem:s5+$0xFFFFE7B0];
	v41 =	vmul.f32 v38, v38;
	vm0 =	vmmov vm1;
	vm1 =	vmmov vm2  }
0x493: {  	v21 =	vld [tilespmem:s5+$0xFFFFF7C0];
	vm2 =	vmmov vm3;
	v23 =	vperm.xlane v20, v4;
	v5 =	vadd.f32 v17, v5  }
0x494: {  	p0 =	sne.s32 s7, $0x1E000;
	v19 =	vld [tilespmem:s5+$0xFFFFF7D0];
	v11 =	vsel vm3, v25, v11;
	v0 =	vadd.f32 v9, v0;
	v9 =	vmul.f32 v18, v18  }
.Ltmp2:
0x495: {  	v36 =	vld [tilespmem:s5+$0xFFFFEFA0];
	v18 =	vperm.xlane v15, v4;
	v12 =	vsel vm3, v8, v12;
	v16 =	vperm.xlane v5, v7;
	(pc) =	sbr.rel @p0 .LBB2_7-.Ltmp2, $4  }
0x496: {  	v33 =	vld [tilespmem:s5+$0xFFFFEF90];
	v8 =	vmul.f32 $1.984127010e-04, v41;
	v17 =	vadd.f32 v9, v0;
	v0 =	vmul.f32 $1.388888920e-03, v41  }
0x497: {  	v27 =	vld [tilespmem:s5+$0xFFFFE7C0];
	v9 =	vmul.f32 $1.388888920e-03, v51;
	v16 =	vadd.f32 v5, v16;
	v5 =	vmul.f32 $1.388888920e-03, v54  }
0x498: {  	v31 =	vld [tilespmem:s5+$0xFFFFE7D0];
	v26 =	vperm.xlane v21, v4;
	v47 =	vsub.f32 $8.333333770e-03, v8;
	v49 =	vsub.f32 $4.166666790e-02, v0  }
0x499: {  	s7 =	sadd.s32 $0x2000, s7;
	v35 =	vld [tilespmem:s5+$0xFFFFEFB0];
	v25 =	vperm.xlane v19, v4;
	v55 =	vsub.f32 $4.166666790e-02, v9;
	v48 =	vsub.f32 $4.166666790e-02, v5  }
0x49a: {  	v0 =	vsub.f32 $4.166666790e-02, v46;
	v5 =	vsub.f32 $8.333333770e-03, v43  }
0x49b: {  	v9 =	vsub.f32 $8.333333770e-03, v45;
	v57 =	vmul.f32 v49, v41;
	v8 =	vmul.f32 v48, v54  }
0x49c: {  	v44 =	vsub.f32 $8.333333770e-03, v44;
	v63 =	vmul.f32 v55, v51;
	v48 =	vmul.f32 v47, v41  }
0x49d: {  	v0 =	vmul.f32 v0, v52;
	v5 =	vmul.f32 v5, v54;
	v43 =	vadd.f32 $-5.000000000e-01, v57  }
0x49e: {  	v9 =	vmul.f32 v9, v51;
	v44 =	vmul.f32 v44, v52;
	v8 =	vadd.f32 $-5.000000000e-01, v8  }
0x49f: {  	v46 =	vadd.f32 $-1.666666720e-01, v48;
	v45 =	vadd.f32 $-5.000000000e-01, v63;
	v63 =	vperm.xlane v29, v4  }
0x4a0: {  	v5 =	vadd.f32 $-1.666666720e-01, v5;
	v0 =	vadd.f32 $-5.000000000e-01, v0;
	v43 =	vmul.f32 v43, v41  }
0x4a1: {  	v9 =	vadd.f32 $-1.666666720e-01, v9;
	v8 =	vmul.f32 v8, v54;
	v45 =	vmul.f32 v45, v51  }
0x4a2: {  	v44 =	vadd.f32 $-1.666666720e-01, v44;
	v49 =	vmul.f32 v46, v41;
	v0 =	vmul.f32 v0, v52  }
0x4a3: {  	v5 =	vmul.f32 v5, v54;
	v43 =	vadd.f32 $1.000000000e+00, v43;
	v9 =	vmul.f32 v9, v51  }
0x4a4: {  	v44 =	vmul.f32 v44, v52;
	v54 =	vperm.xlane v30, v4;
	v8 =	vadd.f32 $1.000000000e+00, v8  }
0x4a5: {  	v52 =	vperm.xlane v28, v4;
	v45 =	vadd.f32 $1.000000000e+00, v45;
	v46 =	vadd.f32 $1.000000000e+00, v49  }
0x4a6: {  	v47 =	vperm.xlane v43, v1;
	v5 =	vadd.f32 $1.000000000e+00, v5;
	v41 =	vperm.xlane v43, v2  }
0x4a7: {  	v0 =	vadd.f32 $1.000000000e+00, v0;
	v43 =	vperm.xlane v8, v1;
	v8 =	vperm.xlane v8, v2  }
0x4a8: {  	v44 =	vadd.f32 $1.000000000e+00, v44;
	v48 =	vperm.xlane v45, v2;
	v38 =	vmul.f32 v46, v38  }
0x4a9: {  	v9 =	vadd.f32 $1.000000000e+00, v9;
	v45 =	vperm.xlane v45, v1;
	v5 =	vmul.f32 v5, v40  }
0x4aa: {  	v55 =	vperm.xlane v0, v1;
	v0 =	vperm.xlane v0, v2  }
0x4ab: {  	v42 =	vmul.f32 v44, v42;
	v9 =	vmul.f32 v9, v39  }
0x4ac: {  	v39 =	vperm.xlane v38, v2;
	v34 =	vmul.f32 v34, v45  }
0x4ad: {  	v38 =	vperm.xlane v38, v1;
	v44 =	vperm.xlane v5, v1  }
0x4ae: {  	v57 =	vperm.xlane v42, v1;
	v5 =	vperm.xlane v5, v2  }
0x4af: {  	v42 =	vperm.xlane v42, v2;
	v50 =	vmul.f32 v50, v55  }
0x4b0: {  	v55 =	vmul.f32 v29, v55;
	v38 =	vmul.f32 v3, v38  }
0x4b1: {  	v46 =	vmul.f32 v3, v57;
	v42 =	vmul.f32 v3, v42  }
0x4b2: {  	v57 =	vperm.xlane v9, v2;
	v9 =	vperm.xlane v9, v1  }
0x4b3: {  	v44 =	vmul.f32 v3, v44;
	v5 =	vmul.f32 v3, v5  }
0x4b4: {  	v51 =	vmul.f32 v53, v46;
	v46 =	vmul.f32 v63, v46  }
0x4b5: {  	v49 =	vmul.f32 v54, v42;
	v63 =	vmul.f32 v30, v0  }
0x4b6: {  	v9 =	vmul.f32 v3, v9;
	v40 =	vmul.f32 v3, v57  }
0x4b7: {  	v53 =	vmul.f32 v28, v45;
	v57 =	vld [tilespmem:s5+$0xFFFFEFC0];
	v29 =	vadd.f32 v46, v55;
	v30 =	vadd.f32 v49, v63  }
0x4b8: {  	v45 =	vld [tilespmem:s5+$0xFFFFE7F0];
	v54 =	vmul.f32 v52, v9;
	v55 =	vperm.xlane v27, v4  }
0x4b9: {  	v46 =	vld [tilespmem:s5+$0xFFFFE7E0];
	v63 =	vmul.f32 v27, v48;
	v29 =	vsub.f32 v29, v33;
	v30 =	vsub.f32 v30, v36  }
0x4ba: {  	v49 =	vperm.xlane v31, v4;
	v28 =	vadd.f32 v54, v53;
	v33 =	vmul.f32 v55, v40  }
0x4bb: {  	v29 =	vmul.f32 v29, v29;
	v30 =	vmul.f32 v30, v30  }
0x4bc: {  	v52 =	vld [tilespmem:s5+$0xFFFFEFD0];
	v53 =	vmul.f32 v31, v43;
	v28 =	vsub.f32 v28, v35;
	v27 =	vadd.f32 v33, v63  }
0x4bd: {  	v35 =	vmul.f32 v49, v44;
	v63 =	vperm.xlane v45, v4;
	v29 =	vadd.f32 v30, v29;
	v30 =	vld [tilespmem:s5+$0xFFFFE800]  }
0x4be: {  	v45 =	vmul.f32 v45, v47;
	v54 =	vperm.xlane v46, v4;
	v27 =	vsub.f32 v27, v57  }
0x4bf: {  	v55 =	vld [tilespmem:s5+$0xFFFFEFE0];
	v28 =	vmul.f32 v28, v28;
	v31 =	vadd.f32 v35, v53;
	v57 =	vmul.f32 v46, v8  }
0x4c0: {  	v49 =	vld [tilespmem:s5+$0xFFFFEFF0];
	v33 =	vmul.f32 v63, v38;
	v36 =	vmul.f32 v54, v5  }
0x4c1: {  	v28 =	vadd.f32 v28, v29;
	v31 =	vsub.f32 v31, v52;
	v27 =	vmul.f32 v27, v27  }
0x4c2: {  	v39 =	vmul.f32 v3, v39;
	v29 =	vadd.f32 v36, v57;
	v52 =	vperm.xlane v30, v4  }
0x4c3: {  	v54 =	vld [tilespmem:s5+$0xFFFFF000];
	v33 =	vadd.f32 v33, v45;
	v27 =	vadd.f32 v27, v28;
	v31 =	vmul.f32 v31, v31  }
0x4c4: {  	v53 =	vsub.f32 v29, v55;
	v30 =	vmul.f32 v30, v41;
	v55 =	vmul.f32 v52, v39  }
0x4c5: {  	v24 =	vmul.f32 v24, v47;
	v21 =	vmul.f32 v21, v48;
	v33 =	vsub.f32 v33, v49  }
0x4c6: {  	v27 =	vadd.f32 v31, v27;
	v28 =	vmul.f32 v53, v53;
	v30 =	vadd.f32 v55, v30  }
0x4c7: {  	vm1 =	vmmov vm1;
	v19 =	vmul.f32 v19, v43;
	v0 =	vmul.f32 v37, v0  }
0x4c8: {  	v49 =	vmul.f32 v33, v33;
	v27 =	vadd.f32 v28, v27;
	v47 =	vsub.f32 v30, v54  }
0x4c9: {  	vm2 =	vmmov vm2;
	v25 =	vmul.f32 v25, v44;
	v9 =	vmul.f32 v32, v9;
	v63 =	vld [tilespmem:s5+$0xFFFFFF90]  }
0x4ca: {  	v51 =	vadd.f32 v51, v50;
	v27 =	vadd.f32 v49, v27;
	v28 =	vmul.f32 v47, v47  }
0x4cb: {  	v26 =	vmul.f32 v26, v40;
	v19 =	vadd.f32 v25, v19;
	v57 =	vperm.xlane v37, v4  }
0x4cc: {  	v9 =	vadd.f32 v9, v34;
	v8 =	vmul.f32 v20, v8;
	v45 =	vld [tilespmem:s5+$0xFFFFFFA0];
	v27 =	vadd.f32 v28, v27  }
0x4cd: {  	v21 =	vadd.f32 v26, v21;
	v46 =	vmul.f32 v57, v42;
	v57 =	vperm.xlane v17, v58  }
0x4ce: {  	v5 =	vmul.f32 v23, v5;
	v52 =	vld [tilespmem:s5+$0xFFFFFFB0];
	v53 =	vsub.f32 v51, v63;
	v63 =	vperm.xlane v27, v58  }
0x4cf: {  	vm2 =	vmmov vm2;
	v0 =	vadd.f32 v46, v0;
	v17 =	vadd.f32 v17, v57  }
0x4d0: {  	v15 =	vmul.f32 v15, v41;
	v5 =	vadd.f32 v5, v8;
	v31 =	vadd.f32 v27, v63  }
0x4d1: {  	s6 =	sadd.s32 $0x1, s6;
	v36 =	vperm.xlane v16, v6;
	v0 =	vsub.f32 v0, v45;
	v32 =	vperm.xlane v17, v7  }
0x4d2: {  	v37 =	vmov s6;
	v55 =	vmul.f32 v53, v53;
	v34 =	vperm.xlane v31, v7  }
0x4d3: {  	v44 =	vld [tilespmem:s5+$0xFFFFFFE0];
	v0 =	vmul.f32 v0, v0;
	v35 =	vadd.f32 v17, v32;
	v9 =	vsub.f32 v9, v52  }
0x4d4: {  	vm3 =	veq.s32 v37, v56;
	v33 =	vmul.f32 v22, v38;
	v22 =	vadd.f32 v31, v34  }
0x4d5: {  	v54 =	vld [tilespmem:s5+$0xFFFFFFC0];
	v0 =	vadd.f32 v0, v55;
	v40 =	vperm.xlane v35, v6;
	v9 =	vmul.f32 v9, v9  }
0x4d6: {  	v29 =	vld [tilespmem:s5+$0xFFFFFFD0];
	v16 =	vadd.f32 v16, v36;
	vm4 =	vmmov vm3;
	v42 =	vperm.xlane v22, v6  }
0x4d7: {  	v38 =	vperm.xlane v13, v61;
	v0 =	vadd.f32 v9, v0;
	v9 =	vadd.f32 v35, v40  }
0x4d8: {  	v5 =	vsub.f32 v5, v44;
	v43 =	vperm.xlane v16, v61;
	v20 =	vadd.f32 v22, v42  }
0x4d9: {  	vm4 =	vmmov vm4;
	v10 =	vsel vm0, v38, v10;
	v45 =	vperm.xlane v9, v61  }
0x4da: {  	v10 =	vsel vm1, v43, v10;
	v47 =	vld [tilespmem:s5+$0xFFFFFFF0];
	v21 =	vsub.f32 v21, v54;
	v46 =	vperm.xlane v20, v61  }
0x4db: {  	vm4 =	vmmov vm4;
	v19 =	vsub.f32 v19, v29;
	v10 =	vsel vm2, v45, v10  }
0x4dc: {  	v8 =	vadd.f32 v33, v24;
	v21 =	vmul.f32 v21, v21;
	v10 =	vsel vm4, v46, v10  }
0x4dd: {  	v48 =	vld [tilespmem:s5+$0x0];
	v49 =	vmul.f32 v18, v39;
	v19 =	vmul.f32 v19, v19;
	v10 =	vmax.f32 v10, $9.999999960e-13  }
0x4de: {  	v0 =	vadd.f32 v21, v0;
	v50 =	vshrl.u32 v10, $0x1;
	v51 =	vmul.f32 $5.000000000e-01, v10  }
0x4df: {  	v5 =	vmul.f32 v5, v5;
	v8 =	vsub.f32 v8, v47;
	v18 =	vsub.s32 $0x5F3759DF, v50  }
0x4e0: {  	v15 =	vadd.f32 v49, v15;
	v0 =	vadd.f32 v19, v0;
	v52 =	vmul.f32 v18, v51  }
0x4e1: {  	v8 =	vmul.f32 v8, v8  }
0x4e2: {  	v0 =	vadd.f32 v5, v0;
	v5 =	vsub.f32 v15, v48;
	v53 =	vmul.f32 v18, v52  }
0x4e3: {  	v54 =	vperm.xlane v13, v62  }
0x4e4: {  	v0 =	vadd.f32 v8, v0;
	v5 =	vmul.f32 v5, v5;
	v55 =	vsub.f32 $1.500000000e+00, v53  }
0x4e5: {  	v57 =	vperm.xlane v16, v62;
	v13 =	vsel vm0, v54, v14  }
0x4e6: {  	v0 =	vadd.f32 v5, v0;
	v5 =	vperm.xlane v9, v62;
	v8 =	vmul.f32 v18, v55  }
0x4e7: {  	v63 =	vsel vm1, v57, v13;
	v16 =	vperm.xlane v20, v62  }
0x4e8: {  	v5 =	vsel vm2, v5, v63;
	v18 =	vmul.f32 v8, v51  }
0x4e9: {  	v17 =	vperm.xlane v0, v58;
	v5 =	vsel vm4, v16, v5  }
0x4ea: {  	v5 =	vmax.f32 v5, $9.999999960e-13;
	v9 =	vmul.f32 v18, v8  }
0x4eb: {  	v0 =	vadd.f32 v17, v0;
	v19 =	vshrl.u32 v5, $0x1;
	v20 =	vmul.f32 $5.000000000e-01, v5  }
0x4ec: {  	v13 =	vsub.s32 $0x5F3759DF, v19;
	v9 =	vsub.f32 $1.500000000e+00, v9  }
0x4ed: {  	v21 =	vperm.xlane v0, v7;
	v22 =	vmul.f32 v13, v20  }
0x4ee: {  	v8 =	vmul.f32 v9, v8  }
0x4ef: {  	v0 =	vadd.f32 v21, v0;
	v24 =	vmul.f32 v13, v22  }
0x4f0: {  	v25 =	vmul.f32 v8, v51  }
0x4f1: {  	v15 =	vperm.xlane v0, v6;
	v9 =	vsub.f32 $1.500000000e+00, v24  }
0x4f2: {  	v26 =	vmul.f32 v25, v8  }
0x4f3: {  	v0 =	vadd.f32 v15, v0;
	v9 =	vmul.f32 v13, v9  }
0x4f4: {  	v15 =	vsub.f32 $1.500000000e+00, v26  }
0x4f5: {  	v27 =	vperm.xlane v0, v61;
	v28 =	vmul.f32 v9, v20  }
0x4f6: {  	v8 =	vmul.f32 v15, v8  }
0x4f7: {  	v12 =	vsel vm3, v27, v12;
	v29 =	vmul.f32 v28, v9  }
0x4f8: {  	v12 =	vmax.f32 v12, $9.999999960e-13;
	v8 =	vmul.f32 v8, v10  }
0x4f9: {  	v30 =	vshrl.u32 v12, $0x1;
	v31 =	vmul.f32 $5.000000000e-01, v12;
	v13 =	vsub.f32 $1.500000000e+00, v29  }
0x4fa: {  	v10 =	vsub.s32 $0x5F3759DF, v30;
	v8 =	vsub.f32 $0.0e+00, v8  }
0x4fb: {  	v9 =	vmul.f32 v13, v9;
	v32 =	vmul.f32 v10, v31  }
0x4fc: {  	v8 =	vmul.f32 $1.442695020e+00, v8  }
0x4fd: {  	v14 =	vmul.f32 v9, v20;
	v33 =	vmul.f32 v10, v32  }
0x4fe: {  	(erf) = vpow2.f32 v8  }
0x4ff: {  	v35 =	vmul.f32 v14, v9;
	v34 =	vsub.f32 $1.500000000e+00, v33  }
0x500: {  	v0 =	vperm.xlane v0, v62  }
0x501: {  	v36 =	vsub.f32 $1.500000000e+00, v35;
	v8 =	vmul.f32 v10, v34  }
0x502: {  	v0 =	vsel vm3, v0, v11  }
0x503: {  	v0 =	vmax.f32 v0, $9.999999960e-13;
	v9 =	vmul.f32 v36, v9;
	v37 =	vmul.f32 v8, v31  }
0x504: {  	v39 =	vshrl.u32 v0, $0x1;
	v40 =	vmul.f32 $5.000000000e-01, v0  }
0x505: {  	v5 =	vmul.f32 v9, v5;
	v9 =	vsub.s32 $0x5F3759DF, v39;
	v38 =	vmul.f32 v37, v8  }
0x506: {  	v42 =	vmul.f32 v9, v40  }
0x507: {  	v5 =	vsub.f32 $0.0e+00, v5;
	v10 =	vsub.f32 $1.500000000e+00, v38;
	v41 =	vpop (erf)  }
0x508: {  	v14 =	vmul.f32 v9, v42;
	v43 =	vadd.f32 $1.000000000e+00, v41  }
0x509: {  	v5 =	vmul.f32 $1.442695020e+00, v5;
	v8 =	vmul.f32 v10, v8  }
0x50a: {  	(erf) = vrcp.f32 v43  }
0x50b: {  	v44 =	vmul.f32 v8, v31;
	(erf) = vpow2.f32 v5;
	v5 =	vsub.f32 $1.500000000e+00, v14;
	_ =	sdelay $0x1  }
0x50c: {  	v10 =	vmul.f32 v44, v8;
	v5 =	vmul.f32 v9, v5;
	_ =	sdelay $0x1  }
0x50d: {  	v45 =	vsub.f32 $1.500000000e+00, v10;
	v46 =	vmul.f32 v5, v40;
	_ =	sdelay $0x1  }
0x50e: {  	v8 =	vmul.f32 v45, v8;
	v47 =	vmul.f32 v46, v5;
	_ =	sdelay $0x1  }
0x50f: {  	v8 =	vmul.f32 v8, v12;
	v9 =	vsub.f32 $1.500000000e+00, v47  }
0x510: {  	v48 =	vpop (erf)  }
0x511: {  	v8 =	vsub.f32 $0.0e+00, v8;
	v49 =	vpop (erf);
	v5 =	vmul.f32 v9, v5  }
0x512: {  	v50 =	vadd.f32 $1.000000000e+00, v49  }
0x513: {  	v8 =	vmul.f32 $1.442695020e+00, v8;
	v51 =	vmul.f32 v5, v40  }
0x514: {  	(erf) = vrcp.f32 v50  }
0x515: {  	(erf) = vpow2.f32 v8;
	v52 =	vmul.f32 v51, v5;
	_ =	sdelay $0x1  }
0x516: {  	v8 =	vsub.f32 $1.500000000e+00, v52;
	_ =	sdelay $0x1  }
0x517: {  	v5 =	vmul.f32 v8, v5;
	_ =	sdelay $0x2  }
0x518: {  	v0 =	vmul.f32 v5, v0  }
0x519: {  	v5 =	vpop (erf)  }
0x51a: {  	v0 =	vsub.f32 $0.0e+00, v0;
	v53 =	vpop (erf)  }
0x51b: {  	v54 =	vadd.f32 $1.000000000e+00, v53  }
0x51c: {  	v0 =	vmul.f32 $1.442695020e+00, v0  }
0x51d: {  	(erf) = vrcp.f32 v54  }
0x51e: {  	(erf) = vpow2.f32 v0;
	_ =	sdelay $0x7  }
0x51f: {  	v0 =	vpop (erf)  }
0x520: {  	v55 =	vpop (erf)  }
0x521: {  	v57 =	vadd.f32 $1.000000000e+00, v55;
	_ =	sdelay $0x1  }
0x522: {  	(erf) = vrcp.f32 v57;
	_ =	sdelay $0x5  }
0x523: {  	s16 =	sadd.s32 $0x1, s16  }
0x524: {  	p0 =	sne.s32 s16, $0x10;
	v10 =	vmul.f32 v48, v41  }
.Ltmp3:
0x525: {  	v5 =	vmul.f32 v5, v49;
	(pc) =	sbr.rel @p0 .LBB2_2-.Ltmp3, $4  }
0x526: {  	[tilespmem:s19+$0x14A00] =	vst v10;
	v0 =	vmul.f32 v0, v53;
	v63 =	vpop (erf)  }
0x527: {  	[tilespmem:s18+$0x14C10] =	vst v5;
	v5 =	vmul.f32 v63, v55  }
0x528: {  	[tilespmem:s19+$0x14E00] =	vst v0  }
0x529: {  	v60 =	vmov v6;
	v59 =	vmov v7;
	[tilespmem:s18+$0x15010] =	vst v5  }
0x52a: {  	s5 =	simm.s32 $0x14A00  }
0x52b: {  	[hbm4b:s10+s3] =	stream.linear.scatter [tilespmem:s5], [sflag:$0x5], $0x200, $0x38;
	[tilespmem:$0x15200] =	vst v63  }
0x52c: {  	_ =	swait.ge [sflag:s15], $0x200  }
0x52d: {  	[sflag:s15] =	ssyncset.done $0x0  }
0x52e: {  	s16 =	simm.s32 $0x14C00;
	[sflag:s15] =	ssyncadd.s32 $0xFFFFFE00  }
0x52f: {  	[hbm4b:s11+s3] =	stream.linear.scatter [tilespmem:s16], [sflag:$0x5], $0x200, $0x38;
	[tilespmem:$0x15200] =	vst v63  }
0x530: {  	_ =	swait.ge [sflag:s15], $0x200  }
0x531: {  	[sflag:s15] =	ssyncset.done $0x0  }
0x532: {  	s18 =	simm.s32 $0x14E00;
	[sflag:s15] =	ssyncadd.s32 $0xFFFFFE00  }
0x533: {  	[hbm4b:s12+s3] =	stream.linear.scatter [tilespmem:s18], [sflag:$0x5], $0x200, $0x38;
	[tilespmem:$0x15200] =	vst v63  }
0x534: {  	s17 =	sadd.s32 $0x1, s17;
	_ =	swait.ge [sflag:s15], $0x200  }
0x535: {  	p0 =	sne.s32 s17, s14;
	[sflag:s15] =	ssyncset.done $0x0  }
.Ltmp4:
0x536: {  	s19 =	simm.s32 $0x15000;
	[sflag:s15] =	ssyncadd.s32 $0xFFFFFE00;
	(pc) =	sbr.rel @p0 .LBB2_1-.Ltmp4, $4  }
0x537: {  	[hbm4b:s13+s3] =	stream.linear.scatter [tilespmem:s19], [sflag:$0x5], $0x200, $0x38;
	[tilespmem:$0x15200] =	vst v63  }
0x538: {  	_ =	swait.ge [sflag:s15], $0x200  }
0x539: {  	[sflag:s15] =	ssyncset.done $0x0  }
0x53a: {  	[sflag:s15] =	ssyncadd.s32 $0xFFFFFE00  }
0x53b: {  	_ =	sfence.sel $0x180000  }
0x53c: {  	[bflag:$0x0] =	sbarrier.arrive $0xFFFF  }
0x53d: {  	_ =	strace $0x90000047  }
0x53e: {  	s0 =	stileid.u32;
	[bflag:$0x2] =	sbarrier.arrive $0xFFFF  }
0x53f: {  	p0 =	sne.s32 s0, $0x0;
	s0 =	rddreg [dreg:$0x5]  }
0x540: {  	s0 =	sadd.s32 @!p0 $0x100000, s0  }
0x541: {  	[sflag:s0] =	ssyncadd.tile.s32 @!p0 $0x1;
	_ =	shalt  }
.Lfunc_end2:
_tile_overlayer_lowered:
.L_overlay_start_2:
0x542: {  	(tag) =	ssettag $0x2  }
0x543: {  	s0 =	rddreg [dreg:$0x0];
	s2 =	stileid.u32  }
0x544: {  	s1 =	rddreg [dreg:$0x1];
	p0 =	sne.s32 s2, $0x0  }
0x545: {  	s3 =	rddreg [dreg:$0x2];
	[bflag:$0x3] =	sbarrier.arrive $0xFFFF;
	s2 =	simm.s32 @!p0 $0x1C05  }
0x546: {  	[timem:s3], [sflag:s2] =	dma.local @!p0 [hbm:s0], s1  }
0x547: {  	s0 =	simm.s32 @!p0 $0x5  }
0x548: {  	_ =	swait.ge @!p0 [sflag:s0], s1  }
0x549: {  	s1 =	ssub.s32 @!p0 $0x0, s1;
	[sflag:s0] =	ssyncset.done @!p0 $0x0  }
0x54a: {  	[sflag:s0] =	ssyncadd.s32 @!p0 s1  }
0x54b: {  	[bflag:$0x3] =	sbarrier.arrive $0xFFFF  }
0x54c: {  	_ =	shalt  }

</sc_bundles>
